<compile_context>
chip_gen: v7x
topology: tpu7x:2x2x1
jax: 0.10.2.dev20260603
libtpu: 0.0.44.dev20260713+nightly
codegen_flags: <defaults>
</compile_context>

<pallas_src>
import functools

import jax
import jax.numpy as jnp
from jax import lax
from jax.experimental import pallas as pl
from jax.experimental.pallas import tpu as pltpu
from jax.experimental.pallas import tpu_sc as plsc

_TOPK = 1024
_B = 128
_N = 32768
_LANES = 16
_NCORES = 2
_NSUB = 16
_NWORKERS = _NCORES * _NSUB
_ROWS_PER_W = _B // _NWORKERS
_NVREGS = _N // _LANES
_CBUF = _N + 32 * _LANES + _LANES

_MIN32 = -2147483648


def _key_of(v):
    b = plsc.bitcast(v, jnp.int32)
    return jnp.where(b < 0, ~b, b ^ jnp.int32(_MIN32))


def _bit_of(u, b):
    return jnp.bitwise_and(lax.shift_right_logical(u, jnp.int32(b)), jnp.int32(1))


def _topk_mask_kernel(x_hbm, out_hbm, row_v, cand_a, cand_b, *, nrows):
    wid = lax.axis_index("c") * _NSUB + lax.axis_index("s")
    zeros16 = jnp.zeros((_LANES,), jnp.int32)

    def do_row(r, carry):
        row = wid * nrows + r
        pltpu.sync_copy(x_hbm.at[row], row_v)

        def count_body(i, acc):
            u = _key_of(row_v[pl.ds(i * _LANES, _LANES)])
            return acc + _bit_of(u, 31)

        acc = lax.fori_loop(0, _NVREGS, count_body, zeros16)
        cnt_set = jnp.sum(acc)

        def run_pass(src, dst, n, bit, tbit, src_f32):
            ntrips = (n + _LANES - 1) // _LANES

            def body(i, st):
                wptr, acc = st
                if src_f32:
                    u = _key_of(src[pl.ds(i * _LANES, _LANES)])
                else:
                    u = src[pl.ds(i * _LANES, _LANES)]
                keep = _bit_of(u, bit) == tbit
                offs = plsc.cumsum(jnp.where(keep, jnp.int32(1), jnp.int32(0)))
                dest = wptr + offs - 1
                plsc.store_scatter(dst, [dest], u, mask=keep)
                nxt = jnp.where(keep, _bit_of(u, bit - 1), jnp.int32(0))
                pcnt = plsc.all_reduce_population_count(keep)
                return wptr + pcnt, acc + nxt

            wptr, acc = lax.fori_loop(0, ntrips, body, (zeros16, zeros16))
            n_new = jnp.max(wptr)
            pad_idx = wptr + lax.iota(jnp.int32, _LANES)
            plsc.store_scatter(dst, [pad_idx], zeros16)
            return n_new, jnp.sum(acc)

        need = jnp.int32(_TOPK)
        n = jnp.int32(_N)
        tbit = jnp.where(cnt_set >= need, jnp.int32(1), jnp.int32(0))
        prefix = lax.shift_left(tbit, jnp.int32(31))
        need = need - jnp.where(tbit == 0, cnt_set, jnp.int32(0))
        n, cnt_set = run_pass(row_v, cand_a, n, 31, tbit, True)

        src, dst = cand_a, cand_b
        for bit in range(30, 0, -1):
            tbit = jnp.where(cnt_set >= need, jnp.int32(1), jnp.int32(0))
            prefix = prefix | lax.shift_left(tbit, jnp.int32(bit))
            need = need - jnp.where(tbit == 0, cnt_set, jnp.int32(0))
            n, cnt_set = run_pass(src, dst, n, bit, tbit, False)
            src, dst = dst, src

        tbit = jnp.where(cnt_set >= need, jnp.int32(1), jnp.int32(0))
        prefix = prefix | tbit

        t_rank = prefix ^ jnp.int32(_MIN32)

        def out_body(i, c):
            sl = pl.ds(i * _LANES, _LANES)
            v = row_v[sl]
            rank = _key_of(v) ^ _MIN32
            row_v[sl] = jnp.where(rank >= t_rank, v, jnp.float32(0.0))
            return c

        lax.fori_loop(0, _NVREGS, out_body, jnp.int32(0))
        pltpu.sync_copy(row_v, out_hbm.at[row])
        return carry

    lax.fori_loop(0, nrows, do_row, jnp.int32(0))


@jax.jit
def kernel(x):
    mesh = plsc.VectorSubcoreMesh(core_axis_name="c", subcore_axis_name="s")
    k = pl.kernel(
        functools.partial(_topk_mask_kernel, nrows=_ROWS_PER_W),
        out_type=jax.ShapeDtypeStruct((_B, _N), jnp.float32),
        mesh=mesh,
        compiler_params=pltpu.CompilerParams(needs_layout_passes=False),
        scratch_types=[
            pltpu.VMEM((_N,), jnp.float32),
            pltpu.VMEM((_CBUF,), jnp.int32),
            pltpu.VMEM((_CBUF,), jnp.int32),
        ],
    )
    return k(x)

# --- scband reference (transcript-rebuilt; emitter-appended) ---
"""Pipeline reference for scband-top-kactivation-11914239279292 (READ-ONLY COPY).

The authoritative reference and input builder live on the scoring server;
editing this copy changes nothing except your own understanding.
"""

import jax, jax.numpy as jnp
import numpy as np

K = 1024

def setup_inputs(seed: int = 0) -> dict:
    key = jax.random.key(seed)
    x = jax.random.normal(key, (128, 32768), dtype=jnp.float32)
    return {"x": x}

def reference(x):
    B, N = x.shape
    if K >= N:
        return x
    topk_vals, topk_idx = jax.lax.top_k(x, K)
    rows = jnp.arange(B)[:, None]
    mask = jnp.zeros_like(x)
    mask = mask.at[rows, topk_idx].set(1.0)
    return x * mask

if __name__ == "__main__":
    import jax
    _d = setup_inputs()
    print(jax.jit(kernel)(*tuple(_d.values())))

</pallas_src>

<mosaic_0001>
#map = affine_map<(d0, d1) -> (0, 0)>
module attributes {stable_mosaic.version = 14 : i64} {
  func.func @_topk_mask_kernel(%arg0: i32, %arg1: i32, %arg2: memref<128x32768xf32, #tpu.memory_space<hbm>>, %arg3: memref<128x32768xf32, #tpu.memory_space<hbm>>, %arg4: memref<32768xf32, #tpu.memory_space<vmem>>, %arg5: memref<33296xi32, #tpu.memory_space<vmem>>, %arg6: memref<33296xi32, #tpu.memory_space<vmem>>) attributes {dimension_semantics = [#tpu.dimension_semantics<core_parallel>, #tpu.dimension_semantics<subcore_parallel>], iteration_bounds = array<i64: 2, 16>, scalar_prefetch = 0 : i64, scratch_operands = 3 : i64, tpu.core_type = #tpu.core_type<sc_vector_subcore>, window_params = [{transform_indices = #map}, {transform_indices = #map}]} {
    %mul3A = arith.constant 16 : i32
    %mul3A_0 = arith.muli %arg0, %mul3A : i32
    %add3A = arith.addi %mul3A_0, %arg1 : i32
    %broadcast_in_dim3A = arith.constant 0 : i32
    %broadcast_in_dim3A_1 = vector.broadcast %broadcast_in_dim3A : i32 to vector<16xi32>
    %scan3A = arith.constant 0 : i32
    %scan3A_2 = arith.constant 0 : i32
    %scan3A_3 = arith.constant 4 : i32
    %scan3A_4 = arith.addi %scan3A_2, %scan3A_3 : i32
    %scan3A_5 = arith.constant 1 : i32
    scf.for %scan3A_7 = %scan3A_2 to %scan3A_4 step %scan3A_5  : i32 {
      %mul3A_8 = arith.constant 4 : i32
      %mul3A_9 = arith.muli %add3A, %mul3A_8 : i32
      %add3A_10 = arith.addi %mul3A_9, %scan3A_7 : i32
      "tpu.region"() ({
        %run_scoped3A = tpu.sem_alloc : memref<!tpu.dma_semaphore, #tpu.memory_space<semaphore_mem>>
        %dma_start3A = arith.constant 0 : i32
        %dma_start3A_2034 = tpu.memref_slice %arg2[%add3A_10, %dma_start3A] : memref<128x32768xf32, #tpu.memory_space<hbm>> -> memref<1x32768xf32, #tpu.memory_space<hbm>>
        %dma_start3A_2035 = tpu.memref_squeeze %dma_start3A_2034 : memref<1x32768xf32, #tpu.memory_space<hbm>> -> memref<32768xf32, #tpu.memory_space<hbm>>
        %dma_start3A_2036 = arith.constant 0 : i32
        %dma_start3A_2037 = tpu.memref_slice %arg2[%add3A_10, %dma_start3A_2036] : memref<128x32768xf32, #tpu.memory_space<hbm>> -> memref<1x32768xf32, #tpu.memory_space<hbm>>
        %dma_start3A_2038 = tpu.memref_squeeze %dma_start3A_2037 : memref<1x32768xf32, #tpu.memory_space<hbm>> -> memref<32768xf32, #tpu.memory_space<hbm>>
        tpu.enqueue_dma source(%dma_start3A_2038 : memref<32768xf32, #tpu.memory_space<hbm>>) target(%arg4 : memref<32768xf32, #tpu.memory_space<vmem>>) target_semaphore(%run_scoped3A : memref<!tpu.dma_semaphore, #tpu.memory_space<semaphore_mem>>)
        %dma_wait3A = arith.constant 0 : i32
        %dma_wait3A_2039 = tpu.memref_slice %arg2[%add3A_10, %dma_wait3A] : memref<128x32768xf32, #tpu.memory_space<hbm>> -> memref<1x32768xf32, #tpu.memory_space<hbm>>
        %dma_wait3A_2040 = tpu.memref_squeeze %dma_wait3A_2039 : memref<1x32768xf32, #tpu.memory_space<hbm>> -> memref<32768xf32, #tpu.memory_space<hbm>>
        %dma_wait3A_2041 = arith.constant 0 : i32
        %dma_wait3A_2042 = tpu.memref_slice %arg2[%add3A_10, %dma_wait3A_2041] : memref<128x32768xf32, #tpu.memory_space<hbm>> -> memref<1x32768xf32, #tpu.memory_space<hbm>>
        %dma_wait3A_2043 = tpu.memref_squeeze %dma_wait3A_2042 : memref<1x32768xf32, #tpu.memory_space<hbm>> -> memref<32768xf32, #tpu.memory_space<hbm>>
        tpu.wait_dma2 semaphore(%run_scoped3A : memref<!tpu.dma_semaphore, #tpu.memory_space<semaphore_mem>>) src(%dma_wait3A_2043 : memref<32768xf32, #tpu.memory_space<hbm>>) dst(%arg4 : memref<32768xf32, #tpu.memory_space<vmem>>)
        tpu.yield
      }) : () -> ()
      %scan3A_11 = arith.constant 0 : i32
      %scan3A_12 = arith.constant 2048 : i32
      %scan3A_13 = arith.addi %scan3A_11, %scan3A_12 : i32
      %scan3A_14 = arith.constant 1 : i32
      %scan3A_15 = scf.for %scan3A_2034 = %scan3A_11 to %scan3A_13 step %scan3A_14 iter_args(%scan3A_2035 = %broadcast_in_dim3A_1) -> (vector<16xi32>)  : i32 {
        %mul3A_2036 = arith.constant 16 : i32
        %mul3A_2037 = arith.muli %scan3A_2034, %mul3A_2036 : i32
        %get3A = arith.index_cast %mul3A_2037 : i32 to index
        %get3A_2038 = tpu.vector_load %arg4[%get3A] {strides = array<i32>} : memref<32768xf32, #tpu.memory_space<vmem>>, vector<16xf32>,
        %bitcast3A = vector.bitcast %get3A_2038 : vector<16xf32> to vector<16xi32>
        %lt3A = arith.constant 0 : i32
        %lt3A_2039 = vector.broadcast %lt3A : i32 to vector<16xi32>
        %lt3A_2040 = arith.cmpi slt, %bitcast3A, %lt3A_2039 : vector<16xi32>
        %not3A = arith.constant dense<-1> : vector<16xi32>
        %not3A_2041 = arith.xori %bitcast3A, %not3A : vector<16xi32>
        %xor3A_2042 = arith.constant -2147483648 : i32
        %xor3A_2043 = vector.broadcast %xor3A_2042 : i32 to vector<16xi32>
        %xor3A_2044 = arith.xori %bitcast3A, %xor3A_2043 : vector<16xi32>
        %select_n3A_2045 = arith.select %lt3A_2040, %not3A_2041, %xor3A_2044 : vector<16xi1>, vector<16xi32>
        %shift_right_logical3A = arith.constant 31 : i32
        %shift_right_logical3A_2046 = vector.broadcast %shift_right_logical3A : i32 to vector<16xi32>
        %shift_right_logical3A_2047 = arith.shrui %select_n3A_2045, %shift_right_logical3A_2046 : vector<16xi32>
        %and3A_2048 = arith.constant 1 : i32
        %and3A_2049 = vector.broadcast %and3A_2048 : i32 to vector<16xi32>
        %and3A_2050 = arith.andi %shift_right_logical3A_2047, %and3A_2049 : vector<16xi32>
        %add3A_2051 = arith.addi %scan3A_2035, %and3A_2050 : vector<16xi32>
        scf.yield %add3A_2051 : vector<16xi32>
      }
      %scan3A_16 = arith.constant 2048 : i32
      %reduce_sum3A = arith.constant true
      %reduce_sum3A_17 = vector.broadcast %reduce_sum3A : i1 to vector<16xi1>
      %reduce_sum3A_18 = tpu.scan <sum>, %scan3A_15 masked %reduce_sum3A_17 : vector<16xi32>, vector<16xi1> -> vector<16xi32>
      %reduce_sum3A_19 = vector.extract %reduce_sum3A_18[15] : i32 from vector<16xi32>
      %ge3A = arith.constant 1024 : i32
      %ge3A_20 = arith.cmpi sge, %reduce_sum3A_19, %ge3A : i32
      %jit3A = arith.constant 1 : i32
      %jit3A_21 = arith.constant 0 : i32
      %select_n3A = arith.select %ge3A_20, %jit3A, %jit3A_21 : i32
      %shift_left3A = arith.constant 31 : i32
      %shift_left3A_22 = arith.shli %select_n3A, %shift_left3A : i32
      %eq3A = arith.constant 0 : i32
      %eq3A_23 = arith.cmpi eq, %select_n3A, %eq3A : i32
      %jit3A_24 = arith.constant 0 : i32
      %select_n3A_25 = arith.select %eq3A_23, %reduce_sum3A_19, %jit3A_24 : i32
      %sub3A = arith.constant 1024 : i32
      %sub3A_26 = arith.subi %sub3A, %select_n3A_25 : i32
      %add3A_27 = arith.constant 32768 : i32
      %add3A_28 = arith.constant 16 : i32
      %add3A_29 = arith.addi %add3A_27, %add3A_28 : i32
      %sub3A_30 = arith.constant 1 : i32
      %sub3A_31 = arith.subi %add3A_29, %sub3A_30 : i32
      %jit3A_32 = arith.constant 16 : i32
      %div3A = arith.divsi %sub3A_31, %jit3A_32 : i32
      %sign3A = arith.constant 0 : i32
      %sign3A_33 = arith.cmpi sgt, %sub3A_31, %sign3A : i32
      %sign3A_34 = arith.extui %sign3A_33 : i1 to i32
      %sign3A_35 = arith.constant 0 : i32
      %sign3A_36 = arith.cmpi slt, %sub3A_31, %sign3A_35 : i32
      %sign3A_37 = arith.extui %sign3A_36 : i1 to i32
      %sign3A_38 = arith.subi %sign3A_34, %sign3A_37 : i32
      %sign3A_39 = arith.constant 0 : i32
      %sign3A_40 = arith.cmpi sgt, %jit3A_32, %sign3A_39 : i32
      %sign3A_41 = arith.extui %sign3A_40 : i1 to i32
      %sign3A_42 = arith.constant 0 : i32
      %sign3A_43 = arith.cmpi slt, %jit3A_32, %sign3A_42 : i32
      %sign3A_44 = arith.extui %sign3A_43 : i1 to i32
      %sign3A_45 = arith.subi %sign3A_41, %sign3A_44 : i32
      %ne3A = arith.cmpi ne, %sign3A_38, %sign3A_45 : i32
      %rem3A = arith.remsi %sub3A_31, %jit3A_32 : i32
      %ne3A_46 = arith.constant 0 : i32
      %ne3A_47 = arith.cmpi ne, %rem3A, %ne3A_46 : i32
      %and3A = arith.andi %ne3A, %ne3A_47 : i1
      %sub3A_48 = arith.constant 1 : i32
      %sub3A_49 = arith.subi %div3A, %sub3A_48 : i32
      %select_n3A_50 = arith.select %and3A, %sub3A_49, %div3A : i32
      %while3A = arith.constant 0 : i32
      %while3A_51 = arith.subi %select_n3A_50, %while3A : i32
      %while3A_52 = arith.addi %while3A, %while3A_51 : i32
      %while3A_53 = arith.constant 1 : i32
      %while3A_54 = arith.divsi %while3A_51, %while3A_53 : i32
      %while3A_55 = arith.muli %while3A_54, %while3A_53 : i32
      %while3A_56 = arith.addi %while3A, %while3A_55 : i32
      %while3A_57 = arith.constant 1 : i32
      %while3A_58:2 = scf.for %while3A_2034 = %while3A to %while3A_56 step %while3A_57 iter_args(%while3A_2035 = %broadcast_in_dim3A_1, %while3A_2036 = %broadcast_in_dim3A_1) -> (vector<16xi32>, vector<16xi32>)  : i32 {
        %mul3A_2037 = arith.constant 16 : i32
        %mul3A_2038 = arith.muli %while3A_2034, %mul3A_2037 : i32
        %get3A = arith.index_cast %mul3A_2038 : i32 to index
        %get3A_2039 = tpu.vector_load %arg4[%get3A] {strides = array<i32>} : memref<32768xf32, #tpu.memory_space<vmem>>, vector<16xf32>,
        %bitcast3A = vector.bitcast %get3A_2039 : vector<16xf32> to vector<16xi32>
        %lt3A = arith.constant 0 : i32
        %lt3A_2040 = vector.broadcast %lt3A : i32 to vector<16xi32>
        %lt3A_2041 = arith.cmpi slt, %bitcast3A, %lt3A_2040 : vector<16xi32>
        %not3A = arith.constant dense<-1> : vector<16xi32>
        %not3A_2042 = arith.xori %bitcast3A, %not3A : vector<16xi32>
        %xor3A_2043 = arith.constant -2147483648 : i32
        %xor3A_2044 = vector.broadcast %xor3A_2043 : i32 to vector<16xi32>
        %xor3A_2045 = arith.xori %bitcast3A, %xor3A_2044 : vector<16xi32>
        %select_n3A_2046 = arith.select %lt3A_2041, %not3A_2042, %xor3A_2045 : vector<16xi1>, vector<16xi32>
        %shift_right_logical3A = arith.constant 31 : i32
        %shift_right_logical3A_2047 = vector.broadcast %shift_right_logical3A : i32 to vector<16xi32>
        %shift_right_logical3A_2048 = arith.shrui %select_n3A_2046, %shift_right_logical3A_2047 : vector<16xi32>
        %and3A_2049 = arith.constant 1 : i32
        %and3A_2050 = vector.broadcast %and3A_2049 : i32 to vector<16xi32>
        %and3A_2051 = arith.andi %shift_right_logical3A_2048, %and3A_2050 : vector<16xi32>
        %eq3A_2052 = vector.broadcast %select_n3A : i32 to vector<16xi32>
        %eq3A_2053 = arith.cmpi eq, %and3A_2051, %eq3A_2052 : vector<16xi32>
        %jit3A_2054 = arith.constant 1 : i32
        %jit3A_2055 = arith.constant 0 : i32
        %broadcast_in_dim3A_2056 = vector.broadcast %jit3A_2054 : i32 to vector<16xi32>
        %broadcast_in_dim3A_2057 = vector.broadcast %jit3A_2055 : i32 to vector<16xi32>
        %select_n3A_2058 = arith.select %eq3A_2053, %broadcast_in_dim3A_2056, %broadcast_in_dim3A_2057 : vector<16xi1>, vector<16xi32>
        %broadcast_in_dim3A_2059 = arith.constant true
        %broadcast_in_dim3A_2060 = vector.broadcast %broadcast_in_dim3A_2059 : i1 to vector<16xi1>
        %masked_cumsum3A = tpu.scan <sum>, %select_n3A_2058 masked %broadcast_in_dim3A_2060 : vector<16xi32>, vector<16xi1> -> vector<16xi32>
        %add3A_2061 = arith.addi %while3A_2035, %masked_cumsum3A : vector<16xi32>
        %sub3A_2062 = arith.constant 1 : i32
        %sub3A_2063 = vector.broadcast %sub3A_2062 : i32 to vector<16xi32>
        %sub3A_2064 = arith.subi %add3A_2061, %sub3A_2063 : vector<16xi32>
        tpu.vector_store_idx %arg5[%sub3A_2064], %select_n3A_2046 masked %eq3A_2053 : memref<33296xi32, #tpu.memory_space<vmem>>[vector<16xi32>], vector<16xi32>, vector<16xi1>
        %shift_right_logical3A_2065 = arith.constant 30 : i32
        %shift_right_logical3A_2066 = vector.broadcast %shift_right_logical3A_2065 : i32 to vector<16xi32>
        %shift_right_logical3A_2067 = arith.shrui %select_n3A_2046, %shift_right_logical3A_2066 : vector<16xi32>
        %and3A_2068 = arith.constant 1 : i32
        %and3A_2069 = vector.broadcast %and3A_2068 : i32 to vector<16xi32>
        %and3A_2070 = arith.andi %shift_right_logical3A_2067, %and3A_2069 : vector<16xi32>
        %jit3A_2071 = arith.constant 0 : i32
        %broadcast_in_dim3A_2072 = vector.broadcast %jit3A_2071 : i32 to vector<16xi32>
        %select_n3A_2073 = arith.select %eq3A_2053, %and3A_2070, %broadcast_in_dim3A_2072 : vector<16xi1>, vector<16xi32>
        %all_reduce_population_count3A = tpu.all_reduce %eq3A_2053 {dim = 0 : i64, kind = #tpu.reduction_kind<sum>} : vector<16xi1> -> vector<16xi32>
        %add3A_2074 = arith.addi %while3A_2035, %all_reduce_population_count3A : vector<16xi32>
        %add3A_2075 = arith.addi %while3A_2036, %select_n3A_2073 : vector<16xi32>
        scf.yield %add3A_2074, %add3A_2075 : vector<16xi32>, vector<16xi32>
      }
      %while3A_59 = arith.constant 1 : i32
      %while3A_60:2 = scf.for %while3A_2034 = %while3A_56 to %while3A_52 step %while3A_59 iter_args(%while3A_2035 = %while3A_58#0, %while3A_2036 = %while3A_58#1) -> (vector<16xi32>, vector<16xi32>)  : i32 {
        %mul3A_2037 = arith.constant 16 : i32
        %mul3A_2038 = arith.muli %while3A_2034, %mul3A_2037 : i32
        %get3A = arith.index_cast %mul3A_2038 : i32 to index
        %get3A_2039 = tpu.vector_load %arg4[%get3A] {strides = array<i32>} : memref<32768xf32, #tpu.memory_space<vmem>>, vector<16xf32>,
        %bitcast3A = vector.bitcast %get3A_2039 : vector<16xf32> to vector<16xi32>
        %lt3A = arith.constant 0 : i32
        %lt3A_2040 = vector.broadcast %lt3A : i32 to vector<16xi32>
        %lt3A_2041 = arith.cmpi slt, %bitcast3A, %lt3A_2040 : vector<16xi32>
        %not3A = arith.constant dense<-1> : vector<16xi32>
        %not3A_2042 = arith.xori %bitcast3A, %not3A : vector<16xi32>
        %xor3A_2043 = arith.constant -2147483648 : i32
        %xor3A_2044 = vector.broadcast %xor3A_2043 : i32 to vector<16xi32>
        %xor3A_2045 = arith.xori %bitcast3A, %xor3A_2044 : vector<16xi32>
        %select_n3A_2046 = arith.select %lt3A_2041, %not3A_2042, %xor3A_2045 : vector<16xi1>, vector<16xi32>
        %shift_right_logical3A = arith.constant 31 : i32
        %shift_right_logical3A_2047 = vector.broadcast %shift_right_logical3A : i32 to vector<16xi32>
        %shift_right_logical3A_2048 = arith.shrui %select_n3A_2046, %shift_right_logical3A_2047 : vector<16xi32>
        %and3A_2049 = arith.constant 1 : i32
        %and3A_2050 = vector.broadcast %and3A_2049 : i32 to vector<16xi32>
        %and3A_2051 = arith.andi %shift_right_logical3A_2048, %and3A_2050 : vector<16xi32>
        %eq3A_2052 = vector.broadcast %select_n3A : i32 to vector<16xi32>
        %eq3A_2053 = arith.cmpi eq, %and3A_2051, %eq3A_2052 : vector<16xi32>
        %jit3A_2054 = arith.constant 1 : i32
        %jit3A_2055 = arith.constant 0 : i32
        %broadcast_in_dim3A_2056 = vector.broadcast %jit3A_2054 : i32 to vector<16xi32>
        %broadcast_in_dim3A_2057 = vector.broadcast %jit3A_2055 : i32 to vector<16xi32>
        %select_n3A_2058 = arith.select %eq3A_2053, %broadcast_in_dim3A_2056, %broadcast_in_dim3A_2057 : vector<16xi1>, vector<16xi32>
        %broadcast_in_dim3A_2059 = arith.constant true
        %broadcast_in_dim3A_2060 = vector.broadcast %broadcast_in_dim3A_2059 : i1 to vector<16xi1>
        %masked_cumsum3A = tpu.scan <sum>, %select_n3A_2058 masked %broadcast_in_dim3A_2060 : vector<16xi32>, vector<16xi1> -> vector<16xi32>
        %add3A_2061 = arith.addi %while3A_2035, %masked_cumsum3A : vector<16xi32>
        %sub3A_2062 = arith.constant 1 : i32
        %sub3A_2063 = vector.broadcast %sub3A_2062 : i32 to vector<16xi32>
        %sub3A_2064 = arith.subi %add3A_2061, %sub3A_2063 : vector<16xi32>
        tpu.vector_store_idx %arg5[%sub3A_2064], %select_n3A_2046 masked %eq3A_2053 : memref<33296xi32, #tpu.memory_space<vmem>>[vector<16xi32>], vector<16xi32>, vector<16xi1>
        %shift_right_logical3A_2065 = arith.constant 30 : i32
        %shift_right_logical3A_2066 = vector.broadcast %shift_right_logical3A_2065 : i32 to vector<16xi32>
        %shift_right_logical3A_2067 = arith.shrui %select_n3A_2046, %shift_right_logical3A_2066 : vector<16xi32>
        %and3A_2068 = arith.constant 1 : i32
        %and3A_2069 = vector.broadcast %and3A_2068 : i32 to vector<16xi32>
        %and3A_2070 = arith.andi %shift_right_logical3A_2067, %and3A_2069 : vector<16xi32>
        %jit3A_2071 = arith.constant 0 : i32
        %broadcast_in_dim3A_2072 = vector.broadcast %jit3A_2071 : i32 to vector<16xi32>
        %select_n3A_2073 = arith.select %eq3A_2053, %and3A_2070, %broadcast_in_dim3A_2072 : vector<16xi1>, vector<16xi32>
        %all_reduce_population_count3A = tpu.all_reduce %eq3A_2053 {dim = 0 : i64, kind = #tpu.reduction_kind<sum>} : vector<16xi1> -> vector<16xi32>
        %add3A_2074 = arith.addi %while3A_2035, %all_reduce_population_count3A : vector<16xi32>
        %add3A_2075 = arith.addi %while3A_2036, %select_n3A_2073 : vector<16xi32>
        scf.yield %add3A_2074, %add3A_2075 : vector<16xi32>, vector<16xi32>
      }
      %reduce_max3A = arith.constant true
      %reduce_max3A_61 = vector.broadcast %reduce_max3A : i1 to vector<16xi1>
      %reduce_max3A_62 = arith.constant -2147483648 : i32
      %reduce_max3A_63 = vector.broadcast %reduce_max3A_62 : i32 to vector<16xi32>
      %reduce_max3A_64 = arith.xori %while3A_60#0, %reduce_max3A_63 : vector<16xi32>
      %reduce_max3A_65 = tpu.scan <max>, %reduce_max3A_64 masked %reduce_max3A_61 : vector<16xi32>, vector<16xi1> -> vector<16xi32>
      %reduce_max3A_66 = arith.xori %reduce_max3A_65, %reduce_max3A_63 : vector<16xi32>
      %reduce_max3A_67 = vector.extract %reduce_max3A_66[15] : i32 from vector<16xi32>
      %iota3A = tpu.iota {dimensions = array<i32: 0>} : vector<16xi32>
      %add3A_68 = arith.addi %while3A_60#0, %iota3A : vector<16xi32>
      tpu.vector_store_idx %arg5[%add3A_68], %broadcast_in_dim3A_1 : memref<33296xi32, #tpu.memory_space<vmem>>[vector<16xi32>], vector<16xi32>,
      %reduce_sum3A_69 = arith.constant true
      %reduce_sum3A_70 = vector.broadcast %reduce_sum3A_69 : i1 to vector<16xi1>
      %reduce_sum3A_71 = tpu.scan <sum>, %while3A_60#1 masked %reduce_sum3A_70 : vector<16xi32>, vector<16xi1> -> vector<16xi32>
      %reduce_sum3A_72 = vector.extract %reduce_sum3A_71[15] : i32 from vector<16xi32>
      %ge3A_73 = arith.cmpi sge, %reduce_sum3A_72, %sub3A_26 : i32
      %jit3A_74 = arith.constant 1 : i32
      %jit3A_75 = arith.constant 0 : i32
      %select_n3A_76 = arith.select %ge3A_73, %jit3A_74, %jit3A_75 : i32
      %shift_left3A_77 = arith.constant 30 : i32
      %shift_left3A_78 = arith.shli %select_n3A_76, %shift_left3A_77 : i32
      %or3A = arith.ori %shift_left3A_22, %shift_left3A_78 : i32
      %eq3A_79 = arith.constant 0 : i32
      %eq3A_80 = arith.cmpi eq, %select_n3A_76, %eq3A_79 : i32
      %jit3A_81 = arith.constant 0 : i32
      %select_n3A_82 = arith.select %eq3A_80, %reduce_sum3A_72, %jit3A_81 : i32
      %sub3A_83 = arith.subi %sub3A_26, %select_n3A_82 : i32
      %add3A_84 = arith.constant 16 : i32
      %add3A_85 = arith.addi %reduce_max3A_67, %add3A_84 : i32
      %sub3A_86 = arith.constant 1 : i32
      %sub3A_87 = arith.subi %add3A_85, %sub3A_86 : i32
      %jit3A_88 = arith.constant 16 : i32
      %div3A_89 = arith.divsi %sub3A_87, %jit3A_88 : i32
      %sign3A_90 = arith.constant 0 : i32
      %sign3A_91 = arith.cmpi sgt, %sub3A_87, %sign3A_90 : i32
      %sign3A_92 = arith.extui %sign3A_91 : i1 to i32
      %sign3A_93 = arith.constant 0 : i32
      %sign3A_94 = arith.cmpi slt, %sub3A_87, %sign3A_93 : i32
      %sign3A_95 = arith.extui %sign3A_94 : i1 to i32
      %sign3A_96 = arith.subi %sign3A_92, %sign3A_95 : i32
      %sign3A_97 = arith.constant 0 : i32
      %sign3A_98 = arith.cmpi sgt, %jit3A_88, %sign3A_97 : i32
      %sign3A_99 = arith.extui %sign3A_98 : i1 to i32
      %sign3A_100 = arith.constant 0 : i32
      %sign3A_101 = arith.cmpi slt, %jit3A_88, %sign3A_100 : i32
      %sign3A_102 = arith.extui %sign3A_101 : i1 to i32
      %sign3A_103 = arith.subi %sign3A_99, %sign3A_102 : i32
      %ne3A_104 = arith.cmpi ne, %sign3A_96, %sign3A_103 : i32
      %rem3A_105 = arith.remsi %sub3A_87, %jit3A_88 : i32
      %ne3A_106 = arith.constant 0 : i32
      %ne3A_107 = arith.cmpi ne, %rem3A_105, %ne3A_106 : i32
      %and3A_108 = arith.andi %ne3A_104, %ne3A_107 : i1
      %sub3A_109 = arith.constant 1 : i32
      %sub3A_110 = arith.subi %div3A_89, %sub3A_109 : i32
      %select_n3A_111 = arith.select %and3A_108, %sub3A_110, %div3A_89 : i32
      %while3A_112 = arith.constant 0 : i32
      %while3A_113 = arith.subi %select_n3A_111, %while3A_112 : i32
      %while3A_114 = arith.addi %while3A_112, %while3A_113 : i32
      %while3A_115 = arith.constant 1 : i32
      %while3A_116 = arith.divsi %while3A_113, %while3A_115 : i32
      %while3A_117 = arith.muli %while3A_116, %while3A_115 : i32
      %while3A_118 = arith.addi %while3A_112, %while3A_117 : i32
      %while3A_119 = arith.constant 1 : i32
      %while3A_120:2 = scf.for %while3A_2034 = %while3A_112 to %while3A_118 step %while3A_119 iter_args(%while3A_2035 = %broadcast_in_dim3A_1, %while3A_2036 = %broadcast_in_dim3A_1) -> (vector<16xi32>, vector<16xi32>)  : i32 {
        %mul3A_2037 = arith.constant 16 : i32
        %mul3A_2038 = arith.muli %while3A_2034, %mul3A_2037 : i32
        %get3A = arith.index_cast %mul3A_2038 : i32 to index
        %get3A_2039 = tpu.vector_load %arg5[%get3A] {strides = array<i32>} : memref<33296xi32, #tpu.memory_space<vmem>>, vector<16xi32>,
        %shift_right_logical3A = arith.constant 30 : i32
        %shift_right_logical3A_2040 = vector.broadcast %shift_right_logical3A : i32 to vector<16xi32>
        %shift_right_logical3A_2041 = arith.shrui %get3A_2039, %shift_right_logical3A_2040 : vector<16xi32>
        %and3A_2042 = arith.constant 1 : i32
        %and3A_2043 = vector.broadcast %and3A_2042 : i32 to vector<16xi32>
        %and3A_2044 = arith.andi %shift_right_logical3A_2041, %and3A_2043 : vector<16xi32>
        %eq3A_2045 = vector.broadcast %select_n3A_76 : i32 to vector<16xi32>
        %eq3A_2046 = arith.cmpi eq, %and3A_2044, %eq3A_2045 : vector<16xi32>
        %jit3A_2047 = arith.constant 1 : i32
        %jit3A_2048 = arith.constant 0 : i32
        %broadcast_in_dim3A_2049 = vector.broadcast %jit3A_2047 : i32 to vector<16xi32>
        %broadcast_in_dim3A_2050 = vector.broadcast %jit3A_2048 : i32 to vector<16xi32>
        %select_n3A_2051 = arith.select %eq3A_2046, %broadcast_in_dim3A_2049, %broadcast_in_dim3A_2050 : vector<16xi1>, vector<16xi32>
        %broadcast_in_dim3A_2052 = arith.constant true
        %broadcast_in_dim3A_2053 = vector.broadcast %broadcast_in_dim3A_2052 : i1 to vector<16xi1>
        %masked_cumsum3A = tpu.scan <sum>, %select_n3A_2051 masked %broadcast_in_dim3A_2053 : vector<16xi32>, vector<16xi1> -> vector<16xi32>
        %add3A_2054 = arith.addi %while3A_2035, %masked_cumsum3A : vector<16xi32>
        %sub3A_2055 = arith.constant 1 : i32
        %sub3A_2056 = vector.broadcast %sub3A_2055 : i32 to vector<16xi32>
        %sub3A_2057 = arith.subi %add3A_2054, %sub3A_2056 : vector<16xi32>
        tpu.vector_store_idx %arg6[%sub3A_2057], %get3A_2039 masked %eq3A_2046 : memref<33296xi32, #tpu.memory_space<vmem>>[vector<16xi32>], vector<16xi32>, vector<16xi1>
        %shift_right_logical3A_2058 = arith.constant 29 : i32
        %shift_right_logical3A_2059 = vector.broadcast %shift_right_logical3A_2058 : i32 to vector<16xi32>
        %shift_right_logical3A_2060 = arith.shrui %get3A_2039, %shift_right_logical3A_2059 : vector<16xi32>
        %and3A_2061 = arith.constant 1 : i32
        %and3A_2062 = vector.broadcast %and3A_2061 : i32 to vector<16xi32>
        %and3A_2063 = arith.andi %shift_right_logical3A_2060, %and3A_2062 : vector<16xi32>
        %jit3A_2064 = arith.constant 0 : i32
        %broadcast_in_dim3A_2065 = vector.broadcast %jit3A_2064 : i32 to vector<16xi32>
        %select_n3A_2066 = arith.select %eq3A_2046, %and3A_2063, %broadcast_in_dim3A_2065 : vector<16xi1>, vector<16xi32>
        %all_reduce_population_count3A = tpu.all_reduce %eq3A_2046 {dim = 0 : i64, kind = #tpu.reduction_kind<sum>} : vector<16xi1> -> vector<16xi32>
        %add3A_2067 = arith.addi %while3A_2035, %all_reduce_population_count3A : vector<16xi32>
        %add3A_2068 = arith.addi %while3A_2036, %select_n3A_2066 : vector<16xi32>
        scf.yield %add3A_2067, %add3A_2068 : vector<16xi32>, vector<16xi32>
      }
      %while3A_121 = arith.constant 1 : i32
      %while3A_122:2 = scf.for %while3A_2034 = %while3A_118 to %while3A_114 step %while3A_121 iter_args(%while3A_2035 = %while3A_120#0, %while3A_2036 = %while3A_120#1) -> (vector<16xi32>, vector<16xi32>)  : i32 {
        %mul3A_2037 = arith.constant 16 : i32
        %mul3A_2038 = arith.muli %while3A_2034, %mul3A_2037 : i32
        %get3A = arith.index_cast %mul3A_2038 : i32 to index
        %get3A_2039 = tpu.vector_load %arg5[%get3A] {strides = array<i32>} : memref<33296xi32, #tpu.memory_space<vmem>>, vector<16xi32>,
        %shift_right_logical3A = arith.constant 30 : i32
        %shift_right_logical3A_2040 = vector.broadcast %shift_right_logical3A : i32 to vector<16xi32>
        %shift_right_logical3A_2041 = arith.shrui %get3A_2039, %shift_right_logical3A_2040 : vector<16xi32>
        %and3A_2042 = arith.constant 1 : i32
        %and3A_2043 = vector.broadcast %and3A_2042 : i32 to vector<16xi32>
        %and3A_2044 = arith.andi %shift_right_logical3A_2041, %and3A_2043 : vector<16xi32>
        %eq3A_2045 = vector.broadcast %select_n3A_76 : i32 to vector<16xi32>
        %eq3A_2046 = arith.cmpi eq, %and3A_2044, %eq3A_2045 : vector<16xi32>
        %jit3A_2047 = arith.constant 1 : i32
        %jit3A_2048 = arith.constant 0 : i32
        %broadcast_in_dim3A_2049 = vector.broadcast %jit3A_2047 : i32 to vector<16xi32>
        %broadcast_in_dim3A_2050 = vector.broadcast %jit3A_2048 : i32 to vector<16xi32>
        %select_n3A_2051 = arith.select %eq3A_2046, %broadcast_in_dim3A_2049, %broadcast_in_dim3A_2050 : vector<16xi1>, vector<16xi32>
        %broadcast_in_dim3A_2052 = arith.constant true
        %broadcast_in_dim3A_2053 = vector.broadcast %broadcast_in_dim3A_2052 : i1 to vector<16xi1>
        %masked_cumsum3A = tpu.scan <sum>, %select_n3A_2051 masked %broadcast_in_dim3A_2053 : vector<16xi32>, vector<16xi1> -> vector<16xi32>
        %add3A_2054 = arith.addi %while3A_2035, %masked_cumsum3A : vector<16xi32>
        %sub3A_2055 = arith.constant 1 : i32
        %sub3A_2056 = vector.broadcast %sub3A_2055 : i32 to vector<16xi32>
        %sub3A_2057 = arith.subi %add3A_2054, %sub3A_2056 : vector<16xi32>
        tpu.vector_store_idx %arg6[%sub3A_2057], %get3A_2039 masked %eq3A_2046 : memref<33296xi32, #tpu.memory_space<vmem>>[vector<16xi32>], vector<16xi32>, vector<16xi1>
        %shift_right_logical3A_2058 = arith.constant 29 : i32
        %shift_right_logical3A_2059 = vector.broadcast %shift_right_logical3A_2058 : i32 to vector<16xi32>
        %shift_right_logical3A_2060 = arith.shrui %get3A_2039, %shift_right_logical3A_2059 : vector<16xi32>
        %and3A_2061 = arith.constant 1 : i32
        %and3A_2062 = vector.broadcast %and3A_2061 : i32 to vector<16xi32>
        %and3A_2063 = arith.andi %shift_right_logical3A_2060, %and3A_2062 : vector<16xi32>
        %jit3A_2064 = arith.constant 0 : i32
        %broadcast_in_dim3A_2065 = vector.broadcast %jit3A_2064 : i32 to vector<16xi32>
        %select_n3A_2066 = arith.select %eq3A_2046, %and3A_2063, %broadcast_in_dim3A_2065 : vector<16xi1>, vector<16xi32>
        %all_reduce_population_count3A = tpu.all_reduce %eq3A_2046 {dim = 0 : i64, kind = #tpu.reduction_kind<sum>} : vector<16xi1> -> vector<16xi32>
        %add3A_2067 = arith.addi %while3A_2035, %all_reduce_population_count3A : vector<16xi32>
        %add3A_2068 = arith.addi %while3A_2036, %select_n3A_2066 : vector<16xi32>
        scf.yield %add3A_2067, %add3A_2068 : vector<16xi32>, vector<16xi32>
      }
      %reduce_max3A_123 = arith.constant true
      %reduce_max3A_124 = vector.broadcast %reduce_max3A_123 : i1 to vector<16xi1>
      %reduce_max3A_125 = arith.constant -2147483648 : i32
      %reduce_max3A_126 = vector.broadcast %reduce_max3A_125 : i32 to vector<16xi32>
      %reduce_max3A_127 = arith.xori %while3A_122#0, %reduce_max3A_126 : vector<16xi32>
      %reduce_max3A_128 = tpu.scan <max>, %reduce_max3A_127 masked %reduce_max3A_124 : vector<16xi32>, vector<16xi1> -> vector<16xi32>
      %reduce_max3A_129 = arith.xori %reduce_max3A_128, %reduce_max3A_126 : vector<16xi32>
      %reduce_max3A_130 = vector.extract %reduce_max3A_129[15] : i32 from vector<16xi32>
      %iota3A_131 = tpu.iota {dimensions = array<i32: 0>} : vector<16xi32>
      %add3A_132 = arith.addi %while3A_122#0, %iota3A_131 : vector<16xi32>
      tpu.vector_store_idx %arg6[%add3A_132], %broadcast_in_dim3A_1 : memref<33296xi32, #tpu.memory_space<vmem>>[vector<16xi32>], vector<16xi32>,
      %reduce_sum3A_133 = arith.constant true
      %reduce_sum3A_134 = vector.broadcast %reduce_sum3A_133 : i1 to vector<16xi1>
      %reduce_sum3A_135 = tpu.scan <sum>, %while3A_122#1 masked %reduce_sum3A_134 : vector<16xi32>, vector<16xi1> -> vector<16xi32>
      %reduce_sum3A_136 = vector.extract %reduce_sum3A_135[15] : i32 from vector<16xi32>
      %ge3A_137 = arith.cmpi sge, %reduce_sum3A_136, %sub3A_83 : i32
      %jit3A_138 = arith.constant 1 : i32
      %jit3A_139 = arith.constant 0 : i32
      %select_n3A_140 = arith.select %ge3A_137, %jit3A_138, %jit3A_139 : i32
      %shift_left3A_141 = arith.constant 29 : i32
      %shift_left3A_142 = arith.shli %select_n3A_140, %shift_left3A_141 : i32
      %or3A_143 = arith.ori %or3A, %shift_left3A_142 : i32
      %eq3A_144 = arith.constant 0 : i32
      %eq3A_145 = arith.cmpi eq, %select_n3A_140, %eq3A_144 : i32
      %jit3A_146 = arith.constant 0 : i32
      %select_n3A_147 = arith.select %eq3A_145, %reduce_sum3A_136, %jit3A_146 : i32
      %sub3A_148 = arith.subi %sub3A_83, %select_n3A_147 : i32
      %add3A_149 = arith.constant 16 : i32
      %add3A_150 = arith.addi %reduce_max3A_130, %add3A_149 : i32
      %sub3A_151 = arith.constant 1 : i32
      %sub3A_152 = arith.subi %add3A_150, %sub3A_151 : i32
      %jit3A_153 = arith.constant 16 : i32
      %div3A_154 = arith.divsi %sub3A_152, %jit3A_153 : i32
      %sign3A_155 = arith.constant 0 : i32
      %sign3A_156 = arith.cmpi sgt, %sub3A_152, %sign3A_155 : i32
      %sign3A_157 = arith.extui %sign3A_156 : i1 to i32
      %sign3A_158 = arith.constant 0 : i32
      %sign3A_159 = arith.cmpi slt, %sub3A_152, %sign3A_158 : i32
      %sign3A_160 = arith.extui %sign3A_159 : i1 to i32
      %sign3A_161 = arith.subi %sign3A_157, %sign3A_160 : i32
      %sign3A_162 = arith.constant 0 : i32
      %sign3A_163 = arith.cmpi sgt, %jit3A_153, %sign3A_162 : i32
      %sign3A_164 = arith.extui %sign3A_163 : i1 to i32
      %sign3A_165 = arith.constant 0 : i32
      %sign3A_166 = arith.cmpi slt, %jit3A_153, %sign3A_165 : i32
      %sign3A_167 = arith.extui %sign3A_166 : i1 to i32
      %sign3A_168 = arith.subi %sign3A_164, %sign3A_167 : i32
      %ne3A_169 = arith.cmpi ne, %sign3A_161, %sign3A_168 : i32
      %rem3A_170 = arith.remsi %sub3A_152, %jit3A_153 : i32
      %ne3A_171 = arith.constant 0 : i32
      %ne3A_172 = arith.cmpi ne, %rem3A_170, %ne3A_171 : i32
      %and3A_173 = arith.andi %ne3A_169, %ne3A_172 : i1
      %sub3A_174 = arith.constant 1 : i32
      %sub3A_175 = arith.subi %div3A_154, %sub3A_174 : i32
      %select_n3A_176 = arith.select %and3A_173, %sub3A_175, %div3A_154 : i32
      %while3A_177 = arith.constant 0 : i32
      %while3A_178 = arith.subi %select_n3A_176, %while3A_177 : i32
      %while3A_179 = arith.addi %while3A_177, %while3A_178 : i32
      %while3A_180 = arith.constant 1 : i32
      %while3A_181 = arith.divsi %while3A_178, %while3A_180 : i32
      %while3A_182 = arith.muli %while3A_181, %while3A_180 : i32
      %while3A_183 = arith.addi %while3A_177, %while3A_182 : i32
      %while3A_184 = arith.constant 1 : i32
      %while3A_185:2 = scf.for %while3A_2034 = %while3A_177 to %while3A_183 step %while3A_184 iter_args(%while3A_2035 = %broadcast_in_dim3A_1, %while3A_2036 = %broadcast_in_dim3A_1) -> (vector<16xi32>, vector<16xi32>)  : i32 {
        %mul3A_2037 = arith.constant 16 : i32
        %mul3A_2038 = arith.muli %while3A_2034, %mul3A_2037 : i32
        %get3A = arith.index_cast %mul3A_2038 : i32 to index
        %get3A_2039 = tpu.vector_load %arg6[%get3A] {strides = array<i32>} : memref<33296xi32, #tpu.memory_space<vmem>>, vector<16xi32>,
        %shift_right_logical3A = arith.constant 29 : i32
        %shift_right_logical3A_2040 = vector.broadcast %shift_right_logical3A : i32 to vector<16xi32>
        %shift_right_logical3A_2041 = arith.shrui %get3A_2039, %shift_right_logical3A_2040 : vector<16xi32>
        %and3A_2042 = arith.constant 1 : i32
        %and3A_2043 = vector.broadcast %and3A_2042 : i32 to vector<16xi32>
        %and3A_2044 = arith.andi %shift_right_logical3A_2041, %and3A_2043 : vector<16xi32>
        %eq3A_2045 = vector.broadcast %select_n3A_140 : i32 to vector<16xi32>
        %eq3A_2046 = arith.cmpi eq, %and3A_2044, %eq3A_2045 : vector<16xi32>
        %jit3A_2047 = arith.constant 1 : i32
        %jit3A_2048 = arith.constant 0 : i32
        %broadcast_in_dim3A_2049 = vector.broadcast %jit3A_2047 : i32 to vector<16xi32>
        %broadcast_in_dim3A_2050 = vector.broadcast %jit3A_2048 : i32 to vector<16xi32>
        %select_n3A_2051 = arith.select %eq3A_2046, %broadcast_in_dim3A_2049, %broadcast_in_dim3A_2050 : vector<16xi1>, vector<16xi32>
        %broadcast_in_dim3A_2052 = arith.constant true
        %broadcast_in_dim3A_2053 = vector.broadcast %broadcast_in_dim3A_2052 : i1 to vector<16xi1>
        %masked_cumsum3A = tpu.scan <sum>, %select_n3A_2051 masked %broadcast_in_dim3A_2053 : vector<16xi32>, vector<16xi1> -> vector<16xi32>
        %add3A_2054 = arith.addi %while3A_2035, %masked_cumsum3A : vector<16xi32>
        %sub3A_2055 = arith.constant 1 : i32
        %sub3A_2056 = vector.broadcast %sub3A_2055 : i32 to vector<16xi32>
        %sub3A_2057 = arith.subi %add3A_2054, %sub3A_2056 : vector<16xi32>
        tpu.vector_store_idx %arg5[%sub3A_2057], %get3A_2039 masked %eq3A_2046 : memref<33296xi32, #tpu.memory_space<vmem>>[vector<16xi32>], vector<16xi32>, vector<16xi1>
        %shift_right_logical3A_2058 = arith.constant 28 : i32
        %shift_right_logical3A_2059 = vector.broadcast %shift_right_logical3A_2058 : i32 to vector<16xi32>
        %shift_right_logical3A_2060 = arith.shrui %get3A_2039, %shift_right_logical3A_2059 : vector<16xi32>
        %and3A_2061 = arith.constant 1 : i32
        %and3A_2062 = vector.broadcast %and3A_2061 : i32 to vector<16xi32>
        %and3A_2063 = arith.andi %shift_right_logical3A_2060, %and3A_2062 : vector<16xi32>
        %jit3A_2064 = arith.constant 0 : i32
        %broadcast_in_dim3A_2065 = vector.broadcast %jit3A_2064 : i32 to vector<16xi32>
        %select_n3A_2066 = arith.select %eq3A_2046, %and3A_2063, %broadcast_in_dim3A_2065 : vector<16xi1>, vector<16xi32>
        %all_reduce_population_count3A = tpu.all_reduce %eq3A_2046 {dim = 0 : i64, kind = #tpu.reduction_kind<sum>} : vector<16xi1> -> vector<16xi32>
        %add3A_2067 = arith.addi %while3A_2035, %all_reduce_population_count3A : vector<16xi32>
        %add3A_2068 = arith.addi %while3A_2036, %select_n3A_2066 : vector<16xi32>
        scf.yield %add3A_2067, %add3A_2068 : vector<16xi32>, vector<16xi32>
      }
      %while3A_186 = arith.constant 1 : i32
      %while3A_187:2 = scf.for %while3A_2034 = %while3A_183 to %while3A_179 step %while3A_186 iter_args(%while3A_2035 = %while3A_185#0, %while3A_2036 = %while3A_185#1) -> (vector<16xi32>, vector<16xi32>)  : i32 {
        %mul3A_2037 = arith.constant 16 : i32
        %mul3A_2038 = arith.muli %while3A_2034, %mul3A_2037 : i32
        %get3A = arith.index_cast %mul3A_2038 : i32 to index
        %get3A_2039 = tpu.vector_load %arg6[%get3A] {strides = array<i32>} : memref<33296xi32, #tpu.memory_space<vmem>>, vector<16xi32>,
        %shift_right_logical3A = arith.constant 29 : i32
        %shift_right_logical3A_2040 = vector.broadcast %shift_right_logical3A : i32 to vector<16xi32>
        %shift_right_logical3A_2041 = arith.shrui %get3A_2039, %shift_right_logical3A_2040 : vector<16xi32>
        %and3A_2042 = arith.constant 1 : i32
        %and3A_2043 = vector.broadcast %and3A_2042 : i32 to vector<16xi32>
        %and3A_2044 = arith.andi %shift_right_logical3A_2041, %and3A_2043 : vector<16xi32>
        %eq3A_2045 = vector.broadcast %select_n3A_140 : i32 to vector<16xi32>
        %eq3A_2046 = arith.cmpi eq, %and3A_2044, %eq3A_2045 : vector<16xi32>
        %jit3A_2047 = arith.constant 1 : i32
        %jit3A_2048 = arith.constant 0 : i32
        %broadcast_in_dim3A_2049 = vector.broadcast %jit3A_2047 : i32 to vector<16xi32>
        %broadcast_in_dim3A_2050 = vector.broadcast %jit3A_2048 : i32 to vector<16xi32>
        %select_n3A_2051 = arith.select %eq3A_2046, %broadcast_in_dim3A_2049, %broadcast_in_dim3A_2050 : vector<16xi1>, vector<16xi32>
        %broadcast_in_dim3A_2052 = arith.constant true
        %broadcast_in_dim3A_2053 = vector.broadcast %broadcast_in_dim3A_2052 : i1 to vector<16xi1>
        %masked_cumsum3A = tpu.scan <sum>, %select_n3A_2051 masked %broadcast_in_dim3A_2053 : vector<16xi32>, vector<16xi1> -> vector<16xi32>
        %add3A_2054 = arith.addi %while3A_2035, %masked_cumsum3A : vector<16xi32>
        %sub3A_2055 = arith.constant 1 : i32
        %sub3A_2056 = vector.broadcast %sub3A_2055 : i32 to vector<16xi32>
        %sub3A_2057 = arith.subi %add3A_2054, %sub3A_2056 : vector<16xi32>
        tpu.vector_store_idx %arg5[%sub3A_2057], %get3A_2039 masked %eq3A_2046 : memref<33296xi32, #tpu.memory_space<vmem>>[vector<16xi32>], vector<16xi32>, vector<16xi1>
        %shift_right_logical3A_2058 = arith.constant 28 : i32
        %shift_right_logical3A_2059 = vector.broadcast %shift_right_logical3A_2058 : i32 to vector<16xi32>
        %shift_right_logical3A_2060 = arith.shrui %get3A_2039, %shift_right_logical3A_2059 : vector<16xi32>
        %and3A_2061 = arith.constant 1 : i32
        %and3A_2062 = vector.broadcast %and3A_2061 : i32 to vector<16xi32>
        %and3A_2063 = arith.andi %shift_right_logical3A_2060, %and3A_2062 : vector<16xi32>
        %jit3A_2064 = arith.constant 0 : i32
        %broadcast_in_dim3A_2065 = vector.broadcast %jit3A_2064 : i32 to vector<16xi32>
        %select_n3A_2066 = arith.select %eq3A_2046, %and3A_2063, %broadcast_in_dim3A_2065 : vector<16xi1>, vector<16xi32>
        %all_reduce_population_count3A = tpu.all_reduce %eq3A_2046 {dim = 0 : i64, kind = #tpu.reduction_kind<sum>} : vector<16xi1> -> vector<16xi32>
        %add3A_2067 = arith.addi %while3A_2035, %all_reduce_population_count3A : vector<16xi32>
        %add3A_2068 = arith.addi %while3A_2036, %select_n3A_2066 : vector<16xi32>
        scf.yield %add3A_2067, %add3A_2068 : vector<16xi32>, vector<16xi32>
      }
      %reduce_max3A_188 = arith.constant true
      %reduce_max3A_189 = vector.broadcast %reduce_max3A_188 : i1 to vector<16xi1>
      %reduce_max3A_190 = arith.constant -2147483648 : i32
      %reduce_max3A_191 = vector.broadcast %reduce_max3A_190 : i32 to vector<16xi32>
      %reduce_max3A_192 = arith.xori %while3A_187#0, %reduce_max3A_191 : vector<16xi32>
      %reduce_max3A_193 = tpu.scan <max>, %reduce_max3A_192 masked %reduce_max3A_189 : vector<16xi32>, vector<16xi1> -> vector<16xi32>
      %reduce_max3A_194 = arith.xori %reduce_max3A_193, %reduce_max3A_191 : vector<16xi32>
      %reduce_max3A_195 = vector.extract %reduce_max3A_194[15] : i32 from vector<16xi32>
      %iota3A_196 = tpu.iota {dimensions = array<i32: 0>} : vector<16xi32>
      %add3A_197 = arith.addi %while3A_187#0, %iota3A_196 : vector<16xi32>
      tpu.vector_store_idx %arg5[%add3A_197], %broadcast_in_dim3A_1 : memref<33296xi32, #tpu.memory_space<vmem>>[vector<16xi32>], vector<16xi32>,
      %reduce_sum3A_198 = arith.constant true
      %reduce_sum3A_199 = vector.broadcast %reduce_sum3A_198 : i1 to vector<16xi1>
      %reduce_sum3A_200 = tpu.scan <sum>, %while3A_187#1 masked %reduce_sum3A_199 : vector<16xi32>, vector<16xi1> -> vector<16xi32>
      %reduce_sum3A_201 = vector.extract %reduce_sum3A_200[15] : i32 from vector<16xi32>
      %ge3A_202 = arith.cmpi sge, %reduce_sum3A_201, %sub3A_148 : i32
      %jit3A_203 = arith.constant 1 : i32
      %jit3A_204 = arith.constant 0 : i32
      %select_n3A_205 = arith.select %ge3A_202, %jit3A_203, %jit3A_204 : i32
      %shift_left3A_206 = arith.constant 28 : i32
      %shift_left3A_207 = arith.shli %select_n3A_205, %shift_left3A_206 : i32
      %or3A_208 = arith.ori %or3A_143, %shift_left3A_207 : i32
      %eq3A_209 = arith.constant 0 : i32
      %eq3A_210 = arith.cmpi eq, %select_n3A_205, %eq3A_209 : i32
      %jit3A_211 = arith.constant 0 : i32
      %select_n3A_212 = arith.select %eq3A_210, %reduce_sum3A_201, %jit3A_211 : i32
      %sub3A_213 = arith.subi %sub3A_148, %select_n3A_212 : i32
      %add3A_214 = arith.constant 16 : i32
      %add3A_215 = arith.addi %reduce_max3A_195, %add3A_214 : i32
      %sub3A_216 = arith.constant 1 : i32
      %sub3A_217 = arith.subi %add3A_215, %sub3A_216 : i32
      %jit3A_218 = arith.constant 16 : i32
      %div3A_219 = arith.divsi %sub3A_217, %jit3A_218 : i32
      %sign3A_220 = arith.constant 0 : i32
      %sign3A_221 = arith.cmpi sgt, %sub3A_217, %sign3A_220 : i32
      %sign3A_222 = arith.extui %sign3A_221 : i1 to i32
      %sign3A_223 = arith.constant 0 : i32
      %sign3A_224 = arith.cmpi slt, %sub3A_217, %sign3A_223 : i32
      %sign3A_225 = arith.extui %sign3A_224 : i1 to i32
      %sign3A_226 = arith.subi %sign3A_222, %sign3A_225 : i32
      %sign3A_227 = arith.constant 0 : i32
      %sign3A_228 = arith.cmpi sgt, %jit3A_218, %sign3A_227 : i32
      %sign3A_229 = arith.extui %sign3A_228 : i1 to i32
      %sign3A_230 = arith.constant 0 : i32
      %sign3A_231 = arith.cmpi slt, %jit3A_218, %sign3A_230 : i32
      %sign3A_232 = arith.extui %sign3A_231 : i1 to i32
      %sign3A_233 = arith.subi %sign3A_229, %sign3A_232 : i32
      %ne3A_234 = arith.cmpi ne, %sign3A_226, %sign3A_233 : i32
      %rem3A_235 = arith.remsi %sub3A_217, %jit3A_218 : i32
      %ne3A_236 = arith.constant 0 : i32
      %ne3A_237 = arith.cmpi ne, %rem3A_235, %ne3A_236 : i32
      %and3A_238 = arith.andi %ne3A_234, %ne3A_237 : i1
      %sub3A_239 = arith.constant 1 : i32
      %sub3A_240 = arith.subi %div3A_219, %sub3A_239 : i32
      %select_n3A_241 = arith.select %and3A_238, %sub3A_240, %div3A_219 : i32
      %while3A_242 = arith.constant 0 : i32
      %while3A_243 = arith.subi %select_n3A_241, %while3A_242 : i32
      %while3A_244 = arith.addi %while3A_242, %while3A_243 : i32
      %while3A_245 = arith.constant 1 : i32
      %while3A_246 = arith.divsi %while3A_243, %while3A_245 : i32
      %while3A_247 = arith.muli %while3A_246, %while3A_245 : i32
      %while3A_248 = arith.addi %while3A_242, %while3A_247 : i32
      %while3A_249 = arith.constant 1 : i32
      %while3A_250:2 = scf.for %while3A_2034 = %while3A_242 to %while3A_248 step %while3A_249 iter_args(%while3A_2035 = %broadcast_in_dim3A_1, %while3A_2036 = %broadcast_in_dim3A_1) -> (vector<16xi32>, vector<16xi32>)  : i32 {
        %mul3A_2037 = arith.constant 16 : i32
        %mul3A_2038 = arith.muli %while3A_2034, %mul3A_2037 : i32
        %get3A = arith.index_cast %mul3A_2038 : i32 to index
        %get3A_2039 = tpu.vector_load %arg5[%get3A] {strides = array<i32>} : memref<33296xi32, #tpu.memory_space<vmem>>, vector<16xi32>,
        %shift_right_logical3A = arith.constant 28 : i32
        %shift_right_logical3A_2040 = vector.broadcast %shift_right_logical3A : i32 to vector<16xi32>
        %shift_right_logical3A_2041 = arith.shrui %get3A_2039, %shift_right_logical3A_2040 : vector<16xi32>
        %and3A_2042 = arith.constant 1 : i32
        %and3A_2043 = vector.broadcast %and3A_2042 : i32 to vector<16xi32>
        %and3A_2044 = arith.andi %shift_right_logical3A_2041, %and3A_2043 : vector<16xi32>
        %eq3A_2045 = vector.broadcast %select_n3A_205 : i32 to vector<16xi32>
        %eq3A_2046 = arith.cmpi eq, %and3A_2044, %eq3A_2045 : vector<16xi32>
        %jit3A_2047 = arith.constant 1 : i32
        %jit3A_2048 = arith.constant 0 : i32
        %broadcast_in_dim3A_2049 = vector.broadcast %jit3A_2047 : i32 to vector<16xi32>
        %broadcast_in_dim3A_2050 = vector.broadcast %jit3A_2048 : i32 to vector<16xi32>
        %select_n3A_2051 = arith.select %eq3A_2046, %broadcast_in_dim3A_2049, %broadcast_in_dim3A_2050 : vector<16xi1>, vector<16xi32>
        %broadcast_in_dim3A_2052 = arith.constant true
        %broadcast_in_dim3A_2053 = vector.broadcast %broadcast_in_dim3A_2052 : i1 to vector<16xi1>
        %masked_cumsum3A = tpu.scan <sum>, %select_n3A_2051 masked %broadcast_in_dim3A_2053 : vector<16xi32>, vector<16xi1> -> vector<16xi32>
        %add3A_2054 = arith.addi %while3A_2035, %masked_cumsum3A : vector<16xi32>
        %sub3A_2055 = arith.constant 1 : i32
        %sub3A_2056 = vector.broadcast %sub3A_2055 : i32 to vector<16xi32>
        %sub3A_2057 = arith.subi %add3A_2054, %sub3A_2056 : vector<16xi32>
        tpu.vector_store_idx %arg6[%sub3A_2057], %get3A_2039 masked %eq3A_2046 : memref<33296xi32, #tpu.memory_space<vmem>>[vector<16xi32>], vector<16xi32>, vector<16xi1>
        %shift_right_logical3A_2058 = arith.constant 27 : i32
        %shift_right_logical3A_2059 = vector.broadcast %shift_right_logical3A_2058 : i32 to vector<16xi32>
        %shift_right_logical3A_2060 = arith.shrui %get3A_2039, %shift_right_logical3A_2059 : vector<16xi32>
        %and3A_2061 = arith.constant 1 : i32
        %and3A_2062 = vector.broadcast %and3A_2061 : i32 to vector<16xi32>
        %and3A_2063 = arith.andi %shift_right_logical3A_2060, %and3A_2062 : vector<16xi32>
        %jit3A_2064 = arith.constant 0 : i32
        %broadcast_in_dim3A_2065 = vector.broadcast %jit3A_2064 : i32 to vector<16xi32>
        %select_n3A_2066 = arith.select %eq3A_2046, %and3A_2063, %broadcast_in_dim3A_2065 : vector<16xi1>, vector<16xi32>
        %all_reduce_population_count3A = tpu.all_reduce %eq3A_2046 {dim = 0 : i64, kind = #tpu.reduction_kind<sum>} : vector<16xi1> -> vector<16xi32>
        %add3A_2067 = arith.addi %while3A_2035, %all_reduce_population_count3A : vector<16xi32>
        %add3A_2068 = arith.addi %while3A_2036, %select_n3A_2066 : vector<16xi32>
        scf.yield %add3A_2067, %add3A_2068 : vector<16xi32>, vector<16xi32>
      }
      %while3A_251 = arith.constant 1 : i32
      %while3A_252:2 = scf.for %while3A_2034 = %while3A_248 to %while3A_244 step %while3A_251 iter_args(%while3A_2035 = %while3A_250#0, %while3A_2036 = %while3A_250#1) -> (vector<16xi32>, vector<16xi32>)  : i32 {
        %mul3A_2037 = arith.constant 16 : i32
        %mul3A_2038 = arith.muli %while3A_2034, %mul3A_2037 : i32
        %get3A = arith.index_cast %mul3A_2038 : i32 to index
        %get3A_2039 = tpu.vector_load %arg5[%get3A] {strides = array<i32>} : memref<33296xi32, #tpu.memory_space<vmem>>, vector<16xi32>,
        %shift_right_logical3A = arith.constant 28 : i32
        %shift_right_logical3A_2040 = vector.broadcast %shift_right_logical3A : i32 to vector<16xi32>
        %shift_right_logical3A_2041 = arith.shrui %get3A_2039, %shift_right_logical3A_2040 : vector<16xi32>
        %and3A_2042 = arith.constant 1 : i32
        %and3A_2043 = vector.broadcast %and3A_2042 : i32 to vector<16xi32>
        %and3A_2044 = arith.andi %shift_right_logical3A_2041, %and3A_2043 : vector<16xi32>
        %eq3A_2045 = vector.broadcast %select_n3A_205 : i32 to vector<16xi32>
        %eq3A_2046 = arith.cmpi eq, %and3A_2044, %eq3A_2045 : vector<16xi32>
        %jit3A_2047 = arith.constant 1 : i32
        %jit3A_2048 = arith.constant 0 : i32
        %broadcast_in_dim3A_2049 = vector.broadcast %jit3A_2047 : i32 to vector<16xi32>
        %broadcast_in_dim3A_2050 = vector.broadcast %jit3A_2048 : i32 to vector<16xi32>
        %select_n3A_2051 = arith.select %eq3A_2046, %broadcast_in_dim3A_2049, %broadcast_in_dim3A_2050 : vector<16xi1>, vector<16xi32>
        %broadcast_in_dim3A_2052 = arith.constant true
        %broadcast_in_dim3A_2053 = vector.broadcast %broadcast_in_dim3A_2052 : i1 to vector<16xi1>
        %masked_cumsum3A = tpu.scan <sum>, %select_n3A_2051 masked %broadcast_in_dim3A_2053 : vector<16xi32>, vector<16xi1> -> vector<16xi32>
        %add3A_2054 = arith.addi %while3A_2035, %masked_cumsum3A : vector<16xi32>
        %sub3A_2055 = arith.constant 1 : i32
        %sub3A_2056 = vector.broadcast %sub3A_2055 : i32 to vector<16xi32>
        %sub3A_2057 = arith.subi %add3A_2054, %sub3A_2056 : vector<16xi32>
        tpu.vector_store_idx %arg6[%sub3A_2057], %get3A_2039 masked %eq3A_2046 : memref<33296xi32, #tpu.memory_space<vmem>>[vector<16xi32>], vector<16xi32>, vector<16xi1>
        %shift_right_logical3A_2058 = arith.constant 27 : i32
        %shift_right_logical3A_2059 = vector.broadcast %shift_right_logical3A_2058 : i32 to vector<16xi32>
        %shift_right_logical3A_2060 = arith.shrui %get3A_2039, %shift_right_logical3A_2059 : vector<16xi32>
        %and3A_2061 = arith.constant 1 : i32
        %and3A_2062 = vector.broadcast %and3A_2061 : i32 to vector<16xi32>
        %and3A_2063 = arith.andi %shift_right_logical3A_2060, %and3A_2062 : vector<16xi32>
        %jit3A_2064 = arith.constant 0 : i32
        %broadcast_in_dim3A_2065 = vector.broadcast %jit3A_2064 : i32 to vector<16xi32>
        %select_n3A_2066 = arith.select %eq3A_2046, %and3A_2063, %broadcast_in_dim3A_2065 : vector<16xi1>, vector<16xi32>
        %all_reduce_population_count3A = tpu.all_reduce %eq3A_2046 {dim = 0 : i64, kind = #tpu.reduction_kind<sum>} : vector<16xi1> -> vector<16xi32>
        %add3A_2067 = arith.addi %while3A_2035, %all_reduce_population_count3A : vector<16xi32>
        %add3A_2068 = arith.addi %while3A_2036, %select_n3A_2066 : vector<16xi32>
        scf.yield %add3A_2067, %add3A_2068 : vector<16xi32>, vector<16xi32>
      }
      %reduce_max3A_253 = arith.constant true
      %reduce_max3A_254 = vector.broadcast %reduce_max3A_253 : i1 to vector<16xi1>
      %reduce_max3A_255 = arith.constant -2147483648 : i32
      %reduce_max3A_256 = vector.broadcast %reduce_max3A_255 : i32 to vector<16xi32>
      %reduce_max3A_257 = arith.xori %while3A_252#0, %reduce_max3A_256 : vector<16xi32>
      %reduce_max3A_258 = tpu.scan <max>, %reduce_max3A_257 masked %reduce_max3A_254 : vector<16xi32>, vector<16xi1> -> vector<16xi32>
      %reduce_max3A_259 = arith.xori %reduce_max3A_258, %reduce_max3A_256 : vector<16xi32>
      %reduce_max3A_260 = vector.extract %reduce_max3A_259[15] : i32 from vector<16xi32>
      %iota3A_261 = tpu.iota {dimensions = array<i32: 0>} : vector<16xi32>
      %add3A_262 = arith.addi %while3A_252#0, %iota3A_261 : vector<16xi32>
      tpu.vector_store_idx %arg6[%add3A_262], %broadcast_in_dim3A_1 : memref<33296xi32, #tpu.memory_space<vmem>>[vector<16xi32>], vector<16xi32>,
      %reduce_sum3A_263 = arith.constant true
      %reduce_sum3A_264 = vector.broadcast %reduce_sum3A_263 : i1 to vector<16xi1>
      %reduce_sum3A_265 = tpu.scan <sum>, %while3A_252#1 masked %reduce_sum3A_264 : vector<16xi32>, vector<16xi1> -> vector<16xi32>
      %reduce_sum3A_266 = vector.extract %reduce_sum3A_265[15] : i32 from vector<16xi32>
      %ge3A_267 = arith.cmpi sge, %reduce_sum3A_266, %sub3A_213 : i32
      %jit3A_268 = arith.constant 1 : i32
      %jit3A_269 = arith.constant 0 : i32
      %select_n3A_270 = arith.select %ge3A_267, %jit3A_268, %jit3A_269 : i32
      %shift_left3A_271 = arith.constant 27 : i32
      %shift_left3A_272 = arith.shli %select_n3A_270, %shift_left3A_271 : i32
      %or3A_273 = arith.ori %or3A_208, %shift_left3A_272 : i32
      %eq3A_274 = arith.constant 0 : i32
      %eq3A_275 = arith.cmpi eq, %select_n3A_270, %eq3A_274 : i32
      %jit3A_276 = arith.constant 0 : i32
      %select_n3A_277 = arith.select %eq3A_275, %reduce_sum3A_266, %jit3A_276 : i32
      %sub3A_278 = arith.subi %sub3A_213, %select_n3A_277 : i32
      %add3A_279 = arith.constant 16 : i32
      %add3A_280 = arith.addi %reduce_max3A_260, %add3A_279 : i32
      %sub3A_281 = arith.constant 1 : i32
      %sub3A_282 = arith.subi %add3A_280, %sub3A_281 : i32
      %jit3A_283 = arith.constant 16 : i32
      %div3A_284 = arith.divsi %sub3A_282, %jit3A_283 : i32
      %sign3A_285 = arith.constant 0 : i32
      %sign3A_286 = arith.cmpi sgt, %sub3A_282, %sign3A_285 : i32
      %sign3A_287 = arith.extui %sign3A_286 : i1 to i32
      %sign3A_288 = arith.constant 0 : i32
      %sign3A_289 = arith.cmpi slt, %sub3A_282, %sign3A_288 : i32
      %sign3A_290 = arith.extui %sign3A_289 : i1 to i32
      %sign3A_291 = arith.subi %sign3A_287, %sign3A_290 : i32
      %sign3A_292 = arith.constant 0 : i32
      %sign3A_293 = arith.cmpi sgt, %jit3A_283, %sign3A_292 : i32
      %sign3A_294 = arith.extui %sign3A_293 : i1 to i32
      %sign3A_295 = arith.constant 0 : i32
      %sign3A_296 = arith.cmpi slt, %jit3A_283, %sign3A_295 : i32
      %sign3A_297 = arith.extui %sign3A_296 : i1 to i32
      %sign3A_298 = arith.subi %sign3A_294, %sign3A_297 : i32
      %ne3A_299 = arith.cmpi ne, %sign3A_291, %sign3A_298 : i32
      %rem3A_300 = arith.remsi %sub3A_282, %jit3A_283 : i32
      %ne3A_301 = arith.constant 0 : i32
      %ne3A_302 = arith.cmpi ne, %rem3A_300, %ne3A_301 : i32
      %and3A_303 = arith.andi %ne3A_299, %ne3A_302 : i1
      %sub3A_304 = arith.constant 1 : i32
      %sub3A_305 = arith.subi %div3A_284, %sub3A_304 : i32
      %select_n3A_306 = arith.select %and3A_303, %sub3A_305, %div3A_284 : i32
      %while3A_307 = arith.constant 0 : i32
      %while3A_308 = arith.subi %select_n3A_306, %while3A_307 : i32
      %while3A_309 = arith.addi %while3A_307, %while3A_308 : i32
      %while3A_310 = arith.constant 1 : i32
      %while3A_311 = arith.divsi %while3A_308, %while3A_310 : i32
      %while3A_312 = arith.muli %while3A_311, %while3A_310 : i32
      %while3A_313 = arith.addi %while3A_307, %while3A_312 : i32
      %while3A_314 = arith.constant 1 : i32
      %while3A_315:2 = scf.for %while3A_2034 = %while3A_307 to %while3A_313 step %while3A_314 iter_args(%while3A_2035 = %broadcast_in_dim3A_1, %while3A_2036 = %broadcast_in_dim3A_1) -> (vector<16xi32>, vector<16xi32>)  : i32 {
        %mul3A_2037 = arith.constant 16 : i32
        %mul3A_2038 = arith.muli %while3A_2034, %mul3A_2037 : i32
        %get3A = arith.index_cast %mul3A_2038 : i32 to index
        %get3A_2039 = tpu.vector_load %arg6[%get3A] {strides = array<i32>} : memref<33296xi32, #tpu.memory_space<vmem>>, vector<16xi32>,
        %shift_right_logical3A = arith.constant 27 : i32
        %shift_right_logical3A_2040 = vector.broadcast %shift_right_logical3A : i32 to vector<16xi32>
        %shift_right_logical3A_2041 = arith.shrui %get3A_2039, %shift_right_logical3A_2040 : vector<16xi32>
        %and3A_2042 = arith.constant 1 : i32
        %and3A_2043 = vector.broadcast %and3A_2042 : i32 to vector<16xi32>
        %and3A_2044 = arith.andi %shift_right_logical3A_2041, %and3A_2043 : vector<16xi32>
        %eq3A_2045 = vector.broadcast %select_n3A_270 : i32 to vector<16xi32>
        %eq3A_2046 = arith.cmpi eq, %and3A_2044, %eq3A_2045 : vector<16xi32>
        %jit3A_2047 = arith.constant 1 : i32
        %jit3A_2048 = arith.constant 0 : i32
        %broadcast_in_dim3A_2049 = vector.broadcast %jit3A_2047 : i32 to vector<16xi32>
        %broadcast_in_dim3A_2050 = vector.broadcast %jit3A_2048 : i32 to vector<16xi32>
        %select_n3A_2051 = arith.select %eq3A_2046, %broadcast_in_dim3A_2049, %broadcast_in_dim3A_2050 : vector<16xi1>, vector<16xi32>
        %broadcast_in_dim3A_2052 = arith.constant true
        %broadcast_in_dim3A_2053 = vector.broadcast %broadcast_in_dim3A_2052 : i1 to vector<16xi1>
        %masked_cumsum3A = tpu.scan <sum>, %select_n3A_2051 masked %broadcast_in_dim3A_2053 : vector<16xi32>, vector<16xi1> -> vector<16xi32>
        %add3A_2054 = arith.addi %while3A_2035, %masked_cumsum3A : vector<16xi32>
        %sub3A_2055 = arith.constant 1 : i32
        %sub3A_2056 = vector.broadcast %sub3A_2055 : i32 to vector<16xi32>
        %sub3A_2057 = arith.subi %add3A_2054, %sub3A_2056 : vector<16xi32>
        tpu.vector_store_idx %arg5[%sub3A_2057], %get3A_2039 masked %eq3A_2046 : memref<33296xi32, #tpu.memory_space<vmem>>[vector<16xi32>], vector<16xi32>, vector<16xi1>
        %shift_right_logical3A_2058 = arith.constant 26 : i32
        %shift_right_logical3A_2059 = vector.broadcast %shift_right_logical3A_2058 : i32 to vector<16xi32>
        %shift_right_logical3A_2060 = arith.shrui %get3A_2039, %shift_right_logical3A_2059 : vector<16xi32>
        %and3A_2061 = arith.constant 1 : i32
        %and3A_2062 = vector.broadcast %and3A_2061 : i32 to vector<16xi32>
        %and3A_2063 = arith.andi %shift_right_logical3A_2060, %and3A_2062 : vector<16xi32>
        %jit3A_2064 = arith.constant 0 : i32
        %broadcast_in_dim3A_2065 = vector.broadcast %jit3A_2064 : i32 to vector<16xi32>
        %select_n3A_2066 = arith.select %eq3A_2046, %and3A_2063, %broadcast_in_dim3A_2065 : vector<16xi1>, vector<16xi32>
        %all_reduce_population_count3A = tpu.all_reduce %eq3A_2046 {dim = 0 : i64, kind = #tpu.reduction_kind<sum>} : vector<16xi1> -> vector<16xi32>
        %add3A_2067 = arith.addi %while3A_2035, %all_reduce_population_count3A : vector<16xi32>
        %add3A_2068 = arith.addi %while3A_2036, %select_n3A_2066 : vector<16xi32>
        scf.yield %add3A_2067, %add3A_2068 : vector<16xi32>, vector<16xi32>
      }
      %while3A_316 = arith.constant 1 : i32
      %while3A_317:2 = scf.for %while3A_2034 = %while3A_313 to %while3A_309 step %while3A_316 iter_args(%while3A_2035 = %while3A_315#0, %while3A_2036 = %while3A_315#1) -> (vector<16xi32>, vector<16xi32>)  : i32 {
        %mul3A_2037 = arith.constant 16 : i32
        %mul3A_2038 = arith.muli %while3A_2034, %mul3A_2037 : i32
        %get3A = arith.index_cast %mul3A_2038 : i32 to index
        %get3A_2039 = tpu.vector_load %arg6[%get3A] {strides = array<i32>} : memref<33296xi32, #tpu.memory_space<vmem>>, vector<16xi32>,
        %shift_right_logical3A = arith.constant 27 : i32
        %shift_right_logical3A_2040 = vector.broadcast %shift_right_logical3A : i32 to vector<16xi32>
        %shift_right_logical3A_2041 = arith.shrui %get3A_2039, %shift_right_logical3A_2040 : vector<16xi32>
        %and3A_2042 = arith.constant 1 : i32
        %and3A_2043 = vector.broadcast %and3A_2042 : i32 to vector<16xi32>
        %and3A_2044 = arith.andi %shift_right_logical3A_2041, %and3A_2043 : vector<16xi32>
        %eq3A_2045 = vector.broadcast %select_n3A_270 : i32 to vector<16xi32>
        %eq3A_2046 = arith.cmpi eq, %and3A_2044, %eq3A_2045 : vector<16xi32>
        %jit3A_2047 = arith.constant 1 : i32
        %jit3A_2048 = arith.constant 0 : i32
        %broadcast_in_dim3A_2049 = vector.broadcast %jit3A_2047 : i32 to vector<16xi32>
        %broadcast_in_dim3A_2050 = vector.broadcast %jit3A_2048 : i32 to vector<16xi32>
        %select_n3A_2051 = arith.select %eq3A_2046, %broadcast_in_dim3A_2049, %broadcast_in_dim3A_2050 : vector<16xi1>, vector<16xi32>
        %broadcast_in_dim3A_2052 = arith.constant true
        %broadcast_in_dim3A_2053 = vector.broadcast %broadcast_in_dim3A_2052 : i1 to vector<16xi1>
        %masked_cumsum3A = tpu.scan <sum>, %select_n3A_2051 masked %broadcast_in_dim3A_2053 : vector<16xi32>, vector<16xi1> -> vector<16xi32>
        %add3A_2054 = arith.addi %while3A_2035, %masked_cumsum3A : vector<16xi32>
        %sub3A_2055 = arith.constant 1 : i32
        %sub3A_2056 = vector.broadcast %sub3A_2055 : i32 to vector<16xi32>
        %sub3A_2057 = arith.subi %add3A_2054, %sub3A_2056 : vector<16xi32>
        tpu.vector_store_idx %arg5[%sub3A_2057], %get3A_2039 masked %eq3A_2046 : memref<33296xi32, #tpu.memory_space<vmem>>[vector<16xi32>], vector<16xi32>, vector<16xi1>
        %shift_right_logical3A_2058 = arith.constant 26 : i32
        %shift_right_logical3A_2059 = vector.broadcast %shift_right_logical3A_2058 : i32 to vector<16xi32>
        %shift_right_logical3A_2060 = arith.shrui %get3A_2039, %shift_right_logical3A_2059 : vector<16xi32>
        %and3A_2061 = arith.constant 1 : i32
        %and3A_2062 = vector.broadcast %and3A_2061 : i32 to vector<16xi32>
        %and3A_2063 = arith.andi %shift_right_logical3A_2060, %and3A_2062 : vector<16xi32>
        %jit3A_2064 = arith.constant 0 : i32
        %broadcast_in_dim3A_2065 = vector.broadcast %jit3A_2064 : i32 to vector<16xi32>
        %select_n3A_2066 = arith.select %eq3A_2046, %and3A_2063, %broadcast_in_dim3A_2065 : vector<16xi1>, vector<16xi32>
        %all_reduce_population_count3A = tpu.all_reduce %eq3A_2046 {dim = 0 : i64, kind = #tpu.reduction_kind<sum>} : vector<16xi1> -> vector<16xi32>
        %add3A_2067 = arith.addi %while3A_2035, %all_reduce_population_count3A : vector<16xi32>
        %add3A_2068 = arith.addi %while3A_2036, %select_n3A_2066 : vector<16xi32>
        scf.yield %add3A_2067, %add3A_2068 : vector<16xi32>, vector<16xi32>
      }
      %reduce_max3A_318 = arith.constant true
      %reduce_max3A_319 = vector.broadcast %reduce_max3A_318 : i1 to vector<16xi1>
      %reduce_max3A_320 = arith.constant -2147483648 : i32
      %reduce_max3A_321 = vector.broadcast %reduce_max3A_320 : i32 to vector<16xi32>
      %reduce_max3A_322 = arith.xori %while3A_317#0, %reduce_max3A_321 : vector<16xi32>
      %reduce_max3A_323 = tpu.scan <max>, %reduce_max3A_322 masked %reduce_max3A_319 : vector<16xi32>, vector<16xi1> -> vector<16xi32>
      %reduce_max3A_324 = arith.xori %reduce_max3A_323, %reduce_max3A_321 : vector<16xi32>
      %reduce_max3A_325 = vector.extract %reduce_max3A_324[15] : i32 from vector<16xi32>
      %iota3A_326 = tpu.iota {dimensions = array<i32: 0>} : vector<16xi32>
      %add3A_327 = arith.addi %while3A_317#0, %iota3A_326 : vector<16xi32>
      tpu.vector_store_idx %arg5[%add3A_327], %broadcast_in_dim3A_1 : memref<33296xi32, #tpu.memory_space<vmem>>[vector<16xi32>], vector<16xi32>,
      %reduce_sum3A_328 = arith.constant true
      %reduce_sum3A_329 = vector.broadcast %reduce_sum3A_328 : i1 to vector<16xi1>
      %reduce_sum3A_330 = tpu.scan <sum>, %while3A_317#1 masked %reduce_sum3A_329 : vector<16xi32>, vector<16xi1> -> vector<16xi32>
      %reduce_sum3A_331 = vector.extract %reduce_sum3A_330[15] : i32 from vector<16xi32>
      %ge3A_332 = arith.cmpi sge, %reduce_sum3A_331, %sub3A_278 : i32
      %jit3A_333 = arith.constant 1 : i32
      %jit3A_334 = arith.constant 0 : i32
      %select_n3A_335 = arith.select %ge3A_332, %jit3A_333, %jit3A_334 : i32
      %shift_left3A_336 = arith.constant 26 : i32
      %shift_left3A_337 = arith.shli %select_n3A_335, %shift_left3A_336 : i32
      %or3A_338 = arith.ori %or3A_273, %shift_left3A_337 : i32
      %eq3A_339 = arith.constant 0 : i32
      %eq3A_340 = arith.cmpi eq, %select_n3A_335, %eq3A_339 : i32
      %jit3A_341 = arith.constant 0 : i32
      %select_n3A_342 = arith.select %eq3A_340, %reduce_sum3A_331, %jit3A_341 : i32
      %sub3A_343 = arith.subi %sub3A_278, %select_n3A_342 : i32
      %add3A_344 = arith.constant 16 : i32
      %add3A_345 = arith.addi %reduce_max3A_325, %add3A_344 : i32
      %sub3A_346 = arith.constant 1 : i32
      %sub3A_347 = arith.subi %add3A_345, %sub3A_346 : i32
      %jit3A_348 = arith.constant 16 : i32
      %div3A_349 = arith.divsi %sub3A_347, %jit3A_348 : i32
      %sign3A_350 = arith.constant 0 : i32
      %sign3A_351 = arith.cmpi sgt, %sub3A_347, %sign3A_350 : i32
      %sign3A_352 = arith.extui %sign3A_351 : i1 to i32
      %sign3A_353 = arith.constant 0 : i32
      %sign3A_354 = arith.cmpi slt, %sub3A_347, %sign3A_353 : i32
      %sign3A_355 = arith.extui %sign3A_354 : i1 to i32
      %sign3A_356 = arith.subi %sign3A_352, %sign3A_355 : i32
      %sign3A_357 = arith.constant 0 : i32
      %sign3A_358 = arith.cmpi sgt, %jit3A_348, %sign3A_357 : i32
      %sign3A_359 = arith.extui %sign3A_358 : i1 to i32
      %sign3A_360 = arith.constant 0 : i32
      %sign3A_361 = arith.cmpi slt, %jit3A_348, %sign3A_360 : i32
      %sign3A_362 = arith.extui %sign3A_361 : i1 to i32
      %sign3A_363 = arith.subi %sign3A_359, %sign3A_362 : i32
      %ne3A_364 = arith.cmpi ne, %sign3A_356, %sign3A_363 : i32
      %rem3A_365 = arith.remsi %sub3A_347, %jit3A_348 : i32
      %ne3A_366 = arith.constant 0 : i32
      %ne3A_367 = arith.cmpi ne, %rem3A_365, %ne3A_366 : i32
      %and3A_368 = arith.andi %ne3A_364, %ne3A_367 : i1
      %sub3A_369 = arith.constant 1 : i32
      %sub3A_370 = arith.subi %div3A_349, %sub3A_369 : i32
      %select_n3A_371 = arith.select %and3A_368, %sub3A_370, %div3A_349 : i32
      %while3A_372 = arith.constant 0 : i32
      %while3A_373 = arith.subi %select_n3A_371, %while3A_372 : i32
      %while3A_374 = arith.addi %while3A_372, %while3A_373 : i32
      %while3A_375 = arith.constant 1 : i32
      %while3A_376 = arith.divsi %while3A_373, %while3A_375 : i32
      %while3A_377 = arith.muli %while3A_376, %while3A_375 : i32
      %while3A_378 = arith.addi %while3A_372, %while3A_377 : i32
      %while3A_379 = arith.constant 1 : i32
      %while3A_380:2 = scf.for %while3A_2034 = %while3A_372 to %while3A_378 step %while3A_379 iter_args(%while3A_2035 = %broadcast_in_dim3A_1, %while3A_2036 = %broadcast_in_dim3A_1) -> (vector<16xi32>, vector<16xi32>)  : i32 {
        %mul3A_2037 = arith.constant 16 : i32
        %mul3A_2038 = arith.muli %while3A_2034, %mul3A_2037 : i32
        %get3A = arith.index_cast %mul3A_2038 : i32 to index
        %get3A_2039 = tpu.vector_load %arg5[%get3A] {strides = array<i32>} : memref<33296xi32, #tpu.memory_space<vmem>>, vector<16xi32>,
        %shift_right_logical3A = arith.constant 26 : i32
        %shift_right_logical3A_2040 = vector.broadcast %shift_right_logical3A : i32 to vector<16xi32>
        %shift_right_logical3A_2041 = arith.shrui %get3A_2039, %shift_right_logical3A_2040 : vector<16xi32>
        %and3A_2042 = arith.constant 1 : i32
        %and3A_2043 = vector.broadcast %and3A_2042 : i32 to vector<16xi32>
        %and3A_2044 = arith.andi %shift_right_logical3A_2041, %and3A_2043 : vector<16xi32>
        %eq3A_2045 = vector.broadcast %select_n3A_335 : i32 to vector<16xi32>
        %eq3A_2046 = arith.cmpi eq, %and3A_2044, %eq3A_2045 : vector<16xi32>
        %jit3A_2047 = arith.constant 1 : i32
        %jit3A_2048 = arith.constant 0 : i32
        %broadcast_in_dim3A_2049 = vector.broadcast %jit3A_2047 : i32 to vector<16xi32>
        %broadcast_in_dim3A_2050 = vector.broadcast %jit3A_2048 : i32 to vector<16xi32>
        %select_n3A_2051 = arith.select %eq3A_2046, %broadcast_in_dim3A_2049, %broadcast_in_dim3A_2050 : vector<16xi1>, vector<16xi32>
        %broadcast_in_dim3A_2052 = arith.constant true
        %broadcast_in_dim3A_2053 = vector.broadcast %broadcast_in_dim3A_2052 : i1 to vector<16xi1>
        %masked_cumsum3A = tpu.scan <sum>, %select_n3A_2051 masked %broadcast_in_dim3A_2053 : vector<16xi32>, vector<16xi1> -> vector<16xi32>
        %add3A_2054 = arith.addi %while3A_2035, %masked_cumsum3A : vector<16xi32>
        %sub3A_2055 = arith.constant 1 : i32
        %sub3A_2056 = vector.broadcast %sub3A_2055 : i32 to vector<16xi32>
        %sub3A_2057 = arith.subi %add3A_2054, %sub3A_2056 : vector<16xi32>
        tpu.vector_store_idx %arg6[%sub3A_2057], %get3A_2039 masked %eq3A_2046 : memref<33296xi32, #tpu.memory_space<vmem>>[vector<16xi32>], vector<16xi32>, vector<16xi1>
        %shift_right_logical3A_2058 = arith.constant 25 : i32
        %shift_right_logical3A_2059 = vector.broadcast %shift_right_logical3A_2058 : i32 to vector<16xi32>
        %shift_right_logical3A_2060 = arith.shrui %get3A_2039, %shift_right_logical3A_2059 : vector<16xi32>
        %and3A_2061 = arith.constant 1 : i32
        %and3A_2062 = vector.broadcast %and3A_2061 : i32 to vector<16xi32>
        %and3A_2063 = arith.andi %shift_right_logical3A_2060, %and3A_2062 : vector<16xi32>
        %jit3A_2064 = arith.constant 0 : i32
        %broadcast_in_dim3A_2065 = vector.broadcast %jit3A_2064 : i32 to vector<16xi32>
        %select_n3A_2066 = arith.select %eq3A_2046, %and3A_2063, %broadcast_in_dim3A_2065 : vector<16xi1>, vector<16xi32>
        %all_reduce_population_count3A = tpu.all_reduce %eq3A_2046 {dim = 0 : i64, kind = #tpu.reduction_kind<sum>} : vector<16xi1> -> vector<16xi32>
        %add3A_2067 = arith.addi %while3A_2035, %all_reduce_population_count3A : vector<16xi32>
        %add3A_2068 = arith.addi %while3A_2036, %select_n3A_2066 : vector<16xi32>
        scf.yield %add3A_2067, %add3A_2068 : vector<16xi32>, vector<16xi32>
      }
      %while3A_381 = arith.constant 1 : i32
      %while3A_382:2 = scf.for %while3A_2034 = %while3A_378 to %while3A_374 step %while3A_381 iter_args(%while3A_2035 = %while3A_380#0, %while3A_2036 = %while3A_380#1) -> (vector<16xi32>, vector<16xi32>)  : i32 {
        %mul3A_2037 = arith.constant 16 : i32
        %mul3A_2038 = arith.muli %while3A_2034, %mul3A_2037 : i32
        %get3A = arith.index_cast %mul3A_2038 : i32 to index
        %get3A_2039 = tpu.vector_load %arg5[%get3A] {strides = array<i32>} : memref<33296xi32, #tpu.memory_space<vmem>>, vector<16xi32>,
        %shift_right_logical3A = arith.constant 26 : i32
        %shift_right_logical3A_2040 = vector.broadcast %shift_right_logical3A : i32 to vector<16xi32>
        %shift_right_logical3A_2041 = arith.shrui %get3A_2039, %shift_right_logical3A_2040 : vector<16xi32>
        %and3A_2042 = arith.constant 1 : i32
        %and3A_2043 = vector.broadcast %and3A_2042 : i32 to vector<16xi32>
        %and3A_2044 = arith.andi %shift_right_logical3A_2041, %and3A_2043 : vector<16xi32>
        %eq3A_2045 = vector.broadcast %select_n3A_335 : i32 to vector<16xi32>
        %eq3A_2046 = arith.cmpi eq, %and3A_2044, %eq3A_2045 : vector<16xi32>
        %jit3A_2047 = arith.constant 1 : i32
        %jit3A_2048 = arith.constant 0 : i32
        %broadcast_in_dim3A_2049 = vector.broadcast %jit3A_2047 : i32 to vector<16xi32>
        %broadcast_in_dim3A_2050 = vector.broadcast %jit3A_2048 : i32 to vector<16xi32>
        %select_n3A_2051 = arith.select %eq3A_2046, %broadcast_in_dim3A_2049, %broadcast_in_dim3A_2050 : vector<16xi1>, vector<16xi32>
        %broadcast_in_dim3A_2052 = arith.constant true
        %broadcast_in_dim3A_2053 = vector.broadcast %broadcast_in_dim3A_2052 : i1 to vector<16xi1>
        %masked_cumsum3A = tpu.scan <sum>, %select_n3A_2051 masked %broadcast_in_dim3A_2053 : vector<16xi32>, vector<16xi1> -> vector<16xi32>
        %add3A_2054 = arith.addi %while3A_2035, %masked_cumsum3A : vector<16xi32>
        %sub3A_2055 = arith.constant 1 : i32
        %sub3A_2056 = vector.broadcast %sub3A_2055 : i32 to vector<16xi32>
        %sub3A_2057 = arith.subi %add3A_2054, %sub3A_2056 : vector<16xi32>
        tpu.vector_store_idx %arg6[%sub3A_2057], %get3A_2039 masked %eq3A_2046 : memref<33296xi32, #tpu.memory_space<vmem>>[vector<16xi32>], vector<16xi32>, vector<16xi1>
        %shift_right_logical3A_2058 = arith.constant 25 : i32
        %shift_right_logical3A_2059 = vector.broadcast %shift_right_logical3A_2058 : i32 to vector<16xi32>
        %shift_right_logical3A_2060 = arith.shrui %get3A_2039, %shift_right_logical3A_2059 : vector<16xi32>
        %and3A_2061 = arith.constant 1 : i32
        %and3A_2062 = vector.broadcast %and3A_2061 : i32 to vector<16xi32>
        %and3A_2063 = arith.andi %shift_right_logical3A_2060, %and3A_2062 : vector<16xi32>
        %jit3A_2064 = arith.constant 0 : i32
        %broadcast_in_dim3A_2065 = vector.broadcast %jit3A_2064 : i32 to vector<16xi32>
        %select_n3A_2066 = arith.select %eq3A_2046, %and3A_2063, %broadcast_in_dim3A_2065 : vector<16xi1>, vector<16xi32>
        %all_reduce_population_count3A = tpu.all_reduce %eq3A_2046 {dim = 0 : i64, kind = #tpu.reduction_kind<sum>} : vector<16xi1> -> vector<16xi32>
        %add3A_2067 = arith.addi %while3A_2035, %all_reduce_population_count3A : vector<16xi32>
        %add3A_2068 = arith.addi %while3A_2036, %select_n3A_2066 : vector<16xi32>
        scf.yield %add3A_2067, %add3A_2068 : vector<16xi32>, vector<16xi32>
      }
      %reduce_max3A_383 = arith.constant true
      %reduce_max3A_384 = vector.broadcast %reduce_max3A_383 : i1 to vector<16xi1>
      %reduce_max3A_385 = arith.constant -2147483648 : i32
      %reduce_max3A_386 = vector.broadcast %reduce_max3A_385 : i32 to vector<16xi32>
      %reduce_max3A_387 = arith.xori %while3A_382#0, %reduce_max3A_386 : vector<16xi32>
      %reduce_max3A_388 = tpu.scan <max>, %reduce_max3A_387 masked %reduce_max3A_384 : vector<16xi32>, vector<16xi1> -> vector<16xi32>
      %reduce_max3A_389 = arith.xori %reduce_max3A_388, %reduce_max3A_386 : vector<16xi32>
      %reduce_max3A_390 = vector.extract %reduce_max3A_389[15] : i32 from vector<16xi32>
      %iota3A_391 = tpu.iota {dimensions = array<i32: 0>} : vector<16xi32>
      %add3A_392 = arith.addi %while3A_382#0, %iota3A_391 : vector<16xi32>
      tpu.vector_store_idx %arg6[%add3A_392], %broadcast_in_dim3A_1 : memref<33296xi32, #tpu.memory_space<vmem>>[vector<16xi32>], vector<16xi32>,
      %reduce_sum3A_393 = arith.constant true
      %reduce_sum3A_394 = vector.broadcast %reduce_sum3A_393 : i1 to vector<16xi1>
      %reduce_sum3A_395 = tpu.scan <sum>, %while3A_382#1 masked %reduce_sum3A_394 : vector<16xi32>, vector<16xi1> -> vector<16xi32>
      %reduce_sum3A_396 = vector.extract %reduce_sum3A_395[15] : i32 from vector<16xi32>
      %ge3A_397 = arith.cmpi sge, %reduce_sum3A_396, %sub3A_343 : i32
      %jit3A_398 = arith.constant 1 : i32
      %jit3A_399 = arith.constant 0 : i32
      %select_n3A_400 = arith.select %ge3A_397, %jit3A_398, %jit3A_399 : i32
      %shift_left3A_401 = arith.constant 25 : i32
      %shift_left3A_402 = arith.shli %select_n3A_400, %shift_left3A_401 : i32
      %or3A_403 = arith.ori %or3A_338, %shift_left3A_402 : i32
      %eq3A_404 = arith.constant 0 : i32
      %eq3A_405 = arith.cmpi eq, %select_n3A_400, %eq3A_404 : i32
      %jit3A_406 = arith.constant 0 : i32
      %select_n3A_407 = arith.select %eq3A_405, %reduce_sum3A_396, %jit3A_406 : i32
      %sub3A_408 = arith.subi %sub3A_343, %select_n3A_407 : i32
      %add3A_409 = arith.constant 16 : i32
      %add3A_410 = arith.addi %reduce_max3A_390, %add3A_409 : i32
      %sub3A_411 = arith.constant 1 : i32
      %sub3A_412 = arith.subi %add3A_410, %sub3A_411 : i32
      %jit3A_413 = arith.constant 16 : i32
      %div3A_414 = arith.divsi %sub3A_412, %jit3A_413 : i32
      %sign3A_415 = arith.constant 0 : i32
      %sign3A_416 = arith.cmpi sgt, %sub3A_412, %sign3A_415 : i32
      %sign3A_417 = arith.extui %sign3A_416 : i1 to i32
      %sign3A_418 = arith.constant 0 : i32
      %sign3A_419 = arith.cmpi slt, %sub3A_412, %sign3A_418 : i32
      %sign3A_420 = arith.extui %sign3A_419 : i1 to i32
      %sign3A_421 = arith.subi %sign3A_417, %sign3A_420 : i32
      %sign3A_422 = arith.constant 0 : i32
      %sign3A_423 = arith.cmpi sgt, %jit3A_413, %sign3A_422 : i32
      %sign3A_424 = arith.extui %sign3A_423 : i1 to i32
      %sign3A_425 = arith.constant 0 : i32
      %sign3A_426 = arith.cmpi slt, %jit3A_413, %sign3A_425 : i32
      %sign3A_427 = arith.extui %sign3A_426 : i1 to i32
      %sign3A_428 = arith.subi %sign3A_424, %sign3A_427 : i32
      %ne3A_429 = arith.cmpi ne, %sign3A_421, %sign3A_428 : i32
      %rem3A_430 = arith.remsi %sub3A_412, %jit3A_413 : i32
      %ne3A_431 = arith.constant 0 : i32
      %ne3A_432 = arith.cmpi ne, %rem3A_430, %ne3A_431 : i32
      %and3A_433 = arith.andi %ne3A_429, %ne3A_432 : i1
      %sub3A_434 = arith.constant 1 : i32
      %sub3A_435 = arith.subi %div3A_414, %sub3A_434 : i32
      %select_n3A_436 = arith.select %and3A_433, %sub3A_435, %div3A_414 : i32
      %while3A_437 = arith.constant 0 : i32
      %while3A_438 = arith.subi %select_n3A_436, %while3A_437 : i32
      %while3A_439 = arith.addi %while3A_437, %while3A_438 : i32
      %while3A_440 = arith.constant 1 : i32
      %while3A_441 = arith.divsi %while3A_438, %while3A_440 : i32
      %while3A_442 = arith.muli %while3A_441, %while3A_440 : i32
      %while3A_443 = arith.addi %while3A_437, %while3A_442 : i32
      %while3A_444 = arith.constant 1 : i32
      %while3A_445:2 = scf.for %while3A_2034 = %while3A_437 to %while3A_443 step %while3A_444 iter_args(%while3A_2035 = %broadcast_in_dim3A_1, %while3A_2036 = %broadcast_in_dim3A_1) -> (vector<16xi32>, vector<16xi32>)  : i32 {
        %mul3A_2037 = arith.constant 16 : i32
        %mul3A_2038 = arith.muli %while3A_2034, %mul3A_2037 : i32
        %get3A = arith.index_cast %mul3A_2038 : i32 to index
        %get3A_2039 = tpu.vector_load %arg6[%get3A] {strides = array<i32>} : memref<33296xi32, #tpu.memory_space<vmem>>, vector<16xi32>,
        %shift_right_logical3A = arith.constant 25 : i32
        %shift_right_logical3A_2040 = vector.broadcast %shift_right_logical3A : i32 to vector<16xi32>
        %shift_right_logical3A_2041 = arith.shrui %get3A_2039, %shift_right_logical3A_2040 : vector<16xi32>
        %and3A_2042 = arith.constant 1 : i32
        %and3A_2043 = vector.broadcast %and3A_2042 : i32 to vector<16xi32>
        %and3A_2044 = arith.andi %shift_right_logical3A_2041, %and3A_2043 : vector<16xi32>
        %eq3A_2045 = vector.broadcast %select_n3A_400 : i32 to vector<16xi32>
        %eq3A_2046 = arith.cmpi eq, %and3A_2044, %eq3A_2045 : vector<16xi32>
        %jit3A_2047 = arith.constant 1 : i32
        %jit3A_2048 = arith.constant 0 : i32
        %broadcast_in_dim3A_2049 = vector.broadcast %jit3A_2047 : i32 to vector<16xi32>
        %broadcast_in_dim3A_2050 = vector.broadcast %jit3A_2048 : i32 to vector<16xi32>
        %select_n3A_2051 = arith.select %eq3A_2046, %broadcast_in_dim3A_2049, %broadcast_in_dim3A_2050 : vector<16xi1>, vector<16xi32>
        %broadcast_in_dim3A_2052 = arith.constant true
        %broadcast_in_dim3A_2053 = vector.broadcast %broadcast_in_dim3A_2052 : i1 to vector<16xi1>
        %masked_cumsum3A = tpu.scan <sum>, %select_n3A_2051 masked %broadcast_in_dim3A_2053 : vector<16xi32>, vector<16xi1> -> vector<16xi32>
        %add3A_2054 = arith.addi %while3A_2035, %masked_cumsum3A : vector<16xi32>
        %sub3A_2055 = arith.constant 1 : i32
        %sub3A_2056 = vector.broadcast %sub3A_2055 : i32 to vector<16xi32>
        %sub3A_2057 = arith.subi %add3A_2054, %sub3A_2056 : vector<16xi32>
        tpu.vector_store_idx %arg5[%sub3A_2057], %get3A_2039 masked %eq3A_2046 : memref<33296xi32, #tpu.memory_space<vmem>>[vector<16xi32>], vector<16xi32>, vector<16xi1>
        %shift_right_logical3A_2058 = arith.constant 24 : i32
        %shift_right_logical3A_2059 = vector.broadcast %shift_right_logical3A_2058 : i32 to vector<16xi32>
        %shift_right_logical3A_2060 = arith.shrui %get3A_2039, %shift_right_logical3A_2059 : vector<16xi32>
        %and3A_2061 = arith.constant 1 : i32
        %and3A_2062 = vector.broadcast %and3A_2061 : i32 to vector<16xi32>
        %and3A_2063 = arith.andi %shift_right_logical3A_2060, %and3A_2062 : vector<16xi32>
        %jit3A_2064 = arith.constant 0 : i32
        %broadcast_in_dim3A_2065 = vector.broadcast %jit3A_2064 : i32 to vector<16xi32>
        %select_n3A_2066 = arith.select %eq3A_2046, %and3A_2063, %broadcast_in_dim3A_2065 : vector<16xi1>, vector<16xi32>
        %all_reduce_population_count3A = tpu.all_reduce %eq3A_2046 {dim = 0 : i64, kind = #tpu.reduction_kind<sum>} : vector<16xi1> -> vector<16xi32>
        %add3A_2067 = arith.addi %while3A_2035, %all_reduce_population_count3A : vector<16xi32>
        %add3A_2068 = arith.addi %while3A_2036, %select_n3A_2066 : vector<16xi32>
        scf.yield %add3A_2067, %add3A_2068 : vector<16xi32>, vector<16xi32>
      }
      %while3A_446 = arith.constant 1 : i32
      %while3A_447:2 = scf.for %while3A_2034 = %while3A_443 to %while3A_439 step %while3A_446 iter_args(%while3A_2035 = %while3A_445#0, %while3A_2036 = %while3A_445#1) -> (vector<16xi32>, vector<16xi32>)  : i32 {
        %mul3A_2037 = arith.constant 16 : i32
        %mul3A_2038 = arith.muli %while3A_2034, %mul3A_2037 : i32
        %get3A = arith.index_cast %mul3A_2038 : i32 to index
        %get3A_2039 = tpu.vector_load %arg6[%get3A] {strides = array<i32>} : memref<33296xi32, #tpu.memory_space<vmem>>, vector<16xi32>,
        %shift_right_logical3A = arith.constant 25 : i32
        %shift_right_logical3A_2040 = vector.broadcast %shift_right_logical3A : i32 to vector<16xi32>
        %shift_right_logical3A_2041 = arith.shrui %get3A_2039, %shift_right_logical3A_2040 : vector<16xi32>
        %and3A_2042 = arith.constant 1 : i32
        %and3A_2043 = vector.broadcast %and3A_2042 : i32 to vector<16xi32>
        %and3A_2044 = arith.andi %shift_right_logical3A_2041, %and3A_2043 : vector<16xi32>
        %eq3A_2045 = vector.broadcast %select_n3A_400 : i32 to vector<16xi32>
        %eq3A_2046 = arith.cmpi eq, %and3A_2044, %eq3A_2045 : vector<16xi32>
        %jit3A_2047 = arith.constant 1 : i32
        %jit3A_2048 = arith.constant 0 : i32
        %broadcast_in_dim3A_2049 = vector.broadcast %jit3A_2047 : i32 to vector<16xi32>
        %broadcast_in_dim3A_2050 = vector.broadcast %jit3A_2048 : i32 to vector<16xi32>
        %select_n3A_2051 = arith.select %eq3A_2046, %broadcast_in_dim3A_2049, %broadcast_in_dim3A_2050 : vector<16xi1>, vector<16xi32>
        %broadcast_in_dim3A_2052 = arith.constant true
        %broadcast_in_dim3A_2053 = vector.broadcast %broadcast_in_dim3A_2052 : i1 to vector<16xi1>
        %masked_cumsum3A = tpu.scan <sum>, %select_n3A_2051 masked %broadcast_in_dim3A_2053 : vector<16xi32>, vector<16xi1> -> vector<16xi32>
        %add3A_2054 = arith.addi %while3A_2035, %masked_cumsum3A : vector<16xi32>
        %sub3A_2055 = arith.constant 1 : i32
        %sub3A_2056 = vector.broadcast %sub3A_2055 : i32 to vector<16xi32>
        %sub3A_2057 = arith.subi %add3A_2054, %sub3A_2056 : vector<16xi32>
        tpu.vector_store_idx %arg5[%sub3A_2057], %get3A_2039 masked %eq3A_2046 : memref<33296xi32, #tpu.memory_space<vmem>>[vector<16xi32>], vector<16xi32>, vector<16xi1>
        %shift_right_logical3A_2058 = arith.constant 24 : i32
        %shift_right_logical3A_2059 = vector.broadcast %shift_right_logical3A_2058 : i32 to vector<16xi32>
        %shift_right_logical3A_2060 = arith.shrui %get3A_2039, %shift_right_logical3A_2059 : vector<16xi32>
        %and3A_2061 = arith.constant 1 : i32
        %and3A_2062 = vector.broadcast %and3A_2061 : i32 to vector<16xi32>
        %and3A_2063 = arith.andi %shift_right_logical3A_2060, %and3A_2062 : vector<16xi32>
        %jit3A_2064 = arith.constant 0 : i32
        %broadcast_in_dim3A_2065 = vector.broadcast %jit3A_2064 : i32 to vector<16xi32>
        %select_n3A_2066 = arith.select %eq3A_2046, %and3A_2063, %broadcast_in_dim3A_2065 : vector<16xi1>, vector<16xi32>
        %all_reduce_population_count3A = tpu.all_reduce %eq3A_2046 {dim = 0 : i64, kind = #tpu.reduction_kind<sum>} : vector<16xi1> -> vector<16xi32>
        %add3A_2067 = arith.addi %while3A_2035, %all_reduce_population_count3A : vector<16xi32>
        %add3A_2068 = arith.addi %while3A_2036, %select_n3A_2066 : vector<16xi32>
        scf.yield %add3A_2067, %add3A_2068 : vector<16xi32>, vector<16xi32>
      }
      %reduce_max3A_448 = arith.constant true
      %reduce_max3A_449 = vector.broadcast %reduce_max3A_448 : i1 to vector<16xi1>
      %reduce_max3A_450 = arith.constant -2147483648 : i32
      %reduce_max3A_451 = vector.broadcast %reduce_max3A_450 : i32 to vector<16xi32>
      %reduce_max3A_452 = arith.xori %while3A_447#0, %reduce_max3A_451 : vector<16xi32>
      %reduce_max3A_453 = tpu.scan <max>, %reduce_max3A_452 masked %reduce_max3A_449 : vector<16xi32>, vector<16xi1> -> vector<16xi32>
      %reduce_max3A_454 = arith.xori %reduce_max3A_453, %reduce_max3A_451 : vector<16xi32>
      %reduce_max3A_455 = vector.extract %reduce_max3A_454[15] : i32 from vector<16xi32>
      %iota3A_456 = tpu.iota {dimensions = array<i32: 0>} : vector<16xi32>
      %add3A_457 = arith.addi %while3A_447#0, %iota3A_456 : vector<16xi32>
      tpu.vector_store_idx %arg5[%add3A_457], %broadcast_in_dim3A_1 : memref<33296xi32, #tpu.memory_space<vmem>>[vector<16xi32>], vector<16xi32>,
      %reduce_sum3A_458 = arith.constant true
      %reduce_sum3A_459 = vector.broadcast %reduce_sum3A_458 : i1 to vector<16xi1>
      %reduce_sum3A_460 = tpu.scan <sum>, %while3A_447#1 masked %reduce_sum3A_459 : vector<16xi32>, vector<16xi1> -> vector<16xi32>
      %reduce_sum3A_461 = vector.extract %reduce_sum3A_460[15] : i32 from vector<16xi32>
      %ge3A_462 = arith.cmpi sge, %reduce_sum3A_461, %sub3A_408 : i32
      %jit3A_463 = arith.constant 1 : i32
      %jit3A_464 = arith.constant 0 : i32
      %select_n3A_465 = arith.select %ge3A_462, %jit3A_463, %jit3A_464 : i32
      %shift_left3A_466 = arith.constant 24 : i32
      %shift_left3A_467 = arith.shli %select_n3A_465, %shift_left3A_466 : i32
      %or3A_468 = arith.ori %or3A_403, %shift_left3A_467 : i32
      %eq3A_469 = arith.constant 0 : i32
      %eq3A_470 = arith.cmpi eq, %select_n3A_465, %eq3A_469 : i32
      %jit3A_471 = arith.constant 0 : i32
      %select_n3A_472 = arith.select %eq3A_470, %reduce_sum3A_461, %jit3A_471 : i32
      %sub3A_473 = arith.subi %sub3A_408, %select_n3A_472 : i32
      %add3A_474 = arith.constant 16 : i32
      %add3A_475 = arith.addi %reduce_max3A_455, %add3A_474 : i32
      %sub3A_476 = arith.constant 1 : i32
      %sub3A_477 = arith.subi %add3A_475, %sub3A_476 : i32
      %jit3A_478 = arith.constant 16 : i32
      %div3A_479 = arith.divsi %sub3A_477, %jit3A_478 : i32
      %sign3A_480 = arith.constant 0 : i32
      %sign3A_481 = arith.cmpi sgt, %sub3A_477, %sign3A_480 : i32
      %sign3A_482 = arith.extui %sign3A_481 : i1 to i32
      %sign3A_483 = arith.constant 0 : i32
      %sign3A_484 = arith.cmpi slt, %sub3A_477, %sign3A_483 : i32
      %sign3A_485 = arith.extui %sign3A_484 : i1 to i32
      %sign3A_486 = arith.subi %sign3A_482, %sign3A_485 : i32
      %sign3A_487 = arith.constant 0 : i32
      %sign3A_488 = arith.cmpi sgt, %jit3A_478, %sign3A_487 : i32
      %sign3A_489 = arith.extui %sign3A_488 : i1 to i32
      %sign3A_490 = arith.constant 0 : i32
      %sign3A_491 = arith.cmpi slt, %jit3A_478, %sign3A_490 : i32
      %sign3A_492 = arith.extui %sign3A_491 : i1 to i32
      %sign3A_493 = arith.subi %sign3A_489, %sign3A_492 : i32
      %ne3A_494 = arith.cmpi ne, %sign3A_486, %sign3A_493 : i32
      %rem3A_495 = arith.remsi %sub3A_477, %jit3A_478 : i32
      %ne3A_496 = arith.constant 0 : i32
      %ne3A_497 = arith.cmpi ne, %rem3A_495, %ne3A_496 : i32
      %and3A_498 = arith.andi %ne3A_494, %ne3A_497 : i1
      %sub3A_499 = arith.constant 1 : i32
      %sub3A_500 = arith.subi %div3A_479, %sub3A_499 : i32
      %select_n3A_501 = arith.select %and3A_498, %sub3A_500, %div3A_479 : i32
      %while3A_502 = arith.constant 0 : i32
      %while3A_503 = arith.subi %select_n3A_501, %while3A_502 : i32
      %while3A_504 = arith.addi %while3A_502, %while3A_503 : i32
      %while3A_505 = arith.constant 1 : i32
      %while3A_506 = arith.divsi %while3A_503, %while3A_505 : i32
      %while3A_507 = arith.muli %while3A_506, %while3A_505 : i32
      %while3A_508 = arith.addi %while3A_502, %while3A_507 : i32
      %while3A_509 = arith.constant 1 : i32
      %while3A_510:2 = scf.for %while3A_2034 = %while3A_502 to %while3A_508 step %while3A_509 iter_args(%while3A_2035 = %broadcast_in_dim3A_1, %while3A_2036 = %broadcast_in_dim3A_1) -> (vector<16xi32>, vector<16xi32>)  : i32 {
        %mul3A_2037 = arith.constant 16 : i32
        %mul3A_2038 = arith.muli %while3A_2034, %mul3A_2037 : i32
        %get3A = arith.index_cast %mul3A_2038 : i32 to index
        %get3A_2039 = tpu.vector_load %arg5[%get3A] {strides = array<i32>} : memref<33296xi32, #tpu.memory_space<vmem>>, vector<16xi32>,
        %shift_right_logical3A = arith.constant 24 : i32
        %shift_right_logical3A_2040 = vector.broadcast %shift_right_logical3A : i32 to vector<16xi32>
        %shift_right_logical3A_2041 = arith.shrui %get3A_2039, %shift_right_logical3A_2040 : vector<16xi32>
        %and3A_2042 = arith.constant 1 : i32
        %and3A_2043 = vector.broadcast %and3A_2042 : i32 to vector<16xi32>
        %and3A_2044 = arith.andi %shift_right_logical3A_2041, %and3A_2043 : vector<16xi32>
        %eq3A_2045 = vector.broadcast %select_n3A_465 : i32 to vector<16xi32>
        %eq3A_2046 = arith.cmpi eq, %and3A_2044, %eq3A_2045 : vector<16xi32>
        %jit3A_2047 = arith.constant 1 : i32
        %jit3A_2048 = arith.constant 0 : i32
        %broadcast_in_dim3A_2049 = vector.broadcast %jit3A_2047 : i32 to vector<16xi32>
        %broadcast_in_dim3A_2050 = vector.broadcast %jit3A_2048 : i32 to vector<16xi32>
        %select_n3A_2051 = arith.select %eq3A_2046, %broadcast_in_dim3A_2049, %broadcast_in_dim3A_2050 : vector<16xi1>, vector<16xi32>
        %broadcast_in_dim3A_2052 = arith.constant true
        %broadcast_in_dim3A_2053 = vector.broadcast %broadcast_in_dim3A_2052 : i1 to vector<16xi1>
        %masked_cumsum3A = tpu.scan <sum>, %select_n3A_2051 masked %broadcast_in_dim3A_2053 : vector<16xi32>, vector<16xi1> -> vector<16xi32>
        %add3A_2054 = arith.addi %while3A_2035, %masked_cumsum3A : vector<16xi32>
        %sub3A_2055 = arith.constant 1 : i32
        %sub3A_2056 = vector.broadcast %sub3A_2055 : i32 to vector<16xi32>
        %sub3A_2057 = arith.subi %add3A_2054, %sub3A_2056 : vector<16xi32>
        tpu.vector_store_idx %arg6[%sub3A_2057], %get3A_2039 masked %eq3A_2046 : memref<33296xi32, #tpu.memory_space<vmem>>[vector<16xi32>], vector<16xi32>, vector<16xi1>
        %shift_right_logical3A_2058 = arith.constant 23 : i32
        %shift_right_logical3A_2059 = vector.broadcast %shift_right_logical3A_2058 : i32 to vector<16xi32>
        %shift_right_logical3A_2060 = arith.shrui %get3A_2039, %shift_right_logical3A_2059 : vector<16xi32>
        %and3A_2061 = arith.constant 1 : i32
        %and3A_2062 = vector.broadcast %and3A_2061 : i32 to vector<16xi32>
        %and3A_2063 = arith.andi %shift_right_logical3A_2060, %and3A_2062 : vector<16xi32>
        %jit3A_2064 = arith.constant 0 : i32
        %broadcast_in_dim3A_2065 = vector.broadcast %jit3A_2064 : i32 to vector<16xi32>
        %select_n3A_2066 = arith.select %eq3A_2046, %and3A_2063, %broadcast_in_dim3A_2065 : vector<16xi1>, vector<16xi32>
        %all_reduce_population_count3A = tpu.all_reduce %eq3A_2046 {dim = 0 : i64, kind = #tpu.reduction_kind<sum>} : vector<16xi1> -> vector<16xi32>
        %add3A_2067 = arith.addi %while3A_2035, %all_reduce_population_count3A : vector<16xi32>
        %add3A_2068 = arith.addi %while3A_2036, %select_n3A_2066 : vector<16xi32>
        scf.yield %add3A_2067, %add3A_2068 : vector<16xi32>, vector<16xi32>
      }
      %while3A_511 = arith.constant 1 : i32
      %while3A_512:2 = scf.for %while3A_2034 = %while3A_508 to %while3A_504 step %while3A_511 iter_args(%while3A_2035 = %while3A_510#0, %while3A_2036 = %while3A_510#1) -> (vector<16xi32>, vector<16xi32>)  : i32 {
        %mul3A_2037 = arith.constant 16 : i32
        %mul3A_2038 = arith.muli %while3A_2034, %mul3A_2037 : i32
        %get3A = arith.index_cast %mul3A_2038 : i32 to index
        %get3A_2039 = tpu.vector_load %arg5[%get3A] {strides = array<i32>} : memref<33296xi32, #tpu.memory_space<vmem>>, vector<16xi32>,
        %shift_right_logical3A = arith.constant 24 : i32
        %shift_right_logical3A_2040 = vector.broadcast %shift_right_logical3A : i32 to vector<16xi32>
        %shift_right_logical3A_2041 = arith.shrui %get3A_2039, %shift_right_logical3A_2040 : vector<16xi32>
        %and3A_2042 = arith.constant 1 : i32
        %and3A_2043 = vector.broadcast %and3A_2042 : i32 to vector<16xi32>
        %and3A_2044 = arith.andi %shift_right_logical3A_2041, %and3A_2043 : vector<16xi32>
        %eq3A_2045 = vector.broadcast %select_n3A_465 : i32 to vector<16xi32>
        %eq3A_2046 = arith.cmpi eq, %and3A_2044, %eq3A_2045 : vector<16xi32>
        %jit3A_2047 = arith.constant 1 : i32
        %jit3A_2048 = arith.constant 0 : i32
        %broadcast_in_dim3A_2049 = vector.broadcast %jit3A_2047 : i32 to vector<16xi32>
        %broadcast_in_dim3A_2050 = vector.broadcast %jit3A_2048 : i32 to vector<16xi32>
        %select_n3A_2051 = arith.select %eq3A_2046, %broadcast_in_dim3A_2049, %broadcast_in_dim3A_2050 : vector<16xi1>, vector<16xi32>
        %broadcast_in_dim3A_2052 = arith.constant true
        %broadcast_in_dim3A_2053 = vector.broadcast %broadcast_in_dim3A_2052 : i1 to vector<16xi1>
        %masked_cumsum3A = tpu.scan <sum>, %select_n3A_2051 masked %broadcast_in_dim3A_2053 : vector<16xi32>, vector<16xi1> -> vector<16xi32>
        %add3A_2054 = arith.addi %while3A_2035, %masked_cumsum3A : vector<16xi32>
        %sub3A_2055 = arith.constant 1 : i32
        %sub3A_2056 = vector.broadcast %sub3A_2055 : i32 to vector<16xi32>
        %sub3A_2057 = arith.subi %add3A_2054, %sub3A_2056 : vector<16xi32>
        tpu.vector_store_idx %arg6[%sub3A_2057], %get3A_2039 masked %eq3A_2046 : memref<33296xi32, #tpu.memory_space<vmem>>[vector<16xi32>], vector<16xi32>, vector<16xi1>
        %shift_right_logical3A_2058 = arith.constant 23 : i32
        %shift_right_logical3A_2059 = vector.broadcast %shift_right_logical3A_2058 : i32 to vector<16xi32>
        %shift_right_logical3A_2060 = arith.shrui %get3A_2039, %shift_right_logical3A_2059 : vector<16xi32>
        %and3A_2061 = arith.constant 1 : i32
        %and3A_2062 = vector.broadcast %and3A_2061 : i32 to vector<16xi32>
        %and3A_2063 = arith.andi %shift_right_logical3A_2060, %and3A_2062 : vector<16xi32>
        %jit3A_2064 = arith.constant 0 : i32
        %broadcast_in_dim3A_2065 = vector.broadcast %jit3A_2064 : i32 to vector<16xi32>
        %select_n3A_2066 = arith.select %eq3A_2046, %and3A_2063, %broadcast_in_dim3A_2065 : vector<16xi1>, vector<16xi32>
        %all_reduce_population_count3A = tpu.all_reduce %eq3A_2046 {dim = 0 : i64, kind = #tpu.reduction_kind<sum>} : vector<16xi1> -> vector<16xi32>
        %add3A_2067 = arith.addi %while3A_2035, %all_reduce_population_count3A : vector<16xi32>
        %add3A_2068 = arith.addi %while3A_2036, %select_n3A_2066 : vector<16xi32>
        scf.yield %add3A_2067, %add3A_2068 : vector<16xi32>, vector<16xi32>
      }
      %reduce_max3A_513 = arith.constant true
      %reduce_max3A_514 = vector.broadcast %reduce_max3A_513 : i1 to vector<16xi1>
      %reduce_max3A_515 = arith.constant -2147483648 : i32
      %reduce_max3A_516 = vector.broadcast %reduce_max3A_515 : i32 to vector<16xi32>
      %reduce_max3A_517 = arith.xori %while3A_512#0, %reduce_max3A_516 : vector<16xi32>
      %reduce_max3A_518 = tpu.scan <max>, %reduce_max3A_517 masked %reduce_max3A_514 : vector<16xi32>, vector<16xi1> -> vector<16xi32>
      %reduce_max3A_519 = arith.xori %reduce_max3A_518, %reduce_max3A_516 : vector<16xi32>
      %reduce_max3A_520 = vector.extract %reduce_max3A_519[15] : i32 from vector<16xi32>
      %iota3A_521 = tpu.iota {dimensions = array<i32: 0>} : vector<16xi32>
      %add3A_522 = arith.addi %while3A_512#0, %iota3A_521 : vector<16xi32>
      tpu.vector_store_idx %arg6[%add3A_522], %broadcast_in_dim3A_1 : memref<33296xi32, #tpu.memory_space<vmem>>[vector<16xi32>], vector<16xi32>,
      %reduce_sum3A_523 = arith.constant true
      %reduce_sum3A_524 = vector.broadcast %reduce_sum3A_523 : i1 to vector<16xi1>
      %reduce_sum3A_525 = tpu.scan <sum>, %while3A_512#1 masked %reduce_sum3A_524 : vector<16xi32>, vector<16xi1> -> vector<16xi32>
      %reduce_sum3A_526 = vector.extract %reduce_sum3A_525[15] : i32 from vector<16xi32>
      %ge3A_527 = arith.cmpi sge, %reduce_sum3A_526, %sub3A_473 : i32
      %jit3A_528 = arith.constant 1 : i32
      %jit3A_529 = arith.constant 0 : i32
      %select_n3A_530 = arith.select %ge3A_527, %jit3A_528, %jit3A_529 : i32
      %shift_left3A_531 = arith.constant 23 : i32
      %shift_left3A_532 = arith.shli %select_n3A_530, %shift_left3A_531 : i32
      %or3A_533 = arith.ori %or3A_468, %shift_left3A_532 : i32
      %eq3A_534 = arith.constant 0 : i32
      %eq3A_535 = arith.cmpi eq, %select_n3A_530, %eq3A_534 : i32
      %jit3A_536 = arith.constant 0 : i32
      %select_n3A_537 = arith.select %eq3A_535, %reduce_sum3A_526, %jit3A_536 : i32
      %sub3A_538 = arith.subi %sub3A_473, %select_n3A_537 : i32
      %add3A_539 = arith.constant 16 : i32
      %add3A_540 = arith.addi %reduce_max3A_520, %add3A_539 : i32
      %sub3A_541 = arith.constant 1 : i32
      %sub3A_542 = arith.subi %add3A_540, %sub3A_541 : i32
      %jit3A_543 = arith.constant 16 : i32
      %div3A_544 = arith.divsi %sub3A_542, %jit3A_543 : i32
      %sign3A_545 = arith.constant 0 : i32
      %sign3A_546 = arith.cmpi sgt, %sub3A_542, %sign3A_545 : i32
      %sign3A_547 = arith.extui %sign3A_546 : i1 to i32
      %sign3A_548 = arith.constant 0 : i32
      %sign3A_549 = arith.cmpi slt, %sub3A_542, %sign3A_548 : i32
      %sign3A_550 = arith.extui %sign3A_549 : i1 to i32
      %sign3A_551 = arith.subi %sign3A_547, %sign3A_550 : i32
      %sign3A_552 = arith.constant 0 : i32
      %sign3A_553 = arith.cmpi sgt, %jit3A_543, %sign3A_552 : i32
      %sign3A_554 = arith.extui %sign3A_553 : i1 to i32
      %sign3A_555 = arith.constant 0 : i32
      %sign3A_556 = arith.cmpi slt, %jit3A_543, %sign3A_555 : i32
      %sign3A_557 = arith.extui %sign3A_556 : i1 to i32
      %sign3A_558 = arith.subi %sign3A_554, %sign3A_557 : i32
      %ne3A_559 = arith.cmpi ne, %sign3A_551, %sign3A_558 : i32
      %rem3A_560 = arith.remsi %sub3A_542, %jit3A_543 : i32
      %ne3A_561 = arith.constant 0 : i32
      %ne3A_562 = arith.cmpi ne, %rem3A_560, %ne3A_561 : i32
      %and3A_563 = arith.andi %ne3A_559, %ne3A_562 : i1
      %sub3A_564 = arith.constant 1 : i32
      %sub3A_565 = arith.subi %div3A_544, %sub3A_564 : i32
      %select_n3A_566 = arith.select %and3A_563, %sub3A_565, %div3A_544 : i32
      %while3A_567 = arith.constant 0 : i32
      %while3A_568 = arith.subi %select_n3A_566, %while3A_567 : i32
      %while3A_569 = arith.addi %while3A_567, %while3A_568 : i32
      %while3A_570 = arith.constant 1 : i32
      %while3A_571 = arith.divsi %while3A_568, %while3A_570 : i32
      %while3A_572 = arith.muli %while3A_571, %while3A_570 : i32
      %while3A_573 = arith.addi %while3A_567, %while3A_572 : i32
      %while3A_574 = arith.constant 1 : i32
      %while3A_575:2 = scf.for %while3A_2034 = %while3A_567 to %while3A_573 step %while3A_574 iter_args(%while3A_2035 = %broadcast_in_dim3A_1, %while3A_2036 = %broadcast_in_dim3A_1) -> (vector<16xi32>, vector<16xi32>)  : i32 {
        %mul3A_2037 = arith.constant 16 : i32
        %mul3A_2038 = arith.muli %while3A_2034, %mul3A_2037 : i32
        %get3A = arith.index_cast %mul3A_2038 : i32 to index
        %get3A_2039 = tpu.vector_load %arg6[%get3A] {strides = array<i32>} : memref<33296xi32, #tpu.memory_space<vmem>>, vector<16xi32>,
        %shift_right_logical3A = arith.constant 23 : i32
        %shift_right_logical3A_2040 = vector.broadcast %shift_right_logical3A : i32 to vector<16xi32>
        %shift_right_logical3A_2041 = arith.shrui %get3A_2039, %shift_right_logical3A_2040 : vector<16xi32>
        %and3A_2042 = arith.constant 1 : i32
        %and3A_2043 = vector.broadcast %and3A_2042 : i32 to vector<16xi32>
        %and3A_2044 = arith.andi %shift_right_logical3A_2041, %and3A_2043 : vector<16xi32>
        %eq3A_2045 = vector.broadcast %select_n3A_530 : i32 to vector<16xi32>
        %eq3A_2046 = arith.cmpi eq, %and3A_2044, %eq3A_2045 : vector<16xi32>
        %jit3A_2047 = arith.constant 1 : i32
        %jit3A_2048 = arith.constant 0 : i32
        %broadcast_in_dim3A_2049 = vector.broadcast %jit3A_2047 : i32 to vector<16xi32>
        %broadcast_in_dim3A_2050 = vector.broadcast %jit3A_2048 : i32 to vector<16xi32>
        %select_n3A_2051 = arith.select %eq3A_2046, %broadcast_in_dim3A_2049, %broadcast_in_dim3A_2050 : vector<16xi1>, vector<16xi32>
        %broadcast_in_dim3A_2052 = arith.constant true
        %broadcast_in_dim3A_2053 = vector.broadcast %broadcast_in_dim3A_2052 : i1 to vector<16xi1>
        %masked_cumsum3A = tpu.scan <sum>, %select_n3A_2051 masked %broadcast_in_dim3A_2053 : vector<16xi32>, vector<16xi1> -> vector<16xi32>
        %add3A_2054 = arith.addi %while3A_2035, %masked_cumsum3A : vector<16xi32>
        %sub3A_2055 = arith.constant 1 : i32
        %sub3A_2056 = vector.broadcast %sub3A_2055 : i32 to vector<16xi32>
        %sub3A_2057 = arith.subi %add3A_2054, %sub3A_2056 : vector<16xi32>
        tpu.vector_store_idx %arg5[%sub3A_2057], %get3A_2039 masked %eq3A_2046 : memref<33296xi32, #tpu.memory_space<vmem>>[vector<16xi32>], vector<16xi32>, vector<16xi1>
        %shift_right_logical3A_2058 = arith.constant 22 : i32
        %shift_right_logical3A_2059 = vector.broadcast %shift_right_logical3A_2058 : i32 to vector<16xi32>
        %shift_right_logical3A_2060 = arith.shrui %get3A_2039, %shift_right_logical3A_2059 : vector<16xi32>
        %and3A_2061 = arith.constant 1 : i32
        %and3A_2062 = vector.broadcast %and3A_2061 : i32 to vector<16xi32>
        %and3A_2063 = arith.andi %shift_right_logical3A_2060, %and3A_2062 : vector<16xi32>
        %jit3A_2064 = arith.constant 0 : i32
        %broadcast_in_dim3A_2065 = vector.broadcast %jit3A_2064 : i32 to vector<16xi32>
        %select_n3A_2066 = arith.select %eq3A_2046, %and3A_2063, %broadcast_in_dim3A_2065 : vector<16xi1>, vector<16xi32>
        %all_reduce_population_count3A = tpu.all_reduce %eq3A_2046 {dim = 0 : i64, kind = #tpu.reduction_kind<sum>} : vector<16xi1> -> vector<16xi32>
        %add3A_2067 = arith.addi %while3A_2035, %all_reduce_population_count3A : vector<16xi32>
        %add3A_2068 = arith.addi %while3A_2036, %select_n3A_2066 : vector<16xi32>
        scf.yield %add3A_2067, %add3A_2068 : vector<16xi32>, vector<16xi32>
      }
      %while3A_576 = arith.constant 1 : i32
      %while3A_577:2 = scf.for %while3A_2034 = %while3A_573 to %while3A_569 step %while3A_576 iter_args(%while3A_2035 = %while3A_575#0, %while3A_2036 = %while3A_575#1) -> (vector<16xi32>, vector<16xi32>)  : i32 {
        %mul3A_2037 = arith.constant 16 : i32
        %mul3A_2038 = arith.muli %while3A_2034, %mul3A_2037 : i32
        %get3A = arith.index_cast %mul3A_2038 : i32 to index
        %get3A_2039 = tpu.vector_load %arg6[%get3A] {strides = array<i32>} : memref<33296xi32, #tpu.memory_space<vmem>>, vector<16xi32>,
        %shift_right_logical3A = arith.constant 23 : i32
        %shift_right_logical3A_2040 = vector.broadcast %shift_right_logical3A : i32 to vector<16xi32>
        %shift_right_logical3A_2041 = arith.shrui %get3A_2039, %shift_right_logical3A_2040 : vector<16xi32>
        %and3A_2042 = arith.constant 1 : i32
        %and3A_2043 = vector.broadcast %and3A_2042 : i32 to vector<16xi32>
        %and3A_2044 = arith.andi %shift_right_logical3A_2041, %and3A_2043 : vector<16xi32>
        %eq3A_2045 = vector.broadcast %select_n3A_530 : i32 to vector<16xi32>
        %eq3A_2046 = arith.cmpi eq, %and3A_2044, %eq3A_2045 : vector<16xi32>
        %jit3A_2047 = arith.constant 1 : i32
        %jit3A_2048 = arith.constant 0 : i32
        %broadcast_in_dim3A_2049 = vector.broadcast %jit3A_2047 : i32 to vector<16xi32>
        %broadcast_in_dim3A_2050 = vector.broadcast %jit3A_2048 : i32 to vector<16xi32>
        %select_n3A_2051 = arith.select %eq3A_2046, %broadcast_in_dim3A_2049, %broadcast_in_dim3A_2050 : vector<16xi1>, vector<16xi32>
        %broadcast_in_dim3A_2052 = arith.constant true
        %broadcast_in_dim3A_2053 = vector.broadcast %broadcast_in_dim3A_2052 : i1 to vector<16xi1>
        %masked_cumsum3A = tpu.scan <sum>, %select_n3A_2051 masked %broadcast_in_dim3A_2053 : vector<16xi32>, vector<16xi1> -> vector<16xi32>
        %add3A_2054 = arith.addi %while3A_2035, %masked_cumsum3A : vector<16xi32>
        %sub3A_2055 = arith.constant 1 : i32
        %sub3A_2056 = vector.broadcast %sub3A_2055 : i32 to vector<16xi32>
        %sub3A_2057 = arith.subi %add3A_2054, %sub3A_2056 : vector<16xi32>
        tpu.vector_store_idx %arg5[%sub3A_2057], %get3A_2039 masked %eq3A_2046 : memref<33296xi32, #tpu.memory_space<vmem>>[vector<16xi32>], vector<16xi32>, vector<16xi1>
        %shift_right_logical3A_2058 = arith.constant 22 : i32
        %shift_right_logical3A_2059 = vector.broadcast %shift_right_logical3A_2058 : i32 to vector<16xi32>
        %shift_right_logical3A_2060 = arith.shrui %get3A_2039, %shift_right_logical3A_2059 : vector<16xi32>
        %and3A_2061 = arith.constant 1 : i32
        %and3A_2062 = vector.broadcast %and3A_2061 : i32 to vector<16xi32>
        %and3A_2063 = arith.andi %shift_right_logical3A_2060, %and3A_2062 : vector<16xi32>
        %jit3A_2064 = arith.constant 0 : i32
        %broadcast_in_dim3A_2065 = vector.broadcast %jit3A_2064 : i32 to vector<16xi32>
        %select_n3A_2066 = arith.select %eq3A_2046, %and3A_2063, %broadcast_in_dim3A_2065 : vector<16xi1>, vector<16xi32>
        %all_reduce_population_count3A = tpu.all_reduce %eq3A_2046 {dim = 0 : i64, kind = #tpu.reduction_kind<sum>} : vector<16xi1> -> vector<16xi32>
        %add3A_2067 = arith.addi %while3A_2035, %all_reduce_population_count3A : vector<16xi32>
        %add3A_2068 = arith.addi %while3A_2036, %select_n3A_2066 : vector<16xi32>
        scf.yield %add3A_2067, %add3A_2068 : vector<16xi32>, vector<16xi32>
      }
      %reduce_max3A_578 = arith.constant true
      %reduce_max3A_579 = vector.broadcast %reduce_max3A_578 : i1 to vector<16xi1>
      %reduce_max3A_580 = arith.constant -2147483648 : i32
      %reduce_max3A_581 = vector.broadcast %reduce_max3A_580 : i32 to vector<16xi32>
      %reduce_max3A_582 = arith.xori %while3A_577#0, %reduce_max3A_581 : vector<16xi32>
      %reduce_max3A_583 = tpu.scan <max>, %reduce_max3A_582 masked %reduce_max3A_579 : vector<16xi32>, vector<16xi1> -> vector<16xi32>
      %reduce_max3A_584 = arith.xori %reduce_max3A_583, %reduce_max3A_581 : vector<16xi32>
      %reduce_max3A_585 = vector.extract %reduce_max3A_584[15] : i32 from vector<16xi32>
      %iota3A_586 = tpu.iota {dimensions = array<i32: 0>} : vector<16xi32>
      %add3A_587 = arith.addi %while3A_577#0, %iota3A_586 : vector<16xi32>
      tpu.vector_store_idx %arg5[%add3A_587], %broadcast_in_dim3A_1 : memref<33296xi32, #tpu.memory_space<vmem>>[vector<16xi32>], vector<16xi32>,
      %reduce_sum3A_588 = arith.constant true
      %reduce_sum3A_589 = vector.broadcast %reduce_sum3A_588 : i1 to vector<16xi1>
      %reduce_sum3A_590 = tpu.scan <sum>, %while3A_577#1 masked %reduce_sum3A_589 : vector<16xi32>, vector<16xi1> -> vector<16xi32>
      %reduce_sum3A_591 = vector.extract %reduce_sum3A_590[15] : i32 from vector<16xi32>
      %ge3A_592 = arith.cmpi sge, %reduce_sum3A_591, %sub3A_538 : i32
      %jit3A_593 = arith.constant 1 : i32
      %jit3A_594 = arith.constant 0 : i32
      %select_n3A_595 = arith.select %ge3A_592, %jit3A_593, %jit3A_594 : i32
      %shift_left3A_596 = arith.constant 22 : i32
      %shift_left3A_597 = arith.shli %select_n3A_595, %shift_left3A_596 : i32
      %or3A_598 = arith.ori %or3A_533, %shift_left3A_597 : i32
      %eq3A_599 = arith.constant 0 : i32
      %eq3A_600 = arith.cmpi eq, %select_n3A_595, %eq3A_599 : i32
      %jit3A_601 = arith.constant 0 : i32
      %select_n3A_602 = arith.select %eq3A_600, %reduce_sum3A_591, %jit3A_601 : i32
      %sub3A_603 = arith.subi %sub3A_538, %select_n3A_602 : i32
      %add3A_604 = arith.constant 16 : i32
      %add3A_605 = arith.addi %reduce_max3A_585, %add3A_604 : i32
      %sub3A_606 = arith.constant 1 : i32
      %sub3A_607 = arith.subi %add3A_605, %sub3A_606 : i32
      %jit3A_608 = arith.constant 16 : i32
      %div3A_609 = arith.divsi %sub3A_607, %jit3A_608 : i32
      %sign3A_610 = arith.constant 0 : i32
      %sign3A_611 = arith.cmpi sgt, %sub3A_607, %sign3A_610 : i32
      %sign3A_612 = arith.extui %sign3A_611 : i1 to i32
      %sign3A_613 = arith.constant 0 : i32
      %sign3A_614 = arith.cmpi slt, %sub3A_607, %sign3A_613 : i32
      %sign3A_615 = arith.extui %sign3A_614 : i1 to i32
      %sign3A_616 = arith.subi %sign3A_612, %sign3A_615 : i32
      %sign3A_617 = arith.constant 0 : i32
      %sign3A_618 = arith.cmpi sgt, %jit3A_608, %sign3A_617 : i32
      %sign3A_619 = arith.extui %sign3A_618 : i1 to i32
      %sign3A_620 = arith.constant 0 : i32
      %sign3A_621 = arith.cmpi slt, %jit3A_608, %sign3A_620 : i32
      %sign3A_622 = arith.extui %sign3A_621 : i1 to i32
      %sign3A_623 = arith.subi %sign3A_619, %sign3A_622 : i32
      %ne3A_624 = arith.cmpi ne, %sign3A_616, %sign3A_623 : i32
      %rem3A_625 = arith.remsi %sub3A_607, %jit3A_608 : i32
      %ne3A_626 = arith.constant 0 : i32
      %ne3A_627 = arith.cmpi ne, %rem3A_625, %ne3A_626 : i32
      %and3A_628 = arith.andi %ne3A_624, %ne3A_627 : i1
      %sub3A_629 = arith.constant 1 : i32
      %sub3A_630 = arith.subi %div3A_609, %sub3A_629 : i32
      %select_n3A_631 = arith.select %and3A_628, %sub3A_630, %div3A_609 : i32
      %while3A_632 = arith.constant 0 : i32
      %while3A_633 = arith.subi %select_n3A_631, %while3A_632 : i32
      %while3A_634 = arith.addi %while3A_632, %while3A_633 : i32
      %while3A_635 = arith.constant 1 : i32
      %while3A_636 = arith.divsi %while3A_633, %while3A_635 : i32
      %while3A_637 = arith.muli %while3A_636, %while3A_635 : i32
      %while3A_638 = arith.addi %while3A_632, %while3A_637 : i32
      %while3A_639 = arith.constant 1 : i32
      %while3A_640:2 = scf.for %while3A_2034 = %while3A_632 to %while3A_638 step %while3A_639 iter_args(%while3A_2035 = %broadcast_in_dim3A_1, %while3A_2036 = %broadcast_in_dim3A_1) -> (vector<16xi32>, vector<16xi32>)  : i32 {
        %mul3A_2037 = arith.constant 16 : i32
        %mul3A_2038 = arith.muli %while3A_2034, %mul3A_2037 : i32
        %get3A = arith.index_cast %mul3A_2038 : i32 to index
        %get3A_2039 = tpu.vector_load %arg5[%get3A] {strides = array<i32>} : memref<33296xi32, #tpu.memory_space<vmem>>, vector<16xi32>,
        %shift_right_logical3A = arith.constant 22 : i32
        %shift_right_logical3A_2040 = vector.broadcast %shift_right_logical3A : i32 to vector<16xi32>
        %shift_right_logical3A_2041 = arith.shrui %get3A_2039, %shift_right_logical3A_2040 : vector<16xi32>
        %and3A_2042 = arith.constant 1 : i32
        %and3A_2043 = vector.broadcast %and3A_2042 : i32 to vector<16xi32>
        %and3A_2044 = arith.andi %shift_right_logical3A_2041, %and3A_2043 : vector<16xi32>
        %eq3A_2045 = vector.broadcast %select_n3A_595 : i32 to vector<16xi32>
        %eq3A_2046 = arith.cmpi eq, %and3A_2044, %eq3A_2045 : vector<16xi32>
        %jit3A_2047 = arith.constant 1 : i32
        %jit3A_2048 = arith.constant 0 : i32
        %broadcast_in_dim3A_2049 = vector.broadcast %jit3A_2047 : i32 to vector<16xi32>
        %broadcast_in_dim3A_2050 = vector.broadcast %jit3A_2048 : i32 to vector<16xi32>
        %select_n3A_2051 = arith.select %eq3A_2046, %broadcast_in_dim3A_2049, %broadcast_in_dim3A_2050 : vector<16xi1>, vector<16xi32>
        %broadcast_in_dim3A_2052 = arith.constant true
        %broadcast_in_dim3A_2053 = vector.broadcast %broadcast_in_dim3A_2052 : i1 to vector<16xi1>
        %masked_cumsum3A = tpu.scan <sum>, %select_n3A_2051 masked %broadcast_in_dim3A_2053 : vector<16xi32>, vector<16xi1> -> vector<16xi32>
        %add3A_2054 = arith.addi %while3A_2035, %masked_cumsum3A : vector<16xi32>
        %sub3A_2055 = arith.constant 1 : i32
        %sub3A_2056 = vector.broadcast %sub3A_2055 : i32 to vector<16xi32>
        %sub3A_2057 = arith.subi %add3A_2054, %sub3A_2056 : vector<16xi32>
        tpu.vector_store_idx %arg6[%sub3A_2057], %get3A_2039 masked %eq3A_2046 : memref<33296xi32, #tpu.memory_space<vmem>>[vector<16xi32>], vector<16xi32>, vector<16xi1>
        %shift_right_logical3A_2058 = arith.constant 21 : i32
        %shift_right_logical3A_2059 = vector.broadcast %shift_right_logical3A_2058 : i32 to vector<16xi32>
        %shift_right_logical3A_2060 = arith.shrui %get3A_2039, %shift_right_logical3A_2059 : vector<16xi32>
        %and3A_2061 = arith.constant 1 : i32
        %and3A_2062 = vector.broadcast %and3A_2061 : i32 to vector<16xi32>
        %and3A_2063 = arith.andi %shift_right_logical3A_2060, %and3A_2062 : vector<16xi32>
        %jit3A_2064 = arith.constant 0 : i32
        %broadcast_in_dim3A_2065 = vector.broadcast %jit3A_2064 : i32 to vector<16xi32>
        %select_n3A_2066 = arith.select %eq3A_2046, %and3A_2063, %broadcast_in_dim3A_2065 : vector<16xi1>, vector<16xi32>
        %all_reduce_population_count3A = tpu.all_reduce %eq3A_2046 {dim = 0 : i64, kind = #tpu.reduction_kind<sum>} : vector<16xi1> -> vector<16xi32>
        %add3A_2067 = arith.addi %while3A_2035, %all_reduce_population_count3A : vector<16xi32>
        %add3A_2068 = arith.addi %while3A_2036, %select_n3A_2066 : vector<16xi32>
        scf.yield %add3A_2067, %add3A_2068 : vector<16xi32>, vector<16xi32>
      }
      %while3A_641 = arith.constant 1 : i32
      %while3A_642:2 = scf.for %while3A_2034 = %while3A_638 to %while3A_634 step %while3A_641 iter_args(%while3A_2035 = %while3A_640#0, %while3A_2036 = %while3A_640#1) -> (vector<16xi32>, vector<16xi32>)  : i32 {
        %mul3A_2037 = arith.constant 16 : i32
        %mul3A_2038 = arith.muli %while3A_2034, %mul3A_2037 : i32
        %get3A = arith.index_cast %mul3A_2038 : i32 to index
        %get3A_2039 = tpu.vector_load %arg5[%get3A] {strides = array<i32>} : memref<33296xi32, #tpu.memory_space<vmem>>, vector<16xi32>,
        %shift_right_logical3A = arith.constant 22 : i32
        %shift_right_logical3A_2040 = vector.broadcast %shift_right_logical3A : i32 to vector<16xi32>
        %shift_right_logical3A_2041 = arith.shrui %get3A_2039, %shift_right_logical3A_2040 : vector<16xi32>
        %and3A_2042 = arith.constant 1 : i32
        %and3A_2043 = vector.broadcast %and3A_2042 : i32 to vector<16xi32>
        %and3A_2044 = arith.andi %shift_right_logical3A_2041, %and3A_2043 : vector<16xi32>
        %eq3A_2045 = vector.broadcast %select_n3A_595 : i32 to vector<16xi32>
        %eq3A_2046 = arith.cmpi eq, %and3A_2044, %eq3A_2045 : vector<16xi32>
        %jit3A_2047 = arith.constant 1 : i32
        %jit3A_2048 = arith.constant 0 : i32
        %broadcast_in_dim3A_2049 = vector.broadcast %jit3A_2047 : i32 to vector<16xi32>
        %broadcast_in_dim3A_2050 = vector.broadcast %jit3A_2048 : i32 to vector<16xi32>
        %select_n3A_2051 = arith.select %eq3A_2046, %broadcast_in_dim3A_2049, %broadcast_in_dim3A_2050 : vector<16xi1>, vector<16xi32>
        %broadcast_in_dim3A_2052 = arith.constant true
        %broadcast_in_dim3A_2053 = vector.broadcast %broadcast_in_dim3A_2052 : i1 to vector<16xi1>
        %masked_cumsum3A = tpu.scan <sum>, %select_n3A_2051 masked %broadcast_in_dim3A_2053 : vector<16xi32>, vector<16xi1> -> vector<16xi32>
        %add3A_2054 = arith.addi %while3A_2035, %masked_cumsum3A : vector<16xi32>
        %sub3A_2055 = arith.constant 1 : i32
        %sub3A_2056 = vector.broadcast %sub3A_2055 : i32 to vector<16xi32>
        %sub3A_2057 = arith.subi %add3A_2054, %sub3A_2056 : vector<16xi32>
        tpu.vector_store_idx %arg6[%sub3A_2057], %get3A_2039 masked %eq3A_2046 : memref<33296xi32, #tpu.memory_space<vmem>>[vector<16xi32>], vector<16xi32>, vector<16xi1>
        %shift_right_logical3A_2058 = arith.constant 21 : i32
        %shift_right_logical3A_2059 = vector.broadcast %shift_right_logical3A_2058 : i32 to vector<16xi32>
        %shift_right_logical3A_2060 = arith.shrui %get3A_2039, %shift_right_logical3A_2059 : vector<16xi32>
        %and3A_2061 = arith.constant 1 : i32
        %and3A_2062 = vector.broadcast %and3A_2061 : i32 to vector<16xi32>
        %and3A_2063 = arith.andi %shift_right_logical3A_2060, %and3A_2062 : vector<16xi32>
        %jit3A_2064 = arith.constant 0 : i32
        %broadcast_in_dim3A_2065 = vector.broadcast %jit3A_2064 : i32 to vector<16xi32>
        %select_n3A_2066 = arith.select %eq3A_2046, %and3A_2063, %broadcast_in_dim3A_2065 : vector<16xi1>, vector<16xi32>
        %all_reduce_population_count3A = tpu.all_reduce %eq3A_2046 {dim = 0 : i64, kind = #tpu.reduction_kind<sum>} : vector<16xi1> -> vector<16xi32>
        %add3A_2067 = arith.addi %while3A_2035, %all_reduce_population_count3A : vector<16xi32>
        %add3A_2068 = arith.addi %while3A_2036, %select_n3A_2066 : vector<16xi32>
        scf.yield %add3A_2067, %add3A_2068 : vector<16xi32>, vector<16xi32>
      }
      %reduce_max3A_643 = arith.constant true
      %reduce_max3A_644 = vector.broadcast %reduce_max3A_643 : i1 to vector<16xi1>
      %reduce_max3A_645 = arith.constant -2147483648 : i32
      %reduce_max3A_646 = vector.broadcast %reduce_max3A_645 : i32 to vector<16xi32>
      %reduce_max3A_647 = arith.xori %while3A_642#0, %reduce_max3A_646 : vector<16xi32>
      %reduce_max3A_648 = tpu.scan <max>, %reduce_max3A_647 masked %reduce_max3A_644 : vector<16xi32>, vector<16xi1> -> vector<16xi32>
      %reduce_max3A_649 = arith.xori %reduce_max3A_648, %reduce_max3A_646 : vector<16xi32>
      %reduce_max3A_650 = vector.extract %reduce_max3A_649[15] : i32 from vector<16xi32>
      %iota3A_651 = tpu.iota {dimensions = array<i32: 0>} : vector<16xi32>
      %add3A_652 = arith.addi %while3A_642#0, %iota3A_651 : vector<16xi32>
      tpu.vector_store_idx %arg6[%add3A_652], %broadcast_in_dim3A_1 : memref<33296xi32, #tpu.memory_space<vmem>>[vector<16xi32>], vector<16xi32>,
      %reduce_sum3A_653 = arith.constant true
      %reduce_sum3A_654 = vector.broadcast %reduce_sum3A_653 : i1 to vector<16xi1>
      %reduce_sum3A_655 = tpu.scan <sum>, %while3A_642#1 masked %reduce_sum3A_654 : vector<16xi32>, vector<16xi1> -> vector<16xi32>
      %reduce_sum3A_656 = vector.extract %reduce_sum3A_655[15] : i32 from vector<16xi32>
      %ge3A_657 = arith.cmpi sge, %reduce_sum3A_656, %sub3A_603 : i32
      %jit3A_658 = arith.constant 1 : i32
      %jit3A_659 = arith.constant 0 : i32
      %select_n3A_660 = arith.select %ge3A_657, %jit3A_658, %jit3A_659 : i32
      %shift_left3A_661 = arith.constant 21 : i32
      %shift_left3A_662 = arith.shli %select_n3A_660, %shift_left3A_661 : i32
      %or3A_663 = arith.ori %or3A_598, %shift_left3A_662 : i32
      %eq3A_664 = arith.constant 0 : i32
      %eq3A_665 = arith.cmpi eq, %select_n3A_660, %eq3A_664 : i32
      %jit3A_666 = arith.constant 0 : i32
      %select_n3A_667 = arith.select %eq3A_665, %reduce_sum3A_656, %jit3A_666 : i32
      %sub3A_668 = arith.subi %sub3A_603, %select_n3A_667 : i32
      %add3A_669 = arith.constant 16 : i32
      %add3A_670 = arith.addi %reduce_max3A_650, %add3A_669 : i32
      %sub3A_671 = arith.constant 1 : i32
      %sub3A_672 = arith.subi %add3A_670, %sub3A_671 : i32
      %jit3A_673 = arith.constant 16 : i32
      %div3A_674 = arith.divsi %sub3A_672, %jit3A_673 : i32
      %sign3A_675 = arith.constant 0 : i32
      %sign3A_676 = arith.cmpi sgt, %sub3A_672, %sign3A_675 : i32
      %sign3A_677 = arith.extui %sign3A_676 : i1 to i32
      %sign3A_678 = arith.constant 0 : i32
      %sign3A_679 = arith.cmpi slt, %sub3A_672, %sign3A_678 : i32
      %sign3A_680 = arith.extui %sign3A_679 : i1 to i32
      %sign3A_681 = arith.subi %sign3A_677, %sign3A_680 : i32
      %sign3A_682 = arith.constant 0 : i32
      %sign3A_683 = arith.cmpi sgt, %jit3A_673, %sign3A_682 : i32
      %sign3A_684 = arith.extui %sign3A_683 : i1 to i32
      %sign3A_685 = arith.constant 0 : i32
      %sign3A_686 = arith.cmpi slt, %jit3A_673, %sign3A_685 : i32
      %sign3A_687 = arith.extui %sign3A_686 : i1 to i32
      %sign3A_688 = arith.subi %sign3A_684, %sign3A_687 : i32
      %ne3A_689 = arith.cmpi ne, %sign3A_681, %sign3A_688 : i32
      %rem3A_690 = arith.remsi %sub3A_672, %jit3A_673 : i32
      %ne3A_691 = arith.constant 0 : i32
      %ne3A_692 = arith.cmpi ne, %rem3A_690, %ne3A_691 : i32
      %and3A_693 = arith.andi %ne3A_689, %ne3A_692 : i1
      %sub3A_694 = arith.constant 1 : i32
      %sub3A_695 = arith.subi %div3A_674, %sub3A_694 : i32
      %select_n3A_696 = arith.select %and3A_693, %sub3A_695, %div3A_674 : i32
      %while3A_697 = arith.constant 0 : i32
      %while3A_698 = arith.subi %select_n3A_696, %while3A_697 : i32
      %while3A_699 = arith.addi %while3A_697, %while3A_698 : i32
      %while3A_700 = arith.constant 1 : i32
      %while3A_701 = arith.divsi %while3A_698, %while3A_700 : i32
      %while3A_702 = arith.muli %while3A_701, %while3A_700 : i32
      %while3A_703 = arith.addi %while3A_697, %while3A_702 : i32
      %while3A_704 = arith.constant 1 : i32
      %while3A_705:2 = scf.for %while3A_2034 = %while3A_697 to %while3A_703 step %while3A_704 iter_args(%while3A_2035 = %broadcast_in_dim3A_1, %while3A_2036 = %broadcast_in_dim3A_1) -> (vector<16xi32>, vector<16xi32>)  : i32 {
        %mul3A_2037 = arith.constant 16 : i32
        %mul3A_2038 = arith.muli %while3A_2034, %mul3A_2037 : i32
        %get3A = arith.index_cast %mul3A_2038 : i32 to index
        %get3A_2039 = tpu.vector_load %arg6[%get3A] {strides = array<i32>} : memref<33296xi32, #tpu.memory_space<vmem>>, vector<16xi32>,
        %shift_right_logical3A = arith.constant 21 : i32
        %shift_right_logical3A_2040 = vector.broadcast %shift_right_logical3A : i32 to vector<16xi32>
        %shift_right_logical3A_2041 = arith.shrui %get3A_2039, %shift_right_logical3A_2040 : vector<16xi32>
        %and3A_2042 = arith.constant 1 : i32
        %and3A_2043 = vector.broadcast %and3A_2042 : i32 to vector<16xi32>
        %and3A_2044 = arith.andi %shift_right_logical3A_2041, %and3A_2043 : vector<16xi32>
        %eq3A_2045 = vector.broadcast %select_n3A_660 : i32 to vector<16xi32>
        %eq3A_2046 = arith.cmpi eq, %and3A_2044, %eq3A_2045 : vector<16xi32>
        %jit3A_2047 = arith.constant 1 : i32
        %jit3A_2048 = arith.constant 0 : i32
        %broadcast_in_dim3A_2049 = vector.broadcast %jit3A_2047 : i32 to vector<16xi32>
        %broadcast_in_dim3A_2050 = vector.broadcast %jit3A_2048 : i32 to vector<16xi32>
        %select_n3A_2051 = arith.select %eq3A_2046, %broadcast_in_dim3A_2049, %broadcast_in_dim3A_2050 : vector<16xi1>, vector<16xi32>
        %broadcast_in_dim3A_2052 = arith.constant true
        %broadcast_in_dim3A_2053 = vector.broadcast %broadcast_in_dim3A_2052 : i1 to vector<16xi1>
        %masked_cumsum3A = tpu.scan <sum>, %select_n3A_2051 masked %broadcast_in_dim3A_2053 : vector<16xi32>, vector<16xi1> -> vector<16xi32>
        %add3A_2054 = arith.addi %while3A_2035, %masked_cumsum3A : vector<16xi32>
        %sub3A_2055 = arith.constant 1 : i32
        %sub3A_2056 = vector.broadcast %sub3A_2055 : i32 to vector<16xi32>
        %sub3A_2057 = arith.subi %add3A_2054, %sub3A_2056 : vector<16xi32>
        tpu.vector_store_idx %arg5[%sub3A_2057], %get3A_2039 masked %eq3A_2046 : memref<33296xi32, #tpu.memory_space<vmem>>[vector<16xi32>], vector<16xi32>, vector<16xi1>
        %shift_right_logical3A_2058 = arith.constant 20 : i32
        %shift_right_logical3A_2059 = vector.broadcast %shift_right_logical3A_2058 : i32 to vector<16xi32>
        %shift_right_logical3A_2060 = arith.shrui %get3A_2039, %shift_right_logical3A_2059 : vector<16xi32>
        %and3A_2061 = arith.constant 1 : i32
        %and3A_2062 = vector.broadcast %and3A_2061 : i32 to vector<16xi32>
        %and3A_2063 = arith.andi %shift_right_logical3A_2060, %and3A_2062 : vector<16xi32>
        %jit3A_2064 = arith.constant 0 : i32
        %broadcast_in_dim3A_2065 = vector.broadcast %jit3A_2064 : i32 to vector<16xi32>
        %select_n3A_2066 = arith.select %eq3A_2046, %and3A_2063, %broadcast_in_dim3A_2065 : vector<16xi1>, vector<16xi32>
        %all_reduce_population_count3A = tpu.all_reduce %eq3A_2046 {dim = 0 : i64, kind = #tpu.reduction_kind<sum>} : vector<16xi1> -> vector<16xi32>
        %add3A_2067 = arith.addi %while3A_2035, %all_reduce_population_count3A : vector<16xi32>
        %add3A_2068 = arith.addi %while3A_2036, %select_n3A_2066 : vector<16xi32>
        scf.yield %add3A_2067, %add3A_2068 : vector<16xi32>, vector<16xi32>
      }
      %while3A_706 = arith.constant 1 : i32
      %while3A_707:2 = scf.for %while3A_2034 = %while3A_703 to %while3A_699 step %while3A_706 iter_args(%while3A_2035 = %while3A_705#0, %while3A_2036 = %while3A_705#1) -> (vector<16xi32>, vector<16xi32>)  : i32 {
        %mul3A_2037 = arith.constant 16 : i32
        %mul3A_2038 = arith.muli %while3A_2034, %mul3A_2037 : i32
        %get3A = arith.index_cast %mul3A_2038 : i32 to index
        %get3A_2039 = tpu.vector_load %arg6[%get3A] {strides = array<i32>} : memref<33296xi32, #tpu.memory_space<vmem>>, vector<16xi32>,
        %shift_right_logical3A = arith.constant 21 : i32
        %shift_right_logical3A_2040 = vector.broadcast %shift_right_logical3A : i32 to vector<16xi32>
        %shift_right_logical3A_2041 = arith.shrui %get3A_2039, %shift_right_logical3A_2040 : vector<16xi32>
        %and3A_2042 = arith.constant 1 : i32
        %and3A_2043 = vector.broadcast %and3A_2042 : i32 to vector<16xi32>
        %and3A_2044 = arith.andi %shift_right_logical3A_2041, %and3A_2043 : vector<16xi32>
        %eq3A_2045 = vector.broadcast %select_n3A_660 : i32 to vector<16xi32>
        %eq3A_2046 = arith.cmpi eq, %and3A_2044, %eq3A_2045 : vector<16xi32>
        %jit3A_2047 = arith.constant 1 : i32
        %jit3A_2048 = arith.constant 0 : i32
        %broadcast_in_dim3A_2049 = vector.broadcast %jit3A_2047 : i32 to vector<16xi32>
        %broadcast_in_dim3A_2050 = vector.broadcast %jit3A_2048 : i32 to vector<16xi32>
        %select_n3A_2051 = arith.select %eq3A_2046, %broadcast_in_dim3A_2049, %broadcast_in_dim3A_2050 : vector<16xi1>, vector<16xi32>
        %broadcast_in_dim3A_2052 = arith.constant true
        %broadcast_in_dim3A_2053 = vector.broadcast %broadcast_in_dim3A_2052 : i1 to vector<16xi1>
        %masked_cumsum3A = tpu.scan <sum>, %select_n3A_2051 masked %broadcast_in_dim3A_2053 : vector<16xi32>, vector<16xi1> -> vector<16xi32>
        %add3A_2054 = arith.addi %while3A_2035, %masked_cumsum3A : vector<16xi32>
        %sub3A_2055 = arith.constant 1 : i32
        %sub3A_2056 = vector.broadcast %sub3A_2055 : i32 to vector<16xi32>
        %sub3A_2057 = arith.subi %add3A_2054, %sub3A_2056 : vector<16xi32>
        tpu.vector_store_idx %arg5[%sub3A_2057], %get3A_2039 masked %eq3A_2046 : memref<33296xi32, #tpu.memory_space<vmem>>[vector<16xi32>], vector<16xi32>, vector<16xi1>
        %shift_right_logical3A_2058 = arith.constant 20 : i32
        %shift_right_logical3A_2059 = vector.broadcast %shift_right_logical3A_2058 : i32 to vector<16xi32>
        %shift_right_logical3A_2060 = arith.shrui %get3A_2039, %shift_right_logical3A_2059 : vector<16xi32>
        %and3A_2061 = arith.constant 1 : i32
        %and3A_2062 = vector.broadcast %and3A_2061 : i32 to vector<16xi32>
        %and3A_2063 = arith.andi %shift_right_logical3A_2060, %and3A_2062 : vector<16xi32>
        %jit3A_2064 = arith.constant 0 : i32
        %broadcast_in_dim3A_2065 = vector.broadcast %jit3A_2064 : i32 to vector<16xi32>
        %select_n3A_2066 = arith.select %eq3A_2046, %and3A_2063, %broadcast_in_dim3A_2065 : vector<16xi1>, vector<16xi32>
        %all_reduce_population_count3A = tpu.all_reduce %eq3A_2046 {dim = 0 : i64, kind = #tpu.reduction_kind<sum>} : vector<16xi1> -> vector<16xi32>
        %add3A_2067 = arith.addi %while3A_2035, %all_reduce_population_count3A : vector<16xi32>
        %add3A_2068 = arith.addi %while3A_2036, %select_n3A_2066 : vector<16xi32>
        scf.yield %add3A_2067, %add3A_2068 : vector<16xi32>, vector<16xi32>
      }
      %reduce_max3A_708 = arith.constant true
      %reduce_max3A_709 = vector.broadcast %reduce_max3A_708 : i1 to vector<16xi1>
      %reduce_max3A_710 = arith.constant -2147483648 : i32
      %reduce_max3A_711 = vector.broadcast %reduce_max3A_710 : i32 to vector<16xi32>
      %reduce_max3A_712 = arith.xori %while3A_707#0, %reduce_max3A_711 : vector<16xi32>
      %reduce_max3A_713 = tpu.scan <max>, %reduce_max3A_712 masked %reduce_max3A_709 : vector<16xi32>, vector<16xi1> -> vector<16xi32>
      %reduce_max3A_714 = arith.xori %reduce_max3A_713, %reduce_max3A_711 : vector<16xi32>
      %reduce_max3A_715 = vector.extract %reduce_max3A_714[15] : i32 from vector<16xi32>
      %iota3A_716 = tpu.iota {dimensions = array<i32: 0>} : vector<16xi32>
      %add3A_717 = arith.addi %while3A_707#0, %iota3A_716 : vector<16xi32>
      tpu.vector_store_idx %arg5[%add3A_717], %broadcast_in_dim3A_1 : memref<33296xi32, #tpu.memory_space<vmem>>[vector<16xi32>], vector<16xi32>,
      %reduce_sum3A_718 = arith.constant true
      %reduce_sum3A_719 = vector.broadcast %reduce_sum3A_718 : i1 to vector<16xi1>
      %reduce_sum3A_720 = tpu.scan <sum>, %while3A_707#1 masked %reduce_sum3A_719 : vector<16xi32>, vector<16xi1> -> vector<16xi32>
      %reduce_sum3A_721 = vector.extract %reduce_sum3A_720[15] : i32 from vector<16xi32>
      %ge3A_722 = arith.cmpi sge, %reduce_sum3A_721, %sub3A_668 : i32
      %jit3A_723 = arith.constant 1 : i32
      %jit3A_724 = arith.constant 0 : i32
      %select_n3A_725 = arith.select %ge3A_722, %jit3A_723, %jit3A_724 : i32
      %shift_left3A_726 = arith.constant 20 : i32
      %shift_left3A_727 = arith.shli %select_n3A_725, %shift_left3A_726 : i32
      %or3A_728 = arith.ori %or3A_663, %shift_left3A_727 : i32
      %eq3A_729 = arith.constant 0 : i32
      %eq3A_730 = arith.cmpi eq, %select_n3A_725, %eq3A_729 : i32
      %jit3A_731 = arith.constant 0 : i32
      %select_n3A_732 = arith.select %eq3A_730, %reduce_sum3A_721, %jit3A_731 : i32
      %sub3A_733 = arith.subi %sub3A_668, %select_n3A_732 : i32
      %add3A_734 = arith.constant 16 : i32
      %add3A_735 = arith.addi %reduce_max3A_715, %add3A_734 : i32
      %sub3A_736 = arith.constant 1 : i32
      %sub3A_737 = arith.subi %add3A_735, %sub3A_736 : i32
      %jit3A_738 = arith.constant 16 : i32
      %div3A_739 = arith.divsi %sub3A_737, %jit3A_738 : i32
      %sign3A_740 = arith.constant 0 : i32
      %sign3A_741 = arith.cmpi sgt, %sub3A_737, %sign3A_740 : i32
      %sign3A_742 = arith.extui %sign3A_741 : i1 to i32
      %sign3A_743 = arith.constant 0 : i32
      %sign3A_744 = arith.cmpi slt, %sub3A_737, %sign3A_743 : i32
      %sign3A_745 = arith.extui %sign3A_744 : i1 to i32
      %sign3A_746 = arith.subi %sign3A_742, %sign3A_745 : i32
      %sign3A_747 = arith.constant 0 : i32
      %sign3A_748 = arith.cmpi sgt, %jit3A_738, %sign3A_747 : i32
      %sign3A_749 = arith.extui %sign3A_748 : i1 to i32
      %sign3A_750 = arith.constant 0 : i32
      %sign3A_751 = arith.cmpi slt, %jit3A_738, %sign3A_750 : i32
      %sign3A_752 = arith.extui %sign3A_751 : i1 to i32
      %sign3A_753 = arith.subi %sign3A_749, %sign3A_752 : i32
      %ne3A_754 = arith.cmpi ne, %sign3A_746, %sign3A_753 : i32
      %rem3A_755 = arith.remsi %sub3A_737, %jit3A_738 : i32
      %ne3A_756 = arith.constant 0 : i32
      %ne3A_757 = arith.cmpi ne, %rem3A_755, %ne3A_756 : i32
      %and3A_758 = arith.andi %ne3A_754, %ne3A_757 : i1
      %sub3A_759 = arith.constant 1 : i32
      %sub3A_760 = arith.subi %div3A_739, %sub3A_759 : i32
      %select_n3A_761 = arith.select %and3A_758, %sub3A_760, %div3A_739 : i32
      %while3A_762 = arith.constant 0 : i32
      %while3A_763 = arith.subi %select_n3A_761, %while3A_762 : i32
      %while3A_764 = arith.addi %while3A_762, %while3A_763 : i32
      %while3A_765 = arith.constant 1 : i32
      %while3A_766 = arith.divsi %while3A_763, %while3A_765 : i32
      %while3A_767 = arith.muli %while3A_766, %while3A_765 : i32
      %while3A_768 = arith.addi %while3A_762, %while3A_767 : i32
      %while3A_769 = arith.constant 1 : i32
      %while3A_770:2 = scf.for %while3A_2034 = %while3A_762 to %while3A_768 step %while3A_769 iter_args(%while3A_2035 = %broadcast_in_dim3A_1, %while3A_2036 = %broadcast_in_dim3A_1) -> (vector<16xi32>, vector<16xi32>)  : i32 {
        %mul3A_2037 = arith.constant 16 : i32
        %mul3A_2038 = arith.muli %while3A_2034, %mul3A_2037 : i32
        %get3A = arith.index_cast %mul3A_2038 : i32 to index
        %get3A_2039 = tpu.vector_load %arg5[%get3A] {strides = array<i32>} : memref<33296xi32, #tpu.memory_space<vmem>>, vector<16xi32>,
        %shift_right_logical3A = arith.constant 20 : i32
        %shift_right_logical3A_2040 = vector.broadcast %shift_right_logical3A : i32 to vector<16xi32>
        %shift_right_logical3A_2041 = arith.shrui %get3A_2039, %shift_right_logical3A_2040 : vector<16xi32>
        %and3A_2042 = arith.constant 1 : i32
        %and3A_2043 = vector.broadcast %and3A_2042 : i32 to vector<16xi32>
        %and3A_2044 = arith.andi %shift_right_logical3A_2041, %and3A_2043 : vector<16xi32>
        %eq3A_2045 = vector.broadcast %select_n3A_725 : i32 to vector<16xi32>
        %eq3A_2046 = arith.cmpi eq, %and3A_2044, %eq3A_2045 : vector<16xi32>
        %jit3A_2047 = arith.constant 1 : i32
        %jit3A_2048 = arith.constant 0 : i32
        %broadcast_in_dim3A_2049 = vector.broadcast %jit3A_2047 : i32 to vector<16xi32>
        %broadcast_in_dim3A_2050 = vector.broadcast %jit3A_2048 : i32 to vector<16xi32>
        %select_n3A_2051 = arith.select %eq3A_2046, %broadcast_in_dim3A_2049, %broadcast_in_dim3A_2050 : vector<16xi1>, vector<16xi32>
        %broadcast_in_dim3A_2052 = arith.constant true
        %broadcast_in_dim3A_2053 = vector.broadcast %broadcast_in_dim3A_2052 : i1 to vector<16xi1>
        %masked_cumsum3A = tpu.scan <sum>, %select_n3A_2051 masked %broadcast_in_dim3A_2053 : vector<16xi32>, vector<16xi1> -> vector<16xi32>
        %add3A_2054 = arith.addi %while3A_2035, %masked_cumsum3A : vector<16xi32>
        %sub3A_2055 = arith.constant 1 : i32
        %sub3A_2056 = vector.broadcast %sub3A_2055 : i32 to vector<16xi32>
        %sub3A_2057 = arith.subi %add3A_2054, %sub3A_2056 : vector<16xi32>
        tpu.vector_store_idx %arg6[%sub3A_2057], %get3A_2039 masked %eq3A_2046 : memref<33296xi32, #tpu.memory_space<vmem>>[vector<16xi32>], vector<16xi32>, vector<16xi1>
        %shift_right_logical3A_2058 = arith.constant 19 : i32
        %shift_right_logical3A_2059 = vector.broadcast %shift_right_logical3A_2058 : i32 to vector<16xi32>
        %shift_right_logical3A_2060 = arith.shrui %get3A_2039, %shift_right_logical3A_2059 : vector<16xi32>
        %and3A_2061 = arith.constant 1 : i32
        %and3A_2062 = vector.broadcast %and3A_2061 : i32 to vector<16xi32>
        %and3A_2063 = arith.andi %shift_right_logical3A_2060, %and3A_2062 : vector<16xi32>
        %jit3A_2064 = arith.constant 0 : i32
        %broadcast_in_dim3A_2065 = vector.broadcast %jit3A_2064 : i32 to vector<16xi32>
        %select_n3A_2066 = arith.select %eq3A_2046, %and3A_2063, %broadcast_in_dim3A_2065 : vector<16xi1>, vector<16xi32>
        %all_reduce_population_count3A = tpu.all_reduce %eq3A_2046 {dim = 0 : i64, kind = #tpu.reduction_kind<sum>} : vector<16xi1> -> vector<16xi32>
        %add3A_2067 = arith.addi %while3A_2035, %all_reduce_population_count3A : vector<16xi32>
        %add3A_2068 = arith.addi %while3A_2036, %select_n3A_2066 : vector<16xi32>
        scf.yield %add3A_2067, %add3A_2068 : vector<16xi32>, vector<16xi32>
      }
      %while3A_771 = arith.constant 1 : i32
      %while3A_772:2 = scf.for %while3A_2034 = %while3A_768 to %while3A_764 step %while3A_771 iter_args(%while3A_2035 = %while3A_770#0, %while3A_2036 = %while3A_770#1) -> (vector<16xi32>, vector<16xi32>)  : i32 {
        %mul3A_2037 = arith.constant 16 : i32
        %mul3A_2038 = arith.muli %while3A_2034, %mul3A_2037 : i32
        %get3A = arith.index_cast %mul3A_2038 : i32 to index
        %get3A_2039 = tpu.vector_load %arg5[%get3A] {strides = array<i32>} : memref<33296xi32, #tpu.memory_space<vmem>>, vector<16xi32>,
        %shift_right_logical3A = arith.constant 20 : i32
        %shift_right_logical3A_2040 = vector.broadcast %shift_right_logical3A : i32 to vector<16xi32>
        %shift_right_logical3A_2041 = arith.shrui %get3A_2039, %shift_right_logical3A_2040 : vector<16xi32>
        %and3A_2042 = arith.constant 1 : i32
        %and3A_2043 = vector.broadcast %and3A_2042 : i32 to vector<16xi32>
        %and3A_2044 = arith.andi %shift_right_logical3A_2041, %and3A_2043 : vector<16xi32>
        %eq3A_2045 = vector.broadcast %select_n3A_725 : i32 to vector<16xi32>
        %eq3A_2046 = arith.cmpi eq, %and3A_2044, %eq3A_2045 : vector<16xi32>
        %jit3A_2047 = arith.constant 1 : i32
        %jit3A_2048 = arith.constant 0 : i32
        %broadcast_in_dim3A_2049 = vector.broadcast %jit3A_2047 : i32 to vector<16xi32>
        %broadcast_in_dim3A_2050 = vector.broadcast %jit3A_2048 : i32 to vector<16xi32>
        %select_n3A_2051 = arith.select %eq3A_2046, %broadcast_in_dim3A_2049, %broadcast_in_dim3A_2050 : vector<16xi1>, vector<16xi32>
        %broadcast_in_dim3A_2052 = arith.constant true
        %broadcast_in_dim3A_2053 = vector.broadcast %broadcast_in_dim3A_2052 : i1 to vector<16xi1>
        %masked_cumsum3A = tpu.scan <sum>, %select_n3A_2051 masked %broadcast_in_dim3A_2053 : vector<16xi32>, vector<16xi1> -> vector<16xi32>
        %add3A_2054 = arith.addi %while3A_2035, %masked_cumsum3A : vector<16xi32>
        %sub3A_2055 = arith.constant 1 : i32
        %sub3A_2056 = vector.broadcast %sub3A_2055 : i32 to vector<16xi32>
        %sub3A_2057 = arith.subi %add3A_2054, %sub3A_2056 : vector<16xi32>
        tpu.vector_store_idx %arg6[%sub3A_2057], %get3A_2039 masked %eq3A_2046 : memref<33296xi32, #tpu.memory_space<vmem>>[vector<16xi32>], vector<16xi32>, vector<16xi1>
        %shift_right_logical3A_2058 = arith.constant 19 : i32
        %shift_right_logical3A_2059 = vector.broadcast %shift_right_logical3A_2058 : i32 to vector<16xi32>
        %shift_right_logical3A_2060 = arith.shrui %get3A_2039, %shift_right_logical3A_2059 : vector<16xi32>
        %and3A_2061 = arith.constant 1 : i32
        %and3A_2062 = vector.broadcast %and3A_2061 : i32 to vector<16xi32>
        %and3A_2063 = arith.andi %shift_right_logical3A_2060, %and3A_2062 : vector<16xi32>
        %jit3A_2064 = arith.constant 0 : i32
        %broadcast_in_dim3A_2065 = vector.broadcast %jit3A_2064 : i32 to vector<16xi32>
        %select_n3A_2066 = arith.select %eq3A_2046, %and3A_2063, %broadcast_in_dim3A_2065 : vector<16xi1>, vector<16xi32>
        %all_reduce_population_count3A = tpu.all_reduce %eq3A_2046 {dim = 0 : i64, kind = #tpu.reduction_kind<sum>} : vector<16xi1> -> vector<16xi32>
        %add3A_2067 = arith.addi %while3A_2035, %all_reduce_population_count3A : vector<16xi32>
        %add3A_2068 = arith.addi %while3A_2036, %select_n3A_2066 : vector<16xi32>
        scf.yield %add3A_2067, %add3A_2068 : vector<16xi32>, vector<16xi32>
      }
      %reduce_max3A_773 = arith.constant true
      %reduce_max3A_774 = vector.broadcast %reduce_max3A_773 : i1 to vector<16xi1>
      %reduce_max3A_775 = arith.constant -2147483648 : i32
      %reduce_max3A_776 = vector.broadcast %reduce_max3A_775 : i32 to vector<16xi32>
      %reduce_max3A_777 = arith.xori %while3A_772#0, %reduce_max3A_776 : vector<16xi32>
      %reduce_max3A_778 = tpu.scan <max>, %reduce_max3A_777 masked %reduce_max3A_774 : vector<16xi32>, vector<16xi1> -> vector<16xi32>
      %reduce_max3A_779 = arith.xori %reduce_max3A_778, %reduce_max3A_776 : vector<16xi32>
      %reduce_max3A_780 = vector.extract %reduce_max3A_779[15] : i32 from vector<16xi32>
      %iota3A_781 = tpu.iota {dimensions = array<i32: 0>} : vector<16xi32>
      %add3A_782 = arith.addi %while3A_772#0, %iota3A_781 : vector<16xi32>
      tpu.vector_store_idx %arg6[%add3A_782], %broadcast_in_dim3A_1 : memref<33296xi32, #tpu.memory_space<vmem>>[vector<16xi32>], vector<16xi32>,
      %reduce_sum3A_783 = arith.constant true
      %reduce_sum3A_784 = vector.broadcast %reduce_sum3A_783 : i1 to vector<16xi1>
      %reduce_sum3A_785 = tpu.scan <sum>, %while3A_772#1 masked %reduce_sum3A_784 : vector<16xi32>, vector<16xi1> -> vector<16xi32>
      %reduce_sum3A_786 = vector.extract %reduce_sum3A_785[15] : i32 from vector<16xi32>
      %ge3A_787 = arith.cmpi sge, %reduce_sum3A_786, %sub3A_733 : i32
      %jit3A_788 = arith.constant 1 : i32
      %jit3A_789 = arith.constant 0 : i32
      %select_n3A_790 = arith.select %ge3A_787, %jit3A_788, %jit3A_789 : i32
      %shift_left3A_791 = arith.constant 19 : i32
      %shift_left3A_792 = arith.shli %select_n3A_790, %shift_left3A_791 : i32
      %or3A_793 = arith.ori %or3A_728, %shift_left3A_792 : i32
      %eq3A_794 = arith.constant 0 : i32
      %eq3A_795 = arith.cmpi eq, %select_n3A_790, %eq3A_794 : i32
      %jit3A_796 = arith.constant 0 : i32
      %select_n3A_797 = arith.select %eq3A_795, %reduce_sum3A_786, %jit3A_796 : i32
      %sub3A_798 = arith.subi %sub3A_733, %select_n3A_797 : i32
      %add3A_799 = arith.constant 16 : i32
      %add3A_800 = arith.addi %reduce_max3A_780, %add3A_799 : i32
      %sub3A_801 = arith.constant 1 : i32
      %sub3A_802 = arith.subi %add3A_800, %sub3A_801 : i32
      %jit3A_803 = arith.constant 16 : i32
      %div3A_804 = arith.divsi %sub3A_802, %jit3A_803 : i32
      %sign3A_805 = arith.constant 0 : i32
      %sign3A_806 = arith.cmpi sgt, %sub3A_802, %sign3A_805 : i32
      %sign3A_807 = arith.extui %sign3A_806 : i1 to i32
      %sign3A_808 = arith.constant 0 : i32
      %sign3A_809 = arith.cmpi slt, %sub3A_802, %sign3A_808 : i32
      %sign3A_810 = arith.extui %sign3A_809 : i1 to i32
      %sign3A_811 = arith.subi %sign3A_807, %sign3A_810 : i32
      %sign3A_812 = arith.constant 0 : i32
      %sign3A_813 = arith.cmpi sgt, %jit3A_803, %sign3A_812 : i32
      %sign3A_814 = arith.extui %sign3A_813 : i1 to i32
      %sign3A_815 = arith.constant 0 : i32
      %sign3A_816 = arith.cmpi slt, %jit3A_803, %sign3A_815 : i32
      %sign3A_817 = arith.extui %sign3A_816 : i1 to i32
      %sign3A_818 = arith.subi %sign3A_814, %sign3A_817 : i32
      %ne3A_819 = arith.cmpi ne, %sign3A_811, %sign3A_818 : i32
      %rem3A_820 = arith.remsi %sub3A_802, %jit3A_803 : i32
      %ne3A_821 = arith.constant 0 : i32
      %ne3A_822 = arith.cmpi ne, %rem3A_820, %ne3A_821 : i32
      %and3A_823 = arith.andi %ne3A_819, %ne3A_822 : i1
      %sub3A_824 = arith.constant 1 : i32
      %sub3A_825 = arith.subi %div3A_804, %sub3A_824 : i32
      %select_n3A_826 = arith.select %and3A_823, %sub3A_825, %div3A_804 : i32
      %while3A_827 = arith.constant 0 : i32
      %while3A_828 = arith.subi %select_n3A_826, %while3A_827 : i32
      %while3A_829 = arith.addi %while3A_827, %while3A_828 : i32
      %while3A_830 = arith.constant 1 : i32
      %while3A_831 = arith.divsi %while3A_828, %while3A_830 : i32
      %while3A_832 = arith.muli %while3A_831, %while3A_830 : i32
      %while3A_833 = arith.addi %while3A_827, %while3A_832 : i32
      %while3A_834 = arith.constant 1 : i32
      %while3A_835:2 = scf.for %while3A_2034 = %while3A_827 to %while3A_833 step %while3A_834 iter_args(%while3A_2035 = %broadcast_in_dim3A_1, %while3A_2036 = %broadcast_in_dim3A_1) -> (vector<16xi32>, vector<16xi32>)  : i32 {
        %mul3A_2037 = arith.constant 16 : i32
        %mul3A_2038 = arith.muli %while3A_2034, %mul3A_2037 : i32
        %get3A = arith.index_cast %mul3A_2038 : i32 to index
        %get3A_2039 = tpu.vector_load %arg6[%get3A] {strides = array<i32>} : memref<33296xi32, #tpu.memory_space<vmem>>, vector<16xi32>,
        %shift_right_logical3A = arith.constant 19 : i32
        %shift_right_logical3A_2040 = vector.broadcast %shift_right_logical3A : i32 to vector<16xi32>
        %shift_right_logical3A_2041 = arith.shrui %get3A_2039, %shift_right_logical3A_2040 : vector<16xi32>
        %and3A_2042 = arith.constant 1 : i32
        %and3A_2043 = vector.broadcast %and3A_2042 : i32 to vector<16xi32>
        %and3A_2044 = arith.andi %shift_right_logical3A_2041, %and3A_2043 : vector<16xi32>
        %eq3A_2045 = vector.broadcast %select_n3A_790 : i32 to vector<16xi32>
        %eq3A_2046 = arith.cmpi eq, %and3A_2044, %eq3A_2045 : vector<16xi32>
        %jit3A_2047 = arith.constant 1 : i32
        %jit3A_2048 = arith.constant 0 : i32
        %broadcast_in_dim3A_2049 = vector.broadcast %jit3A_2047 : i32 to vector<16xi32>
        %broadcast_in_dim3A_2050 = vector.broadcast %jit3A_2048 : i32 to vector<16xi32>
        %select_n3A_2051 = arith.select %eq3A_2046, %broadcast_in_dim3A_2049, %broadcast_in_dim3A_2050 : vector<16xi1>, vector<16xi32>
        %broadcast_in_dim3A_2052 = arith.constant true
        %broadcast_in_dim3A_2053 = vector.broadcast %broadcast_in_dim3A_2052 : i1 to vector<16xi1>
        %masked_cumsum3A = tpu.scan <sum>, %select_n3A_2051 masked %broadcast_in_dim3A_2053 : vector<16xi32>, vector<16xi1> -> vector<16xi32>
        %add3A_2054 = arith.addi %while3A_2035, %masked_cumsum3A : vector<16xi32>
        %sub3A_2055 = arith.constant 1 : i32
        %sub3A_2056 = vector.broadcast %sub3A_2055 : i32 to vector<16xi32>
        %sub3A_2057 = arith.subi %add3A_2054, %sub3A_2056 : vector<16xi32>
        tpu.vector_store_idx %arg5[%sub3A_2057], %get3A_2039 masked %eq3A_2046 : memref<33296xi32, #tpu.memory_space<vmem>>[vector<16xi32>], vector<16xi32>, vector<16xi1>
        %shift_right_logical3A_2058 = arith.constant 18 : i32
        %shift_right_logical3A_2059 = vector.broadcast %shift_right_logical3A_2058 : i32 to vector<16xi32>
        %shift_right_logical3A_2060 = arith.shrui %get3A_2039, %shift_right_logical3A_2059 : vector<16xi32>
        %and3A_2061 = arith.constant 1 : i32
        %and3A_2062 = vector.broadcast %and3A_2061 : i32 to vector<16xi32>
        %and3A_2063 = arith.andi %shift_right_logical3A_2060, %and3A_2062 : vector<16xi32>
        %jit3A_2064 = arith.constant 0 : i32
        %broadcast_in_dim3A_2065 = vector.broadcast %jit3A_2064 : i32 to vector<16xi32>
        %select_n3A_2066 = arith.select %eq3A_2046, %and3A_2063, %broadcast_in_dim3A_2065 : vector<16xi1>, vector<16xi32>
        %all_reduce_population_count3A = tpu.all_reduce %eq3A_2046 {dim = 0 : i64, kind = #tpu.reduction_kind<sum>} : vector<16xi1> -> vector<16xi32>
        %add3A_2067 = arith.addi %while3A_2035, %all_reduce_population_count3A : vector<16xi32>
        %add3A_2068 = arith.addi %while3A_2036, %select_n3A_2066 : vector<16xi32>
        scf.yield %add3A_2067, %add3A_2068 : vector<16xi32>, vector<16xi32>
      }
      %while3A_836 = arith.constant 1 : i32
      %while3A_837:2 = scf.for %while3A_2034 = %while3A_833 to %while3A_829 step %while3A_836 iter_args(%while3A_2035 = %while3A_835#0, %while3A_2036 = %while3A_835#1) -> (vector<16xi32>, vector<16xi32>)  : i32 {
        %mul3A_2037 = arith.constant 16 : i32
        %mul3A_2038 = arith.muli %while3A_2034, %mul3A_2037 : i32
        %get3A = arith.index_cast %mul3A_2038 : i32 to index
        %get3A_2039 = tpu.vector_load %arg6[%get3A] {strides = array<i32>} : memref<33296xi32, #tpu.memory_space<vmem>>, vector<16xi32>,
        %shift_right_logical3A = arith.constant 19 : i32
        %shift_right_logical3A_2040 = vector.broadcast %shift_right_logical3A : i32 to vector<16xi32>
        %shift_right_logical3A_2041 = arith.shrui %get3A_2039, %shift_right_logical3A_2040 : vector<16xi32>
        %and3A_2042 = arith.constant 1 : i32
        %and3A_2043 = vector.broadcast %and3A_2042 : i32 to vector<16xi32>
        %and3A_2044 = arith.andi %shift_right_logical3A_2041, %and3A_2043 : vector<16xi32>
        %eq3A_2045 = vector.broadcast %select_n3A_790 : i32 to vector<16xi32>
        %eq3A_2046 = arith.cmpi eq, %and3A_2044, %eq3A_2045 : vector<16xi32>
        %jit3A_2047 = arith.constant 1 : i32
        %jit3A_2048 = arith.constant 0 : i32
        %broadcast_in_dim3A_2049 = vector.broadcast %jit3A_2047 : i32 to vector<16xi32>
        %broadcast_in_dim3A_2050 = vector.broadcast %jit3A_2048 : i32 to vector<16xi32>
        %select_n3A_2051 = arith.select %eq3A_2046, %broadcast_in_dim3A_2049, %broadcast_in_dim3A_2050 : vector<16xi1>, vector<16xi32>
        %broadcast_in_dim3A_2052 = arith.constant true
        %broadcast_in_dim3A_2053 = vector.broadcast %broadcast_in_dim3A_2052 : i1 to vector<16xi1>
        %masked_cumsum3A = tpu.scan <sum>, %select_n3A_2051 masked %broadcast_in_dim3A_2053 : vector<16xi32>, vector<16xi1> -> vector<16xi32>
        %add3A_2054 = arith.addi %while3A_2035, %masked_cumsum3A : vector<16xi32>
        %sub3A_2055 = arith.constant 1 : i32
        %sub3A_2056 = vector.broadcast %sub3A_2055 : i32 to vector<16xi32>
        %sub3A_2057 = arith.subi %add3A_2054, %sub3A_2056 : vector<16xi32>
        tpu.vector_store_idx %arg5[%sub3A_2057], %get3A_2039 masked %eq3A_2046 : memref<33296xi32, #tpu.memory_space<vmem>>[vector<16xi32>], vector<16xi32>, vector<16xi1>
        %shift_right_logical3A_2058 = arith.constant 18 : i32
        %shift_right_logical3A_2059 = vector.broadcast %shift_right_logical3A_2058 : i32 to vector<16xi32>
        %shift_right_logical3A_2060 = arith.shrui %get3A_2039, %shift_right_logical3A_2059 : vector<16xi32>
        %and3A_2061 = arith.constant 1 : i32
        %and3A_2062 = vector.broadcast %and3A_2061 : i32 to vector<16xi32>
        %and3A_2063 = arith.andi %shift_right_logical3A_2060, %and3A_2062 : vector<16xi32>
        %jit3A_2064 = arith.constant 0 : i32
        %broadcast_in_dim3A_2065 = vector.broadcast %jit3A_2064 : i32 to vector<16xi32>
        %select_n3A_2066 = arith.select %eq3A_2046, %and3A_2063, %broadcast_in_dim3A_2065 : vector<16xi1>, vector<16xi32>
        %all_reduce_population_count3A = tpu.all_reduce %eq3A_2046 {dim = 0 : i64, kind = #tpu.reduction_kind<sum>} : vector<16xi1> -> vector<16xi32>
        %add3A_2067 = arith.addi %while3A_2035, %all_reduce_population_count3A : vector<16xi32>
        %add3A_2068 = arith.addi %while3A_2036, %select_n3A_2066 : vector<16xi32>
        scf.yield %add3A_2067, %add3A_2068 : vector<16xi32>, vector<16xi32>
      }
      %reduce_max3A_838 = arith.constant true
      %reduce_max3A_839 = vector.broadcast %reduce_max3A_838 : i1 to vector<16xi1>
      %reduce_max3A_840 = arith.constant -2147483648 : i32
      %reduce_max3A_841 = vector.broadcast %reduce_max3A_840 : i32 to vector<16xi32>
      %reduce_max3A_842 = arith.xori %while3A_837#0, %reduce_max3A_841 : vector<16xi32>
      %reduce_max3A_843 = tpu.scan <max>, %reduce_max3A_842 masked %reduce_max3A_839 : vector<16xi32>, vector<16xi1> -> vector<16xi32>
      %reduce_max3A_844 = arith.xori %reduce_max3A_843, %reduce_max3A_841 : vector<16xi32>
      %reduce_max3A_845 = vector.extract %reduce_max3A_844[15] : i32 from vector<16xi32>
      %iota3A_846 = tpu.iota {dimensions = array<i32: 0>} : vector<16xi32>
      %add3A_847 = arith.addi %while3A_837#0, %iota3A_846 : vector<16xi32>
      tpu.vector_store_idx %arg5[%add3A_847], %broadcast_in_dim3A_1 : memref<33296xi32, #tpu.memory_space<vmem>>[vector<16xi32>], vector<16xi32>,
      %reduce_sum3A_848 = arith.constant true
      %reduce_sum3A_849 = vector.broadcast %reduce_sum3A_848 : i1 to vector<16xi1>
      %reduce_sum3A_850 = tpu.scan <sum>, %while3A_837#1 masked %reduce_sum3A_849 : vector<16xi32>, vector<16xi1> -> vector<16xi32>
      %reduce_sum3A_851 = vector.extract %reduce_sum3A_850[15] : i32 from vector<16xi32>
      %ge3A_852 = arith.cmpi sge, %reduce_sum3A_851, %sub3A_798 : i32
      %jit3A_853 = arith.constant 1 : i32
      %jit3A_854 = arith.constant 0 : i32
      %select_n3A_855 = arith.select %ge3A_852, %jit3A_853, %jit3A_854 : i32
      %shift_left3A_856 = arith.constant 18 : i32
      %shift_left3A_857 = arith.shli %select_n3A_855, %shift_left3A_856 : i32
      %or3A_858 = arith.ori %or3A_793, %shift_left3A_857 : i32
      %eq3A_859 = arith.constant 0 : i32
      %eq3A_860 = arith.cmpi eq, %select_n3A_855, %eq3A_859 : i32
      %jit3A_861 = arith.constant 0 : i32
      %select_n3A_862 = arith.select %eq3A_860, %reduce_sum3A_851, %jit3A_861 : i32
      %sub3A_863 = arith.subi %sub3A_798, %select_n3A_862 : i32
      %add3A_864 = arith.constant 16 : i32
      %add3A_865 = arith.addi %reduce_max3A_845, %add3A_864 : i32
      %sub3A_866 = arith.constant 1 : i32
      %sub3A_867 = arith.subi %add3A_865, %sub3A_866 : i32
      %jit3A_868 = arith.constant 16 : i32
      %div3A_869 = arith.divsi %sub3A_867, %jit3A_868 : i32
      %sign3A_870 = arith.constant 0 : i32
      %sign3A_871 = arith.cmpi sgt, %sub3A_867, %sign3A_870 : i32
      %sign3A_872 = arith.extui %sign3A_871 : i1 to i32
      %sign3A_873 = arith.constant 0 : i32
      %sign3A_874 = arith.cmpi slt, %sub3A_867, %sign3A_873 : i32
      %sign3A_875 = arith.extui %sign3A_874 : i1 to i32
      %sign3A_876 = arith.subi %sign3A_872, %sign3A_875 : i32
      %sign3A_877 = arith.constant 0 : i32
      %sign3A_878 = arith.cmpi sgt, %jit3A_868, %sign3A_877 : i32
      %sign3A_879 = arith.extui %sign3A_878 : i1 to i32
      %sign3A_880 = arith.constant 0 : i32
      %sign3A_881 = arith.cmpi slt, %jit3A_868, %sign3A_880 : i32
      %sign3A_882 = arith.extui %sign3A_881 : i1 to i32
      %sign3A_883 = arith.subi %sign3A_879, %sign3A_882 : i32
      %ne3A_884 = arith.cmpi ne, %sign3A_876, %sign3A_883 : i32
      %rem3A_885 = arith.remsi %sub3A_867, %jit3A_868 : i32
      %ne3A_886 = arith.constant 0 : i32
      %ne3A_887 = arith.cmpi ne, %rem3A_885, %ne3A_886 : i32
      %and3A_888 = arith.andi %ne3A_884, %ne3A_887 : i1
      %sub3A_889 = arith.constant 1 : i32
      %sub3A_890 = arith.subi %div3A_869, %sub3A_889 : i32
      %select_n3A_891 = arith.select %and3A_888, %sub3A_890, %div3A_869 : i32
      %while3A_892 = arith.constant 0 : i32
      %while3A_893 = arith.subi %select_n3A_891, %while3A_892 : i32
      %while3A_894 = arith.addi %while3A_892, %while3A_893 : i32
      %while3A_895 = arith.constant 1 : i32
      %while3A_896 = arith.divsi %while3A_893, %while3A_895 : i32
      %while3A_897 = arith.muli %while3A_896, %while3A_895 : i32
      %while3A_898 = arith.addi %while3A_892, %while3A_897 : i32
      %while3A_899 = arith.constant 1 : i32
      %while3A_900:2 = scf.for %while3A_2034 = %while3A_892 to %while3A_898 step %while3A_899 iter_args(%while3A_2035 = %broadcast_in_dim3A_1, %while3A_2036 = %broadcast_in_dim3A_1) -> (vector<16xi32>, vector<16xi32>)  : i32 {
        %mul3A_2037 = arith.constant 16 : i32
        %mul3A_2038 = arith.muli %while3A_2034, %mul3A_2037 : i32
        %get3A = arith.index_cast %mul3A_2038 : i32 to index
        %get3A_2039 = tpu.vector_load %arg5[%get3A] {strides = array<i32>} : memref<33296xi32, #tpu.memory_space<vmem>>, vector<16xi32>,
        %shift_right_logical3A = arith.constant 18 : i32
        %shift_right_logical3A_2040 = vector.broadcast %shift_right_logical3A : i32 to vector<16xi32>
        %shift_right_logical3A_2041 = arith.shrui %get3A_2039, %shift_right_logical3A_2040 : vector<16xi32>
        %and3A_2042 = arith.constant 1 : i32
        %and3A_2043 = vector.broadcast %and3A_2042 : i32 to vector<16xi32>
        %and3A_2044 = arith.andi %shift_right_logical3A_2041, %and3A_2043 : vector<16xi32>
        %eq3A_2045 = vector.broadcast %select_n3A_855 : i32 to vector<16xi32>
        %eq3A_2046 = arith.cmpi eq, %and3A_2044, %eq3A_2045 : vector<16xi32>
        %jit3A_2047 = arith.constant 1 : i32
        %jit3A_2048 = arith.constant 0 : i32
        %broadcast_in_dim3A_2049 = vector.broadcast %jit3A_2047 : i32 to vector<16xi32>
        %broadcast_in_dim3A_2050 = vector.broadcast %jit3A_2048 : i32 to vector<16xi32>
        %select_n3A_2051 = arith.select %eq3A_2046, %broadcast_in_dim3A_2049, %broadcast_in_dim3A_2050 : vector<16xi1>, vector<16xi32>
        %broadcast_in_dim3A_2052 = arith.constant true
        %broadcast_in_dim3A_2053 = vector.broadcast %broadcast_in_dim3A_2052 : i1 to vector<16xi1>
        %masked_cumsum3A = tpu.scan <sum>, %select_n3A_2051 masked %broadcast_in_dim3A_2053 : vector<16xi32>, vector<16xi1> -> vector<16xi32>
        %add3A_2054 = arith.addi %while3A_2035, %masked_cumsum3A : vector<16xi32>
        %sub3A_2055 = arith.constant 1 : i32
        %sub3A_2056 = vector.broadcast %sub3A_2055 : i32 to vector<16xi32>
        %sub3A_2057 = arith.subi %add3A_2054, %sub3A_2056 : vector<16xi32>
        tpu.vector_store_idx %arg6[%sub3A_2057], %get3A_2039 masked %eq3A_2046 : memref<33296xi32, #tpu.memory_space<vmem>>[vector<16xi32>], vector<16xi32>, vector<16xi1>
        %shift_right_logical3A_2058 = arith.constant 17 : i32
        %shift_right_logical3A_2059 = vector.broadcast %shift_right_logical3A_2058 : i32 to vector<16xi32>
        %shift_right_logical3A_2060 = arith.shrui %get3A_2039, %shift_right_logical3A_2059 : vector<16xi32>
        %and3A_2061 = arith.constant 1 : i32
        %and3A_2062 = vector.broadcast %and3A_2061 : i32 to vector<16xi32>
        %and3A_2063 = arith.andi %shift_right_logical3A_2060, %and3A_2062 : vector<16xi32>
        %jit3A_2064 = arith.constant 0 : i32
        %broadcast_in_dim3A_2065 = vector.broadcast %jit3A_2064 : i32 to vector<16xi32>
        %select_n3A_2066 = arith.select %eq3A_2046, %and3A_2063, %broadcast_in_dim3A_2065 : vector<16xi1>, vector<16xi32>
        %all_reduce_population_count3A = tpu.all_reduce %eq3A_2046 {dim = 0 : i64, kind = #tpu.reduction_kind<sum>} : vector<16xi1> -> vector<16xi32>
        %add3A_2067 = arith.addi %while3A_2035, %all_reduce_population_count3A : vector<16xi32>
        %add3A_2068 = arith.addi %while3A_2036, %select_n3A_2066 : vector<16xi32>
        scf.yield %add3A_2067, %add3A_2068 : vector<16xi32>, vector<16xi32>
      }
      %while3A_901 = arith.constant 1 : i32
      %while3A_902:2 = scf.for %while3A_2034 = %while3A_898 to %while3A_894 step %while3A_901 iter_args(%while3A_2035 = %while3A_900#0, %while3A_2036 = %while3A_900#1) -> (vector<16xi32>, vector<16xi32>)  : i32 {
        %mul3A_2037 = arith.constant 16 : i32
        %mul3A_2038 = arith.muli %while3A_2034, %mul3A_2037 : i32
        %get3A = arith.index_cast %mul3A_2038 : i32 to index
        %get3A_2039 = tpu.vector_load %arg5[%get3A] {strides = array<i32>} : memref<33296xi32, #tpu.memory_space<vmem>>, vector<16xi32>,
        %shift_right_logical3A = arith.constant 18 : i32
        %shift_right_logical3A_2040 = vector.broadcast %shift_right_logical3A : i32 to vector<16xi32>
        %shift_right_logical3A_2041 = arith.shrui %get3A_2039, %shift_right_logical3A_2040 : vector<16xi32>
        %and3A_2042 = arith.constant 1 : i32
        %and3A_2043 = vector.broadcast %and3A_2042 : i32 to vector<16xi32>
        %and3A_2044 = arith.andi %shift_right_logical3A_2041, %and3A_2043 : vector<16xi32>
        %eq3A_2045 = vector.broadcast %select_n3A_855 : i32 to vector<16xi32>
        %eq3A_2046 = arith.cmpi eq, %and3A_2044, %eq3A_2045 : vector<16xi32>
        %jit3A_2047 = arith.constant 1 : i32
        %jit3A_2048 = arith.constant 0 : i32
        %broadcast_in_dim3A_2049 = vector.broadcast %jit3A_2047 : i32 to vector<16xi32>
        %broadcast_in_dim3A_2050 = vector.broadcast %jit3A_2048 : i32 to vector<16xi32>
        %select_n3A_2051 = arith.select %eq3A_2046, %broadcast_in_dim3A_2049, %broadcast_in_dim3A_2050 : vector<16xi1>, vector<16xi32>
        %broadcast_in_dim3A_2052 = arith.constant true
        %broadcast_in_dim3A_2053 = vector.broadcast %broadcast_in_dim3A_2052 : i1 to vector<16xi1>
        %masked_cumsum3A = tpu.scan <sum>, %select_n3A_2051 masked %broadcast_in_dim3A_2053 : vector<16xi32>, vector<16xi1> -> vector<16xi32>
        %add3A_2054 = arith.addi %while3A_2035, %masked_cumsum3A : vector<16xi32>
        %sub3A_2055 = arith.constant 1 : i32
        %sub3A_2056 = vector.broadcast %sub3A_2055 : i32 to vector<16xi32>
        %sub3A_2057 = arith.subi %add3A_2054, %sub3A_2056 : vector<16xi32>
        tpu.vector_store_idx %arg6[%sub3A_2057], %get3A_2039 masked %eq3A_2046 : memref<33296xi32, #tpu.memory_space<vmem>>[vector<16xi32>], vector<16xi32>, vector<16xi1>
        %shift_right_logical3A_2058 = arith.constant 17 : i32
        %shift_right_logical3A_2059 = vector.broadcast %shift_right_logical3A_2058 : i32 to vector<16xi32>
        %shift_right_logical3A_2060 = arith.shrui %get3A_2039, %shift_right_logical3A_2059 : vector<16xi32>
        %and3A_2061 = arith.constant 1 : i32
        %and3A_2062 = vector.broadcast %and3A_2061 : i32 to vector<16xi32>
        %and3A_2063 = arith.andi %shift_right_logical3A_2060, %and3A_2062 : vector<16xi32>
        %jit3A_2064 = arith.constant 0 : i32
        %broadcast_in_dim3A_2065 = vector.broadcast %jit3A_2064 : i32 to vector<16xi32>
        %select_n3A_2066 = arith.select %eq3A_2046, %and3A_2063, %broadcast_in_dim3A_2065 : vector<16xi1>, vector<16xi32>
        %all_reduce_population_count3A = tpu.all_reduce %eq3A_2046 {dim = 0 : i64, kind = #tpu.reduction_kind<sum>} : vector<16xi1> -> vector<16xi32>
        %add3A_2067 = arith.addi %while3A_2035, %all_reduce_population_count3A : vector<16xi32>
        %add3A_2068 = arith.addi %while3A_2036, %select_n3A_2066 : vector<16xi32>
        scf.yield %add3A_2067, %add3A_2068 : vector<16xi32>, vector<16xi32>
      }
      %reduce_max3A_903 = arith.constant true
      %reduce_max3A_904 = vector.broadcast %reduce_max3A_903 : i1 to vector<16xi1>
      %reduce_max3A_905 = arith.constant -2147483648 : i32
      %reduce_max3A_906 = vector.broadcast %reduce_max3A_905 : i32 to vector<16xi32>
      %reduce_max3A_907 = arith.xori %while3A_902#0, %reduce_max3A_906 : vector<16xi32>
      %reduce_max3A_908 = tpu.scan <max>, %reduce_max3A_907 masked %reduce_max3A_904 : vector<16xi32>, vector<16xi1> -> vector<16xi32>
      %reduce_max3A_909 = arith.xori %reduce_max3A_908, %reduce_max3A_906 : vector<16xi32>
      %reduce_max3A_910 = vector.extract %reduce_max3A_909[15] : i32 from vector<16xi32>
      %iota3A_911 = tpu.iota {dimensions = array<i32: 0>} : vector<16xi32>
      %add3A_912 = arith.addi %while3A_902#0, %iota3A_911 : vector<16xi32>
      tpu.vector_store_idx %arg6[%add3A_912], %broadcast_in_dim3A_1 : memref<33296xi32, #tpu.memory_space<vmem>>[vector<16xi32>], vector<16xi32>,
      %reduce_sum3A_913 = arith.constant true
      %reduce_sum3A_914 = vector.broadcast %reduce_sum3A_913 : i1 to vector<16xi1>
      %reduce_sum3A_915 = tpu.scan <sum>, %while3A_902#1 masked %reduce_sum3A_914 : vector<16xi32>, vector<16xi1> -> vector<16xi32>
      %reduce_sum3A_916 = vector.extract %reduce_sum3A_915[15] : i32 from vector<16xi32>
      %ge3A_917 = arith.cmpi sge, %reduce_sum3A_916, %sub3A_863 : i32
      %jit3A_918 = arith.constant 1 : i32
      %jit3A_919 = arith.constant 0 : i32
      %select_n3A_920 = arith.select %ge3A_917, %jit3A_918, %jit3A_919 : i32
      %shift_left3A_921 = arith.constant 17 : i32
      %shift_left3A_922 = arith.shli %select_n3A_920, %shift_left3A_921 : i32
      %or3A_923 = arith.ori %or3A_858, %shift_left3A_922 : i32
      %eq3A_924 = arith.constant 0 : i32
      %eq3A_925 = arith.cmpi eq, %select_n3A_920, %eq3A_924 : i32
      %jit3A_926 = arith.constant 0 : i32
      %select_n3A_927 = arith.select %eq3A_925, %reduce_sum3A_916, %jit3A_926 : i32
      %sub3A_928 = arith.subi %sub3A_863, %select_n3A_927 : i32
      %add3A_929 = arith.constant 16 : i32
      %add3A_930 = arith.addi %reduce_max3A_910, %add3A_929 : i32
      %sub3A_931 = arith.constant 1 : i32
      %sub3A_932 = arith.subi %add3A_930, %sub3A_931 : i32
      %jit3A_933 = arith.constant 16 : i32
      %div3A_934 = arith.divsi %sub3A_932, %jit3A_933 : i32
      %sign3A_935 = arith.constant 0 : i32
      %sign3A_936 = arith.cmpi sgt, %sub3A_932, %sign3A_935 : i32
      %sign3A_937 = arith.extui %sign3A_936 : i1 to i32
      %sign3A_938 = arith.constant 0 : i32
      %sign3A_939 = arith.cmpi slt, %sub3A_932, %sign3A_938 : i32
      %sign3A_940 = arith.extui %sign3A_939 : i1 to i32
      %sign3A_941 = arith.subi %sign3A_937, %sign3A_940 : i32
      %sign3A_942 = arith.constant 0 : i32
      %sign3A_943 = arith.cmpi sgt, %jit3A_933, %sign3A_942 : i32
      %sign3A_944 = arith.extui %sign3A_943 : i1 to i32
      %sign3A_945 = arith.constant 0 : i32
      %sign3A_946 = arith.cmpi slt, %jit3A_933, %sign3A_945 : i32
      %sign3A_947 = arith.extui %sign3A_946 : i1 to i32
      %sign3A_948 = arith.subi %sign3A_944, %sign3A_947 : i32
      %ne3A_949 = arith.cmpi ne, %sign3A_941, %sign3A_948 : i32
      %rem3A_950 = arith.remsi %sub3A_932, %jit3A_933 : i32
      %ne3A_951 = arith.constant 0 : i32
      %ne3A_952 = arith.cmpi ne, %rem3A_950, %ne3A_951 : i32
      %and3A_953 = arith.andi %ne3A_949, %ne3A_952 : i1
      %sub3A_954 = arith.constant 1 : i32
      %sub3A_955 = arith.subi %div3A_934, %sub3A_954 : i32
      %select_n3A_956 = arith.select %and3A_953, %sub3A_955, %div3A_934 : i32
      %while3A_957 = arith.constant 0 : i32
      %while3A_958 = arith.subi %select_n3A_956, %while3A_957 : i32
      %while3A_959 = arith.addi %while3A_957, %while3A_958 : i32
      %while3A_960 = arith.constant 1 : i32
      %while3A_961 = arith.divsi %while3A_958, %while3A_960 : i32
      %while3A_962 = arith.muli %while3A_961, %while3A_960 : i32
      %while3A_963 = arith.addi %while3A_957, %while3A_962 : i32
      %while3A_964 = arith.constant 1 : i32
      %while3A_965:2 = scf.for %while3A_2034 = %while3A_957 to %while3A_963 step %while3A_964 iter_args(%while3A_2035 = %broadcast_in_dim3A_1, %while3A_2036 = %broadcast_in_dim3A_1) -> (vector<16xi32>, vector<16xi32>)  : i32 {
        %mul3A_2037 = arith.constant 16 : i32
        %mul3A_2038 = arith.muli %while3A_2034, %mul3A_2037 : i32
        %get3A = arith.index_cast %mul3A_2038 : i32 to index
        %get3A_2039 = tpu.vector_load %arg6[%get3A] {strides = array<i32>} : memref<33296xi32, #tpu.memory_space<vmem>>, vector<16xi32>,
        %shift_right_logical3A = arith.constant 17 : i32
        %shift_right_logical3A_2040 = vector.broadcast %shift_right_logical3A : i32 to vector<16xi32>
        %shift_right_logical3A_2041 = arith.shrui %get3A_2039, %shift_right_logical3A_2040 : vector<16xi32>
        %and3A_2042 = arith.constant 1 : i32
        %and3A_2043 = vector.broadcast %and3A_2042 : i32 to vector<16xi32>
        %and3A_2044 = arith.andi %shift_right_logical3A_2041, %and3A_2043 : vector<16xi32>
        %eq3A_2045 = vector.broadcast %select_n3A_920 : i32 to vector<16xi32>
        %eq3A_2046 = arith.cmpi eq, %and3A_2044, %eq3A_2045 : vector<16xi32>
        %jit3A_2047 = arith.constant 1 : i32
        %jit3A_2048 = arith.constant 0 : i32
        %broadcast_in_dim3A_2049 = vector.broadcast %jit3A_2047 : i32 to vector<16xi32>
        %broadcast_in_dim3A_2050 = vector.broadcast %jit3A_2048 : i32 to vector<16xi32>
        %select_n3A_2051 = arith.select %eq3A_2046, %broadcast_in_dim3A_2049, %broadcast_in_dim3A_2050 : vector<16xi1>, vector<16xi32>
        %broadcast_in_dim3A_2052 = arith.constant true
        %broadcast_in_dim3A_2053 = vector.broadcast %broadcast_in_dim3A_2052 : i1 to vector<16xi1>
        %masked_cumsum3A = tpu.scan <sum>, %select_n3A_2051 masked %broadcast_in_dim3A_2053 : vector<16xi32>, vector<16xi1> -> vector<16xi32>
        %add3A_2054 = arith.addi %while3A_2035, %masked_cumsum3A : vector<16xi32>
        %sub3A_2055 = arith.constant 1 : i32
        %sub3A_2056 = vector.broadcast %sub3A_2055 : i32 to vector<16xi32>
        %sub3A_2057 = arith.subi %add3A_2054, %sub3A_2056 : vector<16xi32>
        tpu.vector_store_idx %arg5[%sub3A_2057], %get3A_2039 masked %eq3A_2046 : memref<33296xi32, #tpu.memory_space<vmem>>[vector<16xi32>], vector<16xi32>, vector<16xi1>
        %shift_right_logical3A_2058 = arith.constant 16 : i32
        %shift_right_logical3A_2059 = vector.broadcast %shift_right_logical3A_2058 : i32 to vector<16xi32>
        %shift_right_logical3A_2060 = arith.shrui %get3A_2039, %shift_right_logical3A_2059 : vector<16xi32>
        %and3A_2061 = arith.constant 1 : i32
        %and3A_2062 = vector.broadcast %and3A_2061 : i32 to vector<16xi32>
        %and3A_2063 = arith.andi %shift_right_logical3A_2060, %and3A_2062 : vector<16xi32>
        %jit3A_2064 = arith.constant 0 : i32
        %broadcast_in_dim3A_2065 = vector.broadcast %jit3A_2064 : i32 to vector<16xi32>
        %select_n3A_2066 = arith.select %eq3A_2046, %and3A_2063, %broadcast_in_dim3A_2065 : vector<16xi1>, vector<16xi32>
        %all_reduce_population_count3A = tpu.all_reduce %eq3A_2046 {dim = 0 : i64, kind = #tpu.reduction_kind<sum>} : vector<16xi1> -> vector<16xi32>
        %add3A_2067 = arith.addi %while3A_2035, %all_reduce_population_count3A : vector<16xi32>
        %add3A_2068 = arith.addi %while3A_2036, %select_n3A_2066 : vector<16xi32>
        scf.yield %add3A_2067, %add3A_2068 : vector<16xi32>, vector<16xi32>
      }
      %while3A_966 = arith.constant 1 : i32
      %while3A_967:2 = scf.for %while3A_2034 = %while3A_963 to %while3A_959 step %while3A_966 iter_args(%while3A_2035 = %while3A_965#0, %while3A_2036 = %while3A_965#1) -> (vector<16xi32>, vector<16xi32>)  : i32 {
        %mul3A_2037 = arith.constant 16 : i32
        %mul3A_2038 = arith.muli %while3A_2034, %mul3A_2037 : i32
        %get3A = arith.index_cast %mul3A_2038 : i32 to index
        %get3A_2039 = tpu.vector_load %arg6[%get3A] {strides = array<i32>} : memref<33296xi32, #tpu.memory_space<vmem>>, vector<16xi32>,
        %shift_right_logical3A = arith.constant 17 : i32
        %shift_right_logical3A_2040 = vector.broadcast %shift_right_logical3A : i32 to vector<16xi32>
        %shift_right_logical3A_2041 = arith.shrui %get3A_2039, %shift_right_logical3A_2040 : vector<16xi32>
        %and3A_2042 = arith.constant 1 : i32
        %and3A_2043 = vector.broadcast %and3A_2042 : i32 to vector<16xi32>
        %and3A_2044 = arith.andi %shift_right_logical3A_2041, %and3A_2043 : vector<16xi32>
        %eq3A_2045 = vector.broadcast %select_n3A_920 : i32 to vector<16xi32>
        %eq3A_2046 = arith.cmpi eq, %and3A_2044, %eq3A_2045 : vector<16xi32>
        %jit3A_2047 = arith.constant 1 : i32
        %jit3A_2048 = arith.constant 0 : i32
        %broadcast_in_dim3A_2049 = vector.broadcast %jit3A_2047 : i32 to vector<16xi32>
        %broadcast_in_dim3A_2050 = vector.broadcast %jit3A_2048 : i32 to vector<16xi32>
        %select_n3A_2051 = arith.select %eq3A_2046, %broadcast_in_dim3A_2049, %broadcast_in_dim3A_2050 : vector<16xi1>, vector<16xi32>
        %broadcast_in_dim3A_2052 = arith.constant true
        %broadcast_in_dim3A_2053 = vector.broadcast %broadcast_in_dim3A_2052 : i1 to vector<16xi1>
        %masked_cumsum3A = tpu.scan <sum>, %select_n3A_2051 masked %broadcast_in_dim3A_2053 : vector<16xi32>, vector<16xi1> -> vector<16xi32>
        %add3A_2054 = arith.addi %while3A_2035, %masked_cumsum3A : vector<16xi32>
        %sub3A_2055 = arith.constant 1 : i32
        %sub3A_2056 = vector.broadcast %sub3A_2055 : i32 to vector<16xi32>
        %sub3A_2057 = arith.subi %add3A_2054, %sub3A_2056 : vector<16xi32>
        tpu.vector_store_idx %arg5[%sub3A_2057], %get3A_2039 masked %eq3A_2046 : memref<33296xi32, #tpu.memory_space<vmem>>[vector<16xi32>], vector<16xi32>, vector<16xi1>
        %shift_right_logical3A_2058 = arith.constant 16 : i32
        %shift_right_logical3A_2059 = vector.broadcast %shift_right_logical3A_2058 : i32 to vector<16xi32>
        %shift_right_logical3A_2060 = arith.shrui %get3A_2039, %shift_right_logical3A_2059 : vector<16xi32>
        %and3A_2061 = arith.constant 1 : i32
        %and3A_2062 = vector.broadcast %and3A_2061 : i32 to vector<16xi32>
        %and3A_2063 = arith.andi %shift_right_logical3A_2060, %and3A_2062 : vector<16xi32>
        %jit3A_2064 = arith.constant 0 : i32
        %broadcast_in_dim3A_2065 = vector.broadcast %jit3A_2064 : i32 to vector<16xi32>
        %select_n3A_2066 = arith.select %eq3A_2046, %and3A_2063, %broadcast_in_dim3A_2065 : vector<16xi1>, vector<16xi32>
        %all_reduce_population_count3A = tpu.all_reduce %eq3A_2046 {dim = 0 : i64, kind = #tpu.reduction_kind<sum>} : vector<16xi1> -> vector<16xi32>
        %add3A_2067 = arith.addi %while3A_2035, %all_reduce_population_count3A : vector<16xi32>
        %add3A_2068 = arith.addi %while3A_2036, %select_n3A_2066 : vector<16xi32>
        scf.yield %add3A_2067, %add3A_2068 : vector<16xi32>, vector<16xi32>
      }
      %reduce_max3A_968 = arith.constant true
      %reduce_max3A_969 = vector.broadcast %reduce_max3A_968 : i1 to vector<16xi1>
      %reduce_max3A_970 = arith.constant -2147483648 : i32
      %reduce_max3A_971 = vector.broadcast %reduce_max3A_970 : i32 to vector<16xi32>
      %reduce_max3A_972 = arith.xori %while3A_967#0, %reduce_max3A_971 : vector<16xi32>
      %reduce_max3A_973 = tpu.scan <max>, %reduce_max3A_972 masked %reduce_max3A_969 : vector<16xi32>, vector<16xi1> -> vector<16xi32>
      %reduce_max3A_974 = arith.xori %reduce_max3A_973, %reduce_max3A_971 : vector<16xi32>
      %reduce_max3A_975 = vector.extract %reduce_max3A_974[15] : i32 from vector<16xi32>
      %iota3A_976 = tpu.iota {dimensions = array<i32: 0>} : vector<16xi32>
      %add3A_977 = arith.addi %while3A_967#0, %iota3A_976 : vector<16xi32>
      tpu.vector_store_idx %arg5[%add3A_977], %broadcast_in_dim3A_1 : memref<33296xi32, #tpu.memory_space<vmem>>[vector<16xi32>], vector<16xi32>,
      %reduce_sum3A_978 = arith.constant true
      %reduce_sum3A_979 = vector.broadcast %reduce_sum3A_978 : i1 to vector<16xi1>
      %reduce_sum3A_980 = tpu.scan <sum>, %while3A_967#1 masked %reduce_sum3A_979 : vector<16xi32>, vector<16xi1> -> vector<16xi32>
      %reduce_sum3A_981 = vector.extract %reduce_sum3A_980[15] : i32 from vector<16xi32>
      %ge3A_982 = arith.cmpi sge, %reduce_sum3A_981, %sub3A_928 : i32
      %jit3A_983 = arith.constant 1 : i32
      %jit3A_984 = arith.constant 0 : i32
      %select_n3A_985 = arith.select %ge3A_982, %jit3A_983, %jit3A_984 : i32
      %shift_left3A_986 = arith.constant 16 : i32
      %shift_left3A_987 = arith.shli %select_n3A_985, %shift_left3A_986 : i32
      %or3A_988 = arith.ori %or3A_923, %shift_left3A_987 : i32
      %eq3A_989 = arith.constant 0 : i32
      %eq3A_990 = arith.cmpi eq, %select_n3A_985, %eq3A_989 : i32
      %jit3A_991 = arith.constant 0 : i32
      %select_n3A_992 = arith.select %eq3A_990, %reduce_sum3A_981, %jit3A_991 : i32
      %sub3A_993 = arith.subi %sub3A_928, %select_n3A_992 : i32
      %add3A_994 = arith.constant 16 : i32
      %add3A_995 = arith.addi %reduce_max3A_975, %add3A_994 : i32
      %sub3A_996 = arith.constant 1 : i32
      %sub3A_997 = arith.subi %add3A_995, %sub3A_996 : i32
      %jit3A_998 = arith.constant 16 : i32
      %div3A_999 = arith.divsi %sub3A_997, %jit3A_998 : i32
      %sign3A_1000 = arith.constant 0 : i32
      %sign3A_1001 = arith.cmpi sgt, %sub3A_997, %sign3A_1000 : i32
      %sign3A_1002 = arith.extui %sign3A_1001 : i1 to i32
      %sign3A_1003 = arith.constant 0 : i32
      %sign3A_1004 = arith.cmpi slt, %sub3A_997, %sign3A_1003 : i32
      %sign3A_1005 = arith.extui %sign3A_1004 : i1 to i32
      %sign3A_1006 = arith.subi %sign3A_1002, %sign3A_1005 : i32
      %sign3A_1007 = arith.constant 0 : i32
      %sign3A_1008 = arith.cmpi sgt, %jit3A_998, %sign3A_1007 : i32
      %sign3A_1009 = arith.extui %sign3A_1008 : i1 to i32
      %sign3A_1010 = arith.constant 0 : i32
      %sign3A_1011 = arith.cmpi slt, %jit3A_998, %sign3A_1010 : i32
      %sign3A_1012 = arith.extui %sign3A_1011 : i1 to i32
      %sign3A_1013 = arith.subi %sign3A_1009, %sign3A_1012 : i32
      %ne3A_1014 = arith.cmpi ne, %sign3A_1006, %sign3A_1013 : i32
      %rem3A_1015 = arith.remsi %sub3A_997, %jit3A_998 : i32
      %ne3A_1016 = arith.constant 0 : i32
      %ne3A_1017 = arith.cmpi ne, %rem3A_1015, %ne3A_1016 : i32
      %and3A_1018 = arith.andi %ne3A_1014, %ne3A_1017 : i1
      %sub3A_1019 = arith.constant 1 : i32
      %sub3A_1020 = arith.subi %div3A_999, %sub3A_1019 : i32
      %select_n3A_1021 = arith.select %and3A_1018, %sub3A_1020, %div3A_999 : i32
      %while3A_1022 = arith.constant 0 : i32
      %while3A_1023 = arith.subi %select_n3A_1021, %while3A_1022 : i32
      %while3A_1024 = arith.addi %while3A_1022, %while3A_1023 : i32
      %while3A_1025 = arith.constant 1 : i32
      %while3A_1026 = arith.divsi %while3A_1023, %while3A_1025 : i32
      %while3A_1027 = arith.muli %while3A_1026, %while3A_1025 : i32
      %while3A_1028 = arith.addi %while3A_1022, %while3A_1027 : i32
      %while3A_1029 = arith.constant 1 : i32
      %while3A_1030:2 = scf.for %while3A_2034 = %while3A_1022 to %while3A_1028 step %while3A_1029 iter_args(%while3A_2035 = %broadcast_in_dim3A_1, %while3A_2036 = %broadcast_in_dim3A_1) -> (vector<16xi32>, vector<16xi32>)  : i32 {
        %mul3A_2037 = arith.constant 16 : i32
        %mul3A_2038 = arith.muli %while3A_2034, %mul3A_2037 : i32
        %get3A = arith.index_cast %mul3A_2038 : i32 to index
        %get3A_2039 = tpu.vector_load %arg5[%get3A] {strides = array<i32>} : memref<33296xi32, #tpu.memory_space<vmem>>, vector<16xi32>,
        %shift_right_logical3A = arith.constant 16 : i32
        %shift_right_logical3A_2040 = vector.broadcast %shift_right_logical3A : i32 to vector<16xi32>
        %shift_right_logical3A_2041 = arith.shrui %get3A_2039, %shift_right_logical3A_2040 : vector<16xi32>
        %and3A_2042 = arith.constant 1 : i32
        %and3A_2043 = vector.broadcast %and3A_2042 : i32 to vector<16xi32>
        %and3A_2044 = arith.andi %shift_right_logical3A_2041, %and3A_2043 : vector<16xi32>
        %eq3A_2045 = vector.broadcast %select_n3A_985 : i32 to vector<16xi32>
        %eq3A_2046 = arith.cmpi eq, %and3A_2044, %eq3A_2045 : vector<16xi32>
        %jit3A_2047 = arith.constant 1 : i32
        %jit3A_2048 = arith.constant 0 : i32
        %broadcast_in_dim3A_2049 = vector.broadcast %jit3A_2047 : i32 to vector<16xi32>
        %broadcast_in_dim3A_2050 = vector.broadcast %jit3A_2048 : i32 to vector<16xi32>
        %select_n3A_2051 = arith.select %eq3A_2046, %broadcast_in_dim3A_2049, %broadcast_in_dim3A_2050 : vector<16xi1>, vector<16xi32>
        %broadcast_in_dim3A_2052 = arith.constant true
        %broadcast_in_dim3A_2053 = vector.broadcast %broadcast_in_dim3A_2052 : i1 to vector<16xi1>
        %masked_cumsum3A = tpu.scan <sum>, %select_n3A_2051 masked %broadcast_in_dim3A_2053 : vector<16xi32>, vector<16xi1> -> vector<16xi32>
        %add3A_2054 = arith.addi %while3A_2035, %masked_cumsum3A : vector<16xi32>
        %sub3A_2055 = arith.constant 1 : i32
        %sub3A_2056 = vector.broadcast %sub3A_2055 : i32 to vector<16xi32>
        %sub3A_2057 = arith.subi %add3A_2054, %sub3A_2056 : vector<16xi32>
        tpu.vector_store_idx %arg6[%sub3A_2057], %get3A_2039 masked %eq3A_2046 : memref<33296xi32, #tpu.memory_space<vmem>>[vector<16xi32>], vector<16xi32>, vector<16xi1>
        %shift_right_logical3A_2058 = arith.constant 15 : i32
        %shift_right_logical3A_2059 = vector.broadcast %shift_right_logical3A_2058 : i32 to vector<16xi32>
        %shift_right_logical3A_2060 = arith.shrui %get3A_2039, %shift_right_logical3A_2059 : vector<16xi32>
        %and3A_2061 = arith.constant 1 : i32
        %and3A_2062 = vector.broadcast %and3A_2061 : i32 to vector<16xi32>
        %and3A_2063 = arith.andi %shift_right_logical3A_2060, %and3A_2062 : vector<16xi32>
        %jit3A_2064 = arith.constant 0 : i32
        %broadcast_in_dim3A_2065 = vector.broadcast %jit3A_2064 : i32 to vector<16xi32>
        %select_n3A_2066 = arith.select %eq3A_2046, %and3A_2063, %broadcast_in_dim3A_2065 : vector<16xi1>, vector<16xi32>
        %all_reduce_population_count3A = tpu.all_reduce %eq3A_2046 {dim = 0 : i64, kind = #tpu.reduction_kind<sum>} : vector<16xi1> -> vector<16xi32>
        %add3A_2067 = arith.addi %while3A_2035, %all_reduce_population_count3A : vector<16xi32>
        %add3A_2068 = arith.addi %while3A_2036, %select_n3A_2066 : vector<16xi32>
        scf.yield %add3A_2067, %add3A_2068 : vector<16xi32>, vector<16xi32>
      }
      %while3A_1031 = arith.constant 1 : i32
      %while3A_1032:2 = scf.for %while3A_2034 = %while3A_1028 to %while3A_1024 step %while3A_1031 iter_args(%while3A_2035 = %while3A_1030#0, %while3A_2036 = %while3A_1030#1) -> (vector<16xi32>, vector<16xi32>)  : i32 {
        %mul3A_2037 = arith.constant 16 : i32
        %mul3A_2038 = arith.muli %while3A_2034, %mul3A_2037 : i32
        %get3A = arith.index_cast %mul3A_2038 : i32 to index
        %get3A_2039 = tpu.vector_load %arg5[%get3A] {strides = array<i32>} : memref<33296xi32, #tpu.memory_space<vmem>>, vector<16xi32>,
        %shift_right_logical3A = arith.constant 16 : i32
        %shift_right_logical3A_2040 = vector.broadcast %shift_right_logical3A : i32 to vector<16xi32>
        %shift_right_logical3A_2041 = arith.shrui %get3A_2039, %shift_right_logical3A_2040 : vector<16xi32>
        %and3A_2042 = arith.constant 1 : i32
        %and3A_2043 = vector.broadcast %and3A_2042 : i32 to vector<16xi32>
        %and3A_2044 = arith.andi %shift_right_logical3A_2041, %and3A_2043 : vector<16xi32>
        %eq3A_2045 = vector.broadcast %select_n3A_985 : i32 to vector<16xi32>
        %eq3A_2046 = arith.cmpi eq, %and3A_2044, %eq3A_2045 : vector<16xi32>
        %jit3A_2047 = arith.constant 1 : i32
        %jit3A_2048 = arith.constant 0 : i32
        %broadcast_in_dim3A_2049 = vector.broadcast %jit3A_2047 : i32 to vector<16xi32>
        %broadcast_in_dim3A_2050 = vector.broadcast %jit3A_2048 : i32 to vector<16xi32>
        %select_n3A_2051 = arith.select %eq3A_2046, %broadcast_in_dim3A_2049, %broadcast_in_dim3A_2050 : vector<16xi1>, vector<16xi32>
        %broadcast_in_dim3A_2052 = arith.constant true
        %broadcast_in_dim3A_2053 = vector.broadcast %broadcast_in_dim3A_2052 : i1 to vector<16xi1>
        %masked_cumsum3A = tpu.scan <sum>, %select_n3A_2051 masked %broadcast_in_dim3A_2053 : vector<16xi32>, vector<16xi1> -> vector<16xi32>
        %add3A_2054 = arith.addi %while3A_2035, %masked_cumsum3A : vector<16xi32>
        %sub3A_2055 = arith.constant 1 : i32
        %sub3A_2056 = vector.broadcast %sub3A_2055 : i32 to vector<16xi32>
        %sub3A_2057 = arith.subi %add3A_2054, %sub3A_2056 : vector<16xi32>
        tpu.vector_store_idx %arg6[%sub3A_2057], %get3A_2039 masked %eq3A_2046 : memref<33296xi32, #tpu.memory_space<vmem>>[vector<16xi32>], vector<16xi32>, vector<16xi1>
        %shift_right_logical3A_2058 = arith.constant 15 : i32
        %shift_right_logical3A_2059 = vector.broadcast %shift_right_logical3A_2058 : i32 to vector<16xi32>
        %shift_right_logical3A_2060 = arith.shrui %get3A_2039, %shift_right_logical3A_2059 : vector<16xi32>
        %and3A_2061 = arith.constant 1 : i32
        %and3A_2062 = vector.broadcast %and3A_2061 : i32 to vector<16xi32>
        %and3A_2063 = arith.andi %shift_right_logical3A_2060, %and3A_2062 : vector<16xi32>
        %jit3A_2064 = arith.constant 0 : i32
        %broadcast_in_dim3A_2065 = vector.broadcast %jit3A_2064 : i32 to vector<16xi32>
        %select_n3A_2066 = arith.select %eq3A_2046, %and3A_2063, %broadcast_in_dim3A_2065 : vector<16xi1>, vector<16xi32>
        %all_reduce_population_count3A = tpu.all_reduce %eq3A_2046 {dim = 0 : i64, kind = #tpu.reduction_kind<sum>} : vector<16xi1> -> vector<16xi32>
        %add3A_2067 = arith.addi %while3A_2035, %all_reduce_population_count3A : vector<16xi32>
        %add3A_2068 = arith.addi %while3A_2036, %select_n3A_2066 : vector<16xi32>
        scf.yield %add3A_2067, %add3A_2068 : vector<16xi32>, vector<16xi32>
      }
      %reduce_max3A_1033 = arith.constant true
      %reduce_max3A_1034 = vector.broadcast %reduce_max3A_1033 : i1 to vector<16xi1>
      %reduce_max3A_1035 = arith.constant -2147483648 : i32
      %reduce_max3A_1036 = vector.broadcast %reduce_max3A_1035 : i32 to vector<16xi32>
      %reduce_max3A_1037 = arith.xori %while3A_1032#0, %reduce_max3A_1036 : vector<16xi32>
      %reduce_max3A_1038 = tpu.scan <max>, %reduce_max3A_1037 masked %reduce_max3A_1034 : vector<16xi32>, vector<16xi1> -> vector<16xi32>
      %reduce_max3A_1039 = arith.xori %reduce_max3A_1038, %reduce_max3A_1036 : vector<16xi32>
      %reduce_max3A_1040 = vector.extract %reduce_max3A_1039[15] : i32 from vector<16xi32>
      %iota3A_1041 = tpu.iota {dimensions = array<i32: 0>} : vector<16xi32>
      %add3A_1042 = arith.addi %while3A_1032#0, %iota3A_1041 : vector<16xi32>
      tpu.vector_store_idx %arg6[%add3A_1042], %broadcast_in_dim3A_1 : memref<33296xi32, #tpu.memory_space<vmem>>[vector<16xi32>], vector<16xi32>,
      %reduce_sum3A_1043 = arith.constant true
      %reduce_sum3A_1044 = vector.broadcast %reduce_sum3A_1043 : i1 to vector<16xi1>
      %reduce_sum3A_1045 = tpu.scan <sum>, %while3A_1032#1 masked %reduce_sum3A_1044 : vector<16xi32>, vector<16xi1> -> vector<16xi32>
      %reduce_sum3A_1046 = vector.extract %reduce_sum3A_1045[15] : i32 from vector<16xi32>
      %ge3A_1047 = arith.cmpi sge, %reduce_sum3A_1046, %sub3A_993 : i32
      %jit3A_1048 = arith.constant 1 : i32
      %jit3A_1049 = arith.constant 0 : i32
      %select_n3A_1050 = arith.select %ge3A_1047, %jit3A_1048, %jit3A_1049 : i32
      %shift_left3A_1051 = arith.constant 15 : i32
      %shift_left3A_1052 = arith.shli %select_n3A_1050, %shift_left3A_1051 : i32
      %or3A_1053 = arith.ori %or3A_988, %shift_left3A_1052 : i32
      %eq3A_1054 = arith.constant 0 : i32
      %eq3A_1055 = arith.cmpi eq, %select_n3A_1050, %eq3A_1054 : i32
      %jit3A_1056 = arith.constant 0 : i32
      %select_n3A_1057 = arith.select %eq3A_1055, %reduce_sum3A_1046, %jit3A_1056 : i32
      %sub3A_1058 = arith.subi %sub3A_993, %select_n3A_1057 : i32
      %add3A_1059 = arith.constant 16 : i32
      %add3A_1060 = arith.addi %reduce_max3A_1040, %add3A_1059 : i32
      %sub3A_1061 = arith.constant 1 : i32
      %sub3A_1062 = arith.subi %add3A_1060, %sub3A_1061 : i32
      %jit3A_1063 = arith.constant 16 : i32
      %div3A_1064 = arith.divsi %sub3A_1062, %jit3A_1063 : i32
      %sign3A_1065 = arith.constant 0 : i32
      %sign3A_1066 = arith.cmpi sgt, %sub3A_1062, %sign3A_1065 : i32
      %sign3A_1067 = arith.extui %sign3A_1066 : i1 to i32
      %sign3A_1068 = arith.constant 0 : i32
      %sign3A_1069 = arith.cmpi slt, %sub3A_1062, %sign3A_1068 : i32
      %sign3A_1070 = arith.extui %sign3A_1069 : i1 to i32
      %sign3A_1071 = arith.subi %sign3A_1067, %sign3A_1070 : i32
      %sign3A_1072 = arith.constant 0 : i32
      %sign3A_1073 = arith.cmpi sgt, %jit3A_1063, %sign3A_1072 : i32
      %sign3A_1074 = arith.extui %sign3A_1073 : i1 to i32
      %sign3A_1075 = arith.constant 0 : i32
      %sign3A_1076 = arith.cmpi slt, %jit3A_1063, %sign3A_1075 : i32
      %sign3A_1077 = arith.extui %sign3A_1076 : i1 to i32
      %sign3A_1078 = arith.subi %sign3A_1074, %sign3A_1077 : i32
      %ne3A_1079 = arith.cmpi ne, %sign3A_1071, %sign3A_1078 : i32
      %rem3A_1080 = arith.remsi %sub3A_1062, %jit3A_1063 : i32
      %ne3A_1081 = arith.constant 0 : i32
      %ne3A_1082 = arith.cmpi ne, %rem3A_1080, %ne3A_1081 : i32
      %and3A_1083 = arith.andi %ne3A_1079, %ne3A_1082 : i1
      %sub3A_1084 = arith.constant 1 : i32
      %sub3A_1085 = arith.subi %div3A_1064, %sub3A_1084 : i32
      %select_n3A_1086 = arith.select %and3A_1083, %sub3A_1085, %div3A_1064 : i32
      %while3A_1087 = arith.constant 0 : i32
      %while3A_1088 = arith.subi %select_n3A_1086, %while3A_1087 : i32
      %while3A_1089 = arith.addi %while3A_1087, %while3A_1088 : i32
      %while3A_1090 = arith.constant 1 : i32
      %while3A_1091 = arith.divsi %while3A_1088, %while3A_1090 : i32
      %while3A_1092 = arith.muli %while3A_1091, %while3A_1090 : i32
      %while3A_1093 = arith.addi %while3A_1087, %while3A_1092 : i32
      %while3A_1094 = arith.constant 1 : i32
      %while3A_1095:2 = scf.for %while3A_2034 = %while3A_1087 to %while3A_1093 step %while3A_1094 iter_args(%while3A_2035 = %broadcast_in_dim3A_1, %while3A_2036 = %broadcast_in_dim3A_1) -> (vector<16xi32>, vector<16xi32>)  : i32 {
        %mul3A_2037 = arith.constant 16 : i32
        %mul3A_2038 = arith.muli %while3A_2034, %mul3A_2037 : i32
        %get3A = arith.index_cast %mul3A_2038 : i32 to index
        %get3A_2039 = tpu.vector_load %arg6[%get3A] {strides = array<i32>} : memref<33296xi32, #tpu.memory_space<vmem>>, vector<16xi32>,
        %shift_right_logical3A = arith.constant 15 : i32
        %shift_right_logical3A_2040 = vector.broadcast %shift_right_logical3A : i32 to vector<16xi32>
        %shift_right_logical3A_2041 = arith.shrui %get3A_2039, %shift_right_logical3A_2040 : vector<16xi32>
        %and3A_2042 = arith.constant 1 : i32
        %and3A_2043 = vector.broadcast %and3A_2042 : i32 to vector<16xi32>
        %and3A_2044 = arith.andi %shift_right_logical3A_2041, %and3A_2043 : vector<16xi32>
        %eq3A_2045 = vector.broadcast %select_n3A_1050 : i32 to vector<16xi32>
        %eq3A_2046 = arith.cmpi eq, %and3A_2044, %eq3A_2045 : vector<16xi32>
        %jit3A_2047 = arith.constant 1 : i32
        %jit3A_2048 = arith.constant 0 : i32
        %broadcast_in_dim3A_2049 = vector.broadcast %jit3A_2047 : i32 to vector<16xi32>
        %broadcast_in_dim3A_2050 = vector.broadcast %jit3A_2048 : i32 to vector<16xi32>
        %select_n3A_2051 = arith.select %eq3A_2046, %broadcast_in_dim3A_2049, %broadcast_in_dim3A_2050 : vector<16xi1>, vector<16xi32>
        %broadcast_in_dim3A_2052 = arith.constant true
        %broadcast_in_dim3A_2053 = vector.broadcast %broadcast_in_dim3A_2052 : i1 to vector<16xi1>
        %masked_cumsum3A = tpu.scan <sum>, %select_n3A_2051 masked %broadcast_in_dim3A_2053 : vector<16xi32>, vector<16xi1> -> vector<16xi32>
        %add3A_2054 = arith.addi %while3A_2035, %masked_cumsum3A : vector<16xi32>
        %sub3A_2055 = arith.constant 1 : i32
        %sub3A_2056 = vector.broadcast %sub3A_2055 : i32 to vector<16xi32>
        %sub3A_2057 = arith.subi %add3A_2054, %sub3A_2056 : vector<16xi32>
        tpu.vector_store_idx %arg5[%sub3A_2057], %get3A_2039 masked %eq3A_2046 : memref<33296xi32, #tpu.memory_space<vmem>>[vector<16xi32>], vector<16xi32>, vector<16xi1>
        %shift_right_logical3A_2058 = arith.constant 14 : i32
        %shift_right_logical3A_2059 = vector.broadcast %shift_right_logical3A_2058 : i32 to vector<16xi32>
        %shift_right_logical3A_2060 = arith.shrui %get3A_2039, %shift_right_logical3A_2059 : vector<16xi32>
        %and3A_2061 = arith.constant 1 : i32
        %and3A_2062 = vector.broadcast %and3A_2061 : i32 to vector<16xi32>
        %and3A_2063 = arith.andi %shift_right_logical3A_2060, %and3A_2062 : vector<16xi32>
        %jit3A_2064 = arith.constant 0 : i32
        %broadcast_in_dim3A_2065 = vector.broadcast %jit3A_2064 : i32 to vector<16xi32>
        %select_n3A_2066 = arith.select %eq3A_2046, %and3A_2063, %broadcast_in_dim3A_2065 : vector<16xi1>, vector<16xi32>
        %all_reduce_population_count3A = tpu.all_reduce %eq3A_2046 {dim = 0 : i64, kind = #tpu.reduction_kind<sum>} : vector<16xi1> -> vector<16xi32>
        %add3A_2067 = arith.addi %while3A_2035, %all_reduce_population_count3A : vector<16xi32>
        %add3A_2068 = arith.addi %while3A_2036, %select_n3A_2066 : vector<16xi32>
        scf.yield %add3A_2067, %add3A_2068 : vector<16xi32>, vector<16xi32>
      }
      %while3A_1096 = arith.constant 1 : i32
      %while3A_1097:2 = scf.for %while3A_2034 = %while3A_1093 to %while3A_1089 step %while3A_1096 iter_args(%while3A_2035 = %while3A_1095#0, %while3A_2036 = %while3A_1095#1) -> (vector<16xi32>, vector<16xi32>)  : i32 {
        %mul3A_2037 = arith.constant 16 : i32
        %mul3A_2038 = arith.muli %while3A_2034, %mul3A_2037 : i32
        %get3A = arith.index_cast %mul3A_2038 : i32 to index
        %get3A_2039 = tpu.vector_load %arg6[%get3A] {strides = array<i32>} : memref<33296xi32, #tpu.memory_space<vmem>>, vector<16xi32>,
        %shift_right_logical3A = arith.constant 15 : i32
        %shift_right_logical3A_2040 = vector.broadcast %shift_right_logical3A : i32 to vector<16xi32>
        %shift_right_logical3A_2041 = arith.shrui %get3A_2039, %shift_right_logical3A_2040 : vector<16xi32>
        %and3A_2042 = arith.constant 1 : i32
        %and3A_2043 = vector.broadcast %and3A_2042 : i32 to vector<16xi32>
        %and3A_2044 = arith.andi %shift_right_logical3A_2041, %and3A_2043 : vector<16xi32>
        %eq3A_2045 = vector.broadcast %select_n3A_1050 : i32 to vector<16xi32>
        %eq3A_2046 = arith.cmpi eq, %and3A_2044, %eq3A_2045 : vector<16xi32>
        %jit3A_2047 = arith.constant 1 : i32
        %jit3A_2048 = arith.constant 0 : i32
        %broadcast_in_dim3A_2049 = vector.broadcast %jit3A_2047 : i32 to vector<16xi32>
        %broadcast_in_dim3A_2050 = vector.broadcast %jit3A_2048 : i32 to vector<16xi32>
        %select_n3A_2051 = arith.select %eq3A_2046, %broadcast_in_dim3A_2049, %broadcast_in_dim3A_2050 : vector<16xi1>, vector<16xi32>
        %broadcast_in_dim3A_2052 = arith.constant true
        %broadcast_in_dim3A_2053 = vector.broadcast %broadcast_in_dim3A_2052 : i1 to vector<16xi1>
        %masked_cumsum3A = tpu.scan <sum>, %select_n3A_2051 masked %broadcast_in_dim3A_2053 : vector<16xi32>, vector<16xi1> -> vector<16xi32>
        %add3A_2054 = arith.addi %while3A_2035, %masked_cumsum3A : vector<16xi32>
        %sub3A_2055 = arith.constant 1 : i32
        %sub3A_2056 = vector.broadcast %sub3A_2055 : i32 to vector<16xi32>
        %sub3A_2057 = arith.subi %add3A_2054, %sub3A_2056 : vector<16xi32>
        tpu.vector_store_idx %arg5[%sub3A_2057], %get3A_2039 masked %eq3A_2046 : memref<33296xi32, #tpu.memory_space<vmem>>[vector<16xi32>], vector<16xi32>, vector<16xi1>
        %shift_right_logical3A_2058 = arith.constant 14 : i32
        %shift_right_logical3A_2059 = vector.broadcast %shift_right_logical3A_2058 : i32 to vector<16xi32>
        %shift_right_logical3A_2060 = arith.shrui %get3A_2039, %shift_right_logical3A_2059 : vector<16xi32>
        %and3A_2061 = arith.constant 1 : i32
        %and3A_2062 = vector.broadcast %and3A_2061 : i32 to vector<16xi32>
        %and3A_2063 = arith.andi %shift_right_logical3A_2060, %and3A_2062 : vector<16xi32>
        %jit3A_2064 = arith.constant 0 : i32
        %broadcast_in_dim3A_2065 = vector.broadcast %jit3A_2064 : i32 to vector<16xi32>
        %select_n3A_2066 = arith.select %eq3A_2046, %and3A_2063, %broadcast_in_dim3A_2065 : vector<16xi1>, vector<16xi32>
        %all_reduce_population_count3A = tpu.all_reduce %eq3A_2046 {dim = 0 : i64, kind = #tpu.reduction_kind<sum>} : vector<16xi1> -> vector<16xi32>
        %add3A_2067 = arith.addi %while3A_2035, %all_reduce_population_count3A : vector<16xi32>
        %add3A_2068 = arith.addi %while3A_2036, %select_n3A_2066 : vector<16xi32>
        scf.yield %add3A_2067, %add3A_2068 : vector<16xi32>, vector<16xi32>
      }
      %reduce_max3A_1098 = arith.constant true
      %reduce_max3A_1099 = vector.broadcast %reduce_max3A_1098 : i1 to vector<16xi1>
      %reduce_max3A_1100 = arith.constant -2147483648 : i32
      %reduce_max3A_1101 = vector.broadcast %reduce_max3A_1100 : i32 to vector<16xi32>
      %reduce_max3A_1102 = arith.xori %while3A_1097#0, %reduce_max3A_1101 : vector<16xi32>
      %reduce_max3A_1103 = tpu.scan <max>, %reduce_max3A_1102 masked %reduce_max3A_1099 : vector<16xi32>, vector<16xi1> -> vector<16xi32>
      %reduce_max3A_1104 = arith.xori %reduce_max3A_1103, %reduce_max3A_1101 : vector<16xi32>
      %reduce_max3A_1105 = vector.extract %reduce_max3A_1104[15] : i32 from vector<16xi32>
      %iota3A_1106 = tpu.iota {dimensions = array<i32: 0>} : vector<16xi32>
      %add3A_1107 = arith.addi %while3A_1097#0, %iota3A_1106 : vector<16xi32>
      tpu.vector_store_idx %arg5[%add3A_1107], %broadcast_in_dim3A_1 : memref<33296xi32, #tpu.memory_space<vmem>>[vector<16xi32>], vector<16xi32>,
      %reduce_sum3A_1108 = arith.constant true
      %reduce_sum3A_1109 = vector.broadcast %reduce_sum3A_1108 : i1 to vector<16xi1>
      %reduce_sum3A_1110 = tpu.scan <sum>, %while3A_1097#1 masked %reduce_sum3A_1109 : vector<16xi32>, vector<16xi1> -> vector<16xi32>
      %reduce_sum3A_1111 = vector.extract %reduce_sum3A_1110[15] : i32 from vector<16xi32>
      %ge3A_1112 = arith.cmpi sge, %reduce_sum3A_1111, %sub3A_1058 : i32
      %jit3A_1113 = arith.constant 1 : i32
      %jit3A_1114 = arith.constant 0 : i32
      %select_n3A_1115 = arith.select %ge3A_1112, %jit3A_1113, %jit3A_1114 : i32
      %shift_left3A_1116 = arith.constant 14 : i32
      %shift_left3A_1117 = arith.shli %select_n3A_1115, %shift_left3A_1116 : i32
      %or3A_1118 = arith.ori %or3A_1053, %shift_left3A_1117 : i32
      %eq3A_1119 = arith.constant 0 : i32
      %eq3A_1120 = arith.cmpi eq, %select_n3A_1115, %eq3A_1119 : i32
      %jit3A_1121 = arith.constant 0 : i32
      %select_n3A_1122 = arith.select %eq3A_1120, %reduce_sum3A_1111, %jit3A_1121 : i32
      %sub3A_1123 = arith.subi %sub3A_1058, %select_n3A_1122 : i32
      %add3A_1124 = arith.constant 16 : i32
      %add3A_1125 = arith.addi %reduce_max3A_1105, %add3A_1124 : i32
      %sub3A_1126 = arith.constant 1 : i32
      %sub3A_1127 = arith.subi %add3A_1125, %sub3A_1126 : i32
      %jit3A_1128 = arith.constant 16 : i32
      %div3A_1129 = arith.divsi %sub3A_1127, %jit3A_1128 : i32
      %sign3A_1130 = arith.constant 0 : i32
      %sign3A_1131 = arith.cmpi sgt, %sub3A_1127, %sign3A_1130 : i32
      %sign3A_1132 = arith.extui %sign3A_1131 : i1 to i32
      %sign3A_1133 = arith.constant 0 : i32
      %sign3A_1134 = arith.cmpi slt, %sub3A_1127, %sign3A_1133 : i32
      %sign3A_1135 = arith.extui %sign3A_1134 : i1 to i32
      %sign3A_1136 = arith.subi %sign3A_1132, %sign3A_1135 : i32
      %sign3A_1137 = arith.constant 0 : i32
      %sign3A_1138 = arith.cmpi sgt, %jit3A_1128, %sign3A_1137 : i32
      %sign3A_1139 = arith.extui %sign3A_1138 : i1 to i32
      %sign3A_1140 = arith.constant 0 : i32
      %sign3A_1141 = arith.cmpi slt, %jit3A_1128, %sign3A_1140 : i32
      %sign3A_1142 = arith.extui %sign3A_1141 : i1 to i32
      %sign3A_1143 = arith.subi %sign3A_1139, %sign3A_1142 : i32
      %ne3A_1144 = arith.cmpi ne, %sign3A_1136, %sign3A_1143 : i32
      %rem3A_1145 = arith.remsi %sub3A_1127, %jit3A_1128 : i32
      %ne3A_1146 = arith.constant 0 : i32
      %ne3A_1147 = arith.cmpi ne, %rem3A_1145, %ne3A_1146 : i32
      %and3A_1148 = arith.andi %ne3A_1144, %ne3A_1147 : i1
      %sub3A_1149 = arith.constant 1 : i32
      %sub3A_1150 = arith.subi %div3A_1129, %sub3A_1149 : i32
      %select_n3A_1151 = arith.select %and3A_1148, %sub3A_1150, %div3A_1129 : i32
      %while3A_1152 = arith.constant 0 : i32
      %while3A_1153 = arith.subi %select_n3A_1151, %while3A_1152 : i32
      %while3A_1154 = arith.addi %while3A_1152, %while3A_1153 : i32
      %while3A_1155 = arith.constant 1 : i32
      %while3A_1156 = arith.divsi %while3A_1153, %while3A_1155 : i32
      %while3A_1157 = arith.muli %while3A_1156, %while3A_1155 : i32
      %while3A_1158 = arith.addi %while3A_1152, %while3A_1157 : i32
      %while3A_1159 = arith.constant 1 : i32
      %while3A_1160:2 = scf.for %while3A_2034 = %while3A_1152 to %while3A_1158 step %while3A_1159 iter_args(%while3A_2035 = %broadcast_in_dim3A_1, %while3A_2036 = %broadcast_in_dim3A_1) -> (vector<16xi32>, vector<16xi32>)  : i32 {
        %mul3A_2037 = arith.constant 16 : i32
        %mul3A_2038 = arith.muli %while3A_2034, %mul3A_2037 : i32
        %get3A = arith.index_cast %mul3A_2038 : i32 to index
        %get3A_2039 = tpu.vector_load %arg5[%get3A] {strides = array<i32>} : memref<33296xi32, #tpu.memory_space<vmem>>, vector<16xi32>,
        %shift_right_logical3A = arith.constant 14 : i32
        %shift_right_logical3A_2040 = vector.broadcast %shift_right_logical3A : i32 to vector<16xi32>
        %shift_right_logical3A_2041 = arith.shrui %get3A_2039, %shift_right_logical3A_2040 : vector<16xi32>
        %and3A_2042 = arith.constant 1 : i32
        %and3A_2043 = vector.broadcast %and3A_2042 : i32 to vector<16xi32>
        %and3A_2044 = arith.andi %shift_right_logical3A_2041, %and3A_2043 : vector<16xi32>
        %eq3A_2045 = vector.broadcast %select_n3A_1115 : i32 to vector<16xi32>
        %eq3A_2046 = arith.cmpi eq, %and3A_2044, %eq3A_2045 : vector<16xi32>
        %jit3A_2047 = arith.constant 1 : i32
        %jit3A_2048 = arith.constant 0 : i32
        %broadcast_in_dim3A_2049 = vector.broadcast %jit3A_2047 : i32 to vector<16xi32>
        %broadcast_in_dim3A_2050 = vector.broadcast %jit3A_2048 : i32 to vector<16xi32>
        %select_n3A_2051 = arith.select %eq3A_2046, %broadcast_in_dim3A_2049, %broadcast_in_dim3A_2050 : vector<16xi1>, vector<16xi32>
        %broadcast_in_dim3A_2052 = arith.constant true
        %broadcast_in_dim3A_2053 = vector.broadcast %broadcast_in_dim3A_2052 : i1 to vector<16xi1>
        %masked_cumsum3A = tpu.scan <sum>, %select_n3A_2051 masked %broadcast_in_dim3A_2053 : vector<16xi32>, vector<16xi1> -> vector<16xi32>
        %add3A_2054 = arith.addi %while3A_2035, %masked_cumsum3A : vector<16xi32>
        %sub3A_2055 = arith.constant 1 : i32
        %sub3A_2056 = vector.broadcast %sub3A_2055 : i32 to vector<16xi32>
        %sub3A_2057 = arith.subi %add3A_2054, %sub3A_2056 : vector<16xi32>
        tpu.vector_store_idx %arg6[%sub3A_2057], %get3A_2039 masked %eq3A_2046 : memref<33296xi32, #tpu.memory_space<vmem>>[vector<16xi32>], vector<16xi32>, vector<16xi1>
        %shift_right_logical3A_2058 = arith.constant 13 : i32
        %shift_right_logical3A_2059 = vector.broadcast %shift_right_logical3A_2058 : i32 to vector<16xi32>
        %shift_right_logical3A_2060 = arith.shrui %get3A_2039, %shift_right_logical3A_2059 : vector<16xi32>
        %and3A_2061 = arith.constant 1 : i32
        %and3A_2062 = vector.broadcast %and3A_2061 : i32 to vector<16xi32>
        %and3A_2063 = arith.andi %shift_right_logical3A_2060, %and3A_2062 : vector<16xi32>
        %jit3A_2064 = arith.constant 0 : i32
        %broadcast_in_dim3A_2065 = vector.broadcast %jit3A_2064 : i32 to vector<16xi32>
        %select_n3A_2066 = arith.select %eq3A_2046, %and3A_2063, %broadcast_in_dim3A_2065 : vector<16xi1>, vector<16xi32>
        %all_reduce_population_count3A = tpu.all_reduce %eq3A_2046 {dim = 0 : i64, kind = #tpu.reduction_kind<sum>} : vector<16xi1> -> vector<16xi32>
        %add3A_2067 = arith.addi %while3A_2035, %all_reduce_population_count3A : vector<16xi32>
        %add3A_2068 = arith.addi %while3A_2036, %select_n3A_2066 : vector<16xi32>
        scf.yield %add3A_2067, %add3A_2068 : vector<16xi32>, vector<16xi32>
      }
      %while3A_1161 = arith.constant 1 : i32
      %while3A_1162:2 = scf.for %while3A_2034 = %while3A_1158 to %while3A_1154 step %while3A_1161 iter_args(%while3A_2035 = %while3A_1160#0, %while3A_2036 = %while3A_1160#1) -> (vector<16xi32>, vector<16xi32>)  : i32 {
        %mul3A_2037 = arith.constant 16 : i32
        %mul3A_2038 = arith.muli %while3A_2034, %mul3A_2037 : i32
        %get3A = arith.index_cast %mul3A_2038 : i32 to index
        %get3A_2039 = tpu.vector_load %arg5[%get3A] {strides = array<i32>} : memref<33296xi32, #tpu.memory_space<vmem>>, vector<16xi32>,
        %shift_right_logical3A = arith.constant 14 : i32
        %shift_right_logical3A_2040 = vector.broadcast %shift_right_logical3A : i32 to vector<16xi32>
        %shift_right_logical3A_2041 = arith.shrui %get3A_2039, %shift_right_logical3A_2040 : vector<16xi32>
        %and3A_2042 = arith.constant 1 : i32
        %and3A_2043 = vector.broadcast %and3A_2042 : i32 to vector<16xi32>
        %and3A_2044 = arith.andi %shift_right_logical3A_2041, %and3A_2043 : vector<16xi32>
        %eq3A_2045 = vector.broadcast %select_n3A_1115 : i32 to vector<16xi32>
        %eq3A_2046 = arith.cmpi eq, %and3A_2044, %eq3A_2045 : vector<16xi32>
        %jit3A_2047 = arith.constant 1 : i32
        %jit3A_2048 = arith.constant 0 : i32
        %broadcast_in_dim3A_2049 = vector.broadcast %jit3A_2047 : i32 to vector<16xi32>
        %broadcast_in_dim3A_2050 = vector.broadcast %jit3A_2048 : i32 to vector<16xi32>
        %select_n3A_2051 = arith.select %eq3A_2046, %broadcast_in_dim3A_2049, %broadcast_in_dim3A_2050 : vector<16xi1>, vector<16xi32>
        %broadcast_in_dim3A_2052 = arith.constant true
        %broadcast_in_dim3A_2053 = vector.broadcast %broadcast_in_dim3A_2052 : i1 to vector<16xi1>
        %masked_cumsum3A = tpu.scan <sum>, %select_n3A_2051 masked %broadcast_in_dim3A_2053 : vector<16xi32>, vector<16xi1> -> vector<16xi32>
        %add3A_2054 = arith.addi %while3A_2035, %masked_cumsum3A : vector<16xi32>
        %sub3A_2055 = arith.constant 1 : i32
        %sub3A_2056 = vector.broadcast %sub3A_2055 : i32 to vector<16xi32>
        %sub3A_2057 = arith.subi %add3A_2054, %sub3A_2056 : vector<16xi32>
        tpu.vector_store_idx %arg6[%sub3A_2057], %get3A_2039 masked %eq3A_2046 : memref<33296xi32, #tpu.memory_space<vmem>>[vector<16xi32>], vector<16xi32>, vector<16xi1>
        %shift_right_logical3A_2058 = arith.constant 13 : i32
        %shift_right_logical3A_2059 = vector.broadcast %shift_right_logical3A_2058 : i32 to vector<16xi32>
        %shift_right_logical3A_2060 = arith.shrui %get3A_2039, %shift_right_logical3A_2059 : vector<16xi32>
        %and3A_2061 = arith.constant 1 : i32
        %and3A_2062 = vector.broadcast %and3A_2061 : i32 to vector<16xi32>
        %and3A_2063 = arith.andi %shift_right_logical3A_2060, %and3A_2062 : vector<16xi32>
        %jit3A_2064 = arith.constant 0 : i32
        %broadcast_in_dim3A_2065 = vector.broadcast %jit3A_2064 : i32 to vector<16xi32>
        %select_n3A_2066 = arith.select %eq3A_2046, %and3A_2063, %broadcast_in_dim3A_2065 : vector<16xi1>, vector<16xi32>
        %all_reduce_population_count3A = tpu.all_reduce %eq3A_2046 {dim = 0 : i64, kind = #tpu.reduction_kind<sum>} : vector<16xi1> -> vector<16xi32>
        %add3A_2067 = arith.addi %while3A_2035, %all_reduce_population_count3A : vector<16xi32>
        %add3A_2068 = arith.addi %while3A_2036, %select_n3A_2066 : vector<16xi32>
        scf.yield %add3A_2067, %add3A_2068 : vector<16xi32>, vector<16xi32>
      }
      %reduce_max3A_1163 = arith.constant true
      %reduce_max3A_1164 = vector.broadcast %reduce_max3A_1163 : i1 to vector<16xi1>
      %reduce_max3A_1165 = arith.constant -2147483648 : i32
      %reduce_max3A_1166 = vector.broadcast %reduce_max3A_1165 : i32 to vector<16xi32>
      %reduce_max3A_1167 = arith.xori %while3A_1162#0, %reduce_max3A_1166 : vector<16xi32>
      %reduce_max3A_1168 = tpu.scan <max>, %reduce_max3A_1167 masked %reduce_max3A_1164 : vector<16xi32>, vector<16xi1> -> vector<16xi32>
      %reduce_max3A_1169 = arith.xori %reduce_max3A_1168, %reduce_max3A_1166 : vector<16xi32>
      %reduce_max3A_1170 = vector.extract %reduce_max3A_1169[15] : i32 from vector<16xi32>
      %iota3A_1171 = tpu.iota {dimensions = array<i32: 0>} : vector<16xi32>
      %add3A_1172 = arith.addi %while3A_1162#0, %iota3A_1171 : vector<16xi32>
      tpu.vector_store_idx %arg6[%add3A_1172], %broadcast_in_dim3A_1 : memref<33296xi32, #tpu.memory_space<vmem>>[vector<16xi32>], vector<16xi32>,
      %reduce_sum3A_1173 = arith.constant true
      %reduce_sum3A_1174 = vector.broadcast %reduce_sum3A_1173 : i1 to vector<16xi1>
      %reduce_sum3A_1175 = tpu.scan <sum>, %while3A_1162#1 masked %reduce_sum3A_1174 : vector<16xi32>, vector<16xi1> -> vector<16xi32>
      %reduce_sum3A_1176 = vector.extract %reduce_sum3A_1175[15] : i32 from vector<16xi32>
      %ge3A_1177 = arith.cmpi sge, %reduce_sum3A_1176, %sub3A_1123 : i32
      %jit3A_1178 = arith.constant 1 : i32
      %jit3A_1179 = arith.constant 0 : i32
      %select_n3A_1180 = arith.select %ge3A_1177, %jit3A_1178, %jit3A_1179 : i32
      %shift_left3A_1181 = arith.constant 13 : i32
      %shift_left3A_1182 = arith.shli %select_n3A_1180, %shift_left3A_1181 : i32
      %or3A_1183 = arith.ori %or3A_1118, %shift_left3A_1182 : i32
      %eq3A_1184 = arith.constant 0 : i32
      %eq3A_1185 = arith.cmpi eq, %select_n3A_1180, %eq3A_1184 : i32
      %jit3A_1186 = arith.constant 0 : i32
      %select_n3A_1187 = arith.select %eq3A_1185, %reduce_sum3A_1176, %jit3A_1186 : i32
      %sub3A_1188 = arith.subi %sub3A_1123, %select_n3A_1187 : i32
      %add3A_1189 = arith.constant 16 : i32
      %add3A_1190 = arith.addi %reduce_max3A_1170, %add3A_1189 : i32
      %sub3A_1191 = arith.constant 1 : i32
      %sub3A_1192 = arith.subi %add3A_1190, %sub3A_1191 : i32
      %jit3A_1193 = arith.constant 16 : i32
      %div3A_1194 = arith.divsi %sub3A_1192, %jit3A_1193 : i32
      %sign3A_1195 = arith.constant 0 : i32
      %sign3A_1196 = arith.cmpi sgt, %sub3A_1192, %sign3A_1195 : i32
      %sign3A_1197 = arith.extui %sign3A_1196 : i1 to i32
      %sign3A_1198 = arith.constant 0 : i32
      %sign3A_1199 = arith.cmpi slt, %sub3A_1192, %sign3A_1198 : i32
      %sign3A_1200 = arith.extui %sign3A_1199 : i1 to i32
      %sign3A_1201 = arith.subi %sign3A_1197, %sign3A_1200 : i32
      %sign3A_1202 = arith.constant 0 : i32
      %sign3A_1203 = arith.cmpi sgt, %jit3A_1193, %sign3A_1202 : i32
      %sign3A_1204 = arith.extui %sign3A_1203 : i1 to i32
      %sign3A_1205 = arith.constant 0 : i32
      %sign3A_1206 = arith.cmpi slt, %jit3A_1193, %sign3A_1205 : i32
      %sign3A_1207 = arith.extui %sign3A_1206 : i1 to i32
      %sign3A_1208 = arith.subi %sign3A_1204, %sign3A_1207 : i32
      %ne3A_1209 = arith.cmpi ne, %sign3A_1201, %sign3A_1208 : i32
      %rem3A_1210 = arith.remsi %sub3A_1192, %jit3A_1193 : i32
      %ne3A_1211 = arith.constant 0 : i32
      %ne3A_1212 = arith.cmpi ne, %rem3A_1210, %ne3A_1211 : i32
      %and3A_1213 = arith.andi %ne3A_1209, %ne3A_1212 : i1
      %sub3A_1214 = arith.constant 1 : i32
      %sub3A_1215 = arith.subi %div3A_1194, %sub3A_1214 : i32
      %select_n3A_1216 = arith.select %and3A_1213, %sub3A_1215, %div3A_1194 : i32
      %while3A_1217 = arith.constant 0 : i32
      %while3A_1218 = arith.subi %select_n3A_1216, %while3A_1217 : i32
      %while3A_1219 = arith.addi %while3A_1217, %while3A_1218 : i32
      %while3A_1220 = arith.constant 1 : i32
      %while3A_1221 = arith.divsi %while3A_1218, %while3A_1220 : i32
      %while3A_1222 = arith.muli %while3A_1221, %while3A_1220 : i32
      %while3A_1223 = arith.addi %while3A_1217, %while3A_1222 : i32
      %while3A_1224 = arith.constant 1 : i32
      %while3A_1225:2 = scf.for %while3A_2034 = %while3A_1217 to %while3A_1223 step %while3A_1224 iter_args(%while3A_2035 = %broadcast_in_dim3A_1, %while3A_2036 = %broadcast_in_dim3A_1) -> (vector<16xi32>, vector<16xi32>)  : i32 {
        %mul3A_2037 = arith.constant 16 : i32
        %mul3A_2038 = arith.muli %while3A_2034, %mul3A_2037 : i32
        %get3A = arith.index_cast %mul3A_2038 : i32 to index
        %get3A_2039 = tpu.vector_load %arg6[%get3A] {strides = array<i32>} : memref<33296xi32, #tpu.memory_space<vmem>>, vector<16xi32>,
        %shift_right_logical3A = arith.constant 13 : i32
        %shift_right_logical3A_2040 = vector.broadcast %shift_right_logical3A : i32 to vector<16xi32>
        %shift_right_logical3A_2041 = arith.shrui %get3A_2039, %shift_right_logical3A_2040 : vector<16xi32>
        %and3A_2042 = arith.constant 1 : i32
        %and3A_2043 = vector.broadcast %and3A_2042 : i32 to vector<16xi32>
        %and3A_2044 = arith.andi %shift_right_logical3A_2041, %and3A_2043 : vector<16xi32>
        %eq3A_2045 = vector.broadcast %select_n3A_1180 : i32 to vector<16xi32>
        %eq3A_2046 = arith.cmpi eq, %and3A_2044, %eq3A_2045 : vector<16xi32>
        %jit3A_2047 = arith.constant 1 : i32
        %jit3A_2048 = arith.constant 0 : i32
        %broadcast_in_dim3A_2049 = vector.broadcast %jit3A_2047 : i32 to vector<16xi32>
        %broadcast_in_dim3A_2050 = vector.broadcast %jit3A_2048 : i32 to vector<16xi32>
        %select_n3A_2051 = arith.select %eq3A_2046, %broadcast_in_dim3A_2049, %broadcast_in_dim3A_2050 : vector<16xi1>, vector<16xi32>
        %broadcast_in_dim3A_2052 = arith.constant true
        %broadcast_in_dim3A_2053 = vector.broadcast %broadcast_in_dim3A_2052 : i1 to vector<16xi1>
        %masked_cumsum3A = tpu.scan <sum>, %select_n3A_2051 masked %broadcast_in_dim3A_2053 : vector<16xi32>, vector<16xi1> -> vector<16xi32>
        %add3A_2054 = arith.addi %while3A_2035, %masked_cumsum3A : vector<16xi32>
        %sub3A_2055 = arith.constant 1 : i32
        %sub3A_2056 = vector.broadcast %sub3A_2055 : i32 to vector<16xi32>
        %sub3A_2057 = arith.subi %add3A_2054, %sub3A_2056 : vector<16xi32>
        tpu.vector_store_idx %arg5[%sub3A_2057], %get3A_2039 masked %eq3A_2046 : memref<33296xi32, #tpu.memory_space<vmem>>[vector<16xi32>], vector<16xi32>, vector<16xi1>
        %shift_right_logical3A_2058 = arith.constant 12 : i32
        %shift_right_logical3A_2059 = vector.broadcast %shift_right_logical3A_2058 : i32 to vector<16xi32>
        %shift_right_logical3A_2060 = arith.shrui %get3A_2039, %shift_right_logical3A_2059 : vector<16xi32>
        %and3A_2061 = arith.constant 1 : i32
        %and3A_2062 = vector.broadcast %and3A_2061 : i32 to vector<16xi32>
        %and3A_2063 = arith.andi %shift_right_logical3A_2060, %and3A_2062 : vector<16xi32>
        %jit3A_2064 = arith.constant 0 : i32
        %broadcast_in_dim3A_2065 = vector.broadcast %jit3A_2064 : i32 to vector<16xi32>
        %select_n3A_2066 = arith.select %eq3A_2046, %and3A_2063, %broadcast_in_dim3A_2065 : vector<16xi1>, vector<16xi32>
        %all_reduce_population_count3A = tpu.all_reduce %eq3A_2046 {dim = 0 : i64, kind = #tpu.reduction_kind<sum>} : vector<16xi1> -> vector<16xi32>
        %add3A_2067 = arith.addi %while3A_2035, %all_reduce_population_count3A : vector<16xi32>
        %add3A_2068 = arith.addi %while3A_2036, %select_n3A_2066 : vector<16xi32>
        scf.yield %add3A_2067, %add3A_2068 : vector<16xi32>, vector<16xi32>
      }
      %while3A_1226 = arith.constant 1 : i32
      %while3A_1227:2 = scf.for %while3A_2034 = %while3A_1223 to %while3A_1219 step %while3A_1226 iter_args(%while3A_2035 = %while3A_1225#0, %while3A_2036 = %while3A_1225#1) -> (vector<16xi32>, vector<16xi32>)  : i32 {
        %mul3A_2037 = arith.constant 16 : i32
        %mul3A_2038 = arith.muli %while3A_2034, %mul3A_2037 : i32
        %get3A = arith.index_cast %mul3A_2038 : i32 to index
        %get3A_2039 = tpu.vector_load %arg6[%get3A] {strides = array<i32>} : memref<33296xi32, #tpu.memory_space<vmem>>, vector<16xi32>,
        %shift_right_logical3A = arith.constant 13 : i32
        %shift_right_logical3A_2040 = vector.broadcast %shift_right_logical3A : i32 to vector<16xi32>
        %shift_right_logical3A_2041 = arith.shrui %get3A_2039, %shift_right_logical3A_2040 : vector<16xi32>
        %and3A_2042 = arith.constant 1 : i32
        %and3A_2043 = vector.broadcast %and3A_2042 : i32 to vector<16xi32>
        %and3A_2044 = arith.andi %shift_right_logical3A_2041, %and3A_2043 : vector<16xi32>
        %eq3A_2045 = vector.broadcast %select_n3A_1180 : i32 to vector<16xi32>
        %eq3A_2046 = arith.cmpi eq, %and3A_2044, %eq3A_2045 : vector<16xi32>
        %jit3A_2047 = arith.constant 1 : i32
        %jit3A_2048 = arith.constant 0 : i32
        %broadcast_in_dim3A_2049 = vector.broadcast %jit3A_2047 : i32 to vector<16xi32>
        %broadcast_in_dim3A_2050 = vector.broadcast %jit3A_2048 : i32 to vector<16xi32>
        %select_n3A_2051 = arith.select %eq3A_2046, %broadcast_in_dim3A_2049, %broadcast_in_dim3A_2050 : vector<16xi1>, vector<16xi32>
        %broadcast_in_dim3A_2052 = arith.constant true
        %broadcast_in_dim3A_2053 = vector.broadcast %broadcast_in_dim3A_2052 : i1 to vector<16xi1>
        %masked_cumsum3A = tpu.scan <sum>, %select_n3A_2051 masked %broadcast_in_dim3A_2053 : vector<16xi32>, vector<16xi1> -> vector<16xi32>
        %add3A_2054 = arith.addi %while3A_2035, %masked_cumsum3A : vector<16xi32>
        %sub3A_2055 = arith.constant 1 : i32
        %sub3A_2056 = vector.broadcast %sub3A_2055 : i32 to vector<16xi32>
        %sub3A_2057 = arith.subi %add3A_2054, %sub3A_2056 : vector<16xi32>
        tpu.vector_store_idx %arg5[%sub3A_2057], %get3A_2039 masked %eq3A_2046 : memref<33296xi32, #tpu.memory_space<vmem>>[vector<16xi32>], vector<16xi32>, vector<16xi1>
        %shift_right_logical3A_2058 = arith.constant 12 : i32
        %shift_right_logical3A_2059 = vector.broadcast %shift_right_logical3A_2058 : i32 to vector<16xi32>
        %shift_right_logical3A_2060 = arith.shrui %get3A_2039, %shift_right_logical3A_2059 : vector<16xi32>
        %and3A_2061 = arith.constant 1 : i32
        %and3A_2062 = vector.broadcast %and3A_2061 : i32 to vector<16xi32>
        %and3A_2063 = arith.andi %shift_right_logical3A_2060, %and3A_2062 : vector<16xi32>
        %jit3A_2064 = arith.constant 0 : i32
        %broadcast_in_dim3A_2065 = vector.broadcast %jit3A_2064 : i32 to vector<16xi32>
        %select_n3A_2066 = arith.select %eq3A_2046, %and3A_2063, %broadcast_in_dim3A_2065 : vector<16xi1>, vector<16xi32>
        %all_reduce_population_count3A = tpu.all_reduce %eq3A_2046 {dim = 0 : i64, kind = #tpu.reduction_kind<sum>} : vector<16xi1> -> vector<16xi32>
        %add3A_2067 = arith.addi %while3A_2035, %all_reduce_population_count3A : vector<16xi32>
        %add3A_2068 = arith.addi %while3A_2036, %select_n3A_2066 : vector<16xi32>
        scf.yield %add3A_2067, %add3A_2068 : vector<16xi32>, vector<16xi32>
      }
      %reduce_max3A_1228 = arith.constant true
      %reduce_max3A_1229 = vector.broadcast %reduce_max3A_1228 : i1 to vector<16xi1>
      %reduce_max3A_1230 = arith.constant -2147483648 : i32
      %reduce_max3A_1231 = vector.broadcast %reduce_max3A_1230 : i32 to vector<16xi32>
      %reduce_max3A_1232 = arith.xori %while3A_1227#0, %reduce_max3A_1231 : vector<16xi32>
      %reduce_max3A_1233 = tpu.scan <max>, %reduce_max3A_1232 masked %reduce_max3A_1229 : vector<16xi32>, vector<16xi1> -> vector<16xi32>
      %reduce_max3A_1234 = arith.xori %reduce_max3A_1233, %reduce_max3A_1231 : vector<16xi32>
      %reduce_max3A_1235 = vector.extract %reduce_max3A_1234[15] : i32 from vector<16xi32>
      %iota3A_1236 = tpu.iota {dimensions = array<i32: 0>} : vector<16xi32>
      %add3A_1237 = arith.addi %while3A_1227#0, %iota3A_1236 : vector<16xi32>
      tpu.vector_store_idx %arg5[%add3A_1237], %broadcast_in_dim3A_1 : memref<33296xi32, #tpu.memory_space<vmem>>[vector<16xi32>], vector<16xi32>,
      %reduce_sum3A_1238 = arith.constant true
      %reduce_sum3A_1239 = vector.broadcast %reduce_sum3A_1238 : i1 to vector<16xi1>
      %reduce_sum3A_1240 = tpu.scan <sum>, %while3A_1227#1 masked %reduce_sum3A_1239 : vector<16xi32>, vector<16xi1> -> vector<16xi32>
      %reduce_sum3A_1241 = vector.extract %reduce_sum3A_1240[15] : i32 from vector<16xi32>
      %ge3A_1242 = arith.cmpi sge, %reduce_sum3A_1241, %sub3A_1188 : i32
      %jit3A_1243 = arith.constant 1 : i32
      %jit3A_1244 = arith.constant 0 : i32
      %select_n3A_1245 = arith.select %ge3A_1242, %jit3A_1243, %jit3A_1244 : i32
      %shift_left3A_1246 = arith.constant 12 : i32
      %shift_left3A_1247 = arith.shli %select_n3A_1245, %shift_left3A_1246 : i32
      %or3A_1248 = arith.ori %or3A_1183, %shift_left3A_1247 : i32
      %eq3A_1249 = arith.constant 0 : i32
      %eq3A_1250 = arith.cmpi eq, %select_n3A_1245, %eq3A_1249 : i32
      %jit3A_1251 = arith.constant 0 : i32
      %select_n3A_1252 = arith.select %eq3A_1250, %reduce_sum3A_1241, %jit3A_1251 : i32
      %sub3A_1253 = arith.subi %sub3A_1188, %select_n3A_1252 : i32
      %add3A_1254 = arith.constant 16 : i32
      %add3A_1255 = arith.addi %reduce_max3A_1235, %add3A_1254 : i32
      %sub3A_1256 = arith.constant 1 : i32
      %sub3A_1257 = arith.subi %add3A_1255, %sub3A_1256 : i32
      %jit3A_1258 = arith.constant 16 : i32
      %div3A_1259 = arith.divsi %sub3A_1257, %jit3A_1258 : i32
      %sign3A_1260 = arith.constant 0 : i32
      %sign3A_1261 = arith.cmpi sgt, %sub3A_1257, %sign3A_1260 : i32
      %sign3A_1262 = arith.extui %sign3A_1261 : i1 to i32
      %sign3A_1263 = arith.constant 0 : i32
      %sign3A_1264 = arith.cmpi slt, %sub3A_1257, %sign3A_1263 : i32
      %sign3A_1265 = arith.extui %sign3A_1264 : i1 to i32
      %sign3A_1266 = arith.subi %sign3A_1262, %sign3A_1265 : i32
      %sign3A_1267 = arith.constant 0 : i32
      %sign3A_1268 = arith.cmpi sgt, %jit3A_1258, %sign3A_1267 : i32
      %sign3A_1269 = arith.extui %sign3A_1268 : i1 to i32
      %sign3A_1270 = arith.constant 0 : i32
      %sign3A_1271 = arith.cmpi slt, %jit3A_1258, %sign3A_1270 : i32
      %sign3A_1272 = arith.extui %sign3A_1271 : i1 to i32
      %sign3A_1273 = arith.subi %sign3A_1269, %sign3A_1272 : i32
      %ne3A_1274 = arith.cmpi ne, %sign3A_1266, %sign3A_1273 : i32
      %rem3A_1275 = arith.remsi %sub3A_1257, %jit3A_1258 : i32
      %ne3A_1276 = arith.constant 0 : i32
      %ne3A_1277 = arith.cmpi ne, %rem3A_1275, %ne3A_1276 : i32
      %and3A_1278 = arith.andi %ne3A_1274, %ne3A_1277 : i1
      %sub3A_1279 = arith.constant 1 : i32
      %sub3A_1280 = arith.subi %div3A_1259, %sub3A_1279 : i32
      %select_n3A_1281 = arith.select %and3A_1278, %sub3A_1280, %div3A_1259 : i32
      %while3A_1282 = arith.constant 0 : i32
      %while3A_1283 = arith.subi %select_n3A_1281, %while3A_1282 : i32
      %while3A_1284 = arith.addi %while3A_1282, %while3A_1283 : i32
      %while3A_1285 = arith.constant 1 : i32
      %while3A_1286 = arith.divsi %while3A_1283, %while3A_1285 : i32
      %while3A_1287 = arith.muli %while3A_1286, %while3A_1285 : i32
      %while3A_1288 = arith.addi %while3A_1282, %while3A_1287 : i32
      %while3A_1289 = arith.constant 1 : i32
      %while3A_1290:2 = scf.for %while3A_2034 = %while3A_1282 to %while3A_1288 step %while3A_1289 iter_args(%while3A_2035 = %broadcast_in_dim3A_1, %while3A_2036 = %broadcast_in_dim3A_1) -> (vector<16xi32>, vector<16xi32>)  : i32 {
        %mul3A_2037 = arith.constant 16 : i32
        %mul3A_2038 = arith.muli %while3A_2034, %mul3A_2037 : i32
        %get3A = arith.index_cast %mul3A_2038 : i32 to index
        %get3A_2039 = tpu.vector_load %arg5[%get3A] {strides = array<i32>} : memref<33296xi32, #tpu.memory_space<vmem>>, vector<16xi32>,
        %shift_right_logical3A = arith.constant 12 : i32
        %shift_right_logical3A_2040 = vector.broadcast %shift_right_logical3A : i32 to vector<16xi32>
        %shift_right_logical3A_2041 = arith.shrui %get3A_2039, %shift_right_logical3A_2040 : vector<16xi32>
        %and3A_2042 = arith.constant 1 : i32
        %and3A_2043 = vector.broadcast %and3A_2042 : i32 to vector<16xi32>
        %and3A_2044 = arith.andi %shift_right_logical3A_2041, %and3A_2043 : vector<16xi32>
        %eq3A_2045 = vector.broadcast %select_n3A_1245 : i32 to vector<16xi32>
        %eq3A_2046 = arith.cmpi eq, %and3A_2044, %eq3A_2045 : vector<16xi32>
        %jit3A_2047 = arith.constant 1 : i32
        %jit3A_2048 = arith.constant 0 : i32
        %broadcast_in_dim3A_2049 = vector.broadcast %jit3A_2047 : i32 to vector<16xi32>
        %broadcast_in_dim3A_2050 = vector.broadcast %jit3A_2048 : i32 to vector<16xi32>
        %select_n3A_2051 = arith.select %eq3A_2046, %broadcast_in_dim3A_2049, %broadcast_in_dim3A_2050 : vector<16xi1>, vector<16xi32>
        %broadcast_in_dim3A_2052 = arith.constant true
        %broadcast_in_dim3A_2053 = vector.broadcast %broadcast_in_dim3A_2052 : i1 to vector<16xi1>
        %masked_cumsum3A = tpu.scan <sum>, %select_n3A_2051 masked %broadcast_in_dim3A_2053 : vector<16xi32>, vector<16xi1> -> vector<16xi32>
        %add3A_2054 = arith.addi %while3A_2035, %masked_cumsum3A : vector<16xi32>
        %sub3A_2055 = arith.constant 1 : i32
        %sub3A_2056 = vector.broadcast %sub3A_2055 : i32 to vector<16xi32>
        %sub3A_2057 = arith.subi %add3A_2054, %sub3A_2056 : vector<16xi32>
        tpu.vector_store_idx %arg6[%sub3A_2057], %get3A_2039 masked %eq3A_2046 : memref<33296xi32, #tpu.memory_space<vmem>>[vector<16xi32>], vector<16xi32>, vector<16xi1>
        %shift_right_logical3A_2058 = arith.constant 11 : i32
        %shift_right_logical3A_2059 = vector.broadcast %shift_right_logical3A_2058 : i32 to vector<16xi32>
        %shift_right_logical3A_2060 = arith.shrui %get3A_2039, %shift_right_logical3A_2059 : vector<16xi32>
        %and3A_2061 = arith.constant 1 : i32
        %and3A_2062 = vector.broadcast %and3A_2061 : i32 to vector<16xi32>
        %and3A_2063 = arith.andi %shift_right_logical3A_2060, %and3A_2062 : vector<16xi32>
        %jit3A_2064 = arith.constant 0 : i32
        %broadcast_in_dim3A_2065 = vector.broadcast %jit3A_2064 : i32 to vector<16xi32>
        %select_n3A_2066 = arith.select %eq3A_2046, %and3A_2063, %broadcast_in_dim3A_2065 : vector<16xi1>, vector<16xi32>
        %all_reduce_population_count3A = tpu.all_reduce %eq3A_2046 {dim = 0 : i64, kind = #tpu.reduction_kind<sum>} : vector<16xi1> -> vector<16xi32>
        %add3A_2067 = arith.addi %while3A_2035, %all_reduce_population_count3A : vector<16xi32>
        %add3A_2068 = arith.addi %while3A_2036, %select_n3A_2066 : vector<16xi32>
        scf.yield %add3A_2067, %add3A_2068 : vector<16xi32>, vector<16xi32>
      }
      %while3A_1291 = arith.constant 1 : i32
      %while3A_1292:2 = scf.for %while3A_2034 = %while3A_1288 to %while3A_1284 step %while3A_1291 iter_args(%while3A_2035 = %while3A_1290#0, %while3A_2036 = %while3A_1290#1) -> (vector<16xi32>, vector<16xi32>)  : i32 {
        %mul3A_2037 = arith.constant 16 : i32
        %mul3A_2038 = arith.muli %while3A_2034, %mul3A_2037 : i32
        %get3A = arith.index_cast %mul3A_2038 : i32 to index
        %get3A_2039 = tpu.vector_load %arg5[%get3A] {strides = array<i32>} : memref<33296xi32, #tpu.memory_space<vmem>>, vector<16xi32>,
        %shift_right_logical3A = arith.constant 12 : i32
        %shift_right_logical3A_2040 = vector.broadcast %shift_right_logical3A : i32 to vector<16xi32>
        %shift_right_logical3A_2041 = arith.shrui %get3A_2039, %shift_right_logical3A_2040 : vector<16xi32>
        %and3A_2042 = arith.constant 1 : i32
        %and3A_2043 = vector.broadcast %and3A_2042 : i32 to vector<16xi32>
        %and3A_2044 = arith.andi %shift_right_logical3A_2041, %and3A_2043 : vector<16xi32>
        %eq3A_2045 = vector.broadcast %select_n3A_1245 : i32 to vector<16xi32>
        %eq3A_2046 = arith.cmpi eq, %and3A_2044, %eq3A_2045 : vector<16xi32>
        %jit3A_2047 = arith.constant 1 : i32
        %jit3A_2048 = arith.constant 0 : i32
        %broadcast_in_dim3A_2049 = vector.broadcast %jit3A_2047 : i32 to vector<16xi32>
        %broadcast_in_dim3A_2050 = vector.broadcast %jit3A_2048 : i32 to vector<16xi32>
        %select_n3A_2051 = arith.select %eq3A_2046, %broadcast_in_dim3A_2049, %broadcast_in_dim3A_2050 : vector<16xi1>, vector<16xi32>
        %broadcast_in_dim3A_2052 = arith.constant true
        %broadcast_in_dim3A_2053 = vector.broadcast %broadcast_in_dim3A_2052 : i1 to vector<16xi1>
        %masked_cumsum3A = tpu.scan <sum>, %select_n3A_2051 masked %broadcast_in_dim3A_2053 : vector<16xi32>, vector<16xi1> -> vector<16xi32>
        %add3A_2054 = arith.addi %while3A_2035, %masked_cumsum3A : vector<16xi32>
        %sub3A_2055 = arith.constant 1 : i32
        %sub3A_2056 = vector.broadcast %sub3A_2055 : i32 to vector<16xi32>
        %sub3A_2057 = arith.subi %add3A_2054, %sub3A_2056 : vector<16xi32>
        tpu.vector_store_idx %arg6[%sub3A_2057], %get3A_2039 masked %eq3A_2046 : memref<33296xi32, #tpu.memory_space<vmem>>[vector<16xi32>], vector<16xi32>, vector<16xi1>
        %shift_right_logical3A_2058 = arith.constant 11 : i32
        %shift_right_logical3A_2059 = vector.broadcast %shift_right_logical3A_2058 : i32 to vector<16xi32>
        %shift_right_logical3A_2060 = arith.shrui %get3A_2039, %shift_right_logical3A_2059 : vector<16xi32>
        %and3A_2061 = arith.constant 1 : i32
        %and3A_2062 = vector.broadcast %and3A_2061 : i32 to vector<16xi32>
        %and3A_2063 = arith.andi %shift_right_logical3A_2060, %and3A_2062 : vector<16xi32>
        %jit3A_2064 = arith.constant 0 : i32
        %broadcast_in_dim3A_2065 = vector.broadcast %jit3A_2064 : i32 to vector<16xi32>
        %select_n3A_2066 = arith.select %eq3A_2046, %and3A_2063, %broadcast_in_dim3A_2065 : vector<16xi1>, vector<16xi32>
        %all_reduce_population_count3A = tpu.all_reduce %eq3A_2046 {dim = 0 : i64, kind = #tpu.reduction_kind<sum>} : vector<16xi1> -> vector<16xi32>
        %add3A_2067 = arith.addi %while3A_2035, %all_reduce_population_count3A : vector<16xi32>
        %add3A_2068 = arith.addi %while3A_2036, %select_n3A_2066 : vector<16xi32>
        scf.yield %add3A_2067, %add3A_2068 : vector<16xi32>, vector<16xi32>
      }
      %reduce_max3A_1293 = arith.constant true
      %reduce_max3A_1294 = vector.broadcast %reduce_max3A_1293 : i1 to vector<16xi1>
      %reduce_max3A_1295 = arith.constant -2147483648 : i32
      %reduce_max3A_1296 = vector.broadcast %reduce_max3A_1295 : i32 to vector<16xi32>
      %reduce_max3A_1297 = arith.xori %while3A_1292#0, %reduce_max3A_1296 : vector<16xi32>
      %reduce_max3A_1298 = tpu.scan <max>, %reduce_max3A_1297 masked %reduce_max3A_1294 : vector<16xi32>, vector<16xi1> -> vector<16xi32>
      %reduce_max3A_1299 = arith.xori %reduce_max3A_1298, %reduce_max3A_1296 : vector<16xi32>
      %reduce_max3A_1300 = vector.extract %reduce_max3A_1299[15] : i32 from vector<16xi32>
      %iota3A_1301 = tpu.iota {dimensions = array<i32: 0>} : vector<16xi32>
      %add3A_1302 = arith.addi %while3A_1292#0, %iota3A_1301 : vector<16xi32>
      tpu.vector_store_idx %arg6[%add3A_1302], %broadcast_in_dim3A_1 : memref<33296xi32, #tpu.memory_space<vmem>>[vector<16xi32>], vector<16xi32>,
      %reduce_sum3A_1303 = arith.constant true
      %reduce_sum3A_1304 = vector.broadcast %reduce_sum3A_1303 : i1 to vector<16xi1>
      %reduce_sum3A_1305 = tpu.scan <sum>, %while3A_1292#1 masked %reduce_sum3A_1304 : vector<16xi32>, vector<16xi1> -> vector<16xi32>
      %reduce_sum3A_1306 = vector.extract %reduce_sum3A_1305[15] : i32 from vector<16xi32>
      %ge3A_1307 = arith.cmpi sge, %reduce_sum3A_1306, %sub3A_1253 : i32
      %jit3A_1308 = arith.constant 1 : i32
      %jit3A_1309 = arith.constant 0 : i32
      %select_n3A_1310 = arith.select %ge3A_1307, %jit3A_1308, %jit3A_1309 : i32
      %shift_left3A_1311 = arith.constant 11 : i32
      %shift_left3A_1312 = arith.shli %select_n3A_1310, %shift_left3A_1311 : i32
      %or3A_1313 = arith.ori %or3A_1248, %shift_left3A_1312 : i32
      %eq3A_1314 = arith.constant 0 : i32
      %eq3A_1315 = arith.cmpi eq, %select_n3A_1310, %eq3A_1314 : i32
      %jit3A_1316 = arith.constant 0 : i32
      %select_n3A_1317 = arith.select %eq3A_1315, %reduce_sum3A_1306, %jit3A_1316 : i32
      %sub3A_1318 = arith.subi %sub3A_1253, %select_n3A_1317 : i32
      %add3A_1319 = arith.constant 16 : i32
      %add3A_1320 = arith.addi %reduce_max3A_1300, %add3A_1319 : i32
      %sub3A_1321 = arith.constant 1 : i32
      %sub3A_1322 = arith.subi %add3A_1320, %sub3A_1321 : i32
      %jit3A_1323 = arith.constant 16 : i32
      %div3A_1324 = arith.divsi %sub3A_1322, %jit3A_1323 : i32
      %sign3A_1325 = arith.constant 0 : i32
      %sign3A_1326 = arith.cmpi sgt, %sub3A_1322, %sign3A_1325 : i32
      %sign3A_1327 = arith.extui %sign3A_1326 : i1 to i32
      %sign3A_1328 = arith.constant 0 : i32
      %sign3A_1329 = arith.cmpi slt, %sub3A_1322, %sign3A_1328 : i32
      %sign3A_1330 = arith.extui %sign3A_1329 : i1 to i32
      %sign3A_1331 = arith.subi %sign3A_1327, %sign3A_1330 : i32
      %sign3A_1332 = arith.constant 0 : i32
      %sign3A_1333 = arith.cmpi sgt, %jit3A_1323, %sign3A_1332 : i32
      %sign3A_1334 = arith.extui %sign3A_1333 : i1 to i32
      %sign3A_1335 = arith.constant 0 : i32
      %sign3A_1336 = arith.cmpi slt, %jit3A_1323, %sign3A_1335 : i32
      %sign3A_1337 = arith.extui %sign3A_1336 : i1 to i32
      %sign3A_1338 = arith.subi %sign3A_1334, %sign3A_1337 : i32
      %ne3A_1339 = arith.cmpi ne, %sign3A_1331, %sign3A_1338 : i32
      %rem3A_1340 = arith.remsi %sub3A_1322, %jit3A_1323 : i32
      %ne3A_1341 = arith.constant 0 : i32
      %ne3A_1342 = arith.cmpi ne, %rem3A_1340, %ne3A_1341 : i32
      %and3A_1343 = arith.andi %ne3A_1339, %ne3A_1342 : i1
      %sub3A_1344 = arith.constant 1 : i32
      %sub3A_1345 = arith.subi %div3A_1324, %sub3A_1344 : i32
      %select_n3A_1346 = arith.select %and3A_1343, %sub3A_1345, %div3A_1324 : i32
      %while3A_1347 = arith.constant 0 : i32
      %while3A_1348 = arith.subi %select_n3A_1346, %while3A_1347 : i32
      %while3A_1349 = arith.addi %while3A_1347, %while3A_1348 : i32
      %while3A_1350 = arith.constant 1 : i32
      %while3A_1351 = arith.divsi %while3A_1348, %while3A_1350 : i32
      %while3A_1352 = arith.muli %while3A_1351, %while3A_1350 : i32
      %while3A_1353 = arith.addi %while3A_1347, %while3A_1352 : i32
      %while3A_1354 = arith.constant 1 : i32
      %while3A_1355:2 = scf.for %while3A_2034 = %while3A_1347 to %while3A_1353 step %while3A_1354 iter_args(%while3A_2035 = %broadcast_in_dim3A_1, %while3A_2036 = %broadcast_in_dim3A_1) -> (vector<16xi32>, vector<16xi32>)  : i32 {
        %mul3A_2037 = arith.constant 16 : i32
        %mul3A_2038 = arith.muli %while3A_2034, %mul3A_2037 : i32
        %get3A = arith.index_cast %mul3A_2038 : i32 to index
        %get3A_2039 = tpu.vector_load %arg6[%get3A] {strides = array<i32>} : memref<33296xi32, #tpu.memory_space<vmem>>, vector<16xi32>,
        %shift_right_logical3A = arith.constant 11 : i32
        %shift_right_logical3A_2040 = vector.broadcast %shift_right_logical3A : i32 to vector<16xi32>
        %shift_right_logical3A_2041 = arith.shrui %get3A_2039, %shift_right_logical3A_2040 : vector<16xi32>
        %and3A_2042 = arith.constant 1 : i32
        %and3A_2043 = vector.broadcast %and3A_2042 : i32 to vector<16xi32>
        %and3A_2044 = arith.andi %shift_right_logical3A_2041, %and3A_2043 : vector<16xi32>
        %eq3A_2045 = vector.broadcast %select_n3A_1310 : i32 to vector<16xi32>
        %eq3A_2046 = arith.cmpi eq, %and3A_2044, %eq3A_2045 : vector<16xi32>
        %jit3A_2047 = arith.constant 1 : i32
        %jit3A_2048 = arith.constant 0 : i32
        %broadcast_in_dim3A_2049 = vector.broadcast %jit3A_2047 : i32 to vector<16xi32>
        %broadcast_in_dim3A_2050 = vector.broadcast %jit3A_2048 : i32 to vector<16xi32>
        %select_n3A_2051 = arith.select %eq3A_2046, %broadcast_in_dim3A_2049, %broadcast_in_dim3A_2050 : vector<16xi1>, vector<16xi32>
        %broadcast_in_dim3A_2052 = arith.constant true
        %broadcast_in_dim3A_2053 = vector.broadcast %broadcast_in_dim3A_2052 : i1 to vector<16xi1>
        %masked_cumsum3A = tpu.scan <sum>, %select_n3A_2051 masked %broadcast_in_dim3A_2053 : vector<16xi32>, vector<16xi1> -> vector<16xi32>
        %add3A_2054 = arith.addi %while3A_2035, %masked_cumsum3A : vector<16xi32>
        %sub3A_2055 = arith.constant 1 : i32
        %sub3A_2056 = vector.broadcast %sub3A_2055 : i32 to vector<16xi32>
        %sub3A_2057 = arith.subi %add3A_2054, %sub3A_2056 : vector<16xi32>
        tpu.vector_store_idx %arg5[%sub3A_2057], %get3A_2039 masked %eq3A_2046 : memref<33296xi32, #tpu.memory_space<vmem>>[vector<16xi32>], vector<16xi32>, vector<16xi1>
        %shift_right_logical3A_2058 = arith.constant 10 : i32
        %shift_right_logical3A_2059 = vector.broadcast %shift_right_logical3A_2058 : i32 to vector<16xi32>
        %shift_right_logical3A_2060 = arith.shrui %get3A_2039, %shift_right_logical3A_2059 : vector<16xi32>
        %and3A_2061 = arith.constant 1 : i32
        %and3A_2062 = vector.broadcast %and3A_2061 : i32 to vector<16xi32>
        %and3A_2063 = arith.andi %shift_right_logical3A_2060, %and3A_2062 : vector<16xi32>
        %jit3A_2064 = arith.constant 0 : i32
        %broadcast_in_dim3A_2065 = vector.broadcast %jit3A_2064 : i32 to vector<16xi32>
        %select_n3A_2066 = arith.select %eq3A_2046, %and3A_2063, %broadcast_in_dim3A_2065 : vector<16xi1>, vector<16xi32>
        %all_reduce_population_count3A = tpu.all_reduce %eq3A_2046 {dim = 0 : i64, kind = #tpu.reduction_kind<sum>} : vector<16xi1> -> vector<16xi32>
        %add3A_2067 = arith.addi %while3A_2035, %all_reduce_population_count3A : vector<16xi32>
        %add3A_2068 = arith.addi %while3A_2036, %select_n3A_2066 : vector<16xi32>
        scf.yield %add3A_2067, %add3A_2068 : vector<16xi32>, vector<16xi32>
      }
      %while3A_1356 = arith.constant 1 : i32
      %while3A_1357:2 = scf.for %while3A_2034 = %while3A_1353 to %while3A_1349 step %while3A_1356 iter_args(%while3A_2035 = %while3A_1355#0, %while3A_2036 = %while3A_1355#1) -> (vector<16xi32>, vector<16xi32>)  : i32 {
        %mul3A_2037 = arith.constant 16 : i32
        %mul3A_2038 = arith.muli %while3A_2034, %mul3A_2037 : i32
        %get3A = arith.index_cast %mul3A_2038 : i32 to index
        %get3A_2039 = tpu.vector_load %arg6[%get3A] {strides = array<i32>} : memref<33296xi32, #tpu.memory_space<vmem>>, vector<16xi32>,
        %shift_right_logical3A = arith.constant 11 : i32
        %shift_right_logical3A_2040 = vector.broadcast %shift_right_logical3A : i32 to vector<16xi32>
        %shift_right_logical3A_2041 = arith.shrui %get3A_2039, %shift_right_logical3A_2040 : vector<16xi32>
        %and3A_2042 = arith.constant 1 : i32
        %and3A_2043 = vector.broadcast %and3A_2042 : i32 to vector<16xi32>
        %and3A_2044 = arith.andi %shift_right_logical3A_2041, %and3A_2043 : vector<16xi32>
        %eq3A_2045 = vector.broadcast %select_n3A_1310 : i32 to vector<16xi32>
        %eq3A_2046 = arith.cmpi eq, %and3A_2044, %eq3A_2045 : vector<16xi32>
        %jit3A_2047 = arith.constant 1 : i32
        %jit3A_2048 = arith.constant 0 : i32
        %broadcast_in_dim3A_2049 = vector.broadcast %jit3A_2047 : i32 to vector<16xi32>
        %broadcast_in_dim3A_2050 = vector.broadcast %jit3A_2048 : i32 to vector<16xi32>
        %select_n3A_2051 = arith.select %eq3A_2046, %broadcast_in_dim3A_2049, %broadcast_in_dim3A_2050 : vector<16xi1>, vector<16xi32>
        %broadcast_in_dim3A_2052 = arith.constant true
        %broadcast_in_dim3A_2053 = vector.broadcast %broadcast_in_dim3A_2052 : i1 to vector<16xi1>
        %masked_cumsum3A = tpu.scan <sum>, %select_n3A_2051 masked %broadcast_in_dim3A_2053 : vector<16xi32>, vector<16xi1> -> vector<16xi32>
        %add3A_2054 = arith.addi %while3A_2035, %masked_cumsum3A : vector<16xi32>
        %sub3A_2055 = arith.constant 1 : i32
        %sub3A_2056 = vector.broadcast %sub3A_2055 : i32 to vector<16xi32>
        %sub3A_2057 = arith.subi %add3A_2054, %sub3A_2056 : vector<16xi32>
        tpu.vector_store_idx %arg5[%sub3A_2057], %get3A_2039 masked %eq3A_2046 : memref<33296xi32, #tpu.memory_space<vmem>>[vector<16xi32>], vector<16xi32>, vector<16xi1>
        %shift_right_logical3A_2058 = arith.constant 10 : i32
        %shift_right_logical3A_2059 = vector.broadcast %shift_right_logical3A_2058 : i32 to vector<16xi32>
        %shift_right_logical3A_2060 = arith.shrui %get3A_2039, %shift_right_logical3A_2059 : vector<16xi32>
        %and3A_2061 = arith.constant 1 : i32
        %and3A_2062 = vector.broadcast %and3A_2061 : i32 to vector<16xi32>
        %and3A_2063 = arith.andi %shift_right_logical3A_2060, %and3A_2062 : vector<16xi32>
        %jit3A_2064 = arith.constant 0 : i32
        %broadcast_in_dim3A_2065 = vector.broadcast %jit3A_2064 : i32 to vector<16xi32>
        %select_n3A_2066 = arith.select %eq3A_2046, %and3A_2063, %broadcast_in_dim3A_2065 : vector<16xi1>, vector<16xi32>
        %all_reduce_population_count3A = tpu.all_reduce %eq3A_2046 {dim = 0 : i64, kind = #tpu.reduction_kind<sum>} : vector<16xi1> -> vector<16xi32>
        %add3A_2067 = arith.addi %while3A_2035, %all_reduce_population_count3A : vector<16xi32>
        %add3A_2068 = arith.addi %while3A_2036, %select_n3A_2066 : vector<16xi32>
        scf.yield %add3A_2067, %add3A_2068 : vector<16xi32>, vector<16xi32>
      }
      %reduce_max3A_1358 = arith.constant true
      %reduce_max3A_1359 = vector.broadcast %reduce_max3A_1358 : i1 to vector<16xi1>
      %reduce_max3A_1360 = arith.constant -2147483648 : i32
      %reduce_max3A_1361 = vector.broadcast %reduce_max3A_1360 : i32 to vector<16xi32>
      %reduce_max3A_1362 = arith.xori %while3A_1357#0, %reduce_max3A_1361 : vector<16xi32>
      %reduce_max3A_1363 = tpu.scan <max>, %reduce_max3A_1362 masked %reduce_max3A_1359 : vector<16xi32>, vector<16xi1> -> vector<16xi32>
      %reduce_max3A_1364 = arith.xori %reduce_max3A_1363, %reduce_max3A_1361 : vector<16xi32>
      %reduce_max3A_1365 = vector.extract %reduce_max3A_1364[15] : i32 from vector<16xi32>
      %iota3A_1366 = tpu.iota {dimensions = array<i32: 0>} : vector<16xi32>
      %add3A_1367 = arith.addi %while3A_1357#0, %iota3A_1366 : vector<16xi32>
      tpu.vector_store_idx %arg5[%add3A_1367], %broadcast_in_dim3A_1 : memref<33296xi32, #tpu.memory_space<vmem>>[vector<16xi32>], vector<16xi32>,
      %reduce_sum3A_1368 = arith.constant true
      %reduce_sum3A_1369 = vector.broadcast %reduce_sum3A_1368 : i1 to vector<16xi1>
      %reduce_sum3A_1370 = tpu.scan <sum>, %while3A_1357#1 masked %reduce_sum3A_1369 : vector<16xi32>, vector<16xi1> -> vector<16xi32>
      %reduce_sum3A_1371 = vector.extract %reduce_sum3A_1370[15] : i32 from vector<16xi32>
      %ge3A_1372 = arith.cmpi sge, %reduce_sum3A_1371, %sub3A_1318 : i32
      %jit3A_1373 = arith.constant 1 : i32
      %jit3A_1374 = arith.constant 0 : i32
      %select_n3A_1375 = arith.select %ge3A_1372, %jit3A_1373, %jit3A_1374 : i32
      %shift_left3A_1376 = arith.constant 10 : i32
      %shift_left3A_1377 = arith.shli %select_n3A_1375, %shift_left3A_1376 : i32
      %or3A_1378 = arith.ori %or3A_1313, %shift_left3A_1377 : i32
      %eq3A_1379 = arith.constant 0 : i32
      %eq3A_1380 = arith.cmpi eq, %select_n3A_1375, %eq3A_1379 : i32
      %jit3A_1381 = arith.constant 0 : i32
      %select_n3A_1382 = arith.select %eq3A_1380, %reduce_sum3A_1371, %jit3A_1381 : i32
      %sub3A_1383 = arith.subi %sub3A_1318, %select_n3A_1382 : i32
      %add3A_1384 = arith.constant 16 : i32
      %add3A_1385 = arith.addi %reduce_max3A_1365, %add3A_1384 : i32
      %sub3A_1386 = arith.constant 1 : i32
      %sub3A_1387 = arith.subi %add3A_1385, %sub3A_1386 : i32
      %jit3A_1388 = arith.constant 16 : i32
      %div3A_1389 = arith.divsi %sub3A_1387, %jit3A_1388 : i32
      %sign3A_1390 = arith.constant 0 : i32
      %sign3A_1391 = arith.cmpi sgt, %sub3A_1387, %sign3A_1390 : i32
      %sign3A_1392 = arith.extui %sign3A_1391 : i1 to i32
      %sign3A_1393 = arith.constant 0 : i32
      %sign3A_1394 = arith.cmpi slt, %sub3A_1387, %sign3A_1393 : i32
      %sign3A_1395 = arith.extui %sign3A_1394 : i1 to i32
      %sign3A_1396 = arith.subi %sign3A_1392, %sign3A_1395 : i32
      %sign3A_1397 = arith.constant 0 : i32
      %sign3A_1398 = arith.cmpi sgt, %jit3A_1388, %sign3A_1397 : i32
      %sign3A_1399 = arith.extui %sign3A_1398 : i1 to i32
      %sign3A_1400 = arith.constant 0 : i32
      %sign3A_1401 = arith.cmpi slt, %jit3A_1388, %sign3A_1400 : i32
      %sign3A_1402 = arith.extui %sign3A_1401 : i1 to i32
      %sign3A_1403 = arith.subi %sign3A_1399, %sign3A_1402 : i32
      %ne3A_1404 = arith.cmpi ne, %sign3A_1396, %sign3A_1403 : i32
      %rem3A_1405 = arith.remsi %sub3A_1387, %jit3A_1388 : i32
      %ne3A_1406 = arith.constant 0 : i32
      %ne3A_1407 = arith.cmpi ne, %rem3A_1405, %ne3A_1406 : i32
      %and3A_1408 = arith.andi %ne3A_1404, %ne3A_1407 : i1
      %sub3A_1409 = arith.constant 1 : i32
      %sub3A_1410 = arith.subi %div3A_1389, %sub3A_1409 : i32
      %select_n3A_1411 = arith.select %and3A_1408, %sub3A_1410, %div3A_1389 : i32
      %while3A_1412 = arith.constant 0 : i32
      %while3A_1413 = arith.subi %select_n3A_1411, %while3A_1412 : i32
      %while3A_1414 = arith.addi %while3A_1412, %while3A_1413 : i32
      %while3A_1415 = arith.constant 1 : i32
      %while3A_1416 = arith.divsi %while3A_1413, %while3A_1415 : i32
      %while3A_1417 = arith.muli %while3A_1416, %while3A_1415 : i32
      %while3A_1418 = arith.addi %while3A_1412, %while3A_1417 : i32
      %while3A_1419 = arith.constant 1 : i32
      %while3A_1420:2 = scf.for %while3A_2034 = %while3A_1412 to %while3A_1418 step %while3A_1419 iter_args(%while3A_2035 = %broadcast_in_dim3A_1, %while3A_2036 = %broadcast_in_dim3A_1) -> (vector<16xi32>, vector<16xi32>)  : i32 {
        %mul3A_2037 = arith.constant 16 : i32
        %mul3A_2038 = arith.muli %while3A_2034, %mul3A_2037 : i32
        %get3A = arith.index_cast %mul3A_2038 : i32 to index
        %get3A_2039 = tpu.vector_load %arg5[%get3A] {strides = array<i32>} : memref<33296xi32, #tpu.memory_space<vmem>>, vector<16xi32>,
        %shift_right_logical3A = arith.constant 10 : i32
        %shift_right_logical3A_2040 = vector.broadcast %shift_right_logical3A : i32 to vector<16xi32>
        %shift_right_logical3A_2041 = arith.shrui %get3A_2039, %shift_right_logical3A_2040 : vector<16xi32>
        %and3A_2042 = arith.constant 1 : i32
        %and3A_2043 = vector.broadcast %and3A_2042 : i32 to vector<16xi32>
        %and3A_2044 = arith.andi %shift_right_logical3A_2041, %and3A_2043 : vector<16xi32>
        %eq3A_2045 = vector.broadcast %select_n3A_1375 : i32 to vector<16xi32>
        %eq3A_2046 = arith.cmpi eq, %and3A_2044, %eq3A_2045 : vector<16xi32>
        %jit3A_2047 = arith.constant 1 : i32
        %jit3A_2048 = arith.constant 0 : i32
        %broadcast_in_dim3A_2049 = vector.broadcast %jit3A_2047 : i32 to vector<16xi32>
        %broadcast_in_dim3A_2050 = vector.broadcast %jit3A_2048 : i32 to vector<16xi32>
        %select_n3A_2051 = arith.select %eq3A_2046, %broadcast_in_dim3A_2049, %broadcast_in_dim3A_2050 : vector<16xi1>, vector<16xi32>
        %broadcast_in_dim3A_2052 = arith.constant true
        %broadcast_in_dim3A_2053 = vector.broadcast %broadcast_in_dim3A_2052 : i1 to vector<16xi1>
        %masked_cumsum3A = tpu.scan <sum>, %select_n3A_2051 masked %broadcast_in_dim3A_2053 : vector<16xi32>, vector<16xi1> -> vector<16xi32>
        %add3A_2054 = arith.addi %while3A_2035, %masked_cumsum3A : vector<16xi32>
        %sub3A_2055 = arith.constant 1 : i32
        %sub3A_2056 = vector.broadcast %sub3A_2055 : i32 to vector<16xi32>
        %sub3A_2057 = arith.subi %add3A_2054, %sub3A_2056 : vector<16xi32>
        tpu.vector_store_idx %arg6[%sub3A_2057], %get3A_2039 masked %eq3A_2046 : memref<33296xi32, #tpu.memory_space<vmem>>[vector<16xi32>], vector<16xi32>, vector<16xi1>
        %shift_right_logical3A_2058 = arith.constant 9 : i32
        %shift_right_logical3A_2059 = vector.broadcast %shift_right_logical3A_2058 : i32 to vector<16xi32>
        %shift_right_logical3A_2060 = arith.shrui %get3A_2039, %shift_right_logical3A_2059 : vector<16xi32>
        %and3A_2061 = arith.constant 1 : i32
        %and3A_2062 = vector.broadcast %and3A_2061 : i32 to vector<16xi32>
        %and3A_2063 = arith.andi %shift_right_logical3A_2060, %and3A_2062 : vector<16xi32>
        %jit3A_2064 = arith.constant 0 : i32
        %broadcast_in_dim3A_2065 = vector.broadcast %jit3A_2064 : i32 to vector<16xi32>
        %select_n3A_2066 = arith.select %eq3A_2046, %and3A_2063, %broadcast_in_dim3A_2065 : vector<16xi1>, vector<16xi32>
        %all_reduce_population_count3A = tpu.all_reduce %eq3A_2046 {dim = 0 : i64, kind = #tpu.reduction_kind<sum>} : vector<16xi1> -> vector<16xi32>
        %add3A_2067 = arith.addi %while3A_2035, %all_reduce_population_count3A : vector<16xi32>
        %add3A_2068 = arith.addi %while3A_2036, %select_n3A_2066 : vector<16xi32>
        scf.yield %add3A_2067, %add3A_2068 : vector<16xi32>, vector<16xi32>
      }
      %while3A_1421 = arith.constant 1 : i32
      %while3A_1422:2 = scf.for %while3A_2034 = %while3A_1418 to %while3A_1414 step %while3A_1421 iter_args(%while3A_2035 = %while3A_1420#0, %while3A_2036 = %while3A_1420#1) -> (vector<16xi32>, vector<16xi32>)  : i32 {
        %mul3A_2037 = arith.constant 16 : i32
        %mul3A_2038 = arith.muli %while3A_2034, %mul3A_2037 : i32
        %get3A = arith.index_cast %mul3A_2038 : i32 to index
        %get3A_2039 = tpu.vector_load %arg5[%get3A] {strides = array<i32>} : memref<33296xi32, #tpu.memory_space<vmem>>, vector<16xi32>,
        %shift_right_logical3A = arith.constant 10 : i32
        %shift_right_logical3A_2040 = vector.broadcast %shift_right_logical3A : i32 to vector<16xi32>
        %shift_right_logical3A_2041 = arith.shrui %get3A_2039, %shift_right_logical3A_2040 : vector<16xi32>
        %and3A_2042 = arith.constant 1 : i32
        %and3A_2043 = vector.broadcast %and3A_2042 : i32 to vector<16xi32>
        %and3A_2044 = arith.andi %shift_right_logical3A_2041, %and3A_2043 : vector<16xi32>
        %eq3A_2045 = vector.broadcast %select_n3A_1375 : i32 to vector<16xi32>
        %eq3A_2046 = arith.cmpi eq, %and3A_2044, %eq3A_2045 : vector<16xi32>
        %jit3A_2047 = arith.constant 1 : i32
        %jit3A_2048 = arith.constant 0 : i32
        %broadcast_in_dim3A_2049 = vector.broadcast %jit3A_2047 : i32 to vector<16xi32>
        %broadcast_in_dim3A_2050 = vector.broadcast %jit3A_2048 : i32 to vector<16xi32>
        %select_n3A_2051 = arith.select %eq3A_2046, %broadcast_in_dim3A_2049, %broadcast_in_dim3A_2050 : vector<16xi1>, vector<16xi32>
        %broadcast_in_dim3A_2052 = arith.constant true
        %broadcast_in_dim3A_2053 = vector.broadcast %broadcast_in_dim3A_2052 : i1 to vector<16xi1>
        %masked_cumsum3A = tpu.scan <sum>, %select_n3A_2051 masked %broadcast_in_dim3A_2053 : vector<16xi32>, vector<16xi1> -> vector<16xi32>
        %add3A_2054 = arith.addi %while3A_2035, %masked_cumsum3A : vector<16xi32>
        %sub3A_2055 = arith.constant 1 : i32
        %sub3A_2056 = vector.broadcast %sub3A_2055 : i32 to vector<16xi32>
        %sub3A_2057 = arith.subi %add3A_2054, %sub3A_2056 : vector<16xi32>
        tpu.vector_store_idx %arg6[%sub3A_2057], %get3A_2039 masked %eq3A_2046 : memref<33296xi32, #tpu.memory_space<vmem>>[vector<16xi32>], vector<16xi32>, vector<16xi1>
        %shift_right_logical3A_2058 = arith.constant 9 : i32
        %shift_right_logical3A_2059 = vector.broadcast %shift_right_logical3A_2058 : i32 to vector<16xi32>
        %shift_right_logical3A_2060 = arith.shrui %get3A_2039, %shift_right_logical3A_2059 : vector<16xi32>
        %and3A_2061 = arith.constant 1 : i32
        %and3A_2062 = vector.broadcast %and3A_2061 : i32 to vector<16xi32>
        %and3A_2063 = arith.andi %shift_right_logical3A_2060, %and3A_2062 : vector<16xi32>
        %jit3A_2064 = arith.constant 0 : i32
        %broadcast_in_dim3A_2065 = vector.broadcast %jit3A_2064 : i32 to vector<16xi32>
        %select_n3A_2066 = arith.select %eq3A_2046, %and3A_2063, %broadcast_in_dim3A_2065 : vector<16xi1>, vector<16xi32>
        %all_reduce_population_count3A = tpu.all_reduce %eq3A_2046 {dim = 0 : i64, kind = #tpu.reduction_kind<sum>} : vector<16xi1> -> vector<16xi32>
        %add3A_2067 = arith.addi %while3A_2035, %all_reduce_population_count3A : vector<16xi32>
        %add3A_2068 = arith.addi %while3A_2036, %select_n3A_2066 : vector<16xi32>
        scf.yield %add3A_2067, %add3A_2068 : vector<16xi32>, vector<16xi32>
      }
      %reduce_max3A_1423 = arith.constant true
      %reduce_max3A_1424 = vector.broadcast %reduce_max3A_1423 : i1 to vector<16xi1>
      %reduce_max3A_1425 = arith.constant -2147483648 : i32
      %reduce_max3A_1426 = vector.broadcast %reduce_max3A_1425 : i32 to vector<16xi32>
      %reduce_max3A_1427 = arith.xori %while3A_1422#0, %reduce_max3A_1426 : vector<16xi32>
      %reduce_max3A_1428 = tpu.scan <max>, %reduce_max3A_1427 masked %reduce_max3A_1424 : vector<16xi32>, vector<16xi1> -> vector<16xi32>
      %reduce_max3A_1429 = arith.xori %reduce_max3A_1428, %reduce_max3A_1426 : vector<16xi32>
      %reduce_max3A_1430 = vector.extract %reduce_max3A_1429[15] : i32 from vector<16xi32>
      %iota3A_1431 = tpu.iota {dimensions = array<i32: 0>} : vector<16xi32>
      %add3A_1432 = arith.addi %while3A_1422#0, %iota3A_1431 : vector<16xi32>
      tpu.vector_store_idx %arg6[%add3A_1432], %broadcast_in_dim3A_1 : memref<33296xi32, #tpu.memory_space<vmem>>[vector<16xi32>], vector<16xi32>,
      %reduce_sum3A_1433 = arith.constant true
      %reduce_sum3A_1434 = vector.broadcast %reduce_sum3A_1433 : i1 to vector<16xi1>
      %reduce_sum3A_1435 = tpu.scan <sum>, %while3A_1422#1 masked %reduce_sum3A_1434 : vector<16xi32>, vector<16xi1> -> vector<16xi32>
      %reduce_sum3A_1436 = vector.extract %reduce_sum3A_1435[15] : i32 from vector<16xi32>
      %ge3A_1437 = arith.cmpi sge, %reduce_sum3A_1436, %sub3A_1383 : i32
      %jit3A_1438 = arith.constant 1 : i32
      %jit3A_1439 = arith.constant 0 : i32
      %select_n3A_1440 = arith.select %ge3A_1437, %jit3A_1438, %jit3A_1439 : i32
      %shift_left3A_1441 = arith.constant 9 : i32
      %shift_left3A_1442 = arith.shli %select_n3A_1440, %shift_left3A_1441 : i32
      %or3A_1443 = arith.ori %or3A_1378, %shift_left3A_1442 : i32
      %eq3A_1444 = arith.constant 0 : i32
      %eq3A_1445 = arith.cmpi eq, %select_n3A_1440, %eq3A_1444 : i32
      %jit3A_1446 = arith.constant 0 : i32
      %select_n3A_1447 = arith.select %eq3A_1445, %reduce_sum3A_1436, %jit3A_1446 : i32
      %sub3A_1448 = arith.subi %sub3A_1383, %select_n3A_1447 : i32
      %add3A_1449 = arith.constant 16 : i32
      %add3A_1450 = arith.addi %reduce_max3A_1430, %add3A_1449 : i32
      %sub3A_1451 = arith.constant 1 : i32
      %sub3A_1452 = arith.subi %add3A_1450, %sub3A_1451 : i32
      %jit3A_1453 = arith.constant 16 : i32
      %div3A_1454 = arith.divsi %sub3A_1452, %jit3A_1453 : i32
      %sign3A_1455 = arith.constant 0 : i32
      %sign3A_1456 = arith.cmpi sgt, %sub3A_1452, %sign3A_1455 : i32
      %sign3A_1457 = arith.extui %sign3A_1456 : i1 to i32
      %sign3A_1458 = arith.constant 0 : i32
      %sign3A_1459 = arith.cmpi slt, %sub3A_1452, %sign3A_1458 : i32
      %sign3A_1460 = arith.extui %sign3A_1459 : i1 to i32
      %sign3A_1461 = arith.subi %sign3A_1457, %sign3A_1460 : i32
      %sign3A_1462 = arith.constant 0 : i32
      %sign3A_1463 = arith.cmpi sgt, %jit3A_1453, %sign3A_1462 : i32
      %sign3A_1464 = arith.extui %sign3A_1463 : i1 to i32
      %sign3A_1465 = arith.constant 0 : i32
      %sign3A_1466 = arith.cmpi slt, %jit3A_1453, %sign3A_1465 : i32
      %sign3A_1467 = arith.extui %sign3A_1466 : i1 to i32
      %sign3A_1468 = arith.subi %sign3A_1464, %sign3A_1467 : i32
      %ne3A_1469 = arith.cmpi ne, %sign3A_1461, %sign3A_1468 : i32
      %rem3A_1470 = arith.remsi %sub3A_1452, %jit3A_1453 : i32
      %ne3A_1471 = arith.constant 0 : i32
      %ne3A_1472 = arith.cmpi ne, %rem3A_1470, %ne3A_1471 : i32
      %and3A_1473 = arith.andi %ne3A_1469, %ne3A_1472 : i1
      %sub3A_1474 = arith.constant 1 : i32
      %sub3A_1475 = arith.subi %div3A_1454, %sub3A_1474 : i32
      %select_n3A_1476 = arith.select %and3A_1473, %sub3A_1475, %div3A_1454 : i32
      %while3A_1477 = arith.constant 0 : i32
      %while3A_1478 = arith.subi %select_n3A_1476, %while3A_1477 : i32
      %while3A_1479 = arith.addi %while3A_1477, %while3A_1478 : i32
      %while3A_1480 = arith.constant 1 : i32
      %while3A_1481 = arith.divsi %while3A_1478, %while3A_1480 : i32
      %while3A_1482 = arith.muli %while3A_1481, %while3A_1480 : i32
      %while3A_1483 = arith.addi %while3A_1477, %while3A_1482 : i32
      %while3A_1484 = arith.constant 1 : i32
      %while3A_1485:2 = scf.for %while3A_2034 = %while3A_1477 to %while3A_1483 step %while3A_1484 iter_args(%while3A_2035 = %broadcast_in_dim3A_1, %while3A_2036 = %broadcast_in_dim3A_1) -> (vector<16xi32>, vector<16xi32>)  : i32 {
        %mul3A_2037 = arith.constant 16 : i32
        %mul3A_2038 = arith.muli %while3A_2034, %mul3A_2037 : i32
        %get3A = arith.index_cast %mul3A_2038 : i32 to index
        %get3A_2039 = tpu.vector_load %arg6[%get3A] {strides = array<i32>} : memref<33296xi32, #tpu.memory_space<vmem>>, vector<16xi32>,
        %shift_right_logical3A = arith.constant 9 : i32
        %shift_right_logical3A_2040 = vector.broadcast %shift_right_logical3A : i32 to vector<16xi32>
        %shift_right_logical3A_2041 = arith.shrui %get3A_2039, %shift_right_logical3A_2040 : vector<16xi32>
        %and3A_2042 = arith.constant 1 : i32
        %and3A_2043 = vector.broadcast %and3A_2042 : i32 to vector<16xi32>
        %and3A_2044 = arith.andi %shift_right_logical3A_2041, %and3A_2043 : vector<16xi32>
        %eq3A_2045 = vector.broadcast %select_n3A_1440 : i32 to vector<16xi32>
        %eq3A_2046 = arith.cmpi eq, %and3A_2044, %eq3A_2045 : vector<16xi32>
        %jit3A_2047 = arith.constant 1 : i32
        %jit3A_2048 = arith.constant 0 : i32
        %broadcast_in_dim3A_2049 = vector.broadcast %jit3A_2047 : i32 to vector<16xi32>
        %broadcast_in_dim3A_2050 = vector.broadcast %jit3A_2048 : i32 to vector<16xi32>
        %select_n3A_2051 = arith.select %eq3A_2046, %broadcast_in_dim3A_2049, %broadcast_in_dim3A_2050 : vector<16xi1>, vector<16xi32>
        %broadcast_in_dim3A_2052 = arith.constant true
        %broadcast_in_dim3A_2053 = vector.broadcast %broadcast_in_dim3A_2052 : i1 to vector<16xi1>
        %masked_cumsum3A = tpu.scan <sum>, %select_n3A_2051 masked %broadcast_in_dim3A_2053 : vector<16xi32>, vector<16xi1> -> vector<16xi32>
        %add3A_2054 = arith.addi %while3A_2035, %masked_cumsum3A : vector<16xi32>
        %sub3A_2055 = arith.constant 1 : i32
        %sub3A_2056 = vector.broadcast %sub3A_2055 : i32 to vector<16xi32>
        %sub3A_2057 = arith.subi %add3A_2054, %sub3A_2056 : vector<16xi32>
        tpu.vector_store_idx %arg5[%sub3A_2057], %get3A_2039 masked %eq3A_2046 : memref<33296xi32, #tpu.memory_space<vmem>>[vector<16xi32>], vector<16xi32>, vector<16xi1>
        %shift_right_logical3A_2058 = arith.constant 8 : i32
        %shift_right_logical3A_2059 = vector.broadcast %shift_right_logical3A_2058 : i32 to vector<16xi32>
        %shift_right_logical3A_2060 = arith.shrui %get3A_2039, %shift_right_logical3A_2059 : vector<16xi32>
        %and3A_2061 = arith.constant 1 : i32
        %and3A_2062 = vector.broadcast %and3A_2061 : i32 to vector<16xi32>
        %and3A_2063 = arith.andi %shift_right_logical3A_2060, %and3A_2062 : vector<16xi32>
        %jit3A_2064 = arith.constant 0 : i32
        %broadcast_in_dim3A_2065 = vector.broadcast %jit3A_2064 : i32 to vector<16xi32>
        %select_n3A_2066 = arith.select %eq3A_2046, %and3A_2063, %broadcast_in_dim3A_2065 : vector<16xi1>, vector<16xi32>
        %all_reduce_population_count3A = tpu.all_reduce %eq3A_2046 {dim = 0 : i64, kind = #tpu.reduction_kind<sum>} : vector<16xi1> -> vector<16xi32>
        %add3A_2067 = arith.addi %while3A_2035, %all_reduce_population_count3A : vector<16xi32>
        %add3A_2068 = arith.addi %while3A_2036, %select_n3A_2066 : vector<16xi32>
        scf.yield %add3A_2067, %add3A_2068 : vector<16xi32>, vector<16xi32>
      }
      %while3A_1486 = arith.constant 1 : i32
      %while3A_1487:2 = scf.for %while3A_2034 = %while3A_1483 to %while3A_1479 step %while3A_1486 iter_args(%while3A_2035 = %while3A_1485#0, %while3A_2036 = %while3A_1485#1) -> (vector<16xi32>, vector<16xi32>)  : i32 {
        %mul3A_2037 = arith.constant 16 : i32
        %mul3A_2038 = arith.muli %while3A_2034, %mul3A_2037 : i32
        %get3A = arith.index_cast %mul3A_2038 : i32 to index
        %get3A_2039 = tpu.vector_load %arg6[%get3A] {strides = array<i32>} : memref<33296xi32, #tpu.memory_space<vmem>>, vector<16xi32>,
        %shift_right_logical3A = arith.constant 9 : i32
        %shift_right_logical3A_2040 = vector.broadcast %shift_right_logical3A : i32 to vector<16xi32>
        %shift_right_logical3A_2041 = arith.shrui %get3A_2039, %shift_right_logical3A_2040 : vector<16xi32>
        %and3A_2042 = arith.constant 1 : i32
        %and3A_2043 = vector.broadcast %and3A_2042 : i32 to vector<16xi32>
        %and3A_2044 = arith.andi %shift_right_logical3A_2041, %and3A_2043 : vector<16xi32>
        %eq3A_2045 = vector.broadcast %select_n3A_1440 : i32 to vector<16xi32>
        %eq3A_2046 = arith.cmpi eq, %and3A_2044, %eq3A_2045 : vector<16xi32>
        %jit3A_2047 = arith.constant 1 : i32
        %jit3A_2048 = arith.constant 0 : i32
        %broadcast_in_dim3A_2049 = vector.broadcast %jit3A_2047 : i32 to vector<16xi32>
        %broadcast_in_dim3A_2050 = vector.broadcast %jit3A_2048 : i32 to vector<16xi32>
        %select_n3A_2051 = arith.select %eq3A_2046, %broadcast_in_dim3A_2049, %broadcast_in_dim3A_2050 : vector<16xi1>, vector<16xi32>
        %broadcast_in_dim3A_2052 = arith.constant true
        %broadcast_in_dim3A_2053 = vector.broadcast %broadcast_in_dim3A_2052 : i1 to vector<16xi1>
        %masked_cumsum3A = tpu.scan <sum>, %select_n3A_2051 masked %broadcast_in_dim3A_2053 : vector<16xi32>, vector<16xi1> -> vector<16xi32>
        %add3A_2054 = arith.addi %while3A_2035, %masked_cumsum3A : vector<16xi32>
        %sub3A_2055 = arith.constant 1 : i32
        %sub3A_2056 = vector.broadcast %sub3A_2055 : i32 to vector<16xi32>
        %sub3A_2057 = arith.subi %add3A_2054, %sub3A_2056 : vector<16xi32>
        tpu.vector_store_idx %arg5[%sub3A_2057], %get3A_2039 masked %eq3A_2046 : memref<33296xi32, #tpu.memory_space<vmem>>[vector<16xi32>], vector<16xi32>, vector<16xi1>
        %shift_right_logical3A_2058 = arith.constant 8 : i32
        %shift_right_logical3A_2059 = vector.broadcast %shift_right_logical3A_2058 : i32 to vector<16xi32>
        %shift_right_logical3A_2060 = arith.shrui %get3A_2039, %shift_right_logical3A_2059 : vector<16xi32>
        %and3A_2061 = arith.constant 1 : i32
        %and3A_2062 = vector.broadcast %and3A_2061 : i32 to vector<16xi32>
        %and3A_2063 = arith.andi %shift_right_logical3A_2060, %and3A_2062 : vector<16xi32>
        %jit3A_2064 = arith.constant 0 : i32
        %broadcast_in_dim3A_2065 = vector.broadcast %jit3A_2064 : i32 to vector<16xi32>
        %select_n3A_2066 = arith.select %eq3A_2046, %and3A_2063, %broadcast_in_dim3A_2065 : vector<16xi1>, vector<16xi32>
        %all_reduce_population_count3A = tpu.all_reduce %eq3A_2046 {dim = 0 : i64, kind = #tpu.reduction_kind<sum>} : vector<16xi1> -> vector<16xi32>
        %add3A_2067 = arith.addi %while3A_2035, %all_reduce_population_count3A : vector<16xi32>
        %add3A_2068 = arith.addi %while3A_2036, %select_n3A_2066 : vector<16xi32>
        scf.yield %add3A_2067, %add3A_2068 : vector<16xi32>, vector<16xi32>
      }
      %reduce_max3A_1488 = arith.constant true
      %reduce_max3A_1489 = vector.broadcast %reduce_max3A_1488 : i1 to vector<16xi1>
      %reduce_max3A_1490 = arith.constant -2147483648 : i32
      %reduce_max3A_1491 = vector.broadcast %reduce_max3A_1490 : i32 to vector<16xi32>
      %reduce_max3A_1492 = arith.xori %while3A_1487#0, %reduce_max3A_1491 : vector<16xi32>
      %reduce_max3A_1493 = tpu.scan <max>, %reduce_max3A_1492 masked %reduce_max3A_1489 : vector<16xi32>, vector<16xi1> -> vector<16xi32>
      %reduce_max3A_1494 = arith.xori %reduce_max3A_1493, %reduce_max3A_1491 : vector<16xi32>
      %reduce_max3A_1495 = vector.extract %reduce_max3A_1494[15] : i32 from vector<16xi32>
      %iota3A_1496 = tpu.iota {dimensions = array<i32: 0>} : vector<16xi32>
      %add3A_1497 = arith.addi %while3A_1487#0, %iota3A_1496 : vector<16xi32>
      tpu.vector_store_idx %arg5[%add3A_1497], %broadcast_in_dim3A_1 : memref<33296xi32, #tpu.memory_space<vmem>>[vector<16xi32>], vector<16xi32>,
      %reduce_sum3A_1498 = arith.constant true
      %reduce_sum3A_1499 = vector.broadcast %reduce_sum3A_1498 : i1 to vector<16xi1>
      %reduce_sum3A_1500 = tpu.scan <sum>, %while3A_1487#1 masked %reduce_sum3A_1499 : vector<16xi32>, vector<16xi1> -> vector<16xi32>
      %reduce_sum3A_1501 = vector.extract %reduce_sum3A_1500[15] : i32 from vector<16xi32>
      %ge3A_1502 = arith.cmpi sge, %reduce_sum3A_1501, %sub3A_1448 : i32
      %jit3A_1503 = arith.constant 1 : i32
      %jit3A_1504 = arith.constant 0 : i32
      %select_n3A_1505 = arith.select %ge3A_1502, %jit3A_1503, %jit3A_1504 : i32
      %shift_left3A_1506 = arith.constant 8 : i32
      %shift_left3A_1507 = arith.shli %select_n3A_1505, %shift_left3A_1506 : i32
      %or3A_1508 = arith.ori %or3A_1443, %shift_left3A_1507 : i32
      %eq3A_1509 = arith.constant 0 : i32
      %eq3A_1510 = arith.cmpi eq, %select_n3A_1505, %eq3A_1509 : i32
      %jit3A_1511 = arith.constant 0 : i32
      %select_n3A_1512 = arith.select %eq3A_1510, %reduce_sum3A_1501, %jit3A_1511 : i32
      %sub3A_1513 = arith.subi %sub3A_1448, %select_n3A_1512 : i32
      %add3A_1514 = arith.constant 16 : i32
      %add3A_1515 = arith.addi %reduce_max3A_1495, %add3A_1514 : i32
      %sub3A_1516 = arith.constant 1 : i32
      %sub3A_1517 = arith.subi %add3A_1515, %sub3A_1516 : i32
      %jit3A_1518 = arith.constant 16 : i32
      %div3A_1519 = arith.divsi %sub3A_1517, %jit3A_1518 : i32
      %sign3A_1520 = arith.constant 0 : i32
      %sign3A_1521 = arith.cmpi sgt, %sub3A_1517, %sign3A_1520 : i32
      %sign3A_1522 = arith.extui %sign3A_1521 : i1 to i32
      %sign3A_1523 = arith.constant 0 : i32
      %sign3A_1524 = arith.cmpi slt, %sub3A_1517, %sign3A_1523 : i32
      %sign3A_1525 = arith.extui %sign3A_1524 : i1 to i32
      %sign3A_1526 = arith.subi %sign3A_1522, %sign3A_1525 : i32
      %sign3A_1527 = arith.constant 0 : i32
      %sign3A_1528 = arith.cmpi sgt, %jit3A_1518, %sign3A_1527 : i32
      %sign3A_1529 = arith.extui %sign3A_1528 : i1 to i32
      %sign3A_1530 = arith.constant 0 : i32
      %sign3A_1531 = arith.cmpi slt, %jit3A_1518, %sign3A_1530 : i32
      %sign3A_1532 = arith.extui %sign3A_1531 : i1 to i32
      %sign3A_1533 = arith.subi %sign3A_1529, %sign3A_1532 : i32
      %ne3A_1534 = arith.cmpi ne, %sign3A_1526, %sign3A_1533 : i32
      %rem3A_1535 = arith.remsi %sub3A_1517, %jit3A_1518 : i32
      %ne3A_1536 = arith.constant 0 : i32
      %ne3A_1537 = arith.cmpi ne, %rem3A_1535, %ne3A_1536 : i32
      %and3A_1538 = arith.andi %ne3A_1534, %ne3A_1537 : i1
      %sub3A_1539 = arith.constant 1 : i32
      %sub3A_1540 = arith.subi %div3A_1519, %sub3A_1539 : i32
      %select_n3A_1541 = arith.select %and3A_1538, %sub3A_1540, %div3A_1519 : i32
      %while3A_1542 = arith.constant 0 : i32
      %while3A_1543 = arith.subi %select_n3A_1541, %while3A_1542 : i32
      %while3A_1544 = arith.addi %while3A_1542, %while3A_1543 : i32
      %while3A_1545 = arith.constant 1 : i32
      %while3A_1546 = arith.divsi %while3A_1543, %while3A_1545 : i32
      %while3A_1547 = arith.muli %while3A_1546, %while3A_1545 : i32
      %while3A_1548 = arith.addi %while3A_1542, %while3A_1547 : i32
      %while3A_1549 = arith.constant 1 : i32
      %while3A_1550:2 = scf.for %while3A_2034 = %while3A_1542 to %while3A_1548 step %while3A_1549 iter_args(%while3A_2035 = %broadcast_in_dim3A_1, %while3A_2036 = %broadcast_in_dim3A_1) -> (vector<16xi32>, vector<16xi32>)  : i32 {
        %mul3A_2037 = arith.constant 16 : i32
        %mul3A_2038 = arith.muli %while3A_2034, %mul3A_2037 : i32
        %get3A = arith.index_cast %mul3A_2038 : i32 to index
        %get3A_2039 = tpu.vector_load %arg5[%get3A] {strides = array<i32>} : memref<33296xi32, #tpu.memory_space<vmem>>, vector<16xi32>,
        %shift_right_logical3A = arith.constant 8 : i32
        %shift_right_logical3A_2040 = vector.broadcast %shift_right_logical3A : i32 to vector<16xi32>
        %shift_right_logical3A_2041 = arith.shrui %get3A_2039, %shift_right_logical3A_2040 : vector<16xi32>
        %and3A_2042 = arith.constant 1 : i32
        %and3A_2043 = vector.broadcast %and3A_2042 : i32 to vector<16xi32>
        %and3A_2044 = arith.andi %shift_right_logical3A_2041, %and3A_2043 : vector<16xi32>
        %eq3A_2045 = vector.broadcast %select_n3A_1505 : i32 to vector<16xi32>
        %eq3A_2046 = arith.cmpi eq, %and3A_2044, %eq3A_2045 : vector<16xi32>
        %jit3A_2047 = arith.constant 1 : i32
        %jit3A_2048 = arith.constant 0 : i32
        %broadcast_in_dim3A_2049 = vector.broadcast %jit3A_2047 : i32 to vector<16xi32>
        %broadcast_in_dim3A_2050 = vector.broadcast %jit3A_2048 : i32 to vector<16xi32>
        %select_n3A_2051 = arith.select %eq3A_2046, %broadcast_in_dim3A_2049, %broadcast_in_dim3A_2050 : vector<16xi1>, vector<16xi32>
        %broadcast_in_dim3A_2052 = arith.constant true
        %broadcast_in_dim3A_2053 = vector.broadcast %broadcast_in_dim3A_2052 : i1 to vector<16xi1>
        %masked_cumsum3A = tpu.scan <sum>, %select_n3A_2051 masked %broadcast_in_dim3A_2053 : vector<16xi32>, vector<16xi1> -> vector<16xi32>
        %add3A_2054 = arith.addi %while3A_2035, %masked_cumsum3A : vector<16xi32>
        %sub3A_2055 = arith.constant 1 : i32
        %sub3A_2056 = vector.broadcast %sub3A_2055 : i32 to vector<16xi32>
        %sub3A_2057 = arith.subi %add3A_2054, %sub3A_2056 : vector<16xi32>
        tpu.vector_store_idx %arg6[%sub3A_2057], %get3A_2039 masked %eq3A_2046 : memref<33296xi32, #tpu.memory_space<vmem>>[vector<16xi32>], vector<16xi32>, vector<16xi1>
        %shift_right_logical3A_2058 = arith.constant 7 : i32
        %shift_right_logical3A_2059 = vector.broadcast %shift_right_logical3A_2058 : i32 to vector<16xi32>
        %shift_right_logical3A_2060 = arith.shrui %get3A_2039, %shift_right_logical3A_2059 : vector<16xi32>
        %and3A_2061 = arith.constant 1 : i32
        %and3A_2062 = vector.broadcast %and3A_2061 : i32 to vector<16xi32>
        %and3A_2063 = arith.andi %shift_right_logical3A_2060, %and3A_2062 : vector<16xi32>
        %jit3A_2064 = arith.constant 0 : i32
        %broadcast_in_dim3A_2065 = vector.broadcast %jit3A_2064 : i32 to vector<16xi32>
        %select_n3A_2066 = arith.select %eq3A_2046, %and3A_2063, %broadcast_in_dim3A_2065 : vector<16xi1>, vector<16xi32>
        %all_reduce_population_count3A = tpu.all_reduce %eq3A_2046 {dim = 0 : i64, kind = #tpu.reduction_kind<sum>} : vector<16xi1> -> vector<16xi32>
        %add3A_2067 = arith.addi %while3A_2035, %all_reduce_population_count3A : vector<16xi32>
        %add3A_2068 = arith.addi %while3A_2036, %select_n3A_2066 : vector<16xi32>
        scf.yield %add3A_2067, %add3A_2068 : vector<16xi32>, vector<16xi32>
      }
      %while3A_1551 = arith.constant 1 : i32
      %while3A_1552:2 = scf.for %while3A_2034 = %while3A_1548 to %while3A_1544 step %while3A_1551 iter_args(%while3A_2035 = %while3A_1550#0, %while3A_2036 = %while3A_1550#1) -> (vector<16xi32>, vector<16xi32>)  : i32 {
        %mul3A_2037 = arith.constant 16 : i32
        %mul3A_2038 = arith.muli %while3A_2034, %mul3A_2037 : i32
        %get3A = arith.index_cast %mul3A_2038 : i32 to index
        %get3A_2039 = tpu.vector_load %arg5[%get3A] {strides = array<i32>} : memref<33296xi32, #tpu.memory_space<vmem>>, vector<16xi32>,
        %shift_right_logical3A = arith.constant 8 : i32
        %shift_right_logical3A_2040 = vector.broadcast %shift_right_logical3A : i32 to vector<16xi32>
        %shift_right_logical3A_2041 = arith.shrui %get3A_2039, %shift_right_logical3A_2040 : vector<16xi32>
        %and3A_2042 = arith.constant 1 : i32
        %and3A_2043 = vector.broadcast %and3A_2042 : i32 to vector<16xi32>
        %and3A_2044 = arith.andi %shift_right_logical3A_2041, %and3A_2043 : vector<16xi32>
        %eq3A_2045 = vector.broadcast %select_n3A_1505 : i32 to vector<16xi32>
        %eq3A_2046 = arith.cmpi eq, %and3A_2044, %eq3A_2045 : vector<16xi32>
        %jit3A_2047 = arith.constant 1 : i32
        %jit3A_2048 = arith.constant 0 : i32
        %broadcast_in_dim3A_2049 = vector.broadcast %jit3A_2047 : i32 to vector<16xi32>
        %broadcast_in_dim3A_2050 = vector.broadcast %jit3A_2048 : i32 to vector<16xi32>
        %select_n3A_2051 = arith.select %eq3A_2046, %broadcast_in_dim3A_2049, %broadcast_in_dim3A_2050 : vector<16xi1>, vector<16xi32>
        %broadcast_in_dim3A_2052 = arith.constant true
        %broadcast_in_dim3A_2053 = vector.broadcast %broadcast_in_dim3A_2052 : i1 to vector<16xi1>
        %masked_cumsum3A = tpu.scan <sum>, %select_n3A_2051 masked %broadcast_in_dim3A_2053 : vector<16xi32>, vector<16xi1> -> vector<16xi32>
        %add3A_2054 = arith.addi %while3A_2035, %masked_cumsum3A : vector<16xi32>
        %sub3A_2055 = arith.constant 1 : i32
        %sub3A_2056 = vector.broadcast %sub3A_2055 : i32 to vector<16xi32>
        %sub3A_2057 = arith.subi %add3A_2054, %sub3A_2056 : vector<16xi32>
        tpu.vector_store_idx %arg6[%sub3A_2057], %get3A_2039 masked %eq3A_2046 : memref<33296xi32, #tpu.memory_space<vmem>>[vector<16xi32>], vector<16xi32>, vector<16xi1>
        %shift_right_logical3A_2058 = arith.constant 7 : i32
        %shift_right_logical3A_2059 = vector.broadcast %shift_right_logical3A_2058 : i32 to vector<16xi32>
        %shift_right_logical3A_2060 = arith.shrui %get3A_2039, %shift_right_logical3A_2059 : vector<16xi32>
        %and3A_2061 = arith.constant 1 : i32
        %and3A_2062 = vector.broadcast %and3A_2061 : i32 to vector<16xi32>
        %and3A_2063 = arith.andi %shift_right_logical3A_2060, %and3A_2062 : vector<16xi32>
        %jit3A_2064 = arith.constant 0 : i32
        %broadcast_in_dim3A_2065 = vector.broadcast %jit3A_2064 : i32 to vector<16xi32>
        %select_n3A_2066 = arith.select %eq3A_2046, %and3A_2063, %broadcast_in_dim3A_2065 : vector<16xi1>, vector<16xi32>
        %all_reduce_population_count3A = tpu.all_reduce %eq3A_2046 {dim = 0 : i64, kind = #tpu.reduction_kind<sum>} : vector<16xi1> -> vector<16xi32>
        %add3A_2067 = arith.addi %while3A_2035, %all_reduce_population_count3A : vector<16xi32>
        %add3A_2068 = arith.addi %while3A_2036, %select_n3A_2066 : vector<16xi32>
        scf.yield %add3A_2067, %add3A_2068 : vector<16xi32>, vector<16xi32>
      }
      %reduce_max3A_1553 = arith.constant true
      %reduce_max3A_1554 = vector.broadcast %reduce_max3A_1553 : i1 to vector<16xi1>
      %reduce_max3A_1555 = arith.constant -2147483648 : i32
      %reduce_max3A_1556 = vector.broadcast %reduce_max3A_1555 : i32 to vector<16xi32>
      %reduce_max3A_1557 = arith.xori %while3A_1552#0, %reduce_max3A_1556 : vector<16xi32>
      %reduce_max3A_1558 = tpu.scan <max>, %reduce_max3A_1557 masked %reduce_max3A_1554 : vector<16xi32>, vector<16xi1> -> vector<16xi32>
      %reduce_max3A_1559 = arith.xori %reduce_max3A_1558, %reduce_max3A_1556 : vector<16xi32>
      %reduce_max3A_1560 = vector.extract %reduce_max3A_1559[15] : i32 from vector<16xi32>
      %iota3A_1561 = tpu.iota {dimensions = array<i32: 0>} : vector<16xi32>
      %add3A_1562 = arith.addi %while3A_1552#0, %iota3A_1561 : vector<16xi32>
      tpu.vector_store_idx %arg6[%add3A_1562], %broadcast_in_dim3A_1 : memref<33296xi32, #tpu.memory_space<vmem>>[vector<16xi32>], vector<16xi32>,
      %reduce_sum3A_1563 = arith.constant true
      %reduce_sum3A_1564 = vector.broadcast %reduce_sum3A_1563 : i1 to vector<16xi1>
      %reduce_sum3A_1565 = tpu.scan <sum>, %while3A_1552#1 masked %reduce_sum3A_1564 : vector<16xi32>, vector<16xi1> -> vector<16xi32>
      %reduce_sum3A_1566 = vector.extract %reduce_sum3A_1565[15] : i32 from vector<16xi32>
      %ge3A_1567 = arith.cmpi sge, %reduce_sum3A_1566, %sub3A_1513 : i32
      %jit3A_1568 = arith.constant 1 : i32
      %jit3A_1569 = arith.constant 0 : i32
      %select_n3A_1570 = arith.select %ge3A_1567, %jit3A_1568, %jit3A_1569 : i32
      %shift_left3A_1571 = arith.constant 7 : i32
      %shift_left3A_1572 = arith.shli %select_n3A_1570, %shift_left3A_1571 : i32
      %or3A_1573 = arith.ori %or3A_1508, %shift_left3A_1572 : i32
      %eq3A_1574 = arith.constant 0 : i32
      %eq3A_1575 = arith.cmpi eq, %select_n3A_1570, %eq3A_1574 : i32
      %jit3A_1576 = arith.constant 0 : i32
      %select_n3A_1577 = arith.select %eq3A_1575, %reduce_sum3A_1566, %jit3A_1576 : i32
      %sub3A_1578 = arith.subi %sub3A_1513, %select_n3A_1577 : i32
      %add3A_1579 = arith.constant 16 : i32
      %add3A_1580 = arith.addi %reduce_max3A_1560, %add3A_1579 : i32
      %sub3A_1581 = arith.constant 1 : i32
      %sub3A_1582 = arith.subi %add3A_1580, %sub3A_1581 : i32
      %jit3A_1583 = arith.constant 16 : i32
      %div3A_1584 = arith.divsi %sub3A_1582, %jit3A_1583 : i32
      %sign3A_1585 = arith.constant 0 : i32
      %sign3A_1586 = arith.cmpi sgt, %sub3A_1582, %sign3A_1585 : i32
      %sign3A_1587 = arith.extui %sign3A_1586 : i1 to i32
      %sign3A_1588 = arith.constant 0 : i32
      %sign3A_1589 = arith.cmpi slt, %sub3A_1582, %sign3A_1588 : i32
      %sign3A_1590 = arith.extui %sign3A_1589 : i1 to i32
      %sign3A_1591 = arith.subi %sign3A_1587, %sign3A_1590 : i32
      %sign3A_1592 = arith.constant 0 : i32
      %sign3A_1593 = arith.cmpi sgt, %jit3A_1583, %sign3A_1592 : i32
      %sign3A_1594 = arith.extui %sign3A_1593 : i1 to i32
      %sign3A_1595 = arith.constant 0 : i32
      %sign3A_1596 = arith.cmpi slt, %jit3A_1583, %sign3A_1595 : i32
      %sign3A_1597 = arith.extui %sign3A_1596 : i1 to i32
      %sign3A_1598 = arith.subi %sign3A_1594, %sign3A_1597 : i32
      %ne3A_1599 = arith.cmpi ne, %sign3A_1591, %sign3A_1598 : i32
      %rem3A_1600 = arith.remsi %sub3A_1582, %jit3A_1583 : i32
      %ne3A_1601 = arith.constant 0 : i32
      %ne3A_1602 = arith.cmpi ne, %rem3A_1600, %ne3A_1601 : i32
      %and3A_1603 = arith.andi %ne3A_1599, %ne3A_1602 : i1
      %sub3A_1604 = arith.constant 1 : i32
      %sub3A_1605 = arith.subi %div3A_1584, %sub3A_1604 : i32
      %select_n3A_1606 = arith.select %and3A_1603, %sub3A_1605, %div3A_1584 : i32
      %while3A_1607 = arith.constant 0 : i32
      %while3A_1608 = arith.subi %select_n3A_1606, %while3A_1607 : i32
      %while3A_1609 = arith.addi %while3A_1607, %while3A_1608 : i32
      %while3A_1610 = arith.constant 1 : i32
      %while3A_1611 = arith.divsi %while3A_1608, %while3A_1610 : i32
      %while3A_1612 = arith.muli %while3A_1611, %while3A_1610 : i32
      %while3A_1613 = arith.addi %while3A_1607, %while3A_1612 : i32
      %while3A_1614 = arith.constant 1 : i32
      %while3A_1615:2 = scf.for %while3A_2034 = %while3A_1607 to %while3A_1613 step %while3A_1614 iter_args(%while3A_2035 = %broadcast_in_dim3A_1, %while3A_2036 = %broadcast_in_dim3A_1) -> (vector<16xi32>, vector<16xi32>)  : i32 {
        %mul3A_2037 = arith.constant 16 : i32
        %mul3A_2038 = arith.muli %while3A_2034, %mul3A_2037 : i32
        %get3A = arith.index_cast %mul3A_2038 : i32 to index
        %get3A_2039 = tpu.vector_load %arg6[%get3A] {strides = array<i32>} : memref<33296xi32, #tpu.memory_space<vmem>>, vector<16xi32>,
        %shift_right_logical3A = arith.constant 7 : i32
        %shift_right_logical3A_2040 = vector.broadcast %shift_right_logical3A : i32 to vector<16xi32>
        %shift_right_logical3A_2041 = arith.shrui %get3A_2039, %shift_right_logical3A_2040 : vector<16xi32>
        %and3A_2042 = arith.constant 1 : i32
        %and3A_2043 = vector.broadcast %and3A_2042 : i32 to vector<16xi32>
        %and3A_2044 = arith.andi %shift_right_logical3A_2041, %and3A_2043 : vector<16xi32>
        %eq3A_2045 = vector.broadcast %select_n3A_1570 : i32 to vector<16xi32>
        %eq3A_2046 = arith.cmpi eq, %and3A_2044, %eq3A_2045 : vector<16xi32>
        %jit3A_2047 = arith.constant 1 : i32
        %jit3A_2048 = arith.constant 0 : i32
        %broadcast_in_dim3A_2049 = vector.broadcast %jit3A_2047 : i32 to vector<16xi32>
        %broadcast_in_dim3A_2050 = vector.broadcast %jit3A_2048 : i32 to vector<16xi32>
        %select_n3A_2051 = arith.select %eq3A_2046, %broadcast_in_dim3A_2049, %broadcast_in_dim3A_2050 : vector<16xi1>, vector<16xi32>
        %broadcast_in_dim3A_2052 = arith.constant true
        %broadcast_in_dim3A_2053 = vector.broadcast %broadcast_in_dim3A_2052 : i1 to vector<16xi1>
        %masked_cumsum3A = tpu.scan <sum>, %select_n3A_2051 masked %broadcast_in_dim3A_2053 : vector<16xi32>, vector<16xi1> -> vector<16xi32>
        %add3A_2054 = arith.addi %while3A_2035, %masked_cumsum3A : vector<16xi32>
        %sub3A_2055 = arith.constant 1 : i32
        %sub3A_2056 = vector.broadcast %sub3A_2055 : i32 to vector<16xi32>
        %sub3A_2057 = arith.subi %add3A_2054, %sub3A_2056 : vector<16xi32>
        tpu.vector_store_idx %arg5[%sub3A_2057], %get3A_2039 masked %eq3A_2046 : memref<33296xi32, #tpu.memory_space<vmem>>[vector<16xi32>], vector<16xi32>, vector<16xi1>
        %shift_right_logical3A_2058 = arith.constant 6 : i32
        %shift_right_logical3A_2059 = vector.broadcast %shift_right_logical3A_2058 : i32 to vector<16xi32>
        %shift_right_logical3A_2060 = arith.shrui %get3A_2039, %shift_right_logical3A_2059 : vector<16xi32>
        %and3A_2061 = arith.constant 1 : i32
        %and3A_2062 = vector.broadcast %and3A_2061 : i32 to vector<16xi32>
        %and3A_2063 = arith.andi %shift_right_logical3A_2060, %and3A_2062 : vector<16xi32>
        %jit3A_2064 = arith.constant 0 : i32
        %broadcast_in_dim3A_2065 = vector.broadcast %jit3A_2064 : i32 to vector<16xi32>
        %select_n3A_2066 = arith.select %eq3A_2046, %and3A_2063, %broadcast_in_dim3A_2065 : vector<16xi1>, vector<16xi32>
        %all_reduce_population_count3A = tpu.all_reduce %eq3A_2046 {dim = 0 : i64, kind = #tpu.reduction_kind<sum>} : vector<16xi1> -> vector<16xi32>
        %add3A_2067 = arith.addi %while3A_2035, %all_reduce_population_count3A : vector<16xi32>
        %add3A_2068 = arith.addi %while3A_2036, %select_n3A_2066 : vector<16xi32>
        scf.yield %add3A_2067, %add3A_2068 : vector<16xi32>, vector<16xi32>
      }
      %while3A_1616 = arith.constant 1 : i32
      %while3A_1617:2 = scf.for %while3A_2034 = %while3A_1613 to %while3A_1609 step %while3A_1616 iter_args(%while3A_2035 = %while3A_1615#0, %while3A_2036 = %while3A_1615#1) -> (vector<16xi32>, vector<16xi32>)  : i32 {
        %mul3A_2037 = arith.constant 16 : i32
        %mul3A_2038 = arith.muli %while3A_2034, %mul3A_2037 : i32
        %get3A = arith.index_cast %mul3A_2038 : i32 to index
        %get3A_2039 = tpu.vector_load %arg6[%get3A] {strides = array<i32>} : memref<33296xi32, #tpu.memory_space<vmem>>, vector<16xi32>,
        %shift_right_logical3A = arith.constant 7 : i32
        %shift_right_logical3A_2040 = vector.broadcast %shift_right_logical3A : i32 to vector<16xi32>
        %shift_right_logical3A_2041 = arith.shrui %get3A_2039, %shift_right_logical3A_2040 : vector<16xi32>
        %and3A_2042 = arith.constant 1 : i32
        %and3A_2043 = vector.broadcast %and3A_2042 : i32 to vector<16xi32>
        %and3A_2044 = arith.andi %shift_right_logical3A_2041, %and3A_2043 : vector<16xi32>
        %eq3A_2045 = vector.broadcast %select_n3A_1570 : i32 to vector<16xi32>
        %eq3A_2046 = arith.cmpi eq, %and3A_2044, %eq3A_2045 : vector<16xi32>
        %jit3A_2047 = arith.constant 1 : i32
        %jit3A_2048 = arith.constant 0 : i32
        %broadcast_in_dim3A_2049 = vector.broadcast %jit3A_2047 : i32 to vector<16xi32>
        %broadcast_in_dim3A_2050 = vector.broadcast %jit3A_2048 : i32 to vector<16xi32>
        %select_n3A_2051 = arith.select %eq3A_2046, %broadcast_in_dim3A_2049, %broadcast_in_dim3A_2050 : vector<16xi1>, vector<16xi32>
        %broadcast_in_dim3A_2052 = arith.constant true
        %broadcast_in_dim3A_2053 = vector.broadcast %broadcast_in_dim3A_2052 : i1 to vector<16xi1>
        %masked_cumsum3A = tpu.scan <sum>, %select_n3A_2051 masked %broadcast_in_dim3A_2053 : vector<16xi32>, vector<16xi1> -> vector<16xi32>
        %add3A_2054 = arith.addi %while3A_2035, %masked_cumsum3A : vector<16xi32>
        %sub3A_2055 = arith.constant 1 : i32
        %sub3A_2056 = vector.broadcast %sub3A_2055 : i32 to vector<16xi32>
        %sub3A_2057 = arith.subi %add3A_2054, %sub3A_2056 : vector<16xi32>
        tpu.vector_store_idx %arg5[%sub3A_2057], %get3A_2039 masked %eq3A_2046 : memref<33296xi32, #tpu.memory_space<vmem>>[vector<16xi32>], vector<16xi32>, vector<16xi1>
        %shift_right_logical3A_2058 = arith.constant 6 : i32
        %shift_right_logical3A_2059 = vector.broadcast %shift_right_logical3A_2058 : i32 to vector<16xi32>
        %shift_right_logical3A_2060 = arith.shrui %get3A_2039, %shift_right_logical3A_2059 : vector<16xi32>
        %and3A_2061 = arith.constant 1 : i32
        %and3A_2062 = vector.broadcast %and3A_2061 : i32 to vector<16xi32>
        %and3A_2063 = arith.andi %shift_right_logical3A_2060, %and3A_2062 : vector<16xi32>
        %jit3A_2064 = arith.constant 0 : i32
        %broadcast_in_dim3A_2065 = vector.broadcast %jit3A_2064 : i32 to vector<16xi32>
        %select_n3A_2066 = arith.select %eq3A_2046, %and3A_2063, %broadcast_in_dim3A_2065 : vector<16xi1>, vector<16xi32>
        %all_reduce_population_count3A = tpu.all_reduce %eq3A_2046 {dim = 0 : i64, kind = #tpu.reduction_kind<sum>} : vector<16xi1> -> vector<16xi32>
        %add3A_2067 = arith.addi %while3A_2035, %all_reduce_population_count3A : vector<16xi32>
        %add3A_2068 = arith.addi %while3A_2036, %select_n3A_2066 : vector<16xi32>
        scf.yield %add3A_2067, %add3A_2068 : vector<16xi32>, vector<16xi32>
      }
      %reduce_max3A_1618 = arith.constant true
      %reduce_max3A_1619 = vector.broadcast %reduce_max3A_1618 : i1 to vector<16xi1>
      %reduce_max3A_1620 = arith.constant -2147483648 : i32
      %reduce_max3A_1621 = vector.broadcast %reduce_max3A_1620 : i32 to vector<16xi32>
      %reduce_max3A_1622 = arith.xori %while3A_1617#0, %reduce_max3A_1621 : vector<16xi32>
      %reduce_max3A_1623 = tpu.scan <max>, %reduce_max3A_1622 masked %reduce_max3A_1619 : vector<16xi32>, vector<16xi1> -> vector<16xi32>
      %reduce_max3A_1624 = arith.xori %reduce_max3A_1623, %reduce_max3A_1621 : vector<16xi32>
      %reduce_max3A_1625 = vector.extract %reduce_max3A_1624[15] : i32 from vector<16xi32>
      %iota3A_1626 = tpu.iota {dimensions = array<i32: 0>} : vector<16xi32>
      %add3A_1627 = arith.addi %while3A_1617#0, %iota3A_1626 : vector<16xi32>
      tpu.vector_store_idx %arg5[%add3A_1627], %broadcast_in_dim3A_1 : memref<33296xi32, #tpu.memory_space<vmem>>[vector<16xi32>], vector<16xi32>,
      %reduce_sum3A_1628 = arith.constant true
      %reduce_sum3A_1629 = vector.broadcast %reduce_sum3A_1628 : i1 to vector<16xi1>
      %reduce_sum3A_1630 = tpu.scan <sum>, %while3A_1617#1 masked %reduce_sum3A_1629 : vector<16xi32>, vector<16xi1> -> vector<16xi32>
      %reduce_sum3A_1631 = vector.extract %reduce_sum3A_1630[15] : i32 from vector<16xi32>
      %ge3A_1632 = arith.cmpi sge, %reduce_sum3A_1631, %sub3A_1578 : i32
      %jit3A_1633 = arith.constant 1 : i32
      %jit3A_1634 = arith.constant 0 : i32
      %select_n3A_1635 = arith.select %ge3A_1632, %jit3A_1633, %jit3A_1634 : i32
      %shift_left3A_1636 = arith.constant 6 : i32
      %shift_left3A_1637 = arith.shli %select_n3A_1635, %shift_left3A_1636 : i32
      %or3A_1638 = arith.ori %or3A_1573, %shift_left3A_1637 : i32
      %eq3A_1639 = arith.constant 0 : i32
      %eq3A_1640 = arith.cmpi eq, %select_n3A_1635, %eq3A_1639 : i32
      %jit3A_1641 = arith.constant 0 : i32
      %select_n3A_1642 = arith.select %eq3A_1640, %reduce_sum3A_1631, %jit3A_1641 : i32
      %sub3A_1643 = arith.subi %sub3A_1578, %select_n3A_1642 : i32
      %add3A_1644 = arith.constant 16 : i32
      %add3A_1645 = arith.addi %reduce_max3A_1625, %add3A_1644 : i32
      %sub3A_1646 = arith.constant 1 : i32
      %sub3A_1647 = arith.subi %add3A_1645, %sub3A_1646 : i32
      %jit3A_1648 = arith.constant 16 : i32
      %div3A_1649 = arith.divsi %sub3A_1647, %jit3A_1648 : i32
      %sign3A_1650 = arith.constant 0 : i32
      %sign3A_1651 = arith.cmpi sgt, %sub3A_1647, %sign3A_1650 : i32
      %sign3A_1652 = arith.extui %sign3A_1651 : i1 to i32
      %sign3A_1653 = arith.constant 0 : i32
      %sign3A_1654 = arith.cmpi slt, %sub3A_1647, %sign3A_1653 : i32
      %sign3A_1655 = arith.extui %sign3A_1654 : i1 to i32
      %sign3A_1656 = arith.subi %sign3A_1652, %sign3A_1655 : i32
      %sign3A_1657 = arith.constant 0 : i32
      %sign3A_1658 = arith.cmpi sgt, %jit3A_1648, %sign3A_1657 : i32
      %sign3A_1659 = arith.extui %sign3A_1658 : i1 to i32
      %sign3A_1660 = arith.constant 0 : i32
      %sign3A_1661 = arith.cmpi slt, %jit3A_1648, %sign3A_1660 : i32
      %sign3A_1662 = arith.extui %sign3A_1661 : i1 to i32
      %sign3A_1663 = arith.subi %sign3A_1659, %sign3A_1662 : i32
      %ne3A_1664 = arith.cmpi ne, %sign3A_1656, %sign3A_1663 : i32
      %rem3A_1665 = arith.remsi %sub3A_1647, %jit3A_1648 : i32
      %ne3A_1666 = arith.constant 0 : i32
      %ne3A_1667 = arith.cmpi ne, %rem3A_1665, %ne3A_1666 : i32
      %and3A_1668 = arith.andi %ne3A_1664, %ne3A_1667 : i1
      %sub3A_1669 = arith.constant 1 : i32
      %sub3A_1670 = arith.subi %div3A_1649, %sub3A_1669 : i32
      %select_n3A_1671 = arith.select %and3A_1668, %sub3A_1670, %div3A_1649 : i32
      %while3A_1672 = arith.constant 0 : i32
      %while3A_1673 = arith.subi %select_n3A_1671, %while3A_1672 : i32
      %while3A_1674 = arith.addi %while3A_1672, %while3A_1673 : i32
      %while3A_1675 = arith.constant 1 : i32
      %while3A_1676 = arith.divsi %while3A_1673, %while3A_1675 : i32
      %while3A_1677 = arith.muli %while3A_1676, %while3A_1675 : i32
      %while3A_1678 = arith.addi %while3A_1672, %while3A_1677 : i32
      %while3A_1679 = arith.constant 1 : i32
      %while3A_1680:2 = scf.for %while3A_2034 = %while3A_1672 to %while3A_1678 step %while3A_1679 iter_args(%while3A_2035 = %broadcast_in_dim3A_1, %while3A_2036 = %broadcast_in_dim3A_1) -> (vector<16xi32>, vector<16xi32>)  : i32 {
        %mul3A_2037 = arith.constant 16 : i32
        %mul3A_2038 = arith.muli %while3A_2034, %mul3A_2037 : i32
        %get3A = arith.index_cast %mul3A_2038 : i32 to index
        %get3A_2039 = tpu.vector_load %arg5[%get3A] {strides = array<i32>} : memref<33296xi32, #tpu.memory_space<vmem>>, vector<16xi32>,
        %shift_right_logical3A = arith.constant 6 : i32
        %shift_right_logical3A_2040 = vector.broadcast %shift_right_logical3A : i32 to vector<16xi32>
        %shift_right_logical3A_2041 = arith.shrui %get3A_2039, %shift_right_logical3A_2040 : vector<16xi32>
        %and3A_2042 = arith.constant 1 : i32
        %and3A_2043 = vector.broadcast %and3A_2042 : i32 to vector<16xi32>
        %and3A_2044 = arith.andi %shift_right_logical3A_2041, %and3A_2043 : vector<16xi32>
        %eq3A_2045 = vector.broadcast %select_n3A_1635 : i32 to vector<16xi32>
        %eq3A_2046 = arith.cmpi eq, %and3A_2044, %eq3A_2045 : vector<16xi32>
        %jit3A_2047 = arith.constant 1 : i32
        %jit3A_2048 = arith.constant 0 : i32
        %broadcast_in_dim3A_2049 = vector.broadcast %jit3A_2047 : i32 to vector<16xi32>
        %broadcast_in_dim3A_2050 = vector.broadcast %jit3A_2048 : i32 to vector<16xi32>
        %select_n3A_2051 = arith.select %eq3A_2046, %broadcast_in_dim3A_2049, %broadcast_in_dim3A_2050 : vector<16xi1>, vector<16xi32>
        %broadcast_in_dim3A_2052 = arith.constant true
        %broadcast_in_dim3A_2053 = vector.broadcast %broadcast_in_dim3A_2052 : i1 to vector<16xi1>
        %masked_cumsum3A = tpu.scan <sum>, %select_n3A_2051 masked %broadcast_in_dim3A_2053 : vector<16xi32>, vector<16xi1> -> vector<16xi32>
        %add3A_2054 = arith.addi %while3A_2035, %masked_cumsum3A : vector<16xi32>
        %sub3A_2055 = arith.constant 1 : i32
        %sub3A_2056 = vector.broadcast %sub3A_2055 : i32 to vector<16xi32>
        %sub3A_2057 = arith.subi %add3A_2054, %sub3A_2056 : vector<16xi32>
        tpu.vector_store_idx %arg6[%sub3A_2057], %get3A_2039 masked %eq3A_2046 : memref<33296xi32, #tpu.memory_space<vmem>>[vector<16xi32>], vector<16xi32>, vector<16xi1>
        %shift_right_logical3A_2058 = arith.constant 5 : i32
        %shift_right_logical3A_2059 = vector.broadcast %shift_right_logical3A_2058 : i32 to vector<16xi32>
        %shift_right_logical3A_2060 = arith.shrui %get3A_2039, %shift_right_logical3A_2059 : vector<16xi32>
        %and3A_2061 = arith.constant 1 : i32
        %and3A_2062 = vector.broadcast %and3A_2061 : i32 to vector<16xi32>
        %and3A_2063 = arith.andi %shift_right_logical3A_2060, %and3A_2062 : vector<16xi32>
        %jit3A_2064 = arith.constant 0 : i32
        %broadcast_in_dim3A_2065 = vector.broadcast %jit3A_2064 : i32 to vector<16xi32>
        %select_n3A_2066 = arith.select %eq3A_2046, %and3A_2063, %broadcast_in_dim3A_2065 : vector<16xi1>, vector<16xi32>
        %all_reduce_population_count3A = tpu.all_reduce %eq3A_2046 {dim = 0 : i64, kind = #tpu.reduction_kind<sum>} : vector<16xi1> -> vector<16xi32>
        %add3A_2067 = arith.addi %while3A_2035, %all_reduce_population_count3A : vector<16xi32>
        %add3A_2068 = arith.addi %while3A_2036, %select_n3A_2066 : vector<16xi32>
        scf.yield %add3A_2067, %add3A_2068 : vector<16xi32>, vector<16xi32>
      }
      %while3A_1681 = arith.constant 1 : i32
      %while3A_1682:2 = scf.for %while3A_2034 = %while3A_1678 to %while3A_1674 step %while3A_1681 iter_args(%while3A_2035 = %while3A_1680#0, %while3A_2036 = %while3A_1680#1) -> (vector<16xi32>, vector<16xi32>)  : i32 {
        %mul3A_2037 = arith.constant 16 : i32
        %mul3A_2038 = arith.muli %while3A_2034, %mul3A_2037 : i32
        %get3A = arith.index_cast %mul3A_2038 : i32 to index
        %get3A_2039 = tpu.vector_load %arg5[%get3A] {strides = array<i32>} : memref<33296xi32, #tpu.memory_space<vmem>>, vector<16xi32>,
        %shift_right_logical3A = arith.constant 6 : i32
        %shift_right_logical3A_2040 = vector.broadcast %shift_right_logical3A : i32 to vector<16xi32>
        %shift_right_logical3A_2041 = arith.shrui %get3A_2039, %shift_right_logical3A_2040 : vector<16xi32>
        %and3A_2042 = arith.constant 1 : i32
        %and3A_2043 = vector.broadcast %and3A_2042 : i32 to vector<16xi32>
        %and3A_2044 = arith.andi %shift_right_logical3A_2041, %and3A_2043 : vector<16xi32>
        %eq3A_2045 = vector.broadcast %select_n3A_1635 : i32 to vector<16xi32>
        %eq3A_2046 = arith.cmpi eq, %and3A_2044, %eq3A_2045 : vector<16xi32>
        %jit3A_2047 = arith.constant 1 : i32
        %jit3A_2048 = arith.constant 0 : i32
        %broadcast_in_dim3A_2049 = vector.broadcast %jit3A_2047 : i32 to vector<16xi32>
        %broadcast_in_dim3A_2050 = vector.broadcast %jit3A_2048 : i32 to vector<16xi32>
        %select_n3A_2051 = arith.select %eq3A_2046, %broadcast_in_dim3A_2049, %broadcast_in_dim3A_2050 : vector<16xi1>, vector<16xi32>
        %broadcast_in_dim3A_2052 = arith.constant true
        %broadcast_in_dim3A_2053 = vector.broadcast %broadcast_in_dim3A_2052 : i1 to vector<16xi1>
        %masked_cumsum3A = tpu.scan <sum>, %select_n3A_2051 masked %broadcast_in_dim3A_2053 : vector<16xi32>, vector<16xi1> -> vector<16xi32>
        %add3A_2054 = arith.addi %while3A_2035, %masked_cumsum3A : vector<16xi32>
        %sub3A_2055 = arith.constant 1 : i32
        %sub3A_2056 = vector.broadcast %sub3A_2055 : i32 to vector<16xi32>
        %sub3A_2057 = arith.subi %add3A_2054, %sub3A_2056 : vector<16xi32>
        tpu.vector_store_idx %arg6[%sub3A_2057], %get3A_2039 masked %eq3A_2046 : memref<33296xi32, #tpu.memory_space<vmem>>[vector<16xi32>], vector<16xi32>, vector<16xi1>
        %shift_right_logical3A_2058 = arith.constant 5 : i32
        %shift_right_logical3A_2059 = vector.broadcast %shift_right_logical3A_2058 : i32 to vector<16xi32>
        %shift_right_logical3A_2060 = arith.shrui %get3A_2039, %shift_right_logical3A_2059 : vector<16xi32>
        %and3A_2061 = arith.constant 1 : i32
        %and3A_2062 = vector.broadcast %and3A_2061 : i32 to vector<16xi32>
        %and3A_2063 = arith.andi %shift_right_logical3A_2060, %and3A_2062 : vector<16xi32>
        %jit3A_2064 = arith.constant 0 : i32
        %broadcast_in_dim3A_2065 = vector.broadcast %jit3A_2064 : i32 to vector<16xi32>
        %select_n3A_2066 = arith.select %eq3A_2046, %and3A_2063, %broadcast_in_dim3A_2065 : vector<16xi1>, vector<16xi32>
        %all_reduce_population_count3A = tpu.all_reduce %eq3A_2046 {dim = 0 : i64, kind = #tpu.reduction_kind<sum>} : vector<16xi1> -> vector<16xi32>
        %add3A_2067 = arith.addi %while3A_2035, %all_reduce_population_count3A : vector<16xi32>
        %add3A_2068 = arith.addi %while3A_2036, %select_n3A_2066 : vector<16xi32>
        scf.yield %add3A_2067, %add3A_2068 : vector<16xi32>, vector<16xi32>
      }
      %reduce_max3A_1683 = arith.constant true
      %reduce_max3A_1684 = vector.broadcast %reduce_max3A_1683 : i1 to vector<16xi1>
      %reduce_max3A_1685 = arith.constant -2147483648 : i32
      %reduce_max3A_1686 = vector.broadcast %reduce_max3A_1685 : i32 to vector<16xi32>
      %reduce_max3A_1687 = arith.xori %while3A_1682#0, %reduce_max3A_1686 : vector<16xi32>
      %reduce_max3A_1688 = tpu.scan <max>, %reduce_max3A_1687 masked %reduce_max3A_1684 : vector<16xi32>, vector<16xi1> -> vector<16xi32>
      %reduce_max3A_1689 = arith.xori %reduce_max3A_1688, %reduce_max3A_1686 : vector<16xi32>
      %reduce_max3A_1690 = vector.extract %reduce_max3A_1689[15] : i32 from vector<16xi32>
      %iota3A_1691 = tpu.iota {dimensions = array<i32: 0>} : vector<16xi32>
      %add3A_1692 = arith.addi %while3A_1682#0, %iota3A_1691 : vector<16xi32>
      tpu.vector_store_idx %arg6[%add3A_1692], %broadcast_in_dim3A_1 : memref<33296xi32, #tpu.memory_space<vmem>>[vector<16xi32>], vector<16xi32>,
      %reduce_sum3A_1693 = arith.constant true
      %reduce_sum3A_1694 = vector.broadcast %reduce_sum3A_1693 : i1 to vector<16xi1>
      %reduce_sum3A_1695 = tpu.scan <sum>, %while3A_1682#1 masked %reduce_sum3A_1694 : vector<16xi32>, vector<16xi1> -> vector<16xi32>
      %reduce_sum3A_1696 = vector.extract %reduce_sum3A_1695[15] : i32 from vector<16xi32>
      %ge3A_1697 = arith.cmpi sge, %reduce_sum3A_1696, %sub3A_1643 : i32
      %jit3A_1698 = arith.constant 1 : i32
      %jit3A_1699 = arith.constant 0 : i32
      %select_n3A_1700 = arith.select %ge3A_1697, %jit3A_1698, %jit3A_1699 : i32
      %shift_left3A_1701 = arith.constant 5 : i32
      %shift_left3A_1702 = arith.shli %select_n3A_1700, %shift_left3A_1701 : i32
      %or3A_1703 = arith.ori %or3A_1638, %shift_left3A_1702 : i32
      %eq3A_1704 = arith.constant 0 : i32
      %eq3A_1705 = arith.cmpi eq, %select_n3A_1700, %eq3A_1704 : i32
      %jit3A_1706 = arith.constant 0 : i32
      %select_n3A_1707 = arith.select %eq3A_1705, %reduce_sum3A_1696, %jit3A_1706 : i32
      %sub3A_1708 = arith.subi %sub3A_1643, %select_n3A_1707 : i32
      %add3A_1709 = arith.constant 16 : i32
      %add3A_1710 = arith.addi %reduce_max3A_1690, %add3A_1709 : i32
      %sub3A_1711 = arith.constant 1 : i32
      %sub3A_1712 = arith.subi %add3A_1710, %sub3A_1711 : i32
      %jit3A_1713 = arith.constant 16 : i32
      %div3A_1714 = arith.divsi %sub3A_1712, %jit3A_1713 : i32
      %sign3A_1715 = arith.constant 0 : i32
      %sign3A_1716 = arith.cmpi sgt, %sub3A_1712, %sign3A_1715 : i32
      %sign3A_1717 = arith.extui %sign3A_1716 : i1 to i32
      %sign3A_1718 = arith.constant 0 : i32
      %sign3A_1719 = arith.cmpi slt, %sub3A_1712, %sign3A_1718 : i32
      %sign3A_1720 = arith.extui %sign3A_1719 : i1 to i32
      %sign3A_1721 = arith.subi %sign3A_1717, %sign3A_1720 : i32
      %sign3A_1722 = arith.constant 0 : i32
      %sign3A_1723 = arith.cmpi sgt, %jit3A_1713, %sign3A_1722 : i32
      %sign3A_1724 = arith.extui %sign3A_1723 : i1 to i32
      %sign3A_1725 = arith.constant 0 : i32
      %sign3A_1726 = arith.cmpi slt, %jit3A_1713, %sign3A_1725 : i32
      %sign3A_1727 = arith.extui %sign3A_1726 : i1 to i32
      %sign3A_1728 = arith.subi %sign3A_1724, %sign3A_1727 : i32
      %ne3A_1729 = arith.cmpi ne, %sign3A_1721, %sign3A_1728 : i32
      %rem3A_1730 = arith.remsi %sub3A_1712, %jit3A_1713 : i32
      %ne3A_1731 = arith.constant 0 : i32
      %ne3A_1732 = arith.cmpi ne, %rem3A_1730, %ne3A_1731 : i32
      %and3A_1733 = arith.andi %ne3A_1729, %ne3A_1732 : i1
      %sub3A_1734 = arith.constant 1 : i32
      %sub3A_1735 = arith.subi %div3A_1714, %sub3A_1734 : i32
      %select_n3A_1736 = arith.select %and3A_1733, %sub3A_1735, %div3A_1714 : i32
      %while3A_1737 = arith.constant 0 : i32
      %while3A_1738 = arith.subi %select_n3A_1736, %while3A_1737 : i32
      %while3A_1739 = arith.addi %while3A_1737, %while3A_1738 : i32
      %while3A_1740 = arith.constant 1 : i32
      %while3A_1741 = arith.divsi %while3A_1738, %while3A_1740 : i32
      %while3A_1742 = arith.muli %while3A_1741, %while3A_1740 : i32
      %while3A_1743 = arith.addi %while3A_1737, %while3A_1742 : i32
      %while3A_1744 = arith.constant 1 : i32
      %while3A_1745:2 = scf.for %while3A_2034 = %while3A_1737 to %while3A_1743 step %while3A_1744 iter_args(%while3A_2035 = %broadcast_in_dim3A_1, %while3A_2036 = %broadcast_in_dim3A_1) -> (vector<16xi32>, vector<16xi32>)  : i32 {
        %mul3A_2037 = arith.constant 16 : i32
        %mul3A_2038 = arith.muli %while3A_2034, %mul3A_2037 : i32
        %get3A = arith.index_cast %mul3A_2038 : i32 to index
        %get3A_2039 = tpu.vector_load %arg6[%get3A] {strides = array<i32>} : memref<33296xi32, #tpu.memory_space<vmem>>, vector<16xi32>,
        %shift_right_logical3A = arith.constant 5 : i32
        %shift_right_logical3A_2040 = vector.broadcast %shift_right_logical3A : i32 to vector<16xi32>
        %shift_right_logical3A_2041 = arith.shrui %get3A_2039, %shift_right_logical3A_2040 : vector<16xi32>
        %and3A_2042 = arith.constant 1 : i32
        %and3A_2043 = vector.broadcast %and3A_2042 : i32 to vector<16xi32>
        %and3A_2044 = arith.andi %shift_right_logical3A_2041, %and3A_2043 : vector<16xi32>
        %eq3A_2045 = vector.broadcast %select_n3A_1700 : i32 to vector<16xi32>
        %eq3A_2046 = arith.cmpi eq, %and3A_2044, %eq3A_2045 : vector<16xi32>
        %jit3A_2047 = arith.constant 1 : i32
        %jit3A_2048 = arith.constant 0 : i32
        %broadcast_in_dim3A_2049 = vector.broadcast %jit3A_2047 : i32 to vector<16xi32>
        %broadcast_in_dim3A_2050 = vector.broadcast %jit3A_2048 : i32 to vector<16xi32>
        %select_n3A_2051 = arith.select %eq3A_2046, %broadcast_in_dim3A_2049, %broadcast_in_dim3A_2050 : vector<16xi1>, vector<16xi32>
        %broadcast_in_dim3A_2052 = arith.constant true
        %broadcast_in_dim3A_2053 = vector.broadcast %broadcast_in_dim3A_2052 : i1 to vector<16xi1>
        %masked_cumsum3A = tpu.scan <sum>, %select_n3A_2051 masked %broadcast_in_dim3A_2053 : vector<16xi32>, vector<16xi1> -> vector<16xi32>
        %add3A_2054 = arith.addi %while3A_2035, %masked_cumsum3A : vector<16xi32>
        %sub3A_2055 = arith.constant 1 : i32
        %sub3A_2056 = vector.broadcast %sub3A_2055 : i32 to vector<16xi32>
        %sub3A_2057 = arith.subi %add3A_2054, %sub3A_2056 : vector<16xi32>
        tpu.vector_store_idx %arg5[%sub3A_2057], %get3A_2039 masked %eq3A_2046 : memref<33296xi32, #tpu.memory_space<vmem>>[vector<16xi32>], vector<16xi32>, vector<16xi1>
        %shift_right_logical3A_2058 = arith.constant 4 : i32
        %shift_right_logical3A_2059 = vector.broadcast %shift_right_logical3A_2058 : i32 to vector<16xi32>
        %shift_right_logical3A_2060 = arith.shrui %get3A_2039, %shift_right_logical3A_2059 : vector<16xi32>
        %and3A_2061 = arith.constant 1 : i32
        %and3A_2062 = vector.broadcast %and3A_2061 : i32 to vector<16xi32>
        %and3A_2063 = arith.andi %shift_right_logical3A_2060, %and3A_2062 : vector<16xi32>
        %jit3A_2064 = arith.constant 0 : i32
        %broadcast_in_dim3A_2065 = vector.broadcast %jit3A_2064 : i32 to vector<16xi32>
        %select_n3A_2066 = arith.select %eq3A_2046, %and3A_2063, %broadcast_in_dim3A_2065 : vector<16xi1>, vector<16xi32>
        %all_reduce_population_count3A = tpu.all_reduce %eq3A_2046 {dim = 0 : i64, kind = #tpu.reduction_kind<sum>} : vector<16xi1> -> vector<16xi32>
        %add3A_2067 = arith.addi %while3A_2035, %all_reduce_population_count3A : vector<16xi32>
        %add3A_2068 = arith.addi %while3A_2036, %select_n3A_2066 : vector<16xi32>
        scf.yield %add3A_2067, %add3A_2068 : vector<16xi32>, vector<16xi32>
      }
      %while3A_1746 = arith.constant 1 : i32
      %while3A_1747:2 = scf.for %while3A_2034 = %while3A_1743 to %while3A_1739 step %while3A_1746 iter_args(%while3A_2035 = %while3A_1745#0, %while3A_2036 = %while3A_1745#1) -> (vector<16xi32>, vector<16xi32>)  : i32 {
        %mul3A_2037 = arith.constant 16 : i32
        %mul3A_2038 = arith.muli %while3A_2034, %mul3A_2037 : i32
        %get3A = arith.index_cast %mul3A_2038 : i32 to index
        %get3A_2039 = tpu.vector_load %arg6[%get3A] {strides = array<i32>} : memref<33296xi32, #tpu.memory_space<vmem>>, vector<16xi32>,
        %shift_right_logical3A = arith.constant 5 : i32
        %shift_right_logical3A_2040 = vector.broadcast %shift_right_logical3A : i32 to vector<16xi32>
        %shift_right_logical3A_2041 = arith.shrui %get3A_2039, %shift_right_logical3A_2040 : vector<16xi32>
        %and3A_2042 = arith.constant 1 : i32
        %and3A_2043 = vector.broadcast %and3A_2042 : i32 to vector<16xi32>
        %and3A_2044 = arith.andi %shift_right_logical3A_2041, %and3A_2043 : vector<16xi32>
        %eq3A_2045 = vector.broadcast %select_n3A_1700 : i32 to vector<16xi32>
        %eq3A_2046 = arith.cmpi eq, %and3A_2044, %eq3A_2045 : vector<16xi32>
        %jit3A_2047 = arith.constant 1 : i32
        %jit3A_2048 = arith.constant 0 : i32
        %broadcast_in_dim3A_2049 = vector.broadcast %jit3A_2047 : i32 to vector<16xi32>
        %broadcast_in_dim3A_2050 = vector.broadcast %jit3A_2048 : i32 to vector<16xi32>
        %select_n3A_2051 = arith.select %eq3A_2046, %broadcast_in_dim3A_2049, %broadcast_in_dim3A_2050 : vector<16xi1>, vector<16xi32>
        %broadcast_in_dim3A_2052 = arith.constant true
        %broadcast_in_dim3A_2053 = vector.broadcast %broadcast_in_dim3A_2052 : i1 to vector<16xi1>
        %masked_cumsum3A = tpu.scan <sum>, %select_n3A_2051 masked %broadcast_in_dim3A_2053 : vector<16xi32>, vector<16xi1> -> vector<16xi32>
        %add3A_2054 = arith.addi %while3A_2035, %masked_cumsum3A : vector<16xi32>
        %sub3A_2055 = arith.constant 1 : i32
        %sub3A_2056 = vector.broadcast %sub3A_2055 : i32 to vector<16xi32>
        %sub3A_2057 = arith.subi %add3A_2054, %sub3A_2056 : vector<16xi32>
        tpu.vector_store_idx %arg5[%sub3A_2057], %get3A_2039 masked %eq3A_2046 : memref<33296xi32, #tpu.memory_space<vmem>>[vector<16xi32>], vector<16xi32>, vector<16xi1>
        %shift_right_logical3A_2058 = arith.constant 4 : i32
        %shift_right_logical3A_2059 = vector.broadcast %shift_right_logical3A_2058 : i32 to vector<16xi32>
        %shift_right_logical3A_2060 = arith.shrui %get3A_2039, %shift_right_logical3A_2059 : vector<16xi32>
        %and3A_2061 = arith.constant 1 : i32
        %and3A_2062 = vector.broadcast %and3A_2061 : i32 to vector<16xi32>
        %and3A_2063 = arith.andi %shift_right_logical3A_2060, %and3A_2062 : vector<16xi32>
        %jit3A_2064 = arith.constant 0 : i32
        %broadcast_in_dim3A_2065 = vector.broadcast %jit3A_2064 : i32 to vector<16xi32>
        %select_n3A_2066 = arith.select %eq3A_2046, %and3A_2063, %broadcast_in_dim3A_2065 : vector<16xi1>, vector<16xi32>
        %all_reduce_population_count3A = tpu.all_reduce %eq3A_2046 {dim = 0 : i64, kind = #tpu.reduction_kind<sum>} : vector<16xi1> -> vector<16xi32>
        %add3A_2067 = arith.addi %while3A_2035, %all_reduce_population_count3A : vector<16xi32>
        %add3A_2068 = arith.addi %while3A_2036, %select_n3A_2066 : vector<16xi32>
        scf.yield %add3A_2067, %add3A_2068 : vector<16xi32>, vector<16xi32>
      }
      %reduce_max3A_1748 = arith.constant true
      %reduce_max3A_1749 = vector.broadcast %reduce_max3A_1748 : i1 to vector<16xi1>
      %reduce_max3A_1750 = arith.constant -2147483648 : i32
      %reduce_max3A_1751 = vector.broadcast %reduce_max3A_1750 : i32 to vector<16xi32>
      %reduce_max3A_1752 = arith.xori %while3A_1747#0, %reduce_max3A_1751 : vector<16xi32>
      %reduce_max3A_1753 = tpu.scan <max>, %reduce_max3A_1752 masked %reduce_max3A_1749 : vector<16xi32>, vector<16xi1> -> vector<16xi32>
      %reduce_max3A_1754 = arith.xori %reduce_max3A_1753, %reduce_max3A_1751 : vector<16xi32>
      %reduce_max3A_1755 = vector.extract %reduce_max3A_1754[15] : i32 from vector<16xi32>
      %iota3A_1756 = tpu.iota {dimensions = array<i32: 0>} : vector<16xi32>
      %add3A_1757 = arith.addi %while3A_1747#0, %iota3A_1756 : vector<16xi32>
      tpu.vector_store_idx %arg5[%add3A_1757], %broadcast_in_dim3A_1 : memref<33296xi32, #tpu.memory_space<vmem>>[vector<16xi32>], vector<16xi32>,
      %reduce_sum3A_1758 = arith.constant true
      %reduce_sum3A_1759 = vector.broadcast %reduce_sum3A_1758 : i1 to vector<16xi1>
      %reduce_sum3A_1760 = tpu.scan <sum>, %while3A_1747#1 masked %reduce_sum3A_1759 : vector<16xi32>, vector<16xi1> -> vector<16xi32>
      %reduce_sum3A_1761 = vector.extract %reduce_sum3A_1760[15] : i32 from vector<16xi32>
      %ge3A_1762 = arith.cmpi sge, %reduce_sum3A_1761, %sub3A_1708 : i32
      %jit3A_1763 = arith.constant 1 : i32
      %jit3A_1764 = arith.constant 0 : i32
      %select_n3A_1765 = arith.select %ge3A_1762, %jit3A_1763, %jit3A_1764 : i32
      %shift_left3A_1766 = arith.constant 4 : i32
      %shift_left3A_1767 = arith.shli %select_n3A_1765, %shift_left3A_1766 : i32
      %or3A_1768 = arith.ori %or3A_1703, %shift_left3A_1767 : i32
      %eq3A_1769 = arith.constant 0 : i32
      %eq3A_1770 = arith.cmpi eq, %select_n3A_1765, %eq3A_1769 : i32
      %jit3A_1771 = arith.constant 0 : i32
      %select_n3A_1772 = arith.select %eq3A_1770, %reduce_sum3A_1761, %jit3A_1771 : i32
      %sub3A_1773 = arith.subi %sub3A_1708, %select_n3A_1772 : i32
      %add3A_1774 = arith.constant 16 : i32
      %add3A_1775 = arith.addi %reduce_max3A_1755, %add3A_1774 : i32
      %sub3A_1776 = arith.constant 1 : i32
      %sub3A_1777 = arith.subi %add3A_1775, %sub3A_1776 : i32
      %jit3A_1778 = arith.constant 16 : i32
      %div3A_1779 = arith.divsi %sub3A_1777, %jit3A_1778 : i32
      %sign3A_1780 = arith.constant 0 : i32
      %sign3A_1781 = arith.cmpi sgt, %sub3A_1777, %sign3A_1780 : i32
      %sign3A_1782 = arith.extui %sign3A_1781 : i1 to i32
      %sign3A_1783 = arith.constant 0 : i32
      %sign3A_1784 = arith.cmpi slt, %sub3A_1777, %sign3A_1783 : i32
      %sign3A_1785 = arith.extui %sign3A_1784 : i1 to i32
      %sign3A_1786 = arith.subi %sign3A_1782, %sign3A_1785 : i32
      %sign3A_1787 = arith.constant 0 : i32
      %sign3A_1788 = arith.cmpi sgt, %jit3A_1778, %sign3A_1787 : i32
      %sign3A_1789 = arith.extui %sign3A_1788 : i1 to i32
      %sign3A_1790 = arith.constant 0 : i32
      %sign3A_1791 = arith.cmpi slt, %jit3A_1778, %sign3A_1790 : i32
      %sign3A_1792 = arith.extui %sign3A_1791 : i1 to i32
      %sign3A_1793 = arith.subi %sign3A_1789, %sign3A_1792 : i32
      %ne3A_1794 = arith.cmpi ne, %sign3A_1786, %sign3A_1793 : i32
      %rem3A_1795 = arith.remsi %sub3A_1777, %jit3A_1778 : i32
      %ne3A_1796 = arith.constant 0 : i32
      %ne3A_1797 = arith.cmpi ne, %rem3A_1795, %ne3A_1796 : i32
      %and3A_1798 = arith.andi %ne3A_1794, %ne3A_1797 : i1
      %sub3A_1799 = arith.constant 1 : i32
      %sub3A_1800 = arith.subi %div3A_1779, %sub3A_1799 : i32
      %select_n3A_1801 = arith.select %and3A_1798, %sub3A_1800, %div3A_1779 : i32
      %while3A_1802 = arith.constant 0 : i32
      %while3A_1803 = arith.subi %select_n3A_1801, %while3A_1802 : i32
      %while3A_1804 = arith.addi %while3A_1802, %while3A_1803 : i32
      %while3A_1805 = arith.constant 1 : i32
      %while3A_1806 = arith.divsi %while3A_1803, %while3A_1805 : i32
      %while3A_1807 = arith.muli %while3A_1806, %while3A_1805 : i32
      %while3A_1808 = arith.addi %while3A_1802, %while3A_1807 : i32
      %while3A_1809 = arith.constant 1 : i32
      %while3A_1810:2 = scf.for %while3A_2034 = %while3A_1802 to %while3A_1808 step %while3A_1809 iter_args(%while3A_2035 = %broadcast_in_dim3A_1, %while3A_2036 = %broadcast_in_dim3A_1) -> (vector<16xi32>, vector<16xi32>)  : i32 {
        %mul3A_2037 = arith.constant 16 : i32
        %mul3A_2038 = arith.muli %while3A_2034, %mul3A_2037 : i32
        %get3A = arith.index_cast %mul3A_2038 : i32 to index
        %get3A_2039 = tpu.vector_load %arg5[%get3A] {strides = array<i32>} : memref<33296xi32, #tpu.memory_space<vmem>>, vector<16xi32>,
        %shift_right_logical3A = arith.constant 4 : i32
        %shift_right_logical3A_2040 = vector.broadcast %shift_right_logical3A : i32 to vector<16xi32>
        %shift_right_logical3A_2041 = arith.shrui %get3A_2039, %shift_right_logical3A_2040 : vector<16xi32>
        %and3A_2042 = arith.constant 1 : i32
        %and3A_2043 = vector.broadcast %and3A_2042 : i32 to vector<16xi32>
        %and3A_2044 = arith.andi %shift_right_logical3A_2041, %and3A_2043 : vector<16xi32>
        %eq3A_2045 = vector.broadcast %select_n3A_1765 : i32 to vector<16xi32>
        %eq3A_2046 = arith.cmpi eq, %and3A_2044, %eq3A_2045 : vector<16xi32>
        %jit3A_2047 = arith.constant 1 : i32
        %jit3A_2048 = arith.constant 0 : i32
        %broadcast_in_dim3A_2049 = vector.broadcast %jit3A_2047 : i32 to vector<16xi32>
        %broadcast_in_dim3A_2050 = vector.broadcast %jit3A_2048 : i32 to vector<16xi32>
        %select_n3A_2051 = arith.select %eq3A_2046, %broadcast_in_dim3A_2049, %broadcast_in_dim3A_2050 : vector<16xi1>, vector<16xi32>
        %broadcast_in_dim3A_2052 = arith.constant true
        %broadcast_in_dim3A_2053 = vector.broadcast %broadcast_in_dim3A_2052 : i1 to vector<16xi1>
        %masked_cumsum3A = tpu.scan <sum>, %select_n3A_2051 masked %broadcast_in_dim3A_2053 : vector<16xi32>, vector<16xi1> -> vector<16xi32>
        %add3A_2054 = arith.addi %while3A_2035, %masked_cumsum3A : vector<16xi32>
        %sub3A_2055 = arith.constant 1 : i32
        %sub3A_2056 = vector.broadcast %sub3A_2055 : i32 to vector<16xi32>
        %sub3A_2057 = arith.subi %add3A_2054, %sub3A_2056 : vector<16xi32>
        tpu.vector_store_idx %arg6[%sub3A_2057], %get3A_2039 masked %eq3A_2046 : memref<33296xi32, #tpu.memory_space<vmem>>[vector<16xi32>], vector<16xi32>, vector<16xi1>
        %shift_right_logical3A_2058 = arith.constant 3 : i32
        %shift_right_logical3A_2059 = vector.broadcast %shift_right_logical3A_2058 : i32 to vector<16xi32>
        %shift_right_logical3A_2060 = arith.shrui %get3A_2039, %shift_right_logical3A_2059 : vector<16xi32>
        %and3A_2061 = arith.constant 1 : i32
        %and3A_2062 = vector.broadcast %and3A_2061 : i32 to vector<16xi32>
        %and3A_2063 = arith.andi %shift_right_logical3A_2060, %and3A_2062 : vector<16xi32>
        %jit3A_2064 = arith.constant 0 : i32
        %broadcast_in_dim3A_2065 = vector.broadcast %jit3A_2064 : i32 to vector<16xi32>
        %select_n3A_2066 = arith.select %eq3A_2046, %and3A_2063, %broadcast_in_dim3A_2065 : vector<16xi1>, vector<16xi32>
        %all_reduce_population_count3A = tpu.all_reduce %eq3A_2046 {dim = 0 : i64, kind = #tpu.reduction_kind<sum>} : vector<16xi1> -> vector<16xi32>
        %add3A_2067 = arith.addi %while3A_2035, %all_reduce_population_count3A : vector<16xi32>
        %add3A_2068 = arith.addi %while3A_2036, %select_n3A_2066 : vector<16xi32>
        scf.yield %add3A_2067, %add3A_2068 : vector<16xi32>, vector<16xi32>
      }
      %while3A_1811 = arith.constant 1 : i32
      %while3A_1812:2 = scf.for %while3A_2034 = %while3A_1808 to %while3A_1804 step %while3A_1811 iter_args(%while3A_2035 = %while3A_1810#0, %while3A_2036 = %while3A_1810#1) -> (vector<16xi32>, vector<16xi32>)  : i32 {
        %mul3A_2037 = arith.constant 16 : i32
        %mul3A_2038 = arith.muli %while3A_2034, %mul3A_2037 : i32
        %get3A = arith.index_cast %mul3A_2038 : i32 to index
        %get3A_2039 = tpu.vector_load %arg5[%get3A] {strides = array<i32>} : memref<33296xi32, #tpu.memory_space<vmem>>, vector<16xi32>,
        %shift_right_logical3A = arith.constant 4 : i32
        %shift_right_logical3A_2040 = vector.broadcast %shift_right_logical3A : i32 to vector<16xi32>
        %shift_right_logical3A_2041 = arith.shrui %get3A_2039, %shift_right_logical3A_2040 : vector<16xi32>
        %and3A_2042 = arith.constant 1 : i32
        %and3A_2043 = vector.broadcast %and3A_2042 : i32 to vector<16xi32>
        %and3A_2044 = arith.andi %shift_right_logical3A_2041, %and3A_2043 : vector<16xi32>
        %eq3A_2045 = vector.broadcast %select_n3A_1765 : i32 to vector<16xi32>
        %eq3A_2046 = arith.cmpi eq, %and3A_2044, %eq3A_2045 : vector<16xi32>
        %jit3A_2047 = arith.constant 1 : i32
        %jit3A_2048 = arith.constant 0 : i32
        %broadcast_in_dim3A_2049 = vector.broadcast %jit3A_2047 : i32 to vector<16xi32>
        %broadcast_in_dim3A_2050 = vector.broadcast %jit3A_2048 : i32 to vector<16xi32>
        %select_n3A_2051 = arith.select %eq3A_2046, %broadcast_in_dim3A_2049, %broadcast_in_dim3A_2050 : vector<16xi1>, vector<16xi32>
        %broadcast_in_dim3A_2052 = arith.constant true
        %broadcast_in_dim3A_2053 = vector.broadcast %broadcast_in_dim3A_2052 : i1 to vector<16xi1>
        %masked_cumsum3A = tpu.scan <sum>, %select_n3A_2051 masked %broadcast_in_dim3A_2053 : vector<16xi32>, vector<16xi1> -> vector<16xi32>
        %add3A_2054 = arith.addi %while3A_2035, %masked_cumsum3A : vector<16xi32>
        %sub3A_2055 = arith.constant 1 : i32
        %sub3A_2056 = vector.broadcast %sub3A_2055 : i32 to vector<16xi32>
        %sub3A_2057 = arith.subi %add3A_2054, %sub3A_2056 : vector<16xi32>
        tpu.vector_store_idx %arg6[%sub3A_2057], %get3A_2039 masked %eq3A_2046 : memref<33296xi32, #tpu.memory_space<vmem>>[vector<16xi32>], vector<16xi32>, vector<16xi1>
        %shift_right_logical3A_2058 = arith.constant 3 : i32
        %shift_right_logical3A_2059 = vector.broadcast %shift_right_logical3A_2058 : i32 to vector<16xi32>
        %shift_right_logical3A_2060 = arith.shrui %get3A_2039, %shift_right_logical3A_2059 : vector<16xi32>
        %and3A_2061 = arith.constant 1 : i32
        %and3A_2062 = vector.broadcast %and3A_2061 : i32 to vector<16xi32>
        %and3A_2063 = arith.andi %shift_right_logical3A_2060, %and3A_2062 : vector<16xi32>
        %jit3A_2064 = arith.constant 0 : i32
        %broadcast_in_dim3A_2065 = vector.broadcast %jit3A_2064 : i32 to vector<16xi32>
        %select_n3A_2066 = arith.select %eq3A_2046, %and3A_2063, %broadcast_in_dim3A_2065 : vector<16xi1>, vector<16xi32>
        %all_reduce_population_count3A = tpu.all_reduce %eq3A_2046 {dim = 0 : i64, kind = #tpu.reduction_kind<sum>} : vector<16xi1> -> vector<16xi32>
        %add3A_2067 = arith.addi %while3A_2035, %all_reduce_population_count3A : vector<16xi32>
        %add3A_2068 = arith.addi %while3A_2036, %select_n3A_2066 : vector<16xi32>
        scf.yield %add3A_2067, %add3A_2068 : vector<16xi32>, vector<16xi32>
      }
      %reduce_max3A_1813 = arith.constant true
      %reduce_max3A_1814 = vector.broadcast %reduce_max3A_1813 : i1 to vector<16xi1>
      %reduce_max3A_1815 = arith.constant -2147483648 : i32
      %reduce_max3A_1816 = vector.broadcast %reduce_max3A_1815 : i32 to vector<16xi32>
      %reduce_max3A_1817 = arith.xori %while3A_1812#0, %reduce_max3A_1816 : vector<16xi32>
      %reduce_max3A_1818 = tpu.scan <max>, %reduce_max3A_1817 masked %reduce_max3A_1814 : vector<16xi32>, vector<16xi1> -> vector<16xi32>
      %reduce_max3A_1819 = arith.xori %reduce_max3A_1818, %reduce_max3A_1816 : vector<16xi32>
      %reduce_max3A_1820 = vector.extract %reduce_max3A_1819[15] : i32 from vector<16xi32>
      %iota3A_1821 = tpu.iota {dimensions = array<i32: 0>} : vector<16xi32>
      %add3A_1822 = arith.addi %while3A_1812#0, %iota3A_1821 : vector<16xi32>
      tpu.vector_store_idx %arg6[%add3A_1822], %broadcast_in_dim3A_1 : memref<33296xi32, #tpu.memory_space<vmem>>[vector<16xi32>], vector<16xi32>,
      %reduce_sum3A_1823 = arith.constant true
      %reduce_sum3A_1824 = vector.broadcast %reduce_sum3A_1823 : i1 to vector<16xi1>
      %reduce_sum3A_1825 = tpu.scan <sum>, %while3A_1812#1 masked %reduce_sum3A_1824 : vector<16xi32>, vector<16xi1> -> vector<16xi32>
      %reduce_sum3A_1826 = vector.extract %reduce_sum3A_1825[15] : i32 from vector<16xi32>
      %ge3A_1827 = arith.cmpi sge, %reduce_sum3A_1826, %sub3A_1773 : i32
      %jit3A_1828 = arith.constant 1 : i32
      %jit3A_1829 = arith.constant 0 : i32
      %select_n3A_1830 = arith.select %ge3A_1827, %jit3A_1828, %jit3A_1829 : i32
      %shift_left3A_1831 = arith.constant 3 : i32
      %shift_left3A_1832 = arith.shli %select_n3A_1830, %shift_left3A_1831 : i32
      %or3A_1833 = arith.ori %or3A_1768, %shift_left3A_1832 : i32
      %eq3A_1834 = arith.constant 0 : i32
      %eq3A_1835 = arith.cmpi eq, %select_n3A_1830, %eq3A_1834 : i32
      %jit3A_1836 = arith.constant 0 : i32
      %select_n3A_1837 = arith.select %eq3A_1835, %reduce_sum3A_1826, %jit3A_1836 : i32
      %sub3A_1838 = arith.subi %sub3A_1773, %select_n3A_1837 : i32
      %add3A_1839 = arith.constant 16 : i32
      %add3A_1840 = arith.addi %reduce_max3A_1820, %add3A_1839 : i32
      %sub3A_1841 = arith.constant 1 : i32
      %sub3A_1842 = arith.subi %add3A_1840, %sub3A_1841 : i32
      %jit3A_1843 = arith.constant 16 : i32
      %div3A_1844 = arith.divsi %sub3A_1842, %jit3A_1843 : i32
      %sign3A_1845 = arith.constant 0 : i32
      %sign3A_1846 = arith.cmpi sgt, %sub3A_1842, %sign3A_1845 : i32
      %sign3A_1847 = arith.extui %sign3A_1846 : i1 to i32
      %sign3A_1848 = arith.constant 0 : i32
      %sign3A_1849 = arith.cmpi slt, %sub3A_1842, %sign3A_1848 : i32
      %sign3A_1850 = arith.extui %sign3A_1849 : i1 to i32
      %sign3A_1851 = arith.subi %sign3A_1847, %sign3A_1850 : i32
      %sign3A_1852 = arith.constant 0 : i32
      %sign3A_1853 = arith.cmpi sgt, %jit3A_1843, %sign3A_1852 : i32
      %sign3A_1854 = arith.extui %sign3A_1853 : i1 to i32
      %sign3A_1855 = arith.constant 0 : i32
      %sign3A_1856 = arith.cmpi slt, %jit3A_1843, %sign3A_1855 : i32
      %sign3A_1857 = arith.extui %sign3A_1856 : i1 to i32
      %sign3A_1858 = arith.subi %sign3A_1854, %sign3A_1857 : i32
      %ne3A_1859 = arith.cmpi ne, %sign3A_1851, %sign3A_1858 : i32
      %rem3A_1860 = arith.remsi %sub3A_1842, %jit3A_1843 : i32
      %ne3A_1861 = arith.constant 0 : i32
      %ne3A_1862 = arith.cmpi ne, %rem3A_1860, %ne3A_1861 : i32
      %and3A_1863 = arith.andi %ne3A_1859, %ne3A_1862 : i1
      %sub3A_1864 = arith.constant 1 : i32
      %sub3A_1865 = arith.subi %div3A_1844, %sub3A_1864 : i32
      %select_n3A_1866 = arith.select %and3A_1863, %sub3A_1865, %div3A_1844 : i32
      %while3A_1867 = arith.constant 0 : i32
      %while3A_1868 = arith.subi %select_n3A_1866, %while3A_1867 : i32
      %while3A_1869 = arith.addi %while3A_1867, %while3A_1868 : i32
      %while3A_1870 = arith.constant 1 : i32
      %while3A_1871 = arith.divsi %while3A_1868, %while3A_1870 : i32
      %while3A_1872 = arith.muli %while3A_1871, %while3A_1870 : i32
      %while3A_1873 = arith.addi %while3A_1867, %while3A_1872 : i32
      %while3A_1874 = arith.constant 1 : i32
      %while3A_1875:2 = scf.for %while3A_2034 = %while3A_1867 to %while3A_1873 step %while3A_1874 iter_args(%while3A_2035 = %broadcast_in_dim3A_1, %while3A_2036 = %broadcast_in_dim3A_1) -> (vector<16xi32>, vector<16xi32>)  : i32 {
        %mul3A_2037 = arith.constant 16 : i32
        %mul3A_2038 = arith.muli %while3A_2034, %mul3A_2037 : i32
        %get3A = arith.index_cast %mul3A_2038 : i32 to index
        %get3A_2039 = tpu.vector_load %arg6[%get3A] {strides = array<i32>} : memref<33296xi32, #tpu.memory_space<vmem>>, vector<16xi32>,
        %shift_right_logical3A = arith.constant 3 : i32
        %shift_right_logical3A_2040 = vector.broadcast %shift_right_logical3A : i32 to vector<16xi32>
        %shift_right_logical3A_2041 = arith.shrui %get3A_2039, %shift_right_logical3A_2040 : vector<16xi32>
        %and3A_2042 = arith.constant 1 : i32
        %and3A_2043 = vector.broadcast %and3A_2042 : i32 to vector<16xi32>
        %and3A_2044 = arith.andi %shift_right_logical3A_2041, %and3A_2043 : vector<16xi32>
        %eq3A_2045 = vector.broadcast %select_n3A_1830 : i32 to vector<16xi32>
        %eq3A_2046 = arith.cmpi eq, %and3A_2044, %eq3A_2045 : vector<16xi32>
        %jit3A_2047 = arith.constant 1 : i32
        %jit3A_2048 = arith.constant 0 : i32
        %broadcast_in_dim3A_2049 = vector.broadcast %jit3A_2047 : i32 to vector<16xi32>
        %broadcast_in_dim3A_2050 = vector.broadcast %jit3A_2048 : i32 to vector<16xi32>
        %select_n3A_2051 = arith.select %eq3A_2046, %broadcast_in_dim3A_2049, %broadcast_in_dim3A_2050 : vector<16xi1>, vector<16xi32>
        %broadcast_in_dim3A_2052 = arith.constant true
        %broadcast_in_dim3A_2053 = vector.broadcast %broadcast_in_dim3A_2052 : i1 to vector<16xi1>
        %masked_cumsum3A = tpu.scan <sum>, %select_n3A_2051 masked %broadcast_in_dim3A_2053 : vector<16xi32>, vector<16xi1> -> vector<16xi32>
        %add3A_2054 = arith.addi %while3A_2035, %masked_cumsum3A : vector<16xi32>
        %sub3A_2055 = arith.constant 1 : i32
        %sub3A_2056 = vector.broadcast %sub3A_2055 : i32 to vector<16xi32>
        %sub3A_2057 = arith.subi %add3A_2054, %sub3A_2056 : vector<16xi32>
        tpu.vector_store_idx %arg5[%sub3A_2057], %get3A_2039 masked %eq3A_2046 : memref<33296xi32, #tpu.memory_space<vmem>>[vector<16xi32>], vector<16xi32>, vector<16xi1>
        %shift_right_logical3A_2058 = arith.constant 2 : i32
        %shift_right_logical3A_2059 = vector.broadcast %shift_right_logical3A_2058 : i32 to vector<16xi32>
        %shift_right_logical3A_2060 = arith.shrui %get3A_2039, %shift_right_logical3A_2059 : vector<16xi32>
        %and3A_2061 = arith.constant 1 : i32
        %and3A_2062 = vector.broadcast %and3A_2061 : i32 to vector<16xi32>
        %and3A_2063 = arith.andi %shift_right_logical3A_2060, %and3A_2062 : vector<16xi32>
        %jit3A_2064 = arith.constant 0 : i32
        %broadcast_in_dim3A_2065 = vector.broadcast %jit3A_2064 : i32 to vector<16xi32>
        %select_n3A_2066 = arith.select %eq3A_2046, %and3A_2063, %broadcast_in_dim3A_2065 : vector<16xi1>, vector<16xi32>
        %all_reduce_population_count3A = tpu.all_reduce %eq3A_2046 {dim = 0 : i64, kind = #tpu.reduction_kind<sum>} : vector<16xi1> -> vector<16xi32>
        %add3A_2067 = arith.addi %while3A_2035, %all_reduce_population_count3A : vector<16xi32>
        %add3A_2068 = arith.addi %while3A_2036, %select_n3A_2066 : vector<16xi32>
        scf.yield %add3A_2067, %add3A_2068 : vector<16xi32>, vector<16xi32>
      }
      %while3A_1876 = arith.constant 1 : i32
      %while3A_1877:2 = scf.for %while3A_2034 = %while3A_1873 to %while3A_1869 step %while3A_1876 iter_args(%while3A_2035 = %while3A_1875#0, %while3A_2036 = %while3A_1875#1) -> (vector<16xi32>, vector<16xi32>)  : i32 {
        %mul3A_2037 = arith.constant 16 : i32
        %mul3A_2038 = arith.muli %while3A_2034, %mul3A_2037 : i32
        %get3A = arith.index_cast %mul3A_2038 : i32 to index
        %get3A_2039 = tpu.vector_load %arg6[%get3A] {strides = array<i32>} : memref<33296xi32, #tpu.memory_space<vmem>>, vector<16xi32>,
        %shift_right_logical3A = arith.constant 3 : i32
        %shift_right_logical3A_2040 = vector.broadcast %shift_right_logical3A : i32 to vector<16xi32>
        %shift_right_logical3A_2041 = arith.shrui %get3A_2039, %shift_right_logical3A_2040 : vector<16xi32>
        %and3A_2042 = arith.constant 1 : i32
        %and3A_2043 = vector.broadcast %and3A_2042 : i32 to vector<16xi32>
        %and3A_2044 = arith.andi %shift_right_logical3A_2041, %and3A_2043 : vector<16xi32>
        %eq3A_2045 = vector.broadcast %select_n3A_1830 : i32 to vector<16xi32>
        %eq3A_2046 = arith.cmpi eq, %and3A_2044, %eq3A_2045 : vector<16xi32>
        %jit3A_2047 = arith.constant 1 : i32
        %jit3A_2048 = arith.constant 0 : i32
        %broadcast_in_dim3A_2049 = vector.broadcast %jit3A_2047 : i32 to vector<16xi32>
        %broadcast_in_dim3A_2050 = vector.broadcast %jit3A_2048 : i32 to vector<16xi32>
        %select_n3A_2051 = arith.select %eq3A_2046, %broadcast_in_dim3A_2049, %broadcast_in_dim3A_2050 : vector<16xi1>, vector<16xi32>
        %broadcast_in_dim3A_2052 = arith.constant true
        %broadcast_in_dim3A_2053 = vector.broadcast %broadcast_in_dim3A_2052 : i1 to vector<16xi1>
        %masked_cumsum3A = tpu.scan <sum>, %select_n3A_2051 masked %broadcast_in_dim3A_2053 : vector<16xi32>, vector<16xi1> -> vector<16xi32>
        %add3A_2054 = arith.addi %while3A_2035, %masked_cumsum3A : vector<16xi32>
        %sub3A_2055 = arith.constant 1 : i32
        %sub3A_2056 = vector.broadcast %sub3A_2055 : i32 to vector<16xi32>
        %sub3A_2057 = arith.subi %add3A_2054, %sub3A_2056 : vector<16xi32>
        tpu.vector_store_idx %arg5[%sub3A_2057], %get3A_2039 masked %eq3A_2046 : memref<33296xi32, #tpu.memory_space<vmem>>[vector<16xi32>], vector<16xi32>, vector<16xi1>
        %shift_right_logical3A_2058 = arith.constant 2 : i32
        %shift_right_logical3A_2059 = vector.broadcast %shift_right_logical3A_2058 : i32 to vector<16xi32>
        %shift_right_logical3A_2060 = arith.shrui %get3A_2039, %shift_right_logical3A_2059 : vector<16xi32>
        %and3A_2061 = arith.constant 1 : i32
        %and3A_2062 = vector.broadcast %and3A_2061 : i32 to vector<16xi32>
        %and3A_2063 = arith.andi %shift_right_logical3A_2060, %and3A_2062 : vector<16xi32>
        %jit3A_2064 = arith.constant 0 : i32
        %broadcast_in_dim3A_2065 = vector.broadcast %jit3A_2064 : i32 to vector<16xi32>
        %select_n3A_2066 = arith.select %eq3A_2046, %and3A_2063, %broadcast_in_dim3A_2065 : vector<16xi1>, vector<16xi32>
        %all_reduce_population_count3A = tpu.all_reduce %eq3A_2046 {dim = 0 : i64, kind = #tpu.reduction_kind<sum>} : vector<16xi1> -> vector<16xi32>
        %add3A_2067 = arith.addi %while3A_2035, %all_reduce_population_count3A : vector<16xi32>
        %add3A_2068 = arith.addi %while3A_2036, %select_n3A_2066 : vector<16xi32>
        scf.yield %add3A_2067, %add3A_2068 : vector<16xi32>, vector<16xi32>
      }
      %reduce_max3A_1878 = arith.constant true
      %reduce_max3A_1879 = vector.broadcast %reduce_max3A_1878 : i1 to vector<16xi1>
      %reduce_max3A_1880 = arith.constant -2147483648 : i32
      %reduce_max3A_1881 = vector.broadcast %reduce_max3A_1880 : i32 to vector<16xi32>
      %reduce_max3A_1882 = arith.xori %while3A_1877#0, %reduce_max3A_1881 : vector<16xi32>
      %reduce_max3A_1883 = tpu.scan <max>, %reduce_max3A_1882 masked %reduce_max3A_1879 : vector<16xi32>, vector<16xi1> -> vector<16xi32>
      %reduce_max3A_1884 = arith.xori %reduce_max3A_1883, %reduce_max3A_1881 : vector<16xi32>
      %reduce_max3A_1885 = vector.extract %reduce_max3A_1884[15] : i32 from vector<16xi32>
      %iota3A_1886 = tpu.iota {dimensions = array<i32: 0>} : vector<16xi32>
      %add3A_1887 = arith.addi %while3A_1877#0, %iota3A_1886 : vector<16xi32>
      tpu.vector_store_idx %arg5[%add3A_1887], %broadcast_in_dim3A_1 : memref<33296xi32, #tpu.memory_space<vmem>>[vector<16xi32>], vector<16xi32>,
      %reduce_sum3A_1888 = arith.constant true
      %reduce_sum3A_1889 = vector.broadcast %reduce_sum3A_1888 : i1 to vector<16xi1>
      %reduce_sum3A_1890 = tpu.scan <sum>, %while3A_1877#1 masked %reduce_sum3A_1889 : vector<16xi32>, vector<16xi1> -> vector<16xi32>
      %reduce_sum3A_1891 = vector.extract %reduce_sum3A_1890[15] : i32 from vector<16xi32>
      %ge3A_1892 = arith.cmpi sge, %reduce_sum3A_1891, %sub3A_1838 : i32
      %jit3A_1893 = arith.constant 1 : i32
      %jit3A_1894 = arith.constant 0 : i32
      %select_n3A_1895 = arith.select %ge3A_1892, %jit3A_1893, %jit3A_1894 : i32
      %shift_left3A_1896 = arith.constant 2 : i32
      %shift_left3A_1897 = arith.shli %select_n3A_1895, %shift_left3A_1896 : i32
      %or3A_1898 = arith.ori %or3A_1833, %shift_left3A_1897 : i32
      %eq3A_1899 = arith.constant 0 : i32
      %eq3A_1900 = arith.cmpi eq, %select_n3A_1895, %eq3A_1899 : i32
      %jit3A_1901 = arith.constant 0 : i32
      %select_n3A_1902 = arith.select %eq3A_1900, %reduce_sum3A_1891, %jit3A_1901 : i32
      %sub3A_1903 = arith.subi %sub3A_1838, %select_n3A_1902 : i32
      %add3A_1904 = arith.constant 16 : i32
      %add3A_1905 = arith.addi %reduce_max3A_1885, %add3A_1904 : i32
      %sub3A_1906 = arith.constant 1 : i32
      %sub3A_1907 = arith.subi %add3A_1905, %sub3A_1906 : i32
      %jit3A_1908 = arith.constant 16 : i32
      %div3A_1909 = arith.divsi %sub3A_1907, %jit3A_1908 : i32
      %sign3A_1910 = arith.constant 0 : i32
      %sign3A_1911 = arith.cmpi sgt, %sub3A_1907, %sign3A_1910 : i32
      %sign3A_1912 = arith.extui %sign3A_1911 : i1 to i32
      %sign3A_1913 = arith.constant 0 : i32
      %sign3A_1914 = arith.cmpi slt, %sub3A_1907, %sign3A_1913 : i32
      %sign3A_1915 = arith.extui %sign3A_1914 : i1 to i32
      %sign3A_1916 = arith.subi %sign3A_1912, %sign3A_1915 : i32
      %sign3A_1917 = arith.constant 0 : i32
      %sign3A_1918 = arith.cmpi sgt, %jit3A_1908, %sign3A_1917 : i32
      %sign3A_1919 = arith.extui %sign3A_1918 : i1 to i32
      %sign3A_1920 = arith.constant 0 : i32
      %sign3A_1921 = arith.cmpi slt, %jit3A_1908, %sign3A_1920 : i32
      %sign3A_1922 = arith.extui %sign3A_1921 : i1 to i32
      %sign3A_1923 = arith.subi %sign3A_1919, %sign3A_1922 : i32
      %ne3A_1924 = arith.cmpi ne, %sign3A_1916, %sign3A_1923 : i32
      %rem3A_1925 = arith.remsi %sub3A_1907, %jit3A_1908 : i32
      %ne3A_1926 = arith.constant 0 : i32
      %ne3A_1927 = arith.cmpi ne, %rem3A_1925, %ne3A_1926 : i32
      %and3A_1928 = arith.andi %ne3A_1924, %ne3A_1927 : i1
      %sub3A_1929 = arith.constant 1 : i32
      %sub3A_1930 = arith.subi %div3A_1909, %sub3A_1929 : i32
      %select_n3A_1931 = arith.select %and3A_1928, %sub3A_1930, %div3A_1909 : i32
      %while3A_1932 = arith.constant 0 : i32
      %while3A_1933 = arith.subi %select_n3A_1931, %while3A_1932 : i32
      %while3A_1934 = arith.addi %while3A_1932, %while3A_1933 : i32
      %while3A_1935 = arith.constant 1 : i32
      %while3A_1936 = arith.divsi %while3A_1933, %while3A_1935 : i32
      %while3A_1937 = arith.muli %while3A_1936, %while3A_1935 : i32
      %while3A_1938 = arith.addi %while3A_1932, %while3A_1937 : i32
      %while3A_1939 = arith.constant 1 : i32
      %while3A_1940:2 = scf.for %while3A_2034 = %while3A_1932 to %while3A_1938 step %while3A_1939 iter_args(%while3A_2035 = %broadcast_in_dim3A_1, %while3A_2036 = %broadcast_in_dim3A_1) -> (vector<16xi32>, vector<16xi32>)  : i32 {
        %mul3A_2037 = arith.constant 16 : i32
        %mul3A_2038 = arith.muli %while3A_2034, %mul3A_2037 : i32
        %get3A = arith.index_cast %mul3A_2038 : i32 to index
        %get3A_2039 = tpu.vector_load %arg5[%get3A] {strides = array<i32>} : memref<33296xi32, #tpu.memory_space<vmem>>, vector<16xi32>,
        %shift_right_logical3A = arith.constant 2 : i32
        %shift_right_logical3A_2040 = vector.broadcast %shift_right_logical3A : i32 to vector<16xi32>
        %shift_right_logical3A_2041 = arith.shrui %get3A_2039, %shift_right_logical3A_2040 : vector<16xi32>
        %and3A_2042 = arith.constant 1 : i32
        %and3A_2043 = vector.broadcast %and3A_2042 : i32 to vector<16xi32>
        %and3A_2044 = arith.andi %shift_right_logical3A_2041, %and3A_2043 : vector<16xi32>
        %eq3A_2045 = vector.broadcast %select_n3A_1895 : i32 to vector<16xi32>
        %eq3A_2046 = arith.cmpi eq, %and3A_2044, %eq3A_2045 : vector<16xi32>
        %jit3A_2047 = arith.constant 1 : i32
        %jit3A_2048 = arith.constant 0 : i32
        %broadcast_in_dim3A_2049 = vector.broadcast %jit3A_2047 : i32 to vector<16xi32>
        %broadcast_in_dim3A_2050 = vector.broadcast %jit3A_2048 : i32 to vector<16xi32>
        %select_n3A_2051 = arith.select %eq3A_2046, %broadcast_in_dim3A_2049, %broadcast_in_dim3A_2050 : vector<16xi1>, vector<16xi32>
        %broadcast_in_dim3A_2052 = arith.constant true
        %broadcast_in_dim3A_2053 = vector.broadcast %broadcast_in_dim3A_2052 : i1 to vector<16xi1>
        %masked_cumsum3A = tpu.scan <sum>, %select_n3A_2051 masked %broadcast_in_dim3A_2053 : vector<16xi32>, vector<16xi1> -> vector<16xi32>
        %add3A_2054 = arith.addi %while3A_2035, %masked_cumsum3A : vector<16xi32>
        %sub3A_2055 = arith.constant 1 : i32
        %sub3A_2056 = vector.broadcast %sub3A_2055 : i32 to vector<16xi32>
        %sub3A_2057 = arith.subi %add3A_2054, %sub3A_2056 : vector<16xi32>
        tpu.vector_store_idx %arg6[%sub3A_2057], %get3A_2039 masked %eq3A_2046 : memref<33296xi32, #tpu.memory_space<vmem>>[vector<16xi32>], vector<16xi32>, vector<16xi1>
        %shift_right_logical3A_2058 = arith.constant 1 : i32
        %shift_right_logical3A_2059 = vector.broadcast %shift_right_logical3A_2058 : i32 to vector<16xi32>
        %shift_right_logical3A_2060 = arith.shrui %get3A_2039, %shift_right_logical3A_2059 : vector<16xi32>
        %and3A_2061 = arith.constant 1 : i32
        %and3A_2062 = vector.broadcast %and3A_2061 : i32 to vector<16xi32>
        %and3A_2063 = arith.andi %shift_right_logical3A_2060, %and3A_2062 : vector<16xi32>
        %jit3A_2064 = arith.constant 0 : i32
        %broadcast_in_dim3A_2065 = vector.broadcast %jit3A_2064 : i32 to vector<16xi32>
        %select_n3A_2066 = arith.select %eq3A_2046, %and3A_2063, %broadcast_in_dim3A_2065 : vector<16xi1>, vector<16xi32>
        %all_reduce_population_count3A = tpu.all_reduce %eq3A_2046 {dim = 0 : i64, kind = #tpu.reduction_kind<sum>} : vector<16xi1> -> vector<16xi32>
        %add3A_2067 = arith.addi %while3A_2035, %all_reduce_population_count3A : vector<16xi32>
        %add3A_2068 = arith.addi %while3A_2036, %select_n3A_2066 : vector<16xi32>
        scf.yield %add3A_2067, %add3A_2068 : vector<16xi32>, vector<16xi32>
      }
      %while3A_1941 = arith.constant 1 : i32
      %while3A_1942:2 = scf.for %while3A_2034 = %while3A_1938 to %while3A_1934 step %while3A_1941 iter_args(%while3A_2035 = %while3A_1940#0, %while3A_2036 = %while3A_1940#1) -> (vector<16xi32>, vector<16xi32>)  : i32 {
        %mul3A_2037 = arith.constant 16 : i32
        %mul3A_2038 = arith.muli %while3A_2034, %mul3A_2037 : i32
        %get3A = arith.index_cast %mul3A_2038 : i32 to index
        %get3A_2039 = tpu.vector_load %arg5[%get3A] {strides = array<i32>} : memref<33296xi32, #tpu.memory_space<vmem>>, vector<16xi32>,
        %shift_right_logical3A = arith.constant 2 : i32
        %shift_right_logical3A_2040 = vector.broadcast %shift_right_logical3A : i32 to vector<16xi32>
        %shift_right_logical3A_2041 = arith.shrui %get3A_2039, %shift_right_logical3A_2040 : vector<16xi32>
        %and3A_2042 = arith.constant 1 : i32
        %and3A_2043 = vector.broadcast %and3A_2042 : i32 to vector<16xi32>
        %and3A_2044 = arith.andi %shift_right_logical3A_2041, %and3A_2043 : vector<16xi32>
        %eq3A_2045 = vector.broadcast %select_n3A_1895 : i32 to vector<16xi32>
        %eq3A_2046 = arith.cmpi eq, %and3A_2044, %eq3A_2045 : vector<16xi32>
        %jit3A_2047 = arith.constant 1 : i32
        %jit3A_2048 = arith.constant 0 : i32
        %broadcast_in_dim3A_2049 = vector.broadcast %jit3A_2047 : i32 to vector<16xi32>
        %broadcast_in_dim3A_2050 = vector.broadcast %jit3A_2048 : i32 to vector<16xi32>
        %select_n3A_2051 = arith.select %eq3A_2046, %broadcast_in_dim3A_2049, %broadcast_in_dim3A_2050 : vector<16xi1>, vector<16xi32>
        %broadcast_in_dim3A_2052 = arith.constant true
        %broadcast_in_dim3A_2053 = vector.broadcast %broadcast_in_dim3A_2052 : i1 to vector<16xi1>
        %masked_cumsum3A = tpu.scan <sum>, %select_n3A_2051 masked %broadcast_in_dim3A_2053 : vector<16xi32>, vector<16xi1> -> vector<16xi32>
        %add3A_2054 = arith.addi %while3A_2035, %masked_cumsum3A : vector<16xi32>
        %sub3A_2055 = arith.constant 1 : i32
        %sub3A_2056 = vector.broadcast %sub3A_2055 : i32 to vector<16xi32>
        %sub3A_2057 = arith.subi %add3A_2054, %sub3A_2056 : vector<16xi32>
        tpu.vector_store_idx %arg6[%sub3A_2057], %get3A_2039 masked %eq3A_2046 : memref<33296xi32, #tpu.memory_space<vmem>>[vector<16xi32>], vector<16xi32>, vector<16xi1>
        %shift_right_logical3A_2058 = arith.constant 1 : i32
        %shift_right_logical3A_2059 = vector.broadcast %shift_right_logical3A_2058 : i32 to vector<16xi32>
        %shift_right_logical3A_2060 = arith.shrui %get3A_2039, %shift_right_logical3A_2059 : vector<16xi32>
        %and3A_2061 = arith.constant 1 : i32
        %and3A_2062 = vector.broadcast %and3A_2061 : i32 to vector<16xi32>
        %and3A_2063 = arith.andi %shift_right_logical3A_2060, %and3A_2062 : vector<16xi32>
        %jit3A_2064 = arith.constant 0 : i32
        %broadcast_in_dim3A_2065 = vector.broadcast %jit3A_2064 : i32 to vector<16xi32>
        %select_n3A_2066 = arith.select %eq3A_2046, %and3A_2063, %broadcast_in_dim3A_2065 : vector<16xi1>, vector<16xi32>
        %all_reduce_population_count3A = tpu.all_reduce %eq3A_2046 {dim = 0 : i64, kind = #tpu.reduction_kind<sum>} : vector<16xi1> -> vector<16xi32>
        %add3A_2067 = arith.addi %while3A_2035, %all_reduce_population_count3A : vector<16xi32>
        %add3A_2068 = arith.addi %while3A_2036, %select_n3A_2066 : vector<16xi32>
        scf.yield %add3A_2067, %add3A_2068 : vector<16xi32>, vector<16xi32>
      }
      %reduce_max3A_1943 = arith.constant true
      %reduce_max3A_1944 = vector.broadcast %reduce_max3A_1943 : i1 to vector<16xi1>
      %reduce_max3A_1945 = arith.constant -2147483648 : i32
      %reduce_max3A_1946 = vector.broadcast %reduce_max3A_1945 : i32 to vector<16xi32>
      %reduce_max3A_1947 = arith.xori %while3A_1942#0, %reduce_max3A_1946 : vector<16xi32>
      %reduce_max3A_1948 = tpu.scan <max>, %reduce_max3A_1947 masked %reduce_max3A_1944 : vector<16xi32>, vector<16xi1> -> vector<16xi32>
      %reduce_max3A_1949 = arith.xori %reduce_max3A_1948, %reduce_max3A_1946 : vector<16xi32>
      %reduce_max3A_1950 = vector.extract %reduce_max3A_1949[15] : i32 from vector<16xi32>
      %iota3A_1951 = tpu.iota {dimensions = array<i32: 0>} : vector<16xi32>
      %add3A_1952 = arith.addi %while3A_1942#0, %iota3A_1951 : vector<16xi32>
      tpu.vector_store_idx %arg6[%add3A_1952], %broadcast_in_dim3A_1 : memref<33296xi32, #tpu.memory_space<vmem>>[vector<16xi32>], vector<16xi32>,
      %reduce_sum3A_1953 = arith.constant true
      %reduce_sum3A_1954 = vector.broadcast %reduce_sum3A_1953 : i1 to vector<16xi1>
      %reduce_sum3A_1955 = tpu.scan <sum>, %while3A_1942#1 masked %reduce_sum3A_1954 : vector<16xi32>, vector<16xi1> -> vector<16xi32>
      %reduce_sum3A_1956 = vector.extract %reduce_sum3A_1955[15] : i32 from vector<16xi32>
      %ge3A_1957 = arith.cmpi sge, %reduce_sum3A_1956, %sub3A_1903 : i32
      %jit3A_1958 = arith.constant 1 : i32
      %jit3A_1959 = arith.constant 0 : i32
      %select_n3A_1960 = arith.select %ge3A_1957, %jit3A_1958, %jit3A_1959 : i32
      %shift_left3A_1961 = arith.constant 1 : i32
      %shift_left3A_1962 = arith.shli %select_n3A_1960, %shift_left3A_1961 : i32
      %or3A_1963 = arith.ori %or3A_1898, %shift_left3A_1962 : i32
      %eq3A_1964 = arith.constant 0 : i32
      %eq3A_1965 = arith.cmpi eq, %select_n3A_1960, %eq3A_1964 : i32
      %jit3A_1966 = arith.constant 0 : i32
      %select_n3A_1967 = arith.select %eq3A_1965, %reduce_sum3A_1956, %jit3A_1966 : i32
      %sub3A_1968 = arith.subi %sub3A_1903, %select_n3A_1967 : i32
      %add3A_1969 = arith.constant 16 : i32
      %add3A_1970 = arith.addi %reduce_max3A_1950, %add3A_1969 : i32
      %sub3A_1971 = arith.constant 1 : i32
      %sub3A_1972 = arith.subi %add3A_1970, %sub3A_1971 : i32
      %jit3A_1973 = arith.constant 16 : i32
      %div3A_1974 = arith.divsi %sub3A_1972, %jit3A_1973 : i32
      %sign3A_1975 = arith.constant 0 : i32
      %sign3A_1976 = arith.cmpi sgt, %sub3A_1972, %sign3A_1975 : i32
      %sign3A_1977 = arith.extui %sign3A_1976 : i1 to i32
      %sign3A_1978 = arith.constant 0 : i32
      %sign3A_1979 = arith.cmpi slt, %sub3A_1972, %sign3A_1978 : i32
      %sign3A_1980 = arith.extui %sign3A_1979 : i1 to i32
      %sign3A_1981 = arith.subi %sign3A_1977, %sign3A_1980 : i32
      %sign3A_1982 = arith.constant 0 : i32
      %sign3A_1983 = arith.cmpi sgt, %jit3A_1973, %sign3A_1982 : i32
      %sign3A_1984 = arith.extui %sign3A_1983 : i1 to i32
      %sign3A_1985 = arith.constant 0 : i32
      %sign3A_1986 = arith.cmpi slt, %jit3A_1973, %sign3A_1985 : i32
      %sign3A_1987 = arith.extui %sign3A_1986 : i1 to i32
      %sign3A_1988 = arith.subi %sign3A_1984, %sign3A_1987 : i32
      %ne3A_1989 = arith.cmpi ne, %sign3A_1981, %sign3A_1988 : i32
      %rem3A_1990 = arith.remsi %sub3A_1972, %jit3A_1973 : i32
      %ne3A_1991 = arith.constant 0 : i32
      %ne3A_1992 = arith.cmpi ne, %rem3A_1990, %ne3A_1991 : i32
      %and3A_1993 = arith.andi %ne3A_1989, %ne3A_1992 : i1
      %sub3A_1994 = arith.constant 1 : i32
      %sub3A_1995 = arith.subi %div3A_1974, %sub3A_1994 : i32
      %select_n3A_1996 = arith.select %and3A_1993, %sub3A_1995, %div3A_1974 : i32
      %while3A_1997 = arith.constant 0 : i32
      %while3A_1998 = arith.subi %select_n3A_1996, %while3A_1997 : i32
      %while3A_1999 = arith.addi %while3A_1997, %while3A_1998 : i32
      %while3A_2000 = arith.constant 1 : i32
      %while3A_2001 = arith.divsi %while3A_1998, %while3A_2000 : i32
      %while3A_2002 = arith.muli %while3A_2001, %while3A_2000 : i32
      %while3A_2003 = arith.addi %while3A_1997, %while3A_2002 : i32
      %while3A_2004 = arith.constant 1 : i32
      %while3A_2005:2 = scf.for %while3A_2034 = %while3A_1997 to %while3A_2003 step %while3A_2004 iter_args(%while3A_2035 = %broadcast_in_dim3A_1, %while3A_2036 = %broadcast_in_dim3A_1) -> (vector<16xi32>, vector<16xi32>)  : i32 {
        %mul3A_2037 = arith.constant 16 : i32
        %mul3A_2038 = arith.muli %while3A_2034, %mul3A_2037 : i32
        %get3A = arith.index_cast %mul3A_2038 : i32 to index
        %get3A_2039 = tpu.vector_load %arg6[%get3A] {strides = array<i32>} : memref<33296xi32, #tpu.memory_space<vmem>>, vector<16xi32>,
        %shift_right_logical3A = arith.constant 1 : i32
        %shift_right_logical3A_2040 = vector.broadcast %shift_right_logical3A : i32 to vector<16xi32>
        %shift_right_logical3A_2041 = arith.shrui %get3A_2039, %shift_right_logical3A_2040 : vector<16xi32>
        %and3A_2042 = arith.constant 1 : i32
        %and3A_2043 = vector.broadcast %and3A_2042 : i32 to vector<16xi32>
        %and3A_2044 = arith.andi %shift_right_logical3A_2041, %and3A_2043 : vector<16xi32>
        %eq3A_2045 = vector.broadcast %select_n3A_1960 : i32 to vector<16xi32>
        %eq3A_2046 = arith.cmpi eq, %and3A_2044, %eq3A_2045 : vector<16xi32>
        %jit3A_2047 = arith.constant 1 : i32
        %jit3A_2048 = arith.constant 0 : i32
        %broadcast_in_dim3A_2049 = vector.broadcast %jit3A_2047 : i32 to vector<16xi32>
        %broadcast_in_dim3A_2050 = vector.broadcast %jit3A_2048 : i32 to vector<16xi32>
        %select_n3A_2051 = arith.select %eq3A_2046, %broadcast_in_dim3A_2049, %broadcast_in_dim3A_2050 : vector<16xi1>, vector<16xi32>
        %broadcast_in_dim3A_2052 = arith.constant true
        %broadcast_in_dim3A_2053 = vector.broadcast %broadcast_in_dim3A_2052 : i1 to vector<16xi1>
        %masked_cumsum3A = tpu.scan <sum>, %select_n3A_2051 masked %broadcast_in_dim3A_2053 : vector<16xi32>, vector<16xi1> -> vector<16xi32>
        %add3A_2054 = arith.addi %while3A_2035, %masked_cumsum3A : vector<16xi32>
        %sub3A_2055 = arith.constant 1 : i32
        %sub3A_2056 = vector.broadcast %sub3A_2055 : i32 to vector<16xi32>
        %sub3A_2057 = arith.subi %add3A_2054, %sub3A_2056 : vector<16xi32>
        tpu.vector_store_idx %arg5[%sub3A_2057], %get3A_2039 masked %eq3A_2046 : memref<33296xi32, #tpu.memory_space<vmem>>[vector<16xi32>], vector<16xi32>, vector<16xi1>
        %shift_right_logical3A_2058 = arith.constant 0 : i32
        %shift_right_logical3A_2059 = vector.broadcast %shift_right_logical3A_2058 : i32 to vector<16xi32>
        %shift_right_logical3A_2060 = arith.shrui %get3A_2039, %shift_right_logical3A_2059 : vector<16xi32>
        %and3A_2061 = arith.constant 1 : i32
        %and3A_2062 = vector.broadcast %and3A_2061 : i32 to vector<16xi32>
        %and3A_2063 = arith.andi %shift_right_logical3A_2060, %and3A_2062 : vector<16xi32>
        %jit3A_2064 = arith.constant 0 : i32
        %broadcast_in_dim3A_2065 = vector.broadcast %jit3A_2064 : i32 to vector<16xi32>
        %select_n3A_2066 = arith.select %eq3A_2046, %and3A_2063, %broadcast_in_dim3A_2065 : vector<16xi1>, vector<16xi32>
        %all_reduce_population_count3A = tpu.all_reduce %eq3A_2046 {dim = 0 : i64, kind = #tpu.reduction_kind<sum>} : vector<16xi1> -> vector<16xi32>
        %add3A_2067 = arith.addi %while3A_2035, %all_reduce_population_count3A : vector<16xi32>
        %add3A_2068 = arith.addi %while3A_2036, %select_n3A_2066 : vector<16xi32>
        scf.yield %add3A_2067, %add3A_2068 : vector<16xi32>, vector<16xi32>
      }
      %while3A_2006 = arith.constant 1 : i32
      %while3A_2007:2 = scf.for %while3A_2034 = %while3A_2003 to %while3A_1999 step %while3A_2006 iter_args(%while3A_2035 = %while3A_2005#0, %while3A_2036 = %while3A_2005#1) -> (vector<16xi32>, vector<16xi32>)  : i32 {
        %mul3A_2037 = arith.constant 16 : i32
        %mul3A_2038 = arith.muli %while3A_2034, %mul3A_2037 : i32
        %get3A = arith.index_cast %mul3A_2038 : i32 to index
        %get3A_2039 = tpu.vector_load %arg6[%get3A] {strides = array<i32>} : memref<33296xi32, #tpu.memory_space<vmem>>, vector<16xi32>,
        %shift_right_logical3A = arith.constant 1 : i32
        %shift_right_logical3A_2040 = vector.broadcast %shift_right_logical3A : i32 to vector<16xi32>
        %shift_right_logical3A_2041 = arith.shrui %get3A_2039, %shift_right_logical3A_2040 : vector<16xi32>
        %and3A_2042 = arith.constant 1 : i32
        %and3A_2043 = vector.broadcast %and3A_2042 : i32 to vector<16xi32>
        %and3A_2044 = arith.andi %shift_right_logical3A_2041, %and3A_2043 : vector<16xi32>
        %eq3A_2045 = vector.broadcast %select_n3A_1960 : i32 to vector<16xi32>
        %eq3A_2046 = arith.cmpi eq, %and3A_2044, %eq3A_2045 : vector<16xi32>
        %jit3A_2047 = arith.constant 1 : i32
        %jit3A_2048 = arith.constant 0 : i32
        %broadcast_in_dim3A_2049 = vector.broadcast %jit3A_2047 : i32 to vector<16xi32>
        %broadcast_in_dim3A_2050 = vector.broadcast %jit3A_2048 : i32 to vector<16xi32>
        %select_n3A_2051 = arith.select %eq3A_2046, %broadcast_in_dim3A_2049, %broadcast_in_dim3A_2050 : vector<16xi1>, vector<16xi32>
        %broadcast_in_dim3A_2052 = arith.constant true
        %broadcast_in_dim3A_2053 = vector.broadcast %broadcast_in_dim3A_2052 : i1 to vector<16xi1>
        %masked_cumsum3A = tpu.scan <sum>, %select_n3A_2051 masked %broadcast_in_dim3A_2053 : vector<16xi32>, vector<16xi1> -> vector<16xi32>
        %add3A_2054 = arith.addi %while3A_2035, %masked_cumsum3A : vector<16xi32>
        %sub3A_2055 = arith.constant 1 : i32
        %sub3A_2056 = vector.broadcast %sub3A_2055 : i32 to vector<16xi32>
        %sub3A_2057 = arith.subi %add3A_2054, %sub3A_2056 : vector<16xi32>
        tpu.vector_store_idx %arg5[%sub3A_2057], %get3A_2039 masked %eq3A_2046 : memref<33296xi32, #tpu.memory_space<vmem>>[vector<16xi32>], vector<16xi32>, vector<16xi1>
        %shift_right_logical3A_2058 = arith.constant 0 : i32
        %shift_right_logical3A_2059 = vector.broadcast %shift_right_logical3A_2058 : i32 to vector<16xi32>
        %shift_right_logical3A_2060 = arith.shrui %get3A_2039, %shift_right_logical3A_2059 : vector<16xi32>
        %and3A_2061 = arith.constant 1 : i32
        %and3A_2062 = vector.broadcast %and3A_2061 : i32 to vector<16xi32>
        %and3A_2063 = arith.andi %shift_right_logical3A_2060, %and3A_2062 : vector<16xi32>
        %jit3A_2064 = arith.constant 0 : i32
        %broadcast_in_dim3A_2065 = vector.broadcast %jit3A_2064 : i32 to vector<16xi32>
        %select_n3A_2066 = arith.select %eq3A_2046, %and3A_2063, %broadcast_in_dim3A_2065 : vector<16xi1>, vector<16xi32>
        %all_reduce_population_count3A = tpu.all_reduce %eq3A_2046 {dim = 0 : i64, kind = #tpu.reduction_kind<sum>} : vector<16xi1> -> vector<16xi32>
        %add3A_2067 = arith.addi %while3A_2035, %all_reduce_population_count3A : vector<16xi32>
        %add3A_2068 = arith.addi %while3A_2036, %select_n3A_2066 : vector<16xi32>
        scf.yield %add3A_2067, %add3A_2068 : vector<16xi32>, vector<16xi32>
      }
      %reduce_max3A_2008 = arith.constant true
      %reduce_max3A_2009 = vector.broadcast %reduce_max3A_2008 : i1 to vector<16xi1>
      %reduce_max3A_2010 = arith.constant -2147483648 : i32
      %reduce_max3A_2011 = vector.broadcast %reduce_max3A_2010 : i32 to vector<16xi32>
      %reduce_max3A_2012 = arith.xori %while3A_2007#0, %reduce_max3A_2011 : vector<16xi32>
      %reduce_max3A_2013 = tpu.scan <max>, %reduce_max3A_2012 masked %reduce_max3A_2009 : vector<16xi32>, vector<16xi1> -> vector<16xi32>
      %reduce_max3A_2014 = arith.xori %reduce_max3A_2013, %reduce_max3A_2011 : vector<16xi32>
      %reduce_max3A_2015 = vector.extract %reduce_max3A_2014[15] : i32 from vector<16xi32>
      %iota3A_2016 = tpu.iota {dimensions = array<i32: 0>} : vector<16xi32>
      %add3A_2017 = arith.addi %while3A_2007#0, %iota3A_2016 : vector<16xi32>
      tpu.vector_store_idx %arg5[%add3A_2017], %broadcast_in_dim3A_1 : memref<33296xi32, #tpu.memory_space<vmem>>[vector<16xi32>], vector<16xi32>,
      %reduce_sum3A_2018 = arith.constant true
      %reduce_sum3A_2019 = vector.broadcast %reduce_sum3A_2018 : i1 to vector<16xi1>
      %reduce_sum3A_2020 = tpu.scan <sum>, %while3A_2007#1 masked %reduce_sum3A_2019 : vector<16xi32>, vector<16xi1> -> vector<16xi32>
      %reduce_sum3A_2021 = vector.extract %reduce_sum3A_2020[15] : i32 from vector<16xi32>
      %ge3A_2022 = arith.cmpi sge, %reduce_sum3A_2021, %sub3A_1968 : i32
      %jit3A_2023 = arith.constant 1 : i32
      %jit3A_2024 = arith.constant 0 : i32
      %select_n3A_2025 = arith.select %ge3A_2022, %jit3A_2023, %jit3A_2024 : i32
      %or3A_2026 = arith.ori %or3A_1963, %select_n3A_2025 : i32
      %xor3A = arith.constant -2147483648 : i32
      %xor3A_2027 = arith.xori %or3A_2026, %xor3A : i32
      %scan3A_2028 = arith.constant 0 : i32
      %scan3A_2029 = arith.constant 0 : i32
      %scan3A_2030 = arith.constant 2048 : i32
      %scan3A_2031 = arith.addi %scan3A_2029, %scan3A_2030 : i32
      %scan3A_2032 = arith.constant 1 : i32
      scf.for %scan3A_2034 = %scan3A_2029 to %scan3A_2031 step %scan3A_2032  : i32 {
        %mul3A_2035 = arith.constant 16 : i32
        %mul3A_2036 = arith.muli %scan3A_2034, %mul3A_2035 : i32
        %get3A = arith.index_cast %mul3A_2036 : i32 to index
        %get3A_2037 = tpu.vector_load %arg4[%get3A] {strides = array<i32>} : memref<32768xf32, #tpu.memory_space<vmem>>, vector<16xf32>,
        %bitcast3A = vector.bitcast %get3A_2037 : vector<16xf32> to vector<16xi32>
        %lt3A = arith.constant 0 : i32
        %lt3A_2038 = vector.broadcast %lt3A : i32 to vector<16xi32>
        %lt3A_2039 = arith.cmpi slt, %bitcast3A, %lt3A_2038 : vector<16xi32>
        %not3A = arith.constant dense<-1> : vector<16xi32>
        %not3A_2040 = arith.xori %bitcast3A, %not3A : vector<16xi32>
        %xor3A_2041 = arith.constant -2147483648 : i32
        %xor3A_2042 = vector.broadcast %xor3A_2041 : i32 to vector<16xi32>
        %xor3A_2043 = arith.xori %bitcast3A, %xor3A_2042 : vector<16xi32>
        %select_n3A_2044 = arith.select %lt3A_2039, %not3A_2040, %xor3A_2043 : vector<16xi1>, vector<16xi32>
        %xor3A_2045 = arith.constant -2147483648 : i32
        %xor3A_2046 = vector.broadcast %xor3A_2045 : i32 to vector<16xi32>
        %xor3A_2047 = arith.xori %select_n3A_2044, %xor3A_2046 : vector<16xi32>
        %ge3A_2048 = vector.broadcast %xor3A_2027 : i32 to vector<16xi32>
        %ge3A_2049 = arith.cmpi sge, %xor3A_2047, %ge3A_2048 : vector<16xi32>
        %jit3A_2050 = arith.constant 0.000000e+00 : f32
        %broadcast_in_dim3A_2051 = vector.broadcast %jit3A_2050 : f32 to vector<16xf32>
        %select_n3A_2052 = arith.select %ge3A_2049, %get3A_2037, %broadcast_in_dim3A_2051 : vector<16xi1>, vector<16xf32>
        %swap3A = arith.index_cast %mul3A_2036 : i32 to index
        %swap3A_2053 = tpu.vector_load %arg4[%swap3A] {strides = array<i32>} : memref<32768xf32, #tpu.memory_space<vmem>>, vector<16xf32>,
        tpu.vector_store %arg4[%swap3A], %select_n3A_2052 {strides = array<i32>} : memref<32768xf32, #tpu.memory_space<vmem>>, vector<16xf32>,
      }
      %scan3A_2033 = arith.constant 2048 : i32
      "tpu.region"() ({
        %run_scoped3A = tpu.sem_alloc : memref<!tpu.dma_semaphore, #tpu.memory_space<semaphore_mem>>
        %dma_start3A = arith.constant 0 : i32
        %dma_start3A_2034 = tpu.memref_slice %arg3[%add3A_10, %dma_start3A] : memref<128x32768xf32, #tpu.memory_space<hbm>> -> memref<1x32768xf32, #tpu.memory_space<hbm>>
        %dma_start3A_2035 = tpu.memref_squeeze %dma_start3A_2034 : memref<1x32768xf32, #tpu.memory_space<hbm>> -> memref<32768xf32, #tpu.memory_space<hbm>>
        %dma_start3A_2036 = arith.constant 0 : i32
        %dma_start3A_2037 = tpu.memref_slice %arg3[%add3A_10, %dma_start3A_2036] : memref<128x32768xf32, #tpu.memory_space<hbm>> -> memref<1x32768xf32, #tpu.memory_space<hbm>>
        %dma_start3A_2038 = tpu.memref_squeeze %dma_start3A_2037 : memref<1x32768xf32, #tpu.memory_space<hbm>> -> memref<32768xf32, #tpu.memory_space<hbm>>
        tpu.enqueue_dma source(%arg4 : memref<32768xf32, #tpu.memory_space<vmem>>) target(%dma_start3A_2038 : memref<32768xf32, #tpu.memory_space<hbm>>) target_semaphore(%run_scoped3A : memref<!tpu.dma_semaphore, #tpu.memory_space<semaphore_mem>>)
        %dma_wait3A = arith.constant 0 : i32
        %dma_wait3A_2039 = tpu.memref_slice %arg3[%add3A_10, %dma_wait3A] : memref<128x32768xf32, #tpu.memory_space<hbm>> -> memref<1x32768xf32, #tpu.memory_space<hbm>>
        %dma_wait3A_2040 = tpu.memref_squeeze %dma_wait3A_2039 : memref<1x32768xf32, #tpu.memory_space<hbm>> -> memref<32768xf32, #tpu.memory_space<hbm>>
        %dma_wait3A_2041 = arith.constant 0 : i32
        %dma_wait3A_2042 = tpu.memref_slice %arg3[%add3A_10, %dma_wait3A_2041] : memref<128x32768xf32, #tpu.memory_space<hbm>> -> memref<1x32768xf32, #tpu.memory_space<hbm>>
        %dma_wait3A_2043 = tpu.memref_squeeze %dma_wait3A_2042 : memref<1x32768xf32, #tpu.memory_space<hbm>> -> memref<32768xf32, #tpu.memory_space<hbm>>
        tpu.wait_dma2 semaphore(%run_scoped3A : memref<!tpu.dma_semaphore, #tpu.memory_space<semaphore_mem>>) src(%arg4 : memref<32768xf32, #tpu.memory_space<vmem>>) dst(%dma_wait3A_2043 : memref<32768xf32, #tpu.memory_space<hbm>>)
        tpu.yield
      }) : () -> ()
    }
    %scan3A_6 = arith.constant 4 : i32
    return
  }
}

</mosaic_0001>

<sc_bundles>
// kernel: kernel.3.cloned.1.call-start
scs
__scs_entry_jumppad:
0x0: {  	(pc) =	sbr.rel $0x88, $3  }
0x1: {  	(tag) =	ssettag $0x0;
	lr =	simm.s32 $0x1  }
0x2: {  	[smem:$0x3FA0] =	sst lr;
	_ =	strace $0xD0000000  }
0x3: {  	_ = 	snop  }
0x4: {  	_ = 	snop  }
0x5: {  	_ = 	snop  }
0x6: {  	_ = 	snop  }
0x7: {  	_ = 	snop  }
__scs_overlays_trampoline_lowered:
0x8: {  	[smem:$0x3FAF] =	sst s0  }
0x9: {  	[smem:$0x3FB0] =	sst s1  }
0xa: {  	[smem:$0x3FB1] =	sst s2  }
0xb: {  	[smem:$0x3FB2] =	sst s3  }
0xc: {  	[smem:$0x3FB3] =	sst s4  }
0xd: {  	[smem:$0x3FB4] =	sst s5  }
0xe: {  	[smem:$0x3FB5] =	sst s6  }
0xf: {  	[smem:$0x3FB6] =	sst s7  }
0x10: {  	[smem:$0x3FB7] =	sst s8  }
0x11: {  	[smem:$0x3FB8] =	sst s9;
	s0 =	simm.s32 @!p0 $0x0  }
0x12: {  	s1 =	sld [smem:$0x3F9E];
	s0 =	simm.s32 @p0 $0x1  }
0x13: {  	[smem:$0x3FB9] =	sst s0;
	s0 =	simm.s32 @!p1 $0x0  }
0x14: {  	s2 =	sld [smem:$0x3F9D];
	s0 =	simm.s32 @p1 $0x1  }
0x15: {  	[smem:$0x3FBA] =	sst s0;
	s0 =	simm.s32 @!p2 $0x0  }
0x16: {  	s3 =	sld [smem:$0x3FDB];
	s0 =	simm.s32 @p2 $0x1  }
0x17: {  	s4 =	simm.s32 $0x1BF5;
	[smem:$0x3FBC] =	sst s0  }
0x18: {  	s0 =	sld [smem:$0x3F9F];
	_ =	swait.ge [sflag:s4], $0x0  }
0x19: {  	s7 =	sld [smem:$0x3FA0]  }
0x1a: {  	s8 =	sadd.s32 $0xFFFFE003, lr  }
0x1b: {  	s9 =	sadd.s32 $0xFFFFFEF7, lr;
	s5 =	simm.s32 $0xFFFFFFFF;
	p2 =	slt.u32 s8, $0xFFFFF086  }
0x1c: {  	p1 =	slt.u32 s9, $0xF7A;
	s5 =	simm.s32 @!p2 $0x0  }
0x1d: {  	s5 =	simm.s32 @p1 $0x1;
	p0 =	seq.s32 s7, s2  }
0x1e: {  	s7 =	smul.u32 @!p0 $0xF7A, s2;
	p2 =	seq.s32 @!p0 s5, $0x0  }
0x1f: {  	s9 =	smul.u32 $0xF7A, s1;
	s8 =	simm.s32 @!p0 $0x1BF5;
	p2 =	por !p2, p0  }
0x20: {  	[sflag:s8] =	ssyncset.s32 @!p0 $0xFFFFF086;
	s6 =	sadd.s32 @!p0 s3, s7;
	s7 =	simm.s32 @!p0 $0x108  }
0x21: {  	s3 =	sadd.s32 s3, s9;
	s6 =	sadd.s32 @!p0 $0x88, s6;
	s7 =	simm.s32 @p2 $0x1082  }
0x22: {  	[simem:s7], [sflag:s8] =	dma.local @!p0 [hbm:s6], $0xF7A  }
0x23: {  	s9 =	sor.u32 $0xD0000000, s2;
	s6 =	simm.s32 $0x108;
	_ =	swait.ge @!p0 [sflag:s8], $0x0  }
0x24: {  	s3 =	sadd.s32 $0x88, s3;
	s6 =	simm.s32 @!p1 $0x1082;
	[sflag:s4] =	ssyncset.s32 $0xFFFFF086  }
0x25: {  	[simem:s6], [sflag:s4] =	dma.local [hbm:s3], $0xF7A  }
0x26: {  	[smem:$0x3FA0] =	sst s1;
	(tag) =	ssettag s2;
	_ =	strace s9  }
0x27: {  	s1 =	sld [smem:$0x3FB0]  }
0x28: {  	s2 =	sld [smem:$0x3FB1]  }
0x29: {  	s4 =	sld [smem:$0x3FB3]  }
0x2a: {  	p0 =	seq.s32 s5, $0x0;
	s5 =	sld [smem:$0x3FB4]  }
0x2b: {  	s6 =	sld [smem:$0x3FB5]  }
0x2c: {  	s7 =	sld [smem:$0x3FB6]  }
0x2d: {  	s3 =	simm.s32 $0x108;
	s8 =	sld [smem:$0x3FB7]  }
0x2e: {  	s3 =	simm.s32 @!p0 $0x1082;
	s9 =	sld [smem:$0x3FB8]  }
0x2f: {  	lr =	sadd.s32 s0, s3;
	s0 =	sld [smem:$0x3FAF]  }
0x30: {  	s3 =	sld [smem:$0x3FB2]  }
0x31: {  	[smem:$0x3FBB] =	sst s10  }
0x32: {  	s10 =	sld [smem:$0x3FB9];
	_ =	sdelay $0x3  }
0x33: {  	p0 =	seq.s32 s10, $0x1;
	s10 =	sld [smem:$0x3FBB];
	_ =	sdelay $0x3  }
0x34: {  	[smem:$0x3FBB] =	sst s10  }
0x35: {  	s10 =	sld [smem:$0x3FBA];
	_ =	sdelay $0x3  }
0x36: {  	p1 =	seq.s32 s10, $0x1;
	s10 =	sld [smem:$0x3FBB];
	_ =	sdelay $0x3  }
0x37: {  	[smem:$0x3FBB] =	sst s10  }
0x38: {  	s10 =	sld [smem:$0x3FBC]  }
0x39: {  	_ = 	snop;
	(pc) =	sbr.ind lr, $3  }
0x3a: {  	_ = 	snop  }
0x3b: {  	_ = 	snop  }
0x3c: {  	p2 =	seq.s32 s10, $0x1;
	s10 =	sld [smem:$0x3FBB]  }
0x3d: {  	_ =	shalt  }
0x3e: {  	_ =	shalt  }
0x3f: {  	_ =	shalt  }
0x40: {  	_ =	shalt  }
0x41: {  	_ =	shalt  }
0x42: {  	_ =	shalt  }
0x43: {  	_ =	shalt  }
0x44: {  	_ =	shalt  }
0x45: {  	_ =	shalt  }
0x46: {  	_ =	shalt  }
0x47: {  	_ =	shalt  }
0x48: {  	_ =	shalt  }
0x49: {  	_ =	shalt  }
0x4a: {  	_ =	shalt  }
0x4b: {  	_ =	shalt  }
0x4c: {  	_ =	shalt  }
0x4d: {  	_ =	shalt  }
0x4e: {  	_ =	shalt  }
0x4f: {  	_ =	shalt  }
0x50: {  	_ =	shalt  }
0x51: {  	_ =	shalt  }
0x52: {  	_ =	shalt  }
0x53: {  	_ =	shalt  }
0x54: {  	_ =	shalt  }
0x55: {  	_ =	shalt  }
0x56: {  	_ =	shalt  }
0x57: {  	_ =	shalt  }
0x58: {  	_ =	shalt  }
0x59: {  	_ =	shalt  }
0x5a: {  	_ =	shalt  }
0x5b: {  	_ =	shalt  }
0x5c: {  	_ =	shalt  }
0x5d: {  	_ =	shalt  }
0x5e: {  	_ =	shalt  }
0x5f: {  	_ =	shalt  }
0x60: {  	_ =	shalt  }
0x61: {  	_ =	shalt  }
0x62: {  	_ =	shalt  }
0x63: {  	_ =	shalt  }
0x64: {  	_ =	shalt  }
0x65: {  	_ =	shalt  }
0x66: {  	_ =	shalt  }
0x67: {  	_ =	shalt  }
0x68: {  	_ =	shalt  }
0x69: {  	_ =	shalt  }
0x6a: {  	_ =	shalt  }
0x6b: {  	_ =	shalt  }
0x6c: {  	_ =	shalt  }
0x6d: {  	_ =	shalt  }
0x6e: {  	_ =	shalt  }
0x6f: {  	_ =	shalt  }
0x70: {  	_ =	shalt  }
0x71: {  	_ =	shalt  }
0x72: {  	_ =	shalt  }
0x73: {  	_ =	shalt  }
0x74: {  	_ =	shalt  }
0x75: {  	_ =	shalt  }
0x76: {  	_ =	shalt  }
0x77: {  	_ =	shalt  }
0x78: {  	_ =	shalt  }
0x79: {  	_ =	shalt  }
0x7a: {  	_ =	shalt  }
0x7b: {  	_ =	shalt  }
0x7c: {  	_ =	shalt  }
0x7d: {  	_ =	shalt  }
0x7e: {  	_ =	shalt  }
0x7f: {  	_ =	shalt  }
0x80: {  	_ =	shalt  }
0x81: {  	_ =	shalt  }
0x82: {  	_ =	shalt  }
0x83: {  	_ =	shalt  }
0x84: {  	_ =	shalt  }
0x85: {  	_ =	shalt  }
0x86: {  	_ =	shalt  }
0x87: {  	_ =	shalt  }
.Lfunc_end0:
.L_simem_size_0:
called_computation_lowered:
.L_overlay_start_0:
0x88: {  	s2 =	sld [smem:$0x3FD9]  }
0x89: {  	s3 =	sld [smem:$0x3FFE];
	_ =	sdelay $0x1  }
0x8a: {  	s1 =	srdreg.scid  }
0x8b: {  	s0 =	sand.u32 $0x1, s1  }
0x8c: {  	s18 =	sshll.u32 s0, $0xA;
	s2 =	sadd.s32 s3, s2  }
0x8d: {  	s2 =	sadd.s32 s2, s18  }
0x8e: {  	[smem:$0x3FC7] =	sst s2  }
0x8f: {  	_ = 	snop  }
0x90: {  	s2 =	sld [smem:$0x3FC9]  }
0x91: {  	s19 =	sld [smem:$0x3FD0];
	(tm) =	ssettm $0x1  }
0x92: {  	s4 =	sld [smem:$0x3FFB];
	_ =	sdelay $0x3  }
0x93: {  	_ =	strace s4  }
0x94: {  	s4 =	sld [smem:$0x3FFC];
	_ =	sdelay $0x3  }
0x95: {  	_ =	strace s4  }
0x96: {  	s4 =	sld [smem:$0x3FFD];
	_ =	sdelay $0x3  }
0x97: {  	_ =	strace s4  }
0x98: {  	_ =	strace $0x8FFFFFFF  }
0x99: {  	s20 =	sld [smem:$0x3FDB];
	_ =	sdelay $0x1  }
0x9a: {  	s5 =	simm.s32 $_scs_section_size  }
0x9b: {  	s6 =	simm.s32 $_size__tile_overlayer_lowered;
	s7 =	simm.s32 $_tile_overlayer_lowered  }
0x9c: {  	s23 =	simm.s32 $0x1BFF;
	s22 =	sshll.u32 s7, $0x1;
	s4 =	sadd.s32 s5, s20  }
0x9d: {  	s8 =	simm.s32 $0x0;
	s21 =	sshll.u32 s6, $0x1;
	s6 =	sadd.s32 s22, s4  }
0x9e: {  	[timem:s8], [sflag:s23] =	dma.local [hbm:s6], s21  }
0x9f: {  	_ =	swait.ge [sflag:s23], s21  }
0xa0: {  	s5 =	ssub.s32 $0x0, s21;
	[sflag:s23] =	ssyncset.done $0x0  }
0xa1: {  	[sflag:s23] =	ssyncadd.s32 s5;
	_ =	sdelay $0x1  }
0xa2: {  	s24 =	simm.s32 $0x1B8B  }
0xa3: {  	_ =	swait.ge [sflag:s24], $0x1  }
0xa4: {  	[sflag:s24] =	ssyncset.done $0x0  }
0xa5: {  	s25 =	simm.s32 $0x1B8E;
	[sflag:s24] =	ssyncadd.s32 $0xFFFFFFFF  }
0xa6: {  	s26 =	simm.s32 $execute0_lowered;
	[smem:$0x3FD2] =	sst s25  }
0xa7: {  	s5 =	sshll.u32 s26, $0x1;
	_ =	strace $0x80000046;
	[dreg:$0x1] =	wrdreg $0xFFFFFFFF  }
0xa8: {  	s28 =	simm.s32 $_size_execute0_lowered;
	s4 =	sadd.s32 s4, s5;
	[dreg:$0x0] =	wrdreg $0x0  }
0xa9: {  	s5 =	sshll.u32 s28, $0x1;
	[dreg:$0x2] =	wrdreg s4  }
0xaa: {  	[dreg:$0x3] =	wrdreg s5  }
0xab: {  	[dreg:$0x4] =	wrdreg $0xC0  }
0xac: {  	_ =	task [dreg:s8], $0x5FFFF  }
0xad: {  	[dreg:$0x1] =	wrdreg $0xFFFFFFFF  }
0xae: {  	[dreg:$0x0] =	wrdreg $0x60  }
0xaf: {  	[dreg:$0x2] =	wrdreg s2  }
0xb0: {  	[dreg:$0x3] =	wrdreg s19  }
0xb1: {  	[dreg:$0x4] =	wrdreg $0x9  }
0xb2: {  	_ =	task.clear_ibuf [dreg:s8], $0x5FFFF;
	_ =	strace $0x90000046  }
0xb3: {  	s29 =	simm.s32 $0x9;
	_ =	strace $0x80000048  }
0xb4: {  	_ =	swait.ge [sflag:s29], $0x1  }
0xb5: {  	[sflag:s29] =	ssyncadd.s32 $0xFFFFFFFF  }
0xb6: {  	_ =	strace $0x90000048  }
0xb7: {  	_ =	sfence  }
0xb8: {  	s30 =	sld [smem:$0x0];
	_ =	sdelay $0x2  }
0xb9: {  	s31 =	sshll.u32 s1, $0xD;
	s1 =	sshrl.u32 s1, $0x2  }
0xba: {  	s3 =	sand.u32 $0x4000, s31;
	s1 =	sadd.s32 s1, s30  }
0xbb: {  	s0 =	sor.u32 s3, s0;
	s1 =	sshll.u32 s1, $0x11  }
0xbc: {  	s0 =	sor.u32 s1, s0  }
0xbd: {  	s0 =	sadd.s32 $0x8F2B, s0  }
0xbe: {  	[sflag:s0] =	ssyncadd.remote.s32 $0x1  }
0xbf: {  	_ =	sfence.sel $0xFFFF  }
0xc0: {  	[dreg:$0x0] =	wrdreg $0xFFFFFFFF;
	(pc) =	sbr.abs _section_cstart, $3  }
0xc1: {  	[dreg:$0x1] =	wrdreg $0xFFFFFFFF  }
0xc2: {  	_ =	task.clear_ibuf [dreg:s8], $0x2FFFF;
	_ =	strace $0x9FFFFFFF  }
0xc3: {  	(tm) =	ssettm $0x7FFFFFFF  }
tec
execute0_lowered:
.L_overlay_start_1:
0x0: {  	(tag) =	ssettag $0x1  }
0x1: {  	s1 =	rddreg [dreg:$0x0]  }
0x2: {  	s2 =	rddreg [dreg:$0x1]  }
0x3: {  	s3 =	srdreg.scid;
	s0 =	rddreg [dreg:$0x2];
	s4 =	simm.s32 $0x0  }
0x4: {  	s10 =	simm.s32 $0x8000;
	s11 =	simm.s32 $0x10280;
	s12 =	simm.s32 $0x0  }
0x5: {  	s5 =	sand.u32 $0x1, s3;
	s3 =	stileid.u32;
	[smem:$0x7FF] =	sst s4  }
0x6: {  	s6 =	ssub.s32 $0x2, s5;
	s8 =	sshll.u32 s3, $0xE;
	s5 =	sshll.u32 s5, $0x12  }
0x7: {  	s9 =	sshll.u32 s3, $0x6;
	_ =	strace $0x80000047;
	s7 =	sshrl.u32 s6, $0x1  }
0x8: {  	s8 =	sand.u32 $0x38000, s8;
	s31 =	sand.u32 $0x40, s9;
	s9 =	simm.s32 $0x1  }
0x9: {  	s6 =	ssub.s32 s6, s7;
	s5 =	sor.u32 s5, s8;
	s7 =	simm.s32 $0x80  }
0xa: {  	v0 =	vimm.s32 $0x0;
	v1 =	vlaneseq.u32;
	s8 =	simm.s32 $0x400;
	s5 =	sor.u32 s5, s31;
	s6 =	smax.u32 s6, $0x1  }
.LBB2_1:
0xb: {  	s13 =	simm.s32 $0x0  }
.LBB2_2:
0xc: {  	s14 =	sshll.u32 s13, $0x4  }
0xd: {  	s14 =	sadd.s32 s5, s14  }
0xe: {  	s16 =	simm.s32 $0x0;
	s15 =	sadd.s32 s1, s14  }
0xf: {  	[tilespmem:s16], [sflag:$0x1] =	stream.strided.gather [hbm4b:s15+s7], $0x8000, s8, s7, $0x38;
	[tilespmem:$0x18500] =	vst v63  }
0x10: {  	_ =	swait.ge [sflag:s9], $0x8000  }
0x11: {  	[sflag:s9] =	ssyncset.done $0x0  }
0x12: {  	s31 =	simm.s32 $0x0;
	[sflag:s9] =	ssyncadd.s32 $0xFFFF8000  }
0x13: {  	v3 =	vld [tilespmem:s31+$0x0]  }
0x14: {  	v2 =	vimm.s32 $0x0;
	s15 =	simm.s32 $0x40  }
.LBB2_3:
0x15: {  	p0 =	sne.s32 s15, $0x1FFC0  }
.Ltmp0:
0x16: {  	_ = 	snop;
	(pc) =	sbr.rel @p0 .LBB2_3-.Ltmp0, $4  }
0x17: {  	_ = 	snop  }
0x18: {  	s16 =	sshra.s32 s15, $0x2;
	s15 =	sadd.s32 $0x40, s15;
	vm0 =	vgt.s32 v3, $0xFFFFFFFF  }
0x19: {  	v3 =	vld [tilespmem:s16+$0x0];
	v4 =	vsel vm0, $0x1, v0  }
0x1a: {  	v2 =	vadd.s32 v4, v2  }
0x1b: {  	_ =	sdelay $0x2  }
0x1c: {  	vm0 =	vgt.s32 v3, $0xFFFFFFFF  }
0x1d: {  	v3 =	vsel vm0, $0x1, v0  }
0x1e: {  	v2 =	vadd.s32 v3, v2  }
0x1f: {  	(xrf0) =	vadd.scan.msk.s32 $0xffff, v2;
	_ =	sdelay $0x5  }
0x20: {  	v2, _, _ =	vpop (xrf0)  }
0x21: {  	(v2sf) =	vpush v2, $0xF;
	_ =	sdelay $0xe  }
0x22: {  	s15 =	spop (v2sf)  }
0x23: {  	s16 =	simm.s32 $0x1;
	p2 =	sgt.s32 s15, $0x3FF  }
0x24: {  	v5 =	vimm.s32 $0x0;
	s16 =	simm.s32 @!p2 $0x0  }
0x25: {  	s17 =	simm.s32 $0x0;
	v3 =	vimm.s32 $0x0;
	v2 =	vimm.s32 $0x0;
	v4 =	vmov s16;
	s16 =	simm.s32 $0x40  }
.LBB2_5:
0x26: {  	p0 =	sne.s32 s16, $0x1FFC0;
	v6 =	vld [tilespmem:s17+$0x0];
	_ =	sdelay $0x4  }
0x27: {  	v7 =	vshra.s32 v6, $0x1F  }
0x28: {  	v7 =	vor.u32 $0x80000000, v7  }
0x29: {  	v6 =	vxor.u32 v6, v7  }
0x2a: {  	v7 =	vshrl.u32 v6, $0x1F;
	v8 =	vshrl.u32 v6, $0x1E  }
0x2b: {  	vm0 =	veq.s32 v7, v4;
	v7 =	vand.u32 $0x1, v8  }
0x2c: {  	v8 =	vsel vm0, $0x1, v0;
	v7 =	vnsel vm0, $0x0, v7;
	v9 =	vmpcnt.ones.xlane vm0  }
0x2d: {  	v3 =	vadd.s32 v3, v7;
	(xrf0) =	vadd.scan.msk.s32 $0xffff, v8  }
0x2e: {  	v5 =	vadd.s32 v5, v9;
	_ =	sdelay $0x4  }
0x2f: {  	v7, _, _ =	vpop (xrf0)  }
0x30: {  	v7 =	vadd.s32 v7, v2;
	v2 =	vmov v5  }
0x31: {  	v7 =	vadd.s32 $0xFFFFFFFF, v7  }
.Ltmp1:
0x32: {  	(pc) =	sbr.rel @p0 .LBB2_5-.Ltmp1, $2  }
0x33: {  	_ =	sdelay $0x2  }
0x34: {  	s17 =	sshra.s32 s16, $0x2;
	s16 =	sadd.s32 $0x40, s16;
	[tilespmem:v7+s10+$0x0] =	vst.idx.msk vm0, v6  }
0x35: {  	v6 =	vld [tilespmem:s17+$0x0];
	_ =	sdelay $0x4  }
0x36: {  	v7 =	vshra.s32 v6, $0x1F  }
0x37: {  	v7 =	vor.u32 $0x80000000, v7  }
0x38: {  	v6 =	vxor.u32 v6, v7  }
0x39: {  	v7 =	vshrl.u32 v6, $0x1F  }
0x3a: {  	vm0 =	veq.s32 v7, v4  }
0x3b: {  	v4 =	vmpcnt.ones.xlane vm0;
	_ =	sdelay $0x1  }
0x3c: {  	v7 =	vsel vm0, $0x1, v0;
	v4 =	vadd.s32 v5, v4  }
0x3d: {  	(xrf0) =	vadd.scan.msk.s32 $0xffff, v7;
	v5 =	vxor.u32 $0x80000000, v4  }
0x3e: {  	(xrf0) =	vmax.scan.msk.u32 $0xffff, v5;
	_ =	sdelay $0x4  }
0x3f: {  	v7, _, _ =	vpop (xrf0)  }
0x40: {  	v8, _, _ =	vpop (xrf0)  }
0x41: {  	(v2sf) =	vpush v8, $0xF  }
0x42: {  	v5 =	vshrl.u32 v6, $0x1E  }
0x43: {  	v5 =	vand.u32 $0x1, v5  }
0x44: {  	v5 =	vnsel vm0, $0x0, v5  }
0x45: {  	v3 =	vadd.s32 v3, v5  }
0x46: {  	(xrf0) =	vadd.scan.msk.s32 $0xffff, v3;
	_ =	sdelay $0x5  }
0x47: {  	v3, _, _ =	vpop (xrf0)  }
0x48: {  	(v2sf) =	vpush v3, $0xF;
	_ =	sdelay $0x2  }
0x49: {  	s16 =	spop (v2sf)  }
0x4a: {  	s16 =	sadd.s32 $0x8000000F, s16  }
0x4b: {  	s30 =	sand.u32 $0xF, s16  }
0x4c: {  	s18 =	sshra.s32 s16, $0x1F;
	p0 =	slt.s32 s16, $0x1;
	p1 =	sne.s32 s30, $0x0  }
0x4d: {  	s31 =	sshrl.u32 s18, $0x1C;
	p0 =	por !p0, !p1  }
0x4e: {  	s17 =	simm.s32 $0x1;
	s16 =	sadd.s32 s31, s16;
	p0 =	por !p0, !p0  }
0x4f: {  	v2 =	vadd.s32 v7, v2;
	s16 =	sshra.s32 s16, $0x4;
	s17 =	simm.s32 @!p0 $0x0  }
0x50: {  	v2 =	vadd.s32 $0xFFFFFFFF, v2;
	s18 =	ssub.s32 s16, s17  }
0x51: {  	v3 =	vadd.s32 v1, v4;
	p0 =	slt.s32 s18, $0x1  }
.Ltmp2:
0x52: {  	_ = 	snop;
	(pc) =	sbr.rel @p0 .LBB2_10-.Ltmp2, $4  }
0x53: {  	_ = 	snop  }
0x54: {  	s15 =	ssub.s32 $0x400, s15  }
0x55: {  	s15 =	simm.s32 @p2 $0x400;
	[tilespmem:v2+s10+$0x0] =	vst.idx.msk vm0, v6;
	v2 =	vimm.s32 $0x0;
	s16 =	spop (v2sf)  }
0x56: {  	v6 =	vimm.s32 $0x0;
	[tilespmem:v3+s10+$0x0] =	vst.idx.msk $0xffff, v2;
	v3 =	vimm.s32 $0x0;
	p3 =	sge.s32 s16, s15  }
0x57: {  	p0 =	sne.s32 s18, $0x1  }
.Ltmp3:
0x58: {  	_ = 	snop;
	(pc) =	sbr.rel @!p0 .LBB2_9-.Ltmp3, $4  }
0x59: {  	s17 =	simm.s32 $0x1  }
0x5a: {  	s17 =	simm.s32 @!p3 $0x0  }
0x5b: {  	v6 =	vmov s17;
	s17 =	simm.s32 $0x8000  }
0x5c: {  	v3 =	vimm.s32 $0x0;
	s18 =	sadd.s32 $0xFFFFFFFF, s18;
	v5 =	vimm.s32 $0x0;
	v7 =	vimm.s32 $0x0;
	v4 =	vld [tilespmem:s17+$0x0]  }
.LBB2_8:
0x5d: {  	p0 =	sne.s32 s18, $0x1;
	_ =	sdelay $0x3  }
0x5e: {  	v8 =	vshrl.u32 v4, $0x1E;
	v9 =	vshrl.u32 v4, $0x1D  }
0x5f: {  	v8 =	vand.u32 $0x1, v8;
	v9 =	vand.u32 $0x1, v9  }
0x60: {  	vm0 =	veq.s32 v8, v6  }
0x61: {  	v8 =	vsel vm0, $0x1, v0;
	v9 =	vnsel vm0, $0x0, v9;
	v10 =	vmpcnt.ones.xlane vm0  }
0x62: {  	v3 =	vadd.s32 v3, v9;
	(xrf0) =	vadd.scan.msk.s32 $0xffff, v8  }
0x63: {  	v5 =	vadd.s32 v5, v10;
	_ =	sdelay $0x4  }
0x64: {  	v8, _, _ =	vpop (xrf0)  }
0x65: {  	v8 =	vadd.s32 v8, v7;
	v7 =	vmov v5  }
0x66: {  	v8 =	vadd.s32 $0xFFFFFFFF, v8;
	_ =	sdelay $0x1  }
.Ltmp4:
0x67: {  	(pc) =	sbr.rel @p0 .LBB2_8-.Ltmp4, $3  }
0x68: {  	_ =	sdelay $0x1  }
0x69: {  	s17 =	sadd.s32 $0x10, s17;
	[tilespmem:v8+s11+$0x0] =	vst.idx.msk vm0, v4  }
0x6a: {  	s18 =	sadd.s32 $0xFFFFFFFF, s18;
	v4 =	vld [tilespmem:s17+$0x0]  }
.LBB2_9:
0x6b: {  	_ =	sdelay $0x3  }
0x6c: {  	v8 =	vshrl.u32 v4, $0x1E  }
0x6d: {  	v8 =	vand.u32 $0x1, v8  }
0x6e: {  	vm0 =	veq.s32 v8, v6  }
0x6f: {  	v6 =	vsel vm0, $0x1, v0  }
0x70: {  	(xrf0) =	vadd.scan.msk.s32 $0xffff, v6;
	_ =	sdelay $0x5  }
0x71: {  	v6, _, _ =	vpop (xrf0)  }
0x72: {  	v6 =	vadd.s32 v6, v7  }
0x73: {  	v7 =	vadd.s32 $0xFFFFFFFF, v6;
	_ =	sdelay $0x1  }
0x74: {  	v6 =	vshrl.u32 v4, $0x1D  }
0x75: {  	v8 =	vmpcnt.ones.xlane vm0;
	v6 =	vand.u32 $0x1, v6  }
0x76: {  	v6 =	vnsel vm0, $0x0, v6  }
0x77: {  	v6 =	vadd.s32 v3, v6;
	v3 =	vadd.s32 v5, v8;
	[tilespmem:v7+s11+$0x0] =	vst.idx.msk vm0, v4  }
.LBB2_10:
0x78: {  	v4 =	vxor.u32 $0x80000000, v3  }
0x79: {  	(xrf0) =	vmax.scan.msk.u32 $0xffff, v4;
	_ =	sdelay $0x5  }
0x7a: {  	v4, _, _ =	vpop (xrf0)  }
0x7b: {  	(v2sf) =	vpush v4, $0xF;
	_ =	sdelay $0x4  }
0x7c: {  	(xrf0) =	vadd.scan.msk.s32 $0xffff, v6;
	_ =	sdelay $0x5  }
0x7d: {  	v4, _, _ =	vpop (xrf0)  }
0x7e: {  	(v2sf) =	vpush v4, $0xF;
	_ =	sdelay $0x2  }
0x7f: {  	s17 =	spop (v2sf)  }
0x80: {  	s17 =	sadd.s32 $0x8000000F, s17  }
0x81: {  	s18 =	sand.u32 $0xF, s17  }
0x82: {  	s31 =	sshra.s32 s17, $0x1F;
	p1 =	slt.s32 s17, $0x1;
	p0 =	sne.s32 s18, $0x0  }
0x83: {  	s18 =	sshrl.u32 s31, $0x1C;
	p0 =	por !p1, !p0  }
0x84: {  	s17 =	sadd.s32 s18, s17;
	s18 =	simm.s32 $0x1;
	p0 =	por !p0, !p0  }
0x85: {  	s17 =	sshra.s32 s17, $0x4;
	s18 =	simm.s32 @!p0 $0x0  }
0x86: {  	s18 =	ssub.s32 s17, s18  }
0x87: {  	v3 =	vadd.s32 v1, v3;
	p0 =	slt.s32 s18, $0x1  }
.Ltmp5:
0x88: {  	_ = 	snop;
	(pc) =	sbr.rel @p0 .LBB2_14-.Ltmp5, $4  }
0x89: {  	_ = 	snop  }
0x8a: {  	s16 =	simm.s32 @p3 $0x0  }
0x8b: {  	s15 =	ssub.s32 s15, s16;
	s16 =	spop (v2sf)  }
0x8c: {  	v5 =	vimm.s32 $0x0;
	[tilespmem:v3+s11+$0x0] =	vst.idx.msk $0xffff, v2;
	p4 =	sge.s32 s16, s15  }
0x8d: {  	p0 =	sne.s32 s18, $0x1  }
.Ltmp6:
0x8e: {  	_ = 	snop;
	(pc) =	sbr.rel @!p0 .LBB2_13-.Ltmp6, $4  }
0x8f: {  	s17 =	simm.s32 $0x1  }
0x90: {  	s17 =	simm.s32 @!p4 $0x0  }
0x91: {  	v5 =	vmov s17;
	s17 =	simm.s32 $0x10280  }
0x92: {  	v2 =	vimm.s32 $0x0;
	s18 =	sadd.s32 $0xFFFFFFFF, s18;
	v4 =	vimm.s32 $0x0;
	v6 =	vimm.s32 $0x0;
	v3 =	vld [tilespmem:s17+$0x0]  }
.LBB2_12:
0x93: {  	p0 =	sne.s32 s18, $0x1;
	_ =	sdelay $0x3  }
0x94: {  	v7 =	vshrl.u32 v3, $0x1D;
	v8 =	vshrl.u32 v3, $0x1C  }
0x95: {  	v7 =	vand.u32 $0x1, v7;
	v8 =	vand.u32 $0x1, v8  }
0x96: {  	vm0 =	veq.s32 v7, v5  }
0x97: {  	v7 =	vsel vm0, $0x1, v0;
	v8 =	vnsel vm0, $0x0, v8;
	v9 =	vmpcnt.ones.xlane vm0  }
0x98: {  	v2 =	vadd.s32 v2, v8;
	(xrf0) =	vadd.scan.msk.s32 $0xffff, v7  }
0x99: {  	v4 =	vadd.s32 v4, v9;
	_ =	sdelay $0x4  }
0x9a: {  	v7, _, _ =	vpop (xrf0)  }
0x9b: {  	v7 =	vadd.s32 v7, v6;
	v6 =	vmov v4  }
0x9c: {  	v7 =	vadd.s32 $0xFFFFFFFF, v7;
	_ =	sdelay $0x1  }
.Ltmp7:
0x9d: {  	(pc) =	sbr.rel @p0 .LBB2_12-.Ltmp7, $3  }
0x9e: {  	_ =	sdelay $0x1  }
0x9f: {  	s17 =	sadd.s32 $0x10, s17;
	[tilespmem:v7+s10+$0x0] =	vst.idx.msk vm0, v3  }
0xa0: {  	s18 =	sadd.s32 $0xFFFFFFFF, s18;
	v3 =	vld [tilespmem:s17+$0x0]  }
.LBB2_13:
0xa1: {  	_ =	sdelay $0x3  }
0xa2: {  	v7 =	vshrl.u32 v3, $0x1D  }
0xa3: {  	v7 =	vand.u32 $0x1, v7  }
0xa4: {  	vm0 =	veq.s32 v7, v5  }
0xa5: {  	v5 =	vsel vm0, $0x1, v0  }
0xa6: {  	(xrf0) =	vadd.scan.msk.s32 $0xffff, v5;
	_ =	sdelay $0x5  }
0xa7: {  	v5, _, _ =	vpop (xrf0)  }
0xa8: {  	v5 =	vadd.s32 v5, v6  }
0xa9: {  	v6 =	vadd.s32 $0xFFFFFFFF, v5;
	_ =	sdelay $0x1  }
0xaa: {  	v5 =	vshrl.u32 v3, $0x1C  }
0xab: {  	v7 =	vmpcnt.ones.xlane vm0;
	v5 =	vand.u32 $0x1, v5  }
0xac: {  	v5 =	vnsel vm0, $0x0, v5  }
0xad: {  	v5 =	vadd.s32 v2, v5;
	v2 =	vadd.s32 v4, v7;
	[tilespmem:v6+s10+$0x0] =	vst.idx.msk vm0, v3  }
.LBB2_14:
0xae: {  	v3 =	vxor.u32 $0x80000000, v2  }
0xaf: {  	(xrf0) =	vmax.scan.msk.u32 $0xffff, v3;
	_ =	sdelay $0x5  }
0xb0: {  	v3, _, _ =	vpop (xrf0)  }
0xb1: {  	(v2sf) =	vpush v3, $0xF;
	_ =	sdelay $0x4  }
0xb2: {  	(xrf0) =	vadd.scan.msk.s32 $0xffff, v5;
	_ =	sdelay $0x5  }
0xb3: {  	v3, _, _ =	vpop (xrf0)  }
0xb4: {  	(v2sf) =	vpush v3, $0xF;
	_ =	sdelay $0x1  }
0xb5: {  	s17 =	simm.s32 @!p3 $0x0  }
0xb6: {  	s17 =	simm.s32 @p3 $0x1;
	s30 =	spop (v2sf)  }
0xb7: {  	[smem:$0x7FD] =	sst s17;
	s17 =	sadd.s32 $0x8000000F, s30  }
0xb8: {  	s18 =	sand.u32 $0xF, s17  }
0xb9: {  	s31 =	sshra.s32 s17, $0x1F;
	p1 =	slt.s32 s17, $0x1;
	p0 =	sne.s32 s18, $0x0  }
0xba: {  	s18 =	sshrl.u32 s31, $0x1C;
	p0 =	por !p1, !p0  }
0xbb: {  	s17 =	sadd.s32 s18, s17;
	s18 =	simm.s32 $0x1;
	p0 =	por !p0, !p0  }
0xbc: {  	s17 =	sshra.s32 s17, $0x4;
	s18 =	simm.s32 @!p0 $0x0  }
0xbd: {  	s18 =	ssub.s32 s17, s18  }
0xbe: {  	v3 =	vadd.s32 v1, v2;
	p0 =	slt.s32 s18, $0x1  }
.Ltmp8:
0xbf: {  	_ = 	snop;
	(pc) =	sbr.rel @p0 .LBB2_18-.Ltmp8, $4  }
0xc0: {  	_ = 	snop  }
0xc1: {  	s16 =	simm.s32 @p4 $0x0  }
0xc2: {  	s15 =	ssub.s32 s15, s16;
	v2 =	vimm.s32 $0x0;
	s16 =	spop (v2sf)  }
0xc3: {  	v6 =	vimm.s32 $0x0;
	[tilespmem:v3+s10+$0x0] =	vst.idx.msk $0xffff, v2;
	v3 =	vimm.s32 $0x0;
	p5 =	sge.s32 s16, s15  }
0xc4: {  	p0 =	sne.s32 s18, $0x1  }
.Ltmp9:
0xc5: {  	_ = 	snop;
	(pc) =	sbr.rel @!p0 .LBB2_17-.Ltmp9, $4  }
0xc6: {  	s17 =	simm.s32 $0x1  }
0xc7: {  	s17 =	simm.s32 @!p5 $0x0  }
0xc8: {  	v6 =	vmov s17;
	s17 =	simm.s32 $0x8000  }
0xc9: {  	v3 =	vimm.s32 $0x0;
	s18 =	sadd.s32 $0xFFFFFFFF, s18;
	v5 =	vimm.s32 $0x0;
	v7 =	vimm.s32 $0x0;
	v4 =	vld [tilespmem:s17+$0x0]  }
.LBB2_16:
0xca: {  	p0 =	sne.s32 s18, $0x1;
	_ =	sdelay $0x3  }
0xcb: {  	v8 =	vshrl.u32 v4, $0x1C;
	v9 =	vshrl.u32 v4, $0x1B  }
0xcc: {  	v8 =	vand.u32 $0x1, v8;
	v9 =	vand.u32 $0x1, v9  }
0xcd: {  	vm0 =	veq.s32 v8, v6  }
0xce: {  	v8 =	vsel vm0, $0x1, v0;
	v9 =	vnsel vm0, $0x0, v9;
	v10 =	vmpcnt.ones.xlane vm0  }
0xcf: {  	v3 =	vadd.s32 v3, v9;
	(xrf0) =	vadd.scan.msk.s32 $0xffff, v8  }
0xd0: {  	v5 =	vadd.s32 v5, v10;
	_ =	sdelay $0x4  }
0xd1: {  	v8, _, _ =	vpop (xrf0)  }
0xd2: {  	v8 =	vadd.s32 v8, v7;
	v7 =	vmov v5  }
0xd3: {  	v8 =	vadd.s32 $0xFFFFFFFF, v8;
	_ =	sdelay $0x1  }
.Ltmp10:
0xd4: {  	(pc) =	sbr.rel @p0 .LBB2_16-.Ltmp10, $3  }
0xd5: {  	_ =	sdelay $0x1  }
0xd6: {  	s17 =	sadd.s32 $0x10, s17;
	[tilespmem:v8+s11+$0x0] =	vst.idx.msk vm0, v4  }
0xd7: {  	s18 =	sadd.s32 $0xFFFFFFFF, s18;
	v4 =	vld [tilespmem:s17+$0x0]  }
.LBB2_17:
0xd8: {  	_ =	sdelay $0x3  }
0xd9: {  	v8 =	vshrl.u32 v4, $0x1C  }
0xda: {  	v8 =	vand.u32 $0x1, v8  }
0xdb: {  	vm0 =	veq.s32 v8, v6  }
0xdc: {  	v6 =	vsel vm0, $0x1, v0  }
0xdd: {  	(xrf0) =	vadd.scan.msk.s32 $0xffff, v6;
	_ =	sdelay $0x5  }
0xde: {  	v6, _, _ =	vpop (xrf0)  }
0xdf: {  	v6 =	vadd.s32 v6, v7  }
0xe0: {  	v7 =	vadd.s32 $0xFFFFFFFF, v6;
	_ =	sdelay $0x1  }
0xe1: {  	v6 =	vshrl.u32 v4, $0x1B  }
0xe2: {  	v8 =	vmpcnt.ones.xlane vm0;
	v6 =	vand.u32 $0x1, v6  }
0xe3: {  	v6 =	vnsel vm0, $0x0, v6  }
0xe4: {  	v6 =	vadd.s32 v3, v6;
	v3 =	vadd.s32 v5, v8;
	[tilespmem:v7+s11+$0x0] =	vst.idx.msk vm0, v4  }
.LBB2_18:
0xe5: {  	v4 =	vxor.u32 $0x80000000, v3  }
0xe6: {  	(xrf0) =	vmax.scan.msk.u32 $0xffff, v4;
	_ =	sdelay $0x5  }
0xe7: {  	v4, _, _ =	vpop (xrf0)  }
0xe8: {  	(v2sf) =	vpush v4, $0xF;
	_ =	sdelay $0x4  }
0xe9: {  	(xrf0) =	vadd.scan.msk.s32 $0xffff, v6;
	_ =	sdelay $0x5  }
0xea: {  	v4, _, _ =	vpop (xrf0)  }
0xeb: {  	(v2sf) =	vpush v4, $0xF;
	_ =	sdelay $0x2  }
0xec: {  	s17 =	spop (v2sf)  }
0xed: {  	s17 =	sadd.s32 $0x8000000F, s17  }
0xee: {  	s18 =	sand.u32 $0xF, s17  }
0xef: {  	s31 =	sshra.s32 s17, $0x1F;
	p1 =	slt.s32 s17, $0x1;
	p0 =	sne.s32 s18, $0x0  }
0xf0: {  	s18 =	sshrl.u32 s31, $0x1C;
	p0 =	por !p1, !p0  }
0xf1: {  	s17 =	sadd.s32 s18, s17;
	s18 =	simm.s32 $0x1;
	p0 =	por !p0, !p0  }
0xf2: {  	s17 =	sshra.s32 s17, $0x4;
	s18 =	simm.s32 @!p0 $0x0  }
0xf3: {  	s18 =	ssub.s32 s17, s18  }
0xf4: {  	v3 =	vadd.s32 v1, v3;
	p0 =	slt.s32 s18, $0x1  }
.Ltmp11:
0xf5: {  	_ = 	snop;
	(pc) =	sbr.rel @p0 .LBB2_22-.Ltmp11, $4  }
0xf6: {  	_ = 	snop  }
0xf7: {  	s16 =	simm.s32 @p5 $0x0  }
0xf8: {  	s15 =	ssub.s32 s15, s16;
	s16 =	spop (v2sf)  }
0xf9: {  	v5 =	vimm.s32 $0x0;
	[tilespmem:v3+s11+$0x0] =	vst.idx.msk $0xffff, v2;
	p6 =	sge.s32 s16, s15  }
0xfa: {  	p0 =	sne.s32 s18, $0x1  }
.Ltmp12:
0xfb: {  	_ = 	snop;
	(pc) =	sbr.rel @!p0 .LBB2_21-.Ltmp12, $4  }
0xfc: {  	s17 =	simm.s32 $0x1  }
0xfd: {  	s17 =	simm.s32 @!p6 $0x0  }
0xfe: {  	v5 =	vmov s17;
	s17 =	simm.s32 $0x10280  }
0xff: {  	v2 =	vimm.s32 $0x0;
	s18 =	sadd.s32 $0xFFFFFFFF, s18;
	v4 =	vimm.s32 $0x0;
	v6 =	vimm.s32 $0x0;
	v3 =	vld [tilespmem:s17+$0x0]  }
.LBB2_20:
0x100: {  	p0 =	sne.s32 s18, $0x1;
	_ =	sdelay $0x3  }
0x101: {  	v7 =	vshrl.u32 v3, $0x1B;
	v8 =	vshrl.u32 v3, $0x1A  }
0x102: {  	v7 =	vand.u32 $0x1, v7;
	v8 =	vand.u32 $0x1, v8  }
0x103: {  	vm0 =	veq.s32 v7, v5  }
0x104: {  	v7 =	vsel vm0, $0x1, v0;
	v8 =	vnsel vm0, $0x0, v8;
	v9 =	vmpcnt.ones.xlane vm0  }
0x105: {  	v2 =	vadd.s32 v2, v8;
	(xrf0) =	vadd.scan.msk.s32 $0xffff, v7  }
0x106: {  	v4 =	vadd.s32 v4, v9;
	_ =	sdelay $0x4  }
0x107: {  	v7, _, _ =	vpop (xrf0)  }
0x108: {  	v7 =	vadd.s32 v7, v6;
	v6 =	vmov v4  }
0x109: {  	v7 =	vadd.s32 $0xFFFFFFFF, v7;
	_ =	sdelay $0x1  }
.Ltmp13:
0x10a: {  	(pc) =	sbr.rel @p0 .LBB2_20-.Ltmp13, $3  }
0x10b: {  	_ =	sdelay $0x1  }
0x10c: {  	s17 =	sadd.s32 $0x10, s17;
	[tilespmem:v7+s10+$0x0] =	vst.idx.msk vm0, v3  }
0x10d: {  	s18 =	sadd.s32 $0xFFFFFFFF, s18;
	v3 =	vld [tilespmem:s17+$0x0]  }
.LBB2_21:
0x10e: {  	_ =	sdelay $0x3  }
0x10f: {  	v7 =	vshrl.u32 v3, $0x1B  }
0x110: {  	v7 =	vand.u32 $0x1, v7  }
0x111: {  	vm0 =	veq.s32 v7, v5  }
0x112: {  	v5 =	vsel vm0, $0x1, v0  }
0x113: {  	(xrf0) =	vadd.scan.msk.s32 $0xffff, v5;
	_ =	sdelay $0x5  }
0x114: {  	v5, _, _ =	vpop (xrf0)  }
0x115: {  	v5 =	vadd.s32 v5, v6  }
0x116: {  	v6 =	vadd.s32 $0xFFFFFFFF, v5;
	_ =	sdelay $0x1  }
0x117: {  	v5 =	vshrl.u32 v3, $0x1A  }
0x118: {  	v7 =	vmpcnt.ones.xlane vm0;
	v5 =	vand.u32 $0x1, v5  }
0x119: {  	v5 =	vnsel vm0, $0x0, v5  }
0x11a: {  	v5 =	vadd.s32 v2, v5;
	v2 =	vadd.s32 v4, v7;
	[tilespmem:v6+s10+$0x0] =	vst.idx.msk vm0, v3  }
.LBB2_22:
0x11b: {  	v3 =	vxor.u32 $0x80000000, v2  }
0x11c: {  	(xrf0) =	vmax.scan.msk.u32 $0xffff, v3;
	_ =	sdelay $0x5  }
0x11d: {  	v3, _, _ =	vpop (xrf0)  }
0x11e: {  	(v2sf) =	vpush v3, $0xF;
	_ =	sdelay $0x4  }
0x11f: {  	(xrf0) =	vadd.scan.msk.s32 $0xffff, v5;
	_ =	sdelay $0x5  }
0x120: {  	v3, _, _ =	vpop (xrf0)  }
0x121: {  	(v2sf) =	vpush v3, $0xF;
	_ =	sdelay $0x2  }
0x122: {  	s17 =	spop (v2sf)  }
0x123: {  	s17 =	sadd.s32 $0x8000000F, s17  }
0x124: {  	s18 =	sand.u32 $0xF, s17  }
0x125: {  	s31 =	sshra.s32 s17, $0x1F;
	p1 =	slt.s32 s17, $0x1;
	p0 =	sne.s32 s18, $0x0  }
0x126: {  	s18 =	sshrl.u32 s31, $0x1C;
	p0 =	por !p1, !p0  }
0x127: {  	s17 =	sadd.s32 s18, s17;
	s18 =	simm.s32 $0x1;
	p0 =	por !p0, !p0  }
0x128: {  	s17 =	sshra.s32 s17, $0x4;
	s18 =	simm.s32 @!p0 $0x0  }
0x129: {  	s18 =	ssub.s32 s17, s18  }
0x12a: {  	v3 =	vadd.s32 v1, v2;
	p0 =	slt.s32 s18, $0x1  }
.Ltmp14:
0x12b: {  	_ = 	snop;
	(pc) =	sbr.rel @p0 .LBB2_26-.Ltmp14, $4  }
0x12c: {  	_ = 	snop  }
0x12d: {  	s16 =	simm.s32 @p6 $0x0  }
0x12e: {  	s15 =	ssub.s32 s15, s16;
	v2 =	vimm.s32 $0x0;
	s16 =	spop (v2sf)  }
0x12f: {  	v6 =	vimm.s32 $0x0;
	[tilespmem:v3+s10+$0x0] =	vst.idx.msk $0xffff, v2;
	v3 =	vimm.s32 $0x0;
	p1 =	sge.s32 s16, s15  }
0x130: {  	p0 =	sne.s32 s18, $0x1  }
.Ltmp15:
0x131: {  	_ = 	snop;
	(pc) =	sbr.rel @!p0 .LBB2_25-.Ltmp15, $4  }
0x132: {  	s17 =	simm.s32 $0x1  }
0x133: {  	s17 =	simm.s32 @!p1 $0x0  }
0x134: {  	v6 =	vmov s17;
	s17 =	simm.s32 $0x8000  }
0x135: {  	v3 =	vimm.s32 $0x0;
	s18 =	sadd.s32 $0xFFFFFFFF, s18;
	v5 =	vimm.s32 $0x0;
	v7 =	vimm.s32 $0x0;
	v4 =	vld [tilespmem:s17+$0x0]  }
.LBB2_24:
0x136: {  	p0 =	sne.s32 s18, $0x1;
	_ =	sdelay $0x3  }
0x137: {  	v8 =	vshrl.u32 v4, $0x1A;
	v9 =	vshrl.u32 v4, $0x19  }
0x138: {  	v8 =	vand.u32 $0x1, v8;
	v9 =	vand.u32 $0x1, v9  }
0x139: {  	vm0 =	veq.s32 v8, v6  }
0x13a: {  	v8 =	vsel vm0, $0x1, v0;
	v9 =	vnsel vm0, $0x0, v9;
	v10 =	vmpcnt.ones.xlane vm0  }
0x13b: {  	v3 =	vadd.s32 v3, v9;
	(xrf0) =	vadd.scan.msk.s32 $0xffff, v8  }
0x13c: {  	v5 =	vadd.s32 v5, v10;
	_ =	sdelay $0x4  }
0x13d: {  	v8, _, _ =	vpop (xrf0)  }
0x13e: {  	v8 =	vadd.s32 v8, v7;
	v7 =	vmov v5  }
0x13f: {  	v8 =	vadd.s32 $0xFFFFFFFF, v8;
	_ =	sdelay $0x1  }
.Ltmp16:
0x140: {  	(pc) =	sbr.rel @p0 .LBB2_24-.Ltmp16, $3  }
0x141: {  	_ =	sdelay $0x1  }
0x142: {  	s17 =	sadd.s32 $0x10, s17;
	[tilespmem:v8+s11+$0x0] =	vst.idx.msk vm0, v4  }
0x143: {  	s18 =	sadd.s32 $0xFFFFFFFF, s18;
	v4 =	vld [tilespmem:s17+$0x0]  }
.LBB2_25:
0x144: {  	_ =	sdelay $0x3  }
0x145: {  	v8 =	vshrl.u32 v4, $0x1A  }
0x146: {  	v8 =	vand.u32 $0x1, v8  }
0x147: {  	vm0 =	veq.s32 v8, v6  }
0x148: {  	v6 =	vsel vm0, $0x1, v0  }
0x149: {  	(xrf0) =	vadd.scan.msk.s32 $0xffff, v6;
	_ =	sdelay $0x5  }
0x14a: {  	v6, _, _ =	vpop (xrf0)  }
0x14b: {  	v6 =	vadd.s32 v6, v7  }
0x14c: {  	v7 =	vadd.s32 $0xFFFFFFFF, v6;
	_ =	sdelay $0x1  }
0x14d: {  	v6 =	vshrl.u32 v4, $0x19  }
0x14e: {  	v8 =	vmpcnt.ones.xlane vm0;
	v6 =	vand.u32 $0x1, v6  }
0x14f: {  	v6 =	vnsel vm0, $0x0, v6  }
0x150: {  	v6 =	vadd.s32 v3, v6;
	v3 =	vadd.s32 v5, v8;
	[tilespmem:v7+s11+$0x0] =	vst.idx.msk vm0, v4  }
.LBB2_26:
0x151: {  	v4 =	vxor.u32 $0x80000000, v3  }
0x152: {  	(xrf0) =	vmax.scan.msk.u32 $0xffff, v4;
	_ =	sdelay $0x5  }
0x153: {  	v4, _, _ =	vpop (xrf0)  }
0x154: {  	(v2sf) =	vpush v4, $0xF;
	_ =	sdelay $0x4  }
0x155: {  	(xrf0) =	vadd.scan.msk.s32 $0xffff, v6;
	_ =	sdelay $0x5  }
0x156: {  	v4, _, _ =	vpop (xrf0)  }
0x157: {  	(v2sf) =	vpush v4, $0xF;
	_ =	sdelay $0x2  }
0x158: {  	s19 =	simm.s32 @!p1 $0x0;
	s17 =	spop (v2sf)  }
0x159: {  	s19 =	simm.s32 @p1 $0x1;
	s17 =	sadd.s32 $0x8000000F, s17  }
0x15a: {  	[smem:$0x7FC] =	sst s19;
	s18 =	sand.u32 $0xF, s17  }
0x15b: {  	s31 =	sshra.s32 s17, $0x1F;
	p3 =	slt.s32 s17, $0x1;
	p0 =	sne.s32 s18, $0x0  }
0x15c: {  	s19 =	sld [smem:$0x7FC];
	s18 =	sshrl.u32 s31, $0x1C;
	p0 =	por !p3, !p0  }
0x15d: {  	s17 =	sadd.s32 s18, s17;
	s18 =	simm.s32 $0x1;
	p0 =	por !p0, !p0  }
0x15e: {  	s17 =	sshra.s32 s17, $0x4;
	s18 =	simm.s32 @!p0 $0x0  }
0x15f: {  	p0 =	seq.s32 s19, $0x1;
	s18 =	ssub.s32 s17, s18  }
0x160: {  	v3 =	vadd.s32 v1, v3;
	s16 =	simm.s32 @p0 $0x0;
	p0 =	slt.s32 s18, $0x1  }
.Ltmp17:
0x161: {  	_ = 	snop;
	(pc) =	sbr.rel @p0 .LBB2_30-.Ltmp17, $3  }
0x162: {  	_ =	sdelay $0x1  }
0x163: {  	s15 =	ssub.s32 s15, s16;
	s16 =	spop (v2sf)  }
0x164: {  	v5 =	vimm.s32 $0x0;
	[tilespmem:v3+s11+$0x0] =	vst.idx.msk $0xffff, v2;
	p1 =	sge.s32 s16, s15  }
0x165: {  	p0 =	sne.s32 s18, $0x1  }
.Ltmp18:
0x166: {  	_ = 	snop;
	(pc) =	sbr.rel @!p0 .LBB2_29-.Ltmp18, $4  }
0x167: {  	s17 =	simm.s32 $0x1  }
0x168: {  	s17 =	simm.s32 @!p1 $0x0  }
0x169: {  	v5 =	vmov s17;
	s17 =	simm.s32 $0x10280  }
0x16a: {  	v2 =	vimm.s32 $0x0;
	s18 =	sadd.s32 $0xFFFFFFFF, s18;
	v4 =	vimm.s32 $0x0;
	v6 =	vimm.s32 $0x0;
	v3 =	vld [tilespmem:s17+$0x0]  }
.LBB2_28:
0x16b: {  	p0 =	sne.s32 s18, $0x1;
	_ =	sdelay $0x3  }
0x16c: {  	v7 =	vshrl.u32 v3, $0x19;
	v8 =	vshrl.u32 v3, $0x18  }
0x16d: {  	v7 =	vand.u32 $0x1, v7;
	v8 =	vand.u32 $0x1, v8  }
0x16e: {  	vm0 =	veq.s32 v7, v5  }
0x16f: {  	v7 =	vsel vm0, $0x1, v0;
	v8 =	vnsel vm0, $0x0, v8;
	v9 =	vmpcnt.ones.xlane vm0  }
0x170: {  	v2 =	vadd.s32 v2, v8;
	(xrf0) =	vadd.scan.msk.s32 $0xffff, v7  }
0x171: {  	v4 =	vadd.s32 v4, v9;
	_ =	sdelay $0x4  }
0x172: {  	v7, _, _ =	vpop (xrf0)  }
0x173: {  	v7 =	vadd.s32 v7, v6;
	v6 =	vmov v4  }
0x174: {  	v7 =	vadd.s32 $0xFFFFFFFF, v7;
	_ =	sdelay $0x1  }
.Ltmp19:
0x175: {  	(pc) =	sbr.rel @p0 .LBB2_28-.Ltmp19, $3  }
0x176: {  	_ =	sdelay $0x1  }
0x177: {  	s17 =	sadd.s32 $0x10, s17;
	[tilespmem:v7+s10+$0x0] =	vst.idx.msk vm0, v3  }
0x178: {  	s18 =	sadd.s32 $0xFFFFFFFF, s18;
	v3 =	vld [tilespmem:s17+$0x0]  }
.LBB2_29:
0x179: {  	_ =	sdelay $0x3  }
0x17a: {  	v7 =	vshrl.u32 v3, $0x19  }
0x17b: {  	v7 =	vand.u32 $0x1, v7  }
0x17c: {  	vm0 =	veq.s32 v7, v5  }
0x17d: {  	v5 =	vsel vm0, $0x1, v0  }
0x17e: {  	(xrf0) =	vadd.scan.msk.s32 $0xffff, v5;
	_ =	sdelay $0x5  }
0x17f: {  	v5, _, _ =	vpop (xrf0)  }
0x180: {  	v5 =	vadd.s32 v5, v6  }
0x181: {  	v6 =	vadd.s32 $0xFFFFFFFF, v5;
	_ =	sdelay $0x1  }
0x182: {  	v5 =	vshrl.u32 v3, $0x18  }
0x183: {  	v7 =	vmpcnt.ones.xlane vm0;
	v5 =	vand.u32 $0x1, v5  }
0x184: {  	v5 =	vnsel vm0, $0x0, v5  }
0x185: {  	v5 =	vadd.s32 v2, v5;
	v2 =	vadd.s32 v4, v7;
	[tilespmem:v6+s10+$0x0] =	vst.idx.msk vm0, v3  }
.LBB2_30:
0x186: {  	v3 =	vxor.u32 $0x80000000, v2  }
0x187: {  	(xrf0) =	vmax.scan.msk.u32 $0xffff, v3;
	_ =	sdelay $0x5  }
0x188: {  	v3, _, _ =	vpop (xrf0)  }
0x189: {  	(v2sf) =	vpush v3, $0xF;
	_ =	sdelay $0x4  }
0x18a: {  	(xrf0) =	vadd.scan.msk.s32 $0xffff, v5;
	_ =	sdelay $0x5  }
0x18b: {  	v3, _, _ =	vpop (xrf0)  }
0x18c: {  	(v2sf) =	vpush v3, $0xF;
	_ =	sdelay $0x2  }
0x18d: {  	s19 =	simm.s32 @!p1 $0x0;
	s17 =	spop (v2sf)  }
0x18e: {  	s19 =	simm.s32 @p1 $0x1;
	s17 =	sadd.s32 $0x8000000F, s17  }
0x18f: {  	[smem:$0x7FB] =	sst s19;
	s18 =	sand.u32 $0xF, s17  }
0x190: {  	s31 =	sshra.s32 s17, $0x1F;
	p3 =	slt.s32 s17, $0x1;
	p0 =	sne.s32 s18, $0x0  }
0x191: {  	s19 =	sld [smem:$0x7FB];
	s18 =	sshrl.u32 s31, $0x1C;
	p0 =	por !p3, !p0  }
0x192: {  	s17 =	sadd.s32 s18, s17;
	s18 =	simm.s32 $0x1;
	p0 =	por !p0, !p0  }
0x193: {  	s17 =	sshra.s32 s17, $0x4;
	s18 =	simm.s32 @!p0 $0x0  }
0x194: {  	p0 =	seq.s32 s19, $0x1;
	s18 =	ssub.s32 s17, s18  }
0x195: {  	v3 =	vadd.s32 v1, v2;
	s16 =	simm.s32 @p0 $0x0;
	p0 =	slt.s32 s18, $0x1  }
.Ltmp20:
0x196: {  	_ = 	snop;
	(pc) =	sbr.rel @p0 .LBB2_34-.Ltmp20, $3  }
0x197: {  	_ =	sdelay $0x1  }
0x198: {  	v2 =	vimm.s32 $0x0;
	s15 =	ssub.s32 s15, s16;
	s16 =	spop (v2sf)  }
0x199: {  	v6 =	vimm.s32 $0x0;
	[tilespmem:v3+s10+$0x0] =	vst.idx.msk $0xffff, v2;
	v3 =	vimm.s32 $0x0;
	p1 =	sge.s32 s16, s15  }
0x19a: {  	p0 =	sne.s32 s18, $0x1  }
.Ltmp21:
0x19b: {  	_ = 	snop;
	(pc) =	sbr.rel @!p0 .LBB2_33-.Ltmp21, $4  }
0x19c: {  	s17 =	simm.s32 $0x1  }
0x19d: {  	s17 =	simm.s32 @!p1 $0x0  }
0x19e: {  	v6 =	vmov s17;
	s17 =	simm.s32 $0x8000  }
0x19f: {  	v3 =	vimm.s32 $0x0;
	s18 =	sadd.s32 $0xFFFFFFFF, s18;
	v5 =	vimm.s32 $0x0;
	v7 =	vimm.s32 $0x0;
	v4 =	vld [tilespmem:s17+$0x0]  }
.LBB2_32:
0x1a0: {  	p0 =	sne.s32 s18, $0x1;
	_ =	sdelay $0x3  }
0x1a1: {  	v8 =	vshrl.u32 v4, $0x18;
	v9 =	vshrl.u32 v4, $0x17  }
0x1a2: {  	v8 =	vand.u32 $0x1, v8;
	v9 =	vand.u32 $0x1, v9  }
0x1a3: {  	vm0 =	veq.s32 v8, v6  }
0x1a4: {  	v8 =	vsel vm0, $0x1, v0;
	v9 =	vnsel vm0, $0x0, v9;
	v10 =	vmpcnt.ones.xlane vm0  }
0x1a5: {  	v3 =	vadd.s32 v3, v9;
	(xrf0) =	vadd.scan.msk.s32 $0xffff, v8  }
0x1a6: {  	v5 =	vadd.s32 v5, v10;
	_ =	sdelay $0x4  }
0x1a7: {  	v8, _, _ =	vpop (xrf0)  }
0x1a8: {  	v8 =	vadd.s32 v8, v7;
	v7 =	vmov v5  }
0x1a9: {  	v8 =	vadd.s32 $0xFFFFFFFF, v8;
	_ =	sdelay $0x1  }
.Ltmp22:
0x1aa: {  	(pc) =	sbr.rel @p0 .LBB2_32-.Ltmp22, $3  }
0x1ab: {  	_ =	sdelay $0x1  }
0x1ac: {  	s17 =	sadd.s32 $0x10, s17;
	[tilespmem:v8+s11+$0x0] =	vst.idx.msk vm0, v4  }
0x1ad: {  	s18 =	sadd.s32 $0xFFFFFFFF, s18;
	v4 =	vld [tilespmem:s17+$0x0]  }
.LBB2_33:
0x1ae: {  	_ =	sdelay $0x3  }
0x1af: {  	v8 =	vshrl.u32 v4, $0x18  }
0x1b0: {  	v8 =	vand.u32 $0x1, v8  }
0x1b1: {  	vm0 =	veq.s32 v8, v6  }
0x1b2: {  	v6 =	vsel vm0, $0x1, v0  }
0x1b3: {  	(xrf0) =	vadd.scan.msk.s32 $0xffff, v6;
	_ =	sdelay $0x5  }
0x1b4: {  	v6, _, _ =	vpop (xrf0)  }
0x1b5: {  	v6 =	vadd.s32 v6, v7  }
0x1b6: {  	v7 =	vadd.s32 $0xFFFFFFFF, v6;
	_ =	sdelay $0x1  }
0x1b7: {  	v6 =	vshrl.u32 v4, $0x17  }
0x1b8: {  	v8 =	vmpcnt.ones.xlane vm0;
	v6 =	vand.u32 $0x1, v6  }
0x1b9: {  	v6 =	vnsel vm0, $0x0, v6  }
0x1ba: {  	v6 =	vadd.s32 v3, v6;
	v3 =	vadd.s32 v5, v8;
	[tilespmem:v7+s11+$0x0] =	vst.idx.msk vm0, v4  }
.LBB2_34:
0x1bb: {  	v4 =	vxor.u32 $0x80000000, v3  }
0x1bc: {  	(xrf0) =	vmax.scan.msk.u32 $0xffff, v4;
	_ =	sdelay $0x5  }
0x1bd: {  	v4, _, _ =	vpop (xrf0)  }
0x1be: {  	(v2sf) =	vpush v4, $0xF;
	_ =	sdelay $0x4  }
0x1bf: {  	(xrf0) =	vadd.scan.msk.s32 $0xffff, v6;
	_ =	sdelay $0x5  }
0x1c0: {  	v4, _, _ =	vpop (xrf0)  }
0x1c1: {  	(v2sf) =	vpush v4, $0xF;
	_ =	sdelay $0x2  }
0x1c2: {  	s19 =	simm.s32 @!p1 $0x0;
	s17 =	spop (v2sf)  }
0x1c3: {  	s19 =	simm.s32 @p1 $0x1;
	s17 =	sadd.s32 $0x8000000F, s17  }
0x1c4: {  	[smem:$0x7FA] =	sst s19;
	s18 =	sand.u32 $0xF, s17  }
0x1c5: {  	s31 =	sshra.s32 s17, $0x1F;
	p3 =	slt.s32 s17, $0x1;
	p0 =	sne.s32 s18, $0x0  }
0x1c6: {  	s19 =	sld [smem:$0x7FA];
	s18 =	sshrl.u32 s31, $0x1C;
	p0 =	por !p3, !p0  }
0x1c7: {  	s17 =	sadd.s32 s18, s17;
	s18 =	simm.s32 $0x1;
	p0 =	por !p0, !p0  }
0x1c8: {  	s17 =	sshra.s32 s17, $0x4;
	s18 =	simm.s32 @!p0 $0x0  }
0x1c9: {  	p0 =	seq.s32 s19, $0x1;
	s18 =	ssub.s32 s17, s18  }
0x1ca: {  	v3 =	vadd.s32 v1, v3;
	s16 =	simm.s32 @p0 $0x0;
	p0 =	slt.s32 s18, $0x1  }
.Ltmp23:
0x1cb: {  	_ = 	snop;
	(pc) =	sbr.rel @p0 .LBB2_38-.Ltmp23, $3  }
0x1cc: {  	_ =	sdelay $0x1  }
0x1cd: {  	s15 =	ssub.s32 s15, s16;
	s16 =	spop (v2sf)  }
0x1ce: {  	v5 =	vimm.s32 $0x0;
	[tilespmem:v3+s11+$0x0] =	vst.idx.msk $0xffff, v2;
	p1 =	sge.s32 s16, s15  }
0x1cf: {  	p0 =	sne.s32 s18, $0x1  }
.Ltmp24:
0x1d0: {  	_ = 	snop;
	(pc) =	sbr.rel @!p0 .LBB2_37-.Ltmp24, $4  }
0x1d1: {  	s17 =	simm.s32 $0x1  }
0x1d2: {  	s17 =	simm.s32 @!p1 $0x0  }
0x1d3: {  	v5 =	vmov s17;
	s17 =	simm.s32 $0x10280  }
0x1d4: {  	v2 =	vimm.s32 $0x0;
	s18 =	sadd.s32 $0xFFFFFFFF, s18;
	v4 =	vimm.s32 $0x0;
	v6 =	vimm.s32 $0x0;
	v3 =	vld [tilespmem:s17+$0x0]  }
.LBB2_36:
0x1d5: {  	p0 =	sne.s32 s18, $0x1;
	_ =	sdelay $0x3  }
0x1d6: {  	v7 =	vshrl.u32 v3, $0x17;
	v8 =	vshrl.u32 v3, $0x16  }
0x1d7: {  	v7 =	vand.u32 $0x1, v7;
	v8 =	vand.u32 $0x1, v8  }
0x1d8: {  	vm0 =	veq.s32 v7, v5  }
0x1d9: {  	v7 =	vsel vm0, $0x1, v0;
	v8 =	vnsel vm0, $0x0, v8;
	v9 =	vmpcnt.ones.xlane vm0  }
0x1da: {  	v2 =	vadd.s32 v2, v8;
	(xrf0) =	vadd.scan.msk.s32 $0xffff, v7  }
0x1db: {  	v4 =	vadd.s32 v4, v9;
	_ =	sdelay $0x4  }
0x1dc: {  	v7, _, _ =	vpop (xrf0)  }
0x1dd: {  	v7 =	vadd.s32 v7, v6;
	v6 =	vmov v4  }
0x1de: {  	v7 =	vadd.s32 $0xFFFFFFFF, v7;
	_ =	sdelay $0x1  }
.Ltmp25:
0x1df: {  	(pc) =	sbr.rel @p0 .LBB2_36-.Ltmp25, $3  }
0x1e0: {  	_ =	sdelay $0x1  }
0x1e1: {  	s17 =	sadd.s32 $0x10, s17;
	[tilespmem:v7+s10+$0x0] =	vst.idx.msk vm0, v3  }
0x1e2: {  	s18 =	sadd.s32 $0xFFFFFFFF, s18;
	v3 =	vld [tilespmem:s17+$0x0]  }
.LBB2_37:
0x1e3: {  	_ =	sdelay $0x3  }
0x1e4: {  	v7 =	vshrl.u32 v3, $0x17  }
0x1e5: {  	v7 =	vand.u32 $0x1, v7  }
0x1e6: {  	vm0 =	veq.s32 v7, v5  }
0x1e7: {  	v5 =	vsel vm0, $0x1, v0  }
0x1e8: {  	(xrf0) =	vadd.scan.msk.s32 $0xffff, v5;
	_ =	sdelay $0x5  }
0x1e9: {  	v5, _, _ =	vpop (xrf0)  }
0x1ea: {  	v5 =	vadd.s32 v5, v6  }
0x1eb: {  	v6 =	vadd.s32 $0xFFFFFFFF, v5;
	_ =	sdelay $0x1  }
0x1ec: {  	v5 =	vshrl.u32 v3, $0x16  }
0x1ed: {  	v7 =	vmpcnt.ones.xlane vm0;
	v5 =	vand.u32 $0x1, v5  }
0x1ee: {  	v5 =	vnsel vm0, $0x0, v5  }
0x1ef: {  	v5 =	vadd.s32 v2, v5;
	v2 =	vadd.s32 v4, v7;
	[tilespmem:v6+s10+$0x0] =	vst.idx.msk vm0, v3  }
.LBB2_38:
0x1f0: {  	v3 =	vxor.u32 $0x80000000, v2  }
0x1f1: {  	(xrf0) =	vmax.scan.msk.u32 $0xffff, v3;
	_ =	sdelay $0x5  }
0x1f2: {  	v3, _, _ =	vpop (xrf0)  }
0x1f3: {  	(v2sf) =	vpush v3, $0xF;
	_ =	sdelay $0x4  }
0x1f4: {  	(xrf0) =	vadd.scan.msk.s32 $0xffff, v5;
	_ =	sdelay $0x5  }
0x1f5: {  	v3, _, _ =	vpop (xrf0)  }
0x1f6: {  	(v2sf) =	vpush v3, $0xF;
	_ =	sdelay $0x2  }
0x1f7: {  	s19 =	simm.s32 @!p1 $0x0;
	s17 =	spop (v2sf)  }
0x1f8: {  	s19 =	simm.s32 @p1 $0x1;
	s17 =	sadd.s32 $0x8000000F, s17  }
0x1f9: {  	[smem:$0x7F9] =	sst s19;
	s18 =	sand.u32 $0xF, s17  }
0x1fa: {  	s31 =	sshra.s32 s17, $0x1F;
	p3 =	slt.s32 s17, $0x1;
	p0 =	sne.s32 s18, $0x0  }
0x1fb: {  	s19 =	sld [smem:$0x7F9];
	s18 =	sshrl.u32 s31, $0x1C;
	p0 =	por !p3, !p0  }
0x1fc: {  	s17 =	sadd.s32 s18, s17;
	s18 =	simm.s32 $0x1;
	p0 =	por !p0, !p0  }
0x1fd: {  	s17 =	sshra.s32 s17, $0x4;
	s18 =	simm.s32 @!p0 $0x0  }
0x1fe: {  	p0 =	seq.s32 s19, $0x1;
	s18 =	ssub.s32 s17, s18  }
0x1ff: {  	v3 =	vadd.s32 v1, v2;
	s16 =	simm.s32 @p0 $0x0;
	p0 =	slt.s32 s18, $0x1  }
.Ltmp26:
0x200: {  	_ = 	snop;
	(pc) =	sbr.rel @p0 .LBB2_42-.Ltmp26, $3  }
0x201: {  	_ =	sdelay $0x1  }
0x202: {  	v2 =	vimm.s32 $0x0;
	s15 =	ssub.s32 s15, s16;
	s16 =	spop (v2sf)  }
0x203: {  	v6 =	vimm.s32 $0x0;
	[tilespmem:v3+s10+$0x0] =	vst.idx.msk $0xffff, v2;
	v3 =	vimm.s32 $0x0;
	p1 =	sge.s32 s16, s15  }
0x204: {  	p0 =	sne.s32 s18, $0x1  }
.Ltmp27:
0x205: {  	_ = 	snop;
	(pc) =	sbr.rel @!p0 .LBB2_41-.Ltmp27, $4  }
0x206: {  	s17 =	simm.s32 $0x1  }
0x207: {  	s17 =	simm.s32 @!p1 $0x0  }
0x208: {  	v6 =	vmov s17;
	s17 =	simm.s32 $0x8000  }
0x209: {  	v3 =	vimm.s32 $0x0;
	s18 =	sadd.s32 $0xFFFFFFFF, s18;
	v5 =	vimm.s32 $0x0;
	v7 =	vimm.s32 $0x0;
	v4 =	vld [tilespmem:s17+$0x0]  }
.LBB2_40:
0x20a: {  	p0 =	sne.s32 s18, $0x1;
	_ =	sdelay $0x3  }
0x20b: {  	v8 =	vshrl.u32 v4, $0x16;
	v9 =	vshrl.u32 v4, $0x15  }
0x20c: {  	v8 =	vand.u32 $0x1, v8;
	v9 =	vand.u32 $0x1, v9  }
0x20d: {  	vm0 =	veq.s32 v8, v6  }
0x20e: {  	v8 =	vsel vm0, $0x1, v0;
	v9 =	vnsel vm0, $0x0, v9;
	v10 =	vmpcnt.ones.xlane vm0  }
0x20f: {  	v3 =	vadd.s32 v3, v9;
	(xrf0) =	vadd.scan.msk.s32 $0xffff, v8  }
0x210: {  	v5 =	vadd.s32 v5, v10;
	_ =	sdelay $0x4  }
0x211: {  	v8, _, _ =	vpop (xrf0)  }
0x212: {  	v8 =	vadd.s32 v8, v7;
	v7 =	vmov v5  }
0x213: {  	v8 =	vadd.s32 $0xFFFFFFFF, v8;
	_ =	sdelay $0x1  }
.Ltmp28:
0x214: {  	(pc) =	sbr.rel @p0 .LBB2_40-.Ltmp28, $3  }
0x215: {  	_ =	sdelay $0x1  }
0x216: {  	s17 =	sadd.s32 $0x10, s17;
	[tilespmem:v8+s11+$0x0] =	vst.idx.msk vm0, v4  }
0x217: {  	s18 =	sadd.s32 $0xFFFFFFFF, s18;
	v4 =	vld [tilespmem:s17+$0x0]  }
.LBB2_41:
0x218: {  	_ =	sdelay $0x3  }
0x219: {  	v8 =	vshrl.u32 v4, $0x16  }
0x21a: {  	v8 =	vand.u32 $0x1, v8  }
0x21b: {  	vm0 =	veq.s32 v8, v6  }
0x21c: {  	v6 =	vsel vm0, $0x1, v0  }
0x21d: {  	(xrf0) =	vadd.scan.msk.s32 $0xffff, v6;
	_ =	sdelay $0x5  }
0x21e: {  	v6, _, _ =	vpop (xrf0)  }
0x21f: {  	v6 =	vadd.s32 v6, v7  }
0x220: {  	v7 =	vadd.s32 $0xFFFFFFFF, v6;
	_ =	sdelay $0x1  }
0x221: {  	v6 =	vshrl.u32 v4, $0x15  }
0x222: {  	v8 =	vmpcnt.ones.xlane vm0;
	v6 =	vand.u32 $0x1, v6  }
0x223: {  	v6 =	vnsel vm0, $0x0, v6  }
0x224: {  	v6 =	vadd.s32 v3, v6;
	v3 =	vadd.s32 v5, v8;
	[tilespmem:v7+s11+$0x0] =	vst.idx.msk vm0, v4  }
.LBB2_42:
0x225: {  	v4 =	vxor.u32 $0x80000000, v3  }
0x226: {  	(xrf0) =	vmax.scan.msk.u32 $0xffff, v4;
	_ =	sdelay $0x5  }
0x227: {  	v4, _, _ =	vpop (xrf0)  }
0x228: {  	(v2sf) =	vpush v4, $0xF;
	_ =	sdelay $0x4  }
0x229: {  	(xrf0) =	vadd.scan.msk.s32 $0xffff, v6;
	_ =	sdelay $0x5  }
0x22a: {  	v4, _, _ =	vpop (xrf0)  }
0x22b: {  	(v2sf) =	vpush v4, $0xF;
	_ =	sdelay $0x2  }
0x22c: {  	s19 =	simm.s32 @!p1 $0x0;
	s17 =	spop (v2sf)  }
0x22d: {  	s19 =	simm.s32 @p1 $0x1;
	s17 =	sadd.s32 $0x8000000F, s17  }
0x22e: {  	[smem:$0x7F8] =	sst s19;
	s18 =	sand.u32 $0xF, s17  }
0x22f: {  	s31 =	sshra.s32 s17, $0x1F;
	p3 =	slt.s32 s17, $0x1;
	p0 =	sne.s32 s18, $0x0  }
0x230: {  	s19 =	sld [smem:$0x7F8];
	s18 =	sshrl.u32 s31, $0x1C;
	p0 =	por !p3, !p0  }
0x231: {  	s17 =	sadd.s32 s18, s17;
	s18 =	simm.s32 $0x1;
	p0 =	por !p0, !p0  }
0x232: {  	s17 =	sshra.s32 s17, $0x4;
	s18 =	simm.s32 @!p0 $0x0  }
0x233: {  	p0 =	seq.s32 s19, $0x1;
	s18 =	ssub.s32 s17, s18  }
0x234: {  	v3 =	vadd.s32 v1, v3;
	s16 =	simm.s32 @p0 $0x0;
	p0 =	slt.s32 s18, $0x1  }
.Ltmp29:
0x235: {  	_ = 	snop;
	(pc) =	sbr.rel @p0 .LBB2_46-.Ltmp29, $3  }
0x236: {  	_ =	sdelay $0x1  }
0x237: {  	s15 =	ssub.s32 s15, s16;
	s16 =	spop (v2sf)  }
0x238: {  	v5 =	vimm.s32 $0x0;
	[tilespmem:v3+s11+$0x0] =	vst.idx.msk $0xffff, v2;
	p1 =	sge.s32 s16, s15  }
0x239: {  	p0 =	sne.s32 s18, $0x1  }
.Ltmp30:
0x23a: {  	_ = 	snop;
	(pc) =	sbr.rel @!p0 .LBB2_45-.Ltmp30, $4  }
0x23b: {  	s17 =	simm.s32 $0x1  }
0x23c: {  	s17 =	simm.s32 @!p1 $0x0  }
0x23d: {  	v5 =	vmov s17;
	s17 =	simm.s32 $0x10280  }
0x23e: {  	v2 =	vimm.s32 $0x0;
	s18 =	sadd.s32 $0xFFFFFFFF, s18;
	v4 =	vimm.s32 $0x0;
	v6 =	vimm.s32 $0x0;
	v3 =	vld [tilespmem:s17+$0x0]  }
.LBB2_44:
0x23f: {  	p0 =	sne.s32 s18, $0x1;
	_ =	sdelay $0x3  }
0x240: {  	v7 =	vshrl.u32 v3, $0x15;
	v8 =	vshrl.u32 v3, $0x14  }
0x241: {  	v7 =	vand.u32 $0x1, v7;
	v8 =	vand.u32 $0x1, v8  }
0x242: {  	vm0 =	veq.s32 v7, v5  }
0x243: {  	v7 =	vsel vm0, $0x1, v0;
	v8 =	vnsel vm0, $0x0, v8;
	v9 =	vmpcnt.ones.xlane vm0  }
0x244: {  	v2 =	vadd.s32 v2, v8;
	(xrf0) =	vadd.scan.msk.s32 $0xffff, v7  }
0x245: {  	v4 =	vadd.s32 v4, v9;
	_ =	sdelay $0x4  }
0x246: {  	v7, _, _ =	vpop (xrf0)  }
0x247: {  	v7 =	vadd.s32 v7, v6;
	v6 =	vmov v4  }
0x248: {  	v7 =	vadd.s32 $0xFFFFFFFF, v7;
	_ =	sdelay $0x1  }
.Ltmp31:
0x249: {  	(pc) =	sbr.rel @p0 .LBB2_44-.Ltmp31, $3  }
0x24a: {  	_ =	sdelay $0x1  }
0x24b: {  	s17 =	sadd.s32 $0x10, s17;
	[tilespmem:v7+s10+$0x0] =	vst.idx.msk vm0, v3  }
0x24c: {  	s18 =	sadd.s32 $0xFFFFFFFF, s18;
	v3 =	vld [tilespmem:s17+$0x0]  }
.LBB2_45:
0x24d: {  	_ =	sdelay $0x3  }
0x24e: {  	v7 =	vshrl.u32 v3, $0x15  }
0x24f: {  	v7 =	vand.u32 $0x1, v7  }
0x250: {  	vm0 =	veq.s32 v7, v5  }
0x251: {  	v5 =	vsel vm0, $0x1, v0  }
0x252: {  	(xrf0) =	vadd.scan.msk.s32 $0xffff, v5;
	_ =	sdelay $0x5  }
0x253: {  	v5, _, _ =	vpop (xrf0)  }
0x254: {  	v5 =	vadd.s32 v5, v6  }
0x255: {  	v6 =	vadd.s32 $0xFFFFFFFF, v5;
	_ =	sdelay $0x1  }
0x256: {  	v5 =	vshrl.u32 v3, $0x14  }
0x257: {  	v7 =	vmpcnt.ones.xlane vm0;
	v5 =	vand.u32 $0x1, v5  }
0x258: {  	v5 =	vnsel vm0, $0x0, v5  }
0x259: {  	v5 =	vadd.s32 v2, v5;
	v2 =	vadd.s32 v4, v7;
	[tilespmem:v6+s10+$0x0] =	vst.idx.msk vm0, v3  }
.LBB2_46:
0x25a: {  	v3 =	vxor.u32 $0x80000000, v2  }
0x25b: {  	(xrf0) =	vmax.scan.msk.u32 $0xffff, v3;
	_ =	sdelay $0x5  }
0x25c: {  	v3, _, _ =	vpop (xrf0)  }
0x25d: {  	(v2sf) =	vpush v3, $0xF;
	_ =	sdelay $0x4  }
0x25e: {  	(xrf0) =	vadd.scan.msk.s32 $0xffff, v5;
	_ =	sdelay $0x5  }
0x25f: {  	v3, _, _ =	vpop (xrf0)  }
0x260: {  	(v2sf) =	vpush v3, $0xF;
	_ =	sdelay $0x2  }
0x261: {  	s19 =	simm.s32 @!p1 $0x0;
	s17 =	spop (v2sf)  }
0x262: {  	s19 =	simm.s32 @p1 $0x1;
	s17 =	sadd.s32 $0x8000000F, s17  }
0x263: {  	[smem:$0x7F7] =	sst s19;
	s18 =	sand.u32 $0xF, s17  }
0x264: {  	s31 =	sshra.s32 s17, $0x1F;
	p3 =	slt.s32 s17, $0x1;
	p0 =	sne.s32 s18, $0x0  }
0x265: {  	s19 =	sld [smem:$0x7F7];
	s18 =	sshrl.u32 s31, $0x1C;
	p0 =	por !p3, !p0  }
0x266: {  	s17 =	sadd.s32 s18, s17;
	s18 =	simm.s32 $0x1;
	p0 =	por !p0, !p0  }
0x267: {  	s17 =	sshra.s32 s17, $0x4;
	s18 =	simm.s32 @!p0 $0x0  }
0x268: {  	p0 =	seq.s32 s19, $0x1;
	s18 =	ssub.s32 s17, s18  }
0x269: {  	v3 =	vadd.s32 v1, v2;
	s16 =	simm.s32 @p0 $0x0;
	p0 =	slt.s32 s18, $0x1  }
.Ltmp32:
0x26a: {  	_ = 	snop;
	(pc) =	sbr.rel @p0 .LBB2_50-.Ltmp32, $3  }
0x26b: {  	_ =	sdelay $0x1  }
0x26c: {  	v2 =	vimm.s32 $0x0;
	s15 =	ssub.s32 s15, s16;
	s16 =	spop (v2sf)  }
0x26d: {  	v6 =	vimm.s32 $0x0;
	[tilespmem:v3+s10+$0x0] =	vst.idx.msk $0xffff, v2;
	v3 =	vimm.s32 $0x0;
	p1 =	sge.s32 s16, s15  }
0x26e: {  	p0 =	sne.s32 s18, $0x1  }
.Ltmp33:
0x26f: {  	_ = 	snop;
	(pc) =	sbr.rel @!p0 .LBB2_49-.Ltmp33, $4  }
0x270: {  	s17 =	simm.s32 $0x1  }
0x271: {  	s17 =	simm.s32 @!p1 $0x0  }
0x272: {  	v6 =	vmov s17;
	s17 =	simm.s32 $0x8000  }
0x273: {  	v3 =	vimm.s32 $0x0;
	s18 =	sadd.s32 $0xFFFFFFFF, s18;
	v5 =	vimm.s32 $0x0;
	v7 =	vimm.s32 $0x0;
	v4 =	vld [tilespmem:s17+$0x0]  }
.LBB2_48:
0x274: {  	p0 =	sne.s32 s18, $0x1;
	_ =	sdelay $0x3  }
0x275: {  	v8 =	vshrl.u32 v4, $0x14;
	v9 =	vshrl.u32 v4, $0x13  }
0x276: {  	v8 =	vand.u32 $0x1, v8;
	v9 =	vand.u32 $0x1, v9  }
0x277: {  	vm0 =	veq.s32 v8, v6  }
0x278: {  	v8 =	vsel vm0, $0x1, v0;
	v9 =	vnsel vm0, $0x0, v9;
	v10 =	vmpcnt.ones.xlane vm0  }
0x279: {  	v3 =	vadd.s32 v3, v9;
	(xrf0) =	vadd.scan.msk.s32 $0xffff, v8  }
0x27a: {  	v5 =	vadd.s32 v5, v10;
	_ =	sdelay $0x4  }
0x27b: {  	v8, _, _ =	vpop (xrf0)  }
0x27c: {  	v8 =	vadd.s32 v8, v7;
	v7 =	vmov v5  }
0x27d: {  	v8 =	vadd.s32 $0xFFFFFFFF, v8;
	_ =	sdelay $0x1  }
.Ltmp34:
0x27e: {  	(pc) =	sbr.rel @p0 .LBB2_48-.Ltmp34, $3  }
0x27f: {  	_ =	sdelay $0x1  }
0x280: {  	s17 =	sadd.s32 $0x10, s17;
	[tilespmem:v8+s11+$0x0] =	vst.idx.msk vm0, v4  }
0x281: {  	s18 =	sadd.s32 $0xFFFFFFFF, s18;
	v4 =	vld [tilespmem:s17+$0x0]  }
.LBB2_49:
0x282: {  	_ =	sdelay $0x3  }
0x283: {  	v8 =	vshrl.u32 v4, $0x14  }
0x284: {  	v8 =	vand.u32 $0x1, v8  }
0x285: {  	vm0 =	veq.s32 v8, v6  }
0x286: {  	v6 =	vsel vm0, $0x1, v0  }
0x287: {  	(xrf0) =	vadd.scan.msk.s32 $0xffff, v6;
	_ =	sdelay $0x5  }
0x288: {  	v6, _, _ =	vpop (xrf0)  }
0x289: {  	v6 =	vadd.s32 v6, v7  }
0x28a: {  	v7 =	vadd.s32 $0xFFFFFFFF, v6;
	_ =	sdelay $0x1  }
0x28b: {  	v6 =	vshrl.u32 v4, $0x13  }
0x28c: {  	v8 =	vmpcnt.ones.xlane vm0;
	v6 =	vand.u32 $0x1, v6  }
0x28d: {  	v6 =	vnsel vm0, $0x0, v6  }
0x28e: {  	v6 =	vadd.s32 v3, v6;
	v3 =	vadd.s32 v5, v8;
	[tilespmem:v7+s11+$0x0] =	vst.idx.msk vm0, v4  }
.LBB2_50:
0x28f: {  	v4 =	vxor.u32 $0x80000000, v3  }
0x290: {  	(xrf0) =	vmax.scan.msk.u32 $0xffff, v4;
	_ =	sdelay $0x5  }
0x291: {  	v4, _, _ =	vpop (xrf0)  }
0x292: {  	(v2sf) =	vpush v4, $0xF;
	_ =	sdelay $0x4  }
0x293: {  	(xrf0) =	vadd.scan.msk.s32 $0xffff, v6;
	_ =	sdelay $0x5  }
0x294: {  	v4, _, _ =	vpop (xrf0)  }
0x295: {  	(v2sf) =	vpush v4, $0xF;
	_ =	sdelay $0x2  }
0x296: {  	s19 =	simm.s32 @!p1 $0x0;
	s17 =	spop (v2sf)  }
0x297: {  	s19 =	simm.s32 @p1 $0x1;
	s17 =	sadd.s32 $0x8000000F, s17  }
0x298: {  	[smem:$0x7F6] =	sst s19;
	s18 =	sand.u32 $0xF, s17  }
0x299: {  	s31 =	sshra.s32 s17, $0x1F;
	p3 =	slt.s32 s17, $0x1;
	p0 =	sne.s32 s18, $0x0  }
0x29a: {  	s19 =	sld [smem:$0x7F6];
	s18 =	sshrl.u32 s31, $0x1C;
	p0 =	por !p3, !p0  }
0x29b: {  	s17 =	sadd.s32 s18, s17;
	s18 =	simm.s32 $0x1;
	p0 =	por !p0, !p0  }
0x29c: {  	s17 =	sshra.s32 s17, $0x4;
	s18 =	simm.s32 @!p0 $0x0  }
0x29d: {  	p0 =	seq.s32 s19, $0x1;
	s18 =	ssub.s32 s17, s18  }
0x29e: {  	v3 =	vadd.s32 v1, v3;
	s16 =	simm.s32 @p0 $0x0;
	p0 =	slt.s32 s18, $0x1  }
.Ltmp35:
0x29f: {  	_ = 	snop;
	(pc) =	sbr.rel @p0 .LBB2_54-.Ltmp35, $3  }
0x2a0: {  	_ =	sdelay $0x1  }
0x2a1: {  	s15 =	ssub.s32 s15, s16;
	s16 =	spop (v2sf)  }
0x2a2: {  	v5 =	vimm.s32 $0x0;
	[tilespmem:v3+s11+$0x0] =	vst.idx.msk $0xffff, v2;
	p1 =	sge.s32 s16, s15  }
0x2a3: {  	p0 =	sne.s32 s18, $0x1  }
.Ltmp36:
0x2a4: {  	_ = 	snop;
	(pc) =	sbr.rel @!p0 .LBB2_53-.Ltmp36, $4  }
0x2a5: {  	s17 =	simm.s32 $0x1  }
0x2a6: {  	s17 =	simm.s32 @!p1 $0x0  }
0x2a7: {  	v5 =	vmov s17;
	s17 =	simm.s32 $0x10280  }
0x2a8: {  	v2 =	vimm.s32 $0x0;
	s18 =	sadd.s32 $0xFFFFFFFF, s18;
	v4 =	vimm.s32 $0x0;
	v6 =	vimm.s32 $0x0;
	v3 =	vld [tilespmem:s17+$0x0]  }
.LBB2_52:
0x2a9: {  	p0 =	sne.s32 s18, $0x1;
	_ =	sdelay $0x3  }
0x2aa: {  	v7 =	vshrl.u32 v3, $0x13;
	v8 =	vshrl.u32 v3, $0x12  }
0x2ab: {  	v7 =	vand.u32 $0x1, v7;
	v8 =	vand.u32 $0x1, v8  }
0x2ac: {  	vm0 =	veq.s32 v7, v5  }
0x2ad: {  	v7 =	vsel vm0, $0x1, v0;
	v8 =	vnsel vm0, $0x0, v8;
	v9 =	vmpcnt.ones.xlane vm0  }
0x2ae: {  	v2 =	vadd.s32 v2, v8;
	(xrf0) =	vadd.scan.msk.s32 $0xffff, v7  }
0x2af: {  	v4 =	vadd.s32 v4, v9;
	_ =	sdelay $0x4  }
0x2b0: {  	v7, _, _ =	vpop (xrf0)  }
0x2b1: {  	v7 =	vadd.s32 v7, v6;
	v6 =	vmov v4  }
0x2b2: {  	v7 =	vadd.s32 $0xFFFFFFFF, v7;
	_ =	sdelay $0x1  }
.Ltmp37:
0x2b3: {  	(pc) =	sbr.rel @p0 .LBB2_52-.Ltmp37, $3  }
0x2b4: {  	_ =	sdelay $0x1  }
0x2b5: {  	s17 =	sadd.s32 $0x10, s17;
	[tilespmem:v7+s10+$0x0] =	vst.idx.msk vm0, v3  }
0x2b6: {  	s18 =	sadd.s32 $0xFFFFFFFF, s18;
	v3 =	vld [tilespmem:s17+$0x0]  }
.LBB2_53:
0x2b7: {  	_ =	sdelay $0x3  }
0x2b8: {  	v7 =	vshrl.u32 v3, $0x13  }
0x2b9: {  	v7 =	vand.u32 $0x1, v7  }
0x2ba: {  	vm0 =	veq.s32 v7, v5  }
0x2bb: {  	v5 =	vsel vm0, $0x1, v0  }
0x2bc: {  	(xrf0) =	vadd.scan.msk.s32 $0xffff, v5;
	_ =	sdelay $0x5  }
0x2bd: {  	v5, _, _ =	vpop (xrf0)  }
0x2be: {  	v5 =	vadd.s32 v5, v6  }
0x2bf: {  	v6 =	vadd.s32 $0xFFFFFFFF, v5;
	_ =	sdelay $0x1  }
0x2c0: {  	v5 =	vshrl.u32 v3, $0x12  }
0x2c1: {  	v7 =	vmpcnt.ones.xlane vm0;
	v5 =	vand.u32 $0x1, v5  }
0x2c2: {  	v5 =	vnsel vm0, $0x0, v5  }
0x2c3: {  	v5 =	vadd.s32 v2, v5;
	v2 =	vadd.s32 v4, v7;
	[tilespmem:v6+s10+$0x0] =	vst.idx.msk vm0, v3  }
.LBB2_54:
0x2c4: {  	v3 =	vxor.u32 $0x80000000, v2  }
0x2c5: {  	(xrf0) =	vmax.scan.msk.u32 $0xffff, v3;
	_ =	sdelay $0x5  }
0x2c6: {  	v3, _, _ =	vpop (xrf0)  }
0x2c7: {  	(v2sf) =	vpush v3, $0xF;
	_ =	sdelay $0x4  }
0x2c8: {  	(xrf0) =	vadd.scan.msk.s32 $0xffff, v5;
	_ =	sdelay $0x5  }
0x2c9: {  	v3, _, _ =	vpop (xrf0)  }
0x2ca: {  	(v2sf) =	vpush v3, $0xF;
	_ =	sdelay $0x2  }
0x2cb: {  	s19 =	simm.s32 @!p1 $0x0;
	s17 =	spop (v2sf)  }
0x2cc: {  	s19 =	simm.s32 @p1 $0x1;
	s17 =	sadd.s32 $0x8000000F, s17  }
0x2cd: {  	[smem:$0x7F5] =	sst s19;
	s18 =	sand.u32 $0xF, s17  }
0x2ce: {  	s31 =	sshra.s32 s17, $0x1F;
	p3 =	slt.s32 s17, $0x1;
	p0 =	sne.s32 s18, $0x0  }
0x2cf: {  	s19 =	sld [smem:$0x7F5];
	s18 =	sshrl.u32 s31, $0x1C;
	p0 =	por !p3, !p0  }
0x2d0: {  	s17 =	sadd.s32 s18, s17;
	s18 =	simm.s32 $0x1;
	p0 =	por !p0, !p0  }
0x2d1: {  	s17 =	sshra.s32 s17, $0x4;
	s18 =	simm.s32 @!p0 $0x0  }
0x2d2: {  	p0 =	seq.s32 s19, $0x1;
	s18 =	ssub.s32 s17, s18  }
0x2d3: {  	v3 =	vadd.s32 v1, v2;
	s16 =	simm.s32 @p0 $0x0;
	p0 =	slt.s32 s18, $0x1  }
.Ltmp38:
0x2d4: {  	_ = 	snop;
	(pc) =	sbr.rel @p0 .LBB2_58-.Ltmp38, $3  }
0x2d5: {  	_ =	sdelay $0x1  }
0x2d6: {  	v2 =	vimm.s32 $0x0;
	s15 =	ssub.s32 s15, s16;
	s16 =	spop (v2sf)  }
0x2d7: {  	v6 =	vimm.s32 $0x0;
	[tilespmem:v3+s10+$0x0] =	vst.idx.msk $0xffff, v2;
	v3 =	vimm.s32 $0x0;
	p1 =	sge.s32 s16, s15  }
0x2d8: {  	p0 =	sne.s32 s18, $0x1  }
.Ltmp39:
0x2d9: {  	_ = 	snop;
	(pc) =	sbr.rel @!p0 .LBB2_57-.Ltmp39, $4  }
0x2da: {  	s17 =	simm.s32 $0x1  }
0x2db: {  	s17 =	simm.s32 @!p1 $0x0  }
0x2dc: {  	v6 =	vmov s17;
	s17 =	simm.s32 $0x8000  }
0x2dd: {  	v3 =	vimm.s32 $0x0;
	s18 =	sadd.s32 $0xFFFFFFFF, s18;
	v5 =	vimm.s32 $0x0;
	v7 =	vimm.s32 $0x0;
	v4 =	vld [tilespmem:s17+$0x0]  }
.LBB2_56:
0x2de: {  	p0 =	sne.s32 s18, $0x1;
	_ =	sdelay $0x3  }
0x2df: {  	v8 =	vshrl.u32 v4, $0x12;
	v9 =	vshrl.u32 v4, $0x11  }
0x2e0: {  	v8 =	vand.u32 $0x1, v8;
	v9 =	vand.u32 $0x1, v9  }
0x2e1: {  	vm0 =	veq.s32 v8, v6  }
0x2e2: {  	v8 =	vsel vm0, $0x1, v0;
	v9 =	vnsel vm0, $0x0, v9;
	v10 =	vmpcnt.ones.xlane vm0  }
0x2e3: {  	v3 =	vadd.s32 v3, v9;
	(xrf0) =	vadd.scan.msk.s32 $0xffff, v8  }
0x2e4: {  	v5 =	vadd.s32 v5, v10;
	_ =	sdelay $0x4  }
0x2e5: {  	v8, _, _ =	vpop (xrf0)  }
0x2e6: {  	v8 =	vadd.s32 v8, v7;
	v7 =	vmov v5  }
0x2e7: {  	v8 =	vadd.s32 $0xFFFFFFFF, v8;
	_ =	sdelay $0x1  }
.Ltmp40:
0x2e8: {  	(pc) =	sbr.rel @p0 .LBB2_56-.Ltmp40, $3  }
0x2e9: {  	_ =	sdelay $0x1  }
0x2ea: {  	s17 =	sadd.s32 $0x10, s17;
	[tilespmem:v8+s11+$0x0] =	vst.idx.msk vm0, v4  }
0x2eb: {  	s18 =	sadd.s32 $0xFFFFFFFF, s18;
	v4 =	vld [tilespmem:s17+$0x0]  }
.LBB2_57:
0x2ec: {  	_ =	sdelay $0x3  }
0x2ed: {  	v8 =	vshrl.u32 v4, $0x12  }
0x2ee: {  	v8 =	vand.u32 $0x1, v8  }
0x2ef: {  	vm0 =	veq.s32 v8, v6  }
0x2f0: {  	v6 =	vsel vm0, $0x1, v0  }
0x2f1: {  	(xrf0) =	vadd.scan.msk.s32 $0xffff, v6;
	_ =	sdelay $0x5  }
0x2f2: {  	v6, _, _ =	vpop (xrf0)  }
0x2f3: {  	v6 =	vadd.s32 v6, v7  }
0x2f4: {  	v7 =	vadd.s32 $0xFFFFFFFF, v6;
	_ =	sdelay $0x1  }
0x2f5: {  	v6 =	vshrl.u32 v4, $0x11  }
0x2f6: {  	v8 =	vmpcnt.ones.xlane vm0;
	v6 =	vand.u32 $0x1, v6  }
0x2f7: {  	v6 =	vnsel vm0, $0x0, v6  }
0x2f8: {  	v6 =	vadd.s32 v3, v6;
	v3 =	vadd.s32 v5, v8;
	[tilespmem:v7+s11+$0x0] =	vst.idx.msk vm0, v4  }
.LBB2_58:
0x2f9: {  	v4 =	vxor.u32 $0x80000000, v3  }
0x2fa: {  	(xrf0) =	vmax.scan.msk.u32 $0xffff, v4;
	_ =	sdelay $0x5  }
0x2fb: {  	v4, _, _ =	vpop (xrf0)  }
0x2fc: {  	(v2sf) =	vpush v4, $0xF;
	_ =	sdelay $0x4  }
0x2fd: {  	(xrf0) =	vadd.scan.msk.s32 $0xffff, v6;
	_ =	sdelay $0x5  }
0x2fe: {  	v4, _, _ =	vpop (xrf0)  }
0x2ff: {  	(v2sf) =	vpush v4, $0xF;
	_ =	sdelay $0x2  }
0x300: {  	s19 =	simm.s32 @!p1 $0x0;
	s17 =	spop (v2sf)  }
0x301: {  	s19 =	simm.s32 @p1 $0x1;
	s17 =	sadd.s32 $0x8000000F, s17  }
0x302: {  	[smem:$0x7F4] =	sst s19;
	s18 =	sand.u32 $0xF, s17  }
0x303: {  	s31 =	sshra.s32 s17, $0x1F;
	p3 =	slt.s32 s17, $0x1;
	p0 =	sne.s32 s18, $0x0  }
0x304: {  	s19 =	sld [smem:$0x7F4];
	s18 =	sshrl.u32 s31, $0x1C;
	p0 =	por !p3, !p0  }
0x305: {  	s17 =	sadd.s32 s18, s17;
	s18 =	simm.s32 $0x1;
	p0 =	por !p0, !p0  }
0x306: {  	s17 =	sshra.s32 s17, $0x4;
	s18 =	simm.s32 @!p0 $0x0  }
0x307: {  	p0 =	seq.s32 s19, $0x1;
	s18 =	ssub.s32 s17, s18  }
0x308: {  	v3 =	vadd.s32 v1, v3;
	s16 =	simm.s32 @p0 $0x0;
	p0 =	slt.s32 s18, $0x1  }
.Ltmp41:
0x309: {  	_ = 	snop;
	(pc) =	sbr.rel @p0 .LBB2_62-.Ltmp41, $3  }
0x30a: {  	_ =	sdelay $0x1  }
0x30b: {  	s15 =	ssub.s32 s15, s16;
	s16 =	spop (v2sf)  }
0x30c: {  	v5 =	vimm.s32 $0x0;
	[tilespmem:v3+s11+$0x0] =	vst.idx.msk $0xffff, v2;
	p1 =	sge.s32 s16, s15  }
0x30d: {  	p0 =	sne.s32 s18, $0x1  }
.Ltmp42:
0x30e: {  	_ = 	snop;
	(pc) =	sbr.rel @!p0 .LBB2_61-.Ltmp42, $4  }
0x30f: {  	s17 =	simm.s32 $0x1  }
0x310: {  	s17 =	simm.s32 @!p1 $0x0  }
0x311: {  	v5 =	vmov s17;
	s17 =	simm.s32 $0x10280  }
0x312: {  	v2 =	vimm.s32 $0x0;
	s18 =	sadd.s32 $0xFFFFFFFF, s18;
	v4 =	vimm.s32 $0x0;
	v6 =	vimm.s32 $0x0;
	v3 =	vld [tilespmem:s17+$0x0]  }
.LBB2_60:
0x313: {  	p0 =	sne.s32 s18, $0x1;
	_ =	sdelay $0x3  }
0x314: {  	v7 =	vshrl.u32 v3, $0x11;
	v8 =	vshrl.u32 v3, $0x10  }
0x315: {  	v7 =	vand.u32 $0x1, v7;
	v8 =	vand.u32 $0x1, v8  }
0x316: {  	vm0 =	veq.s32 v7, v5  }
0x317: {  	v7 =	vsel vm0, $0x1, v0;
	v8 =	vnsel vm0, $0x0, v8;
	v9 =	vmpcnt.ones.xlane vm0  }
0x318: {  	v2 =	vadd.s32 v2, v8;
	(xrf0) =	vadd.scan.msk.s32 $0xffff, v7  }
0x319: {  	v4 =	vadd.s32 v4, v9;
	_ =	sdelay $0x4  }
0x31a: {  	v7, _, _ =	vpop (xrf0)  }
0x31b: {  	v7 =	vadd.s32 v7, v6;
	v6 =	vmov v4  }
0x31c: {  	v7 =	vadd.s32 $0xFFFFFFFF, v7;
	_ =	sdelay $0x1  }
.Ltmp43:
0x31d: {  	(pc) =	sbr.rel @p0 .LBB2_60-.Ltmp43, $3  }
0x31e: {  	_ =	sdelay $0x1  }
0x31f: {  	s17 =	sadd.s32 $0x10, s17;
	[tilespmem:v7+s10+$0x0] =	vst.idx.msk vm0, v3  }
0x320: {  	s18 =	sadd.s32 $0xFFFFFFFF, s18;
	v3 =	vld [tilespmem:s17+$0x0]  }
.LBB2_61:
0x321: {  	_ =	sdelay $0x3  }
0x322: {  	v7 =	vshrl.u32 v3, $0x11  }
0x323: {  	v7 =	vand.u32 $0x1, v7  }
0x324: {  	vm0 =	veq.s32 v7, v5  }
0x325: {  	v5 =	vsel vm0, $0x1, v0  }
0x326: {  	(xrf0) =	vadd.scan.msk.s32 $0xffff, v5;
	_ =	sdelay $0x5  }
0x327: {  	v5, _, _ =	vpop (xrf0)  }
0x328: {  	v5 =	vadd.s32 v5, v6  }
0x329: {  	v6 =	vadd.s32 $0xFFFFFFFF, v5;
	_ =	sdelay $0x1  }
0x32a: {  	v5 =	vshrl.u32 v3, $0x10  }
0x32b: {  	v7 =	vmpcnt.ones.xlane vm0;
	v5 =	vand.u32 $0x1, v5  }
0x32c: {  	v5 =	vnsel vm0, $0x0, v5  }
0x32d: {  	v5 =	vadd.s32 v2, v5;
	v2 =	vadd.s32 v4, v7;
	[tilespmem:v6+s10+$0x0] =	vst.idx.msk vm0, v3  }
.LBB2_62:
0x32e: {  	v3 =	vxor.u32 $0x80000000, v2  }
0x32f: {  	(xrf0) =	vmax.scan.msk.u32 $0xffff, v3;
	_ =	sdelay $0x5  }
0x330: {  	v3, _, _ =	vpop (xrf0)  }
0x331: {  	(v2sf) =	vpush v3, $0xF;
	_ =	sdelay $0x4  }
0x332: {  	(xrf0) =	vadd.scan.msk.s32 $0xffff, v5;
	_ =	sdelay $0x5  }
0x333: {  	v3, _, _ =	vpop (xrf0)  }
0x334: {  	(v2sf) =	vpush v3, $0xF;
	_ =	sdelay $0x2  }
0x335: {  	s19 =	simm.s32 @!p1 $0x0;
	s17 =	spop (v2sf)  }
0x336: {  	s19 =	simm.s32 @p1 $0x1;
	s17 =	sadd.s32 $0x8000000F, s17  }
0x337: {  	[smem:$0x7F3] =	sst s19;
	s18 =	sand.u32 $0xF, s17  }
0x338: {  	s31 =	sshra.s32 s17, $0x1F;
	p3 =	slt.s32 s17, $0x1;
	p0 =	sne.s32 s18, $0x0  }
0x339: {  	s19 =	sld [smem:$0x7F3];
	s18 =	sshrl.u32 s31, $0x1C;
	p0 =	por !p3, !p0  }
0x33a: {  	s17 =	sadd.s32 s18, s17;
	s18 =	simm.s32 $0x1;
	p0 =	por !p0, !p0  }
0x33b: {  	s17 =	sshra.s32 s17, $0x4;
	s18 =	simm.s32 @!p0 $0x0  }
0x33c: {  	p0 =	seq.s32 s19, $0x1;
	s18 =	ssub.s32 s17, s18  }
0x33d: {  	v3 =	vadd.s32 v1, v2;
	s16 =	simm.s32 @p0 $0x0;
	p0 =	slt.s32 s18, $0x1  }
.Ltmp44:
0x33e: {  	_ = 	snop;
	(pc) =	sbr.rel @p0 .LBB2_66-.Ltmp44, $3  }
0x33f: {  	_ =	sdelay $0x1  }
0x340: {  	v2 =	vimm.s32 $0x0;
	s15 =	ssub.s32 s15, s16;
	s16 =	spop (v2sf)  }
0x341: {  	v6 =	vimm.s32 $0x0;
	[tilespmem:v3+s10+$0x0] =	vst.idx.msk $0xffff, v2;
	v3 =	vimm.s32 $0x0;
	p1 =	sge.s32 s16, s15  }
0x342: {  	p0 =	sne.s32 s18, $0x1  }
.Ltmp45:
0x343: {  	_ = 	snop;
	(pc) =	sbr.rel @!p0 .LBB2_65-.Ltmp45, $4  }
0x344: {  	s17 =	simm.s32 $0x1  }
0x345: {  	s17 =	simm.s32 @!p1 $0x0  }
0x346: {  	v6 =	vmov s17;
	s17 =	simm.s32 $0x8000  }
0x347: {  	v3 =	vimm.s32 $0x0;
	s18 =	sadd.s32 $0xFFFFFFFF, s18;
	v5 =	vimm.s32 $0x0;
	v7 =	vimm.s32 $0x0;
	v4 =	vld [tilespmem:s17+$0x0]  }
.LBB2_64:
0x348: {  	p0 =	sne.s32 s18, $0x1;
	_ =	sdelay $0x3  }
0x349: {  	v8 =	vshrl.u32 v4, $0x10;
	v9 =	vshrl.u32 v4, $0xF  }
0x34a: {  	v8 =	vand.u32 $0x1, v8;
	v9 =	vand.u32 $0x1, v9  }
0x34b: {  	vm0 =	veq.s32 v8, v6  }
0x34c: {  	v8 =	vsel vm0, $0x1, v0;
	v9 =	vnsel vm0, $0x0, v9;
	v10 =	vmpcnt.ones.xlane vm0  }
0x34d: {  	v3 =	vadd.s32 v3, v9;
	(xrf0) =	vadd.scan.msk.s32 $0xffff, v8  }
0x34e: {  	v5 =	vadd.s32 v5, v10;
	_ =	sdelay $0x4  }
0x34f: {  	v8, _, _ =	vpop (xrf0)  }
0x350: {  	v8 =	vadd.s32 v8, v7;
	v7 =	vmov v5  }
0x351: {  	v8 =	vadd.s32 $0xFFFFFFFF, v8;
	_ =	sdelay $0x1  }
.Ltmp46:
0x352: {  	(pc) =	sbr.rel @p0 .LBB2_64-.Ltmp46, $3  }
0x353: {  	_ =	sdelay $0x1  }
0x354: {  	s17 =	sadd.s32 $0x10, s17;
	[tilespmem:v8+s11+$0x0] =	vst.idx.msk vm0, v4  }
0x355: {  	s18 =	sadd.s32 $0xFFFFFFFF, s18;
	v4 =	vld [tilespmem:s17+$0x0]  }
.LBB2_65:
0x356: {  	_ =	sdelay $0x3  }
0x357: {  	v8 =	vshrl.u32 v4, $0x10  }
0x358: {  	v8 =	vand.u32 $0x1, v8  }
0x359: {  	vm0 =	veq.s32 v8, v6  }
0x35a: {  	v6 =	vsel vm0, $0x1, v0  }
0x35b: {  	(xrf0) =	vadd.scan.msk.s32 $0xffff, v6;
	_ =	sdelay $0x5  }
0x35c: {  	v6, _, _ =	vpop (xrf0)  }
0x35d: {  	v6 =	vadd.s32 v6, v7  }
0x35e: {  	v7 =	vadd.s32 $0xFFFFFFFF, v6;
	_ =	sdelay $0x1  }
0x35f: {  	v6 =	vshrl.u32 v4, $0xF  }
0x360: {  	v8 =	vmpcnt.ones.xlane vm0;
	v6 =	vand.u32 $0x1, v6  }
0x361: {  	v6 =	vnsel vm0, $0x0, v6  }
0x362: {  	v6 =	vadd.s32 v3, v6;
	v3 =	vadd.s32 v5, v8;
	[tilespmem:v7+s11+$0x0] =	vst.idx.msk vm0, v4  }
.LBB2_66:
0x363: {  	v4 =	vxor.u32 $0x80000000, v3  }
0x364: {  	(xrf0) =	vmax.scan.msk.u32 $0xffff, v4;
	_ =	sdelay $0x5  }
0x365: {  	v4, _, _ =	vpop (xrf0)  }
0x366: {  	(v2sf) =	vpush v4, $0xF;
	_ =	sdelay $0x4  }
0x367: {  	(xrf0) =	vadd.scan.msk.s32 $0xffff, v6;
	_ =	sdelay $0x5  }
0x368: {  	v4, _, _ =	vpop (xrf0)  }
0x369: {  	(v2sf) =	vpush v4, $0xF;
	_ =	sdelay $0x2  }
0x36a: {  	s19 =	simm.s32 @!p1 $0x0;
	s17 =	spop (v2sf)  }
0x36b: {  	s19 =	simm.s32 @p1 $0x1;
	s17 =	sadd.s32 $0x8000000F, s17  }
0x36c: {  	[smem:$0x7F2] =	sst s19;
	s18 =	sand.u32 $0xF, s17  }
0x36d: {  	s31 =	sshra.s32 s17, $0x1F;
	p3 =	slt.s32 s17, $0x1;
	p0 =	sne.s32 s18, $0x0  }
0x36e: {  	s19 =	sld [smem:$0x7F2];
	s18 =	sshrl.u32 s31, $0x1C;
	p0 =	por !p3, !p0  }
0x36f: {  	s17 =	sadd.s32 s18, s17;
	s18 =	simm.s32 $0x1;
	p0 =	por !p0, !p0  }
0x370: {  	s17 =	sshra.s32 s17, $0x4;
	s18 =	simm.s32 @!p0 $0x0  }
0x371: {  	p0 =	seq.s32 s19, $0x1;
	s18 =	ssub.s32 s17, s18  }
0x372: {  	v3 =	vadd.s32 v1, v3;
	s16 =	simm.s32 @p0 $0x0;
	p0 =	slt.s32 s18, $0x1  }
.Ltmp47:
0x373: {  	_ = 	snop;
	(pc) =	sbr.rel @p0 .LBB2_70-.Ltmp47, $3  }
0x374: {  	_ =	sdelay $0x1  }
0x375: {  	s15 =	ssub.s32 s15, s16;
	s16 =	spop (v2sf)  }
0x376: {  	v5 =	vimm.s32 $0x0;
	[tilespmem:v3+s11+$0x0] =	vst.idx.msk $0xffff, v2;
	p1 =	sge.s32 s16, s15  }
0x377: {  	p0 =	sne.s32 s18, $0x1  }
.Ltmp48:
0x378: {  	_ = 	snop;
	(pc) =	sbr.rel @!p0 .LBB2_69-.Ltmp48, $4  }
0x379: {  	s17 =	simm.s32 $0x1  }
0x37a: {  	s17 =	simm.s32 @!p1 $0x0  }
0x37b: {  	v5 =	vmov s17;
	s17 =	simm.s32 $0x10280  }
0x37c: {  	v2 =	vimm.s32 $0x0;
	s18 =	sadd.s32 $0xFFFFFFFF, s18;
	v4 =	vimm.s32 $0x0;
	v6 =	vimm.s32 $0x0;
	v3 =	vld [tilespmem:s17+$0x0]  }
.LBB2_68:
0x37d: {  	p0 =	sne.s32 s18, $0x1;
	_ =	sdelay $0x3  }
0x37e: {  	v7 =	vshrl.u32 v3, $0xF;
	v8 =	vshrl.u32 v3, $0xE  }
0x37f: {  	v7 =	vand.u32 $0x1, v7;
	v8 =	vand.u32 $0x1, v8  }
0x380: {  	vm0 =	veq.s32 v7, v5  }
0x381: {  	v7 =	vsel vm0, $0x1, v0;
	v8 =	vnsel vm0, $0x0, v8;
	v9 =	vmpcnt.ones.xlane vm0  }
0x382: {  	v2 =	vadd.s32 v2, v8;
	(xrf0) =	vadd.scan.msk.s32 $0xffff, v7  }
0x383: {  	v4 =	vadd.s32 v4, v9;
	_ =	sdelay $0x4  }
0x384: {  	v7, _, _ =	vpop (xrf0)  }
0x385: {  	v7 =	vadd.s32 v7, v6;
	v6 =	vmov v4  }
0x386: {  	v7 =	vadd.s32 $0xFFFFFFFF, v7;
	_ =	sdelay $0x1  }
.Ltmp49:
0x387: {  	(pc) =	sbr.rel @p0 .LBB2_68-.Ltmp49, $3  }
0x388: {  	_ =	sdelay $0x1  }
0x389: {  	s17 =	sadd.s32 $0x10, s17;
	[tilespmem:v7+s10+$0x0] =	vst.idx.msk vm0, v3  }
0x38a: {  	s18 =	sadd.s32 $0xFFFFFFFF, s18;
	v3 =	vld [tilespmem:s17+$0x0]  }
.LBB2_69:
0x38b: {  	_ =	sdelay $0x3  }
0x38c: {  	v7 =	vshrl.u32 v3, $0xF  }
0x38d: {  	v7 =	vand.u32 $0x1, v7  }
0x38e: {  	vm0 =	veq.s32 v7, v5  }
0x38f: {  	v5 =	vsel vm0, $0x1, v0  }
0x390: {  	(xrf0) =	vadd.scan.msk.s32 $0xffff, v5;
	_ =	sdelay $0x5  }
0x391: {  	v5, _, _ =	vpop (xrf0)  }
0x392: {  	v5 =	vadd.s32 v5, v6  }
0x393: {  	v6 =	vadd.s32 $0xFFFFFFFF, v5;
	_ =	sdelay $0x1  }
0x394: {  	v5 =	vshrl.u32 v3, $0xE  }
0x395: {  	v7 =	vmpcnt.ones.xlane vm0;
	v5 =	vand.u32 $0x1, v5  }
0x396: {  	v5 =	vnsel vm0, $0x0, v5  }
0x397: {  	v5 =	vadd.s32 v2, v5;
	v2 =	vadd.s32 v4, v7;
	[tilespmem:v6+s10+$0x0] =	vst.idx.msk vm0, v3  }
.LBB2_70:
0x398: {  	v3 =	vxor.u32 $0x80000000, v2  }
0x399: {  	(xrf0) =	vmax.scan.msk.u32 $0xffff, v3;
	_ =	sdelay $0x5  }
0x39a: {  	v3, _, _ =	vpop (xrf0)  }
0x39b: {  	(v2sf) =	vpush v3, $0xF;
	_ =	sdelay $0x4  }
0x39c: {  	(xrf0) =	vadd.scan.msk.s32 $0xffff, v5;
	_ =	sdelay $0x5  }
0x39d: {  	v3, _, _ =	vpop (xrf0)  }
0x39e: {  	(v2sf) =	vpush v3, $0xF;
	_ =	sdelay $0x2  }
0x39f: {  	s19 =	simm.s32 @!p1 $0x0;
	s17 =	spop (v2sf)  }
0x3a0: {  	s19 =	simm.s32 @p1 $0x1;
	s17 =	sadd.s32 $0x8000000F, s17  }
0x3a1: {  	[smem:$0x7F1] =	sst s19;
	s18 =	sand.u32 $0xF, s17  }
0x3a2: {  	s31 =	sshra.s32 s17, $0x1F;
	p3 =	slt.s32 s17, $0x1;
	p0 =	sne.s32 s18, $0x0  }
0x3a3: {  	s19 =	sld [smem:$0x7F1];
	s18 =	sshrl.u32 s31, $0x1C;
	p0 =	por !p3, !p0  }
0x3a4: {  	s17 =	sadd.s32 s18, s17;
	s18 =	simm.s32 $0x1;
	p0 =	por !p0, !p0  }
0x3a5: {  	s17 =	sshra.s32 s17, $0x4;
	s18 =	simm.s32 @!p0 $0x0  }
0x3a6: {  	p0 =	seq.s32 s19, $0x1;
	s18 =	ssub.s32 s17, s18  }
0x3a7: {  	v3 =	vadd.s32 v1, v2;
	s16 =	simm.s32 @p0 $0x0;
	p0 =	slt.s32 s18, $0x1  }
.Ltmp50:
0x3a8: {  	_ = 	snop;
	(pc) =	sbr.rel @p0 .LBB2_74-.Ltmp50, $3  }
0x3a9: {  	_ =	sdelay $0x1  }
0x3aa: {  	v2 =	vimm.s32 $0x0;
	s15 =	ssub.s32 s15, s16;
	s16 =	spop (v2sf)  }
0x3ab: {  	v6 =	vimm.s32 $0x0;
	[tilespmem:v3+s10+$0x0] =	vst.idx.msk $0xffff, v2;
	v3 =	vimm.s32 $0x0;
	p1 =	sge.s32 s16, s15  }
0x3ac: {  	p0 =	sne.s32 s18, $0x1  }
.Ltmp51:
0x3ad: {  	_ = 	snop;
	(pc) =	sbr.rel @!p0 .LBB2_73-.Ltmp51, $4  }
0x3ae: {  	s17 =	simm.s32 $0x1  }
0x3af: {  	s17 =	simm.s32 @!p1 $0x0  }
0x3b0: {  	v6 =	vmov s17;
	s17 =	simm.s32 $0x8000  }
0x3b1: {  	v3 =	vimm.s32 $0x0;
	s18 =	sadd.s32 $0xFFFFFFFF, s18;
	v5 =	vimm.s32 $0x0;
	v7 =	vimm.s32 $0x0;
	v4 =	vld [tilespmem:s17+$0x0]  }
.LBB2_72:
0x3b2: {  	p0 =	sne.s32 s18, $0x1;
	_ =	sdelay $0x3  }
0x3b3: {  	v8 =	vshrl.u32 v4, $0xE;
	v9 =	vshrl.u32 v4, $0xD  }
0x3b4: {  	v8 =	vand.u32 $0x1, v8;
	v9 =	vand.u32 $0x1, v9  }
0x3b5: {  	vm0 =	veq.s32 v8, v6  }
0x3b6: {  	v8 =	vsel vm0, $0x1, v0;
	v9 =	vnsel vm0, $0x0, v9;
	v10 =	vmpcnt.ones.xlane vm0  }
0x3b7: {  	v3 =	vadd.s32 v3, v9;
	(xrf0) =	vadd.scan.msk.s32 $0xffff, v8  }
0x3b8: {  	v5 =	vadd.s32 v5, v10;
	_ =	sdelay $0x4  }
0x3b9: {  	v8, _, _ =	vpop (xrf0)  }
0x3ba: {  	v8 =	vadd.s32 v8, v7;
	v7 =	vmov v5  }
0x3bb: {  	v8 =	vadd.s32 $0xFFFFFFFF, v8;
	_ =	sdelay $0x1  }
.Ltmp52:
0x3bc: {  	(pc) =	sbr.rel @p0 .LBB2_72-.Ltmp52, $3  }
0x3bd: {  	_ =	sdelay $0x1  }
0x3be: {  	s17 =	sadd.s32 $0x10, s17;
	[tilespmem:v8+s11+$0x0] =	vst.idx.msk vm0, v4  }
0x3bf: {  	s18 =	sadd.s32 $0xFFFFFFFF, s18;
	v4 =	vld [tilespmem:s17+$0x0]  }
.LBB2_73:
0x3c0: {  	_ =	sdelay $0x3  }
0x3c1: {  	v8 =	vshrl.u32 v4, $0xE  }
0x3c2: {  	v8 =	vand.u32 $0x1, v8  }
0x3c3: {  	vm0 =	veq.s32 v8, v6  }
0x3c4: {  	v6 =	vsel vm0, $0x1, v0  }
0x3c5: {  	(xrf0) =	vadd.scan.msk.s32 $0xffff, v6;
	_ =	sdelay $0x5  }
0x3c6: {  	v6, _, _ =	vpop (xrf0)  }
0x3c7: {  	v6 =	vadd.s32 v6, v7  }
0x3c8: {  	v7 =	vadd.s32 $0xFFFFFFFF, v6;
	_ =	sdelay $0x1  }
0x3c9: {  	v6 =	vshrl.u32 v4, $0xD  }
0x3ca: {  	v8 =	vmpcnt.ones.xlane vm0;
	v6 =	vand.u32 $0x1, v6  }
0x3cb: {  	v6 =	vnsel vm0, $0x0, v6  }
0x3cc: {  	v6 =	vadd.s32 v3, v6;
	v3 =	vadd.s32 v5, v8;
	[tilespmem:v7+s11+$0x0] =	vst.idx.msk vm0, v4  }
.LBB2_74:
0x3cd: {  	v4 =	vxor.u32 $0x80000000, v3  }
0x3ce: {  	(xrf0) =	vmax.scan.msk.u32 $0xffff, v4;
	_ =	sdelay $0x5  }
0x3cf: {  	v4, _, _ =	vpop (xrf0)  }
0x3d0: {  	(v2sf) =	vpush v4, $0xF;
	_ =	sdelay $0x4  }
0x3d1: {  	(xrf0) =	vadd.scan.msk.s32 $0xffff, v6;
	_ =	sdelay $0x5  }
0x3d2: {  	v4, _, _ =	vpop (xrf0)  }
0x3d3: {  	(v2sf) =	vpush v4, $0xF;
	_ =	sdelay $0x2  }
0x3d4: {  	s19 =	simm.s32 @!p1 $0x0;
	s17 =	spop (v2sf)  }
0x3d5: {  	s19 =	simm.s32 @p1 $0x1;
	s17 =	sadd.s32 $0x8000000F, s17  }
0x3d6: {  	[smem:$0x7F0] =	sst s19;
	s18 =	sand.u32 $0xF, s17  }
0x3d7: {  	s31 =	sshra.s32 s17, $0x1F;
	p3 =	slt.s32 s17, $0x1;
	p0 =	sne.s32 s18, $0x0  }
0x3d8: {  	s19 =	sld [smem:$0x7F0];
	s18 =	sshrl.u32 s31, $0x1C;
	p0 =	por !p3, !p0  }
0x3d9: {  	s17 =	sadd.s32 s18, s17;
	s18 =	simm.s32 $0x1;
	p0 =	por !p0, !p0  }
0x3da: {  	s17 =	sshra.s32 s17, $0x4;
	s18 =	simm.s32 @!p0 $0x0  }
0x3db: {  	p0 =	seq.s32 s19, $0x1;
	s18 =	ssub.s32 s17, s18  }
0x3dc: {  	v3 =	vadd.s32 v1, v3;
	s16 =	simm.s32 @p0 $0x0;
	p0 =	slt.s32 s18, $0x1  }
.Ltmp53:
0x3dd: {  	_ = 	snop;
	(pc) =	sbr.rel @p0 .LBB2_78-.Ltmp53, $3  }
0x3de: {  	_ =	sdelay $0x1  }
0x3df: {  	s15 =	ssub.s32 s15, s16;
	s16 =	spop (v2sf)  }
0x3e0: {  	v5 =	vimm.s32 $0x0;
	[tilespmem:v3+s11+$0x0] =	vst.idx.msk $0xffff, v2;
	p1 =	sge.s32 s16, s15  }
0x3e1: {  	p0 =	sne.s32 s18, $0x1  }
.Ltmp54:
0x3e2: {  	_ = 	snop;
	(pc) =	sbr.rel @!p0 .LBB2_77-.Ltmp54, $4  }
0x3e3: {  	s17 =	simm.s32 $0x1  }
0x3e4: {  	s17 =	simm.s32 @!p1 $0x0  }
0x3e5: {  	v5 =	vmov s17;
	s17 =	simm.s32 $0x10280  }
0x3e6: {  	v2 =	vimm.s32 $0x0;
	s18 =	sadd.s32 $0xFFFFFFFF, s18;
	v4 =	vimm.s32 $0x0;
	v6 =	vimm.s32 $0x0;
	v3 =	vld [tilespmem:s17+$0x0]  }
.LBB2_76:
0x3e7: {  	p0 =	sne.s32 s18, $0x1;
	_ =	sdelay $0x3  }
0x3e8: {  	v7 =	vshrl.u32 v3, $0xD;
	v8 =	vshrl.u32 v3, $0xC  }
0x3e9: {  	v7 =	vand.u32 $0x1, v7;
	v8 =	vand.u32 $0x1, v8  }
0x3ea: {  	vm0 =	veq.s32 v7, v5  }
0x3eb: {  	v7 =	vsel vm0, $0x1, v0;
	v8 =	vnsel vm0, $0x0, v8;
	v9 =	vmpcnt.ones.xlane vm0  }
0x3ec: {  	v2 =	vadd.s32 v2, v8;
	(xrf0) =	vadd.scan.msk.s32 $0xffff, v7  }
0x3ed: {  	v4 =	vadd.s32 v4, v9;
	_ =	sdelay $0x4  }
0x3ee: {  	v7, _, _ =	vpop (xrf0)  }
0x3ef: {  	v7 =	vadd.s32 v7, v6;
	v6 =	vmov v4  }
0x3f0: {  	v7 =	vadd.s32 $0xFFFFFFFF, v7;
	_ =	sdelay $0x1  }
.Ltmp55:
0x3f1: {  	(pc) =	sbr.rel @p0 .LBB2_76-.Ltmp55, $3  }
0x3f2: {  	_ =	sdelay $0x1  }
0x3f3: {  	s17 =	sadd.s32 $0x10, s17;
	[tilespmem:v7+s10+$0x0] =	vst.idx.msk vm0, v3  }
0x3f4: {  	s18 =	sadd.s32 $0xFFFFFFFF, s18;
	v3 =	vld [tilespmem:s17+$0x0]  }
.LBB2_77:
0x3f5: {  	_ =	sdelay $0x3  }
0x3f6: {  	v7 =	vshrl.u32 v3, $0xD  }
0x3f7: {  	v7 =	vand.u32 $0x1, v7  }
0x3f8: {  	vm0 =	veq.s32 v7, v5  }
0x3f9: {  	v5 =	vsel vm0, $0x1, v0  }
0x3fa: {  	(xrf0) =	vadd.scan.msk.s32 $0xffff, v5;
	_ =	sdelay $0x5  }
0x3fb: {  	v5, _, _ =	vpop (xrf0)  }
0x3fc: {  	v5 =	vadd.s32 v5, v6  }
0x3fd: {  	v6 =	vadd.s32 $0xFFFFFFFF, v5;
	_ =	sdelay $0x1  }
0x3fe: {  	v5 =	vshrl.u32 v3, $0xC  }
0x3ff: {  	v7 =	vmpcnt.ones.xlane vm0;
	v5 =	vand.u32 $0x1, v5  }
0x400: {  	v5 =	vnsel vm0, $0x0, v5  }
0x401: {  	v5 =	vadd.s32 v2, v5;
	v2 =	vadd.s32 v4, v7;
	[tilespmem:v6+s10+$0x0] =	vst.idx.msk vm0, v3  }
.LBB2_78:
0x402: {  	v3 =	vxor.u32 $0x80000000, v2  }
0x403: {  	(xrf0) =	vmax.scan.msk.u32 $0xffff, v3;
	_ =	sdelay $0x5  }
0x404: {  	v3, _, _ =	vpop (xrf0)  }
0x405: {  	(v2sf) =	vpush v3, $0xF;
	_ =	sdelay $0x4  }
0x406: {  	(xrf0) =	vadd.scan.msk.s32 $0xffff, v5;
	_ =	sdelay $0x5  }
0x407: {  	v3, _, _ =	vpop (xrf0)  }
0x408: {  	(v2sf) =	vpush v3, $0xF;
	_ =	sdelay $0x2  }
0x409: {  	s19 =	simm.s32 @!p1 $0x0;
	s17 =	spop (v2sf)  }
0x40a: {  	s19 =	simm.s32 @p1 $0x1;
	s17 =	sadd.s32 $0x8000000F, s17  }
0x40b: {  	[smem:$0x7EF] =	sst s19;
	s18 =	sand.u32 $0xF, s17  }
0x40c: {  	s31 =	sshra.s32 s17, $0x1F;
	p3 =	slt.s32 s17, $0x1;
	p0 =	sne.s32 s18, $0x0  }
0x40d: {  	s19 =	sld [smem:$0x7EF];
	s18 =	sshrl.u32 s31, $0x1C;
	p0 =	por !p3, !p0  }
0x40e: {  	s17 =	sadd.s32 s18, s17;
	s18 =	simm.s32 $0x1;
	p0 =	por !p0, !p0  }
0x40f: {  	s17 =	sshra.s32 s17, $0x4;
	s18 =	simm.s32 @!p0 $0x0  }
0x410: {  	p0 =	seq.s32 s19, $0x1;
	s18 =	ssub.s32 s17, s18  }
0x411: {  	v3 =	vadd.s32 v1, v2;
	s16 =	simm.s32 @p0 $0x0;
	p0 =	slt.s32 s18, $0x1  }
.Ltmp56:
0x412: {  	_ = 	snop;
	(pc) =	sbr.rel @p0 .LBB2_82-.Ltmp56, $3  }
0x413: {  	_ =	sdelay $0x1  }
0x414: {  	v2 =	vimm.s32 $0x0;
	s15 =	ssub.s32 s15, s16;
	s16 =	spop (v2sf)  }
0x415: {  	v6 =	vimm.s32 $0x0;
	[tilespmem:v3+s10+$0x0] =	vst.idx.msk $0xffff, v2;
	v3 =	vimm.s32 $0x0;
	p1 =	sge.s32 s16, s15  }
0x416: {  	p0 =	sne.s32 s18, $0x1  }
.Ltmp57:
0x417: {  	_ = 	snop;
	(pc) =	sbr.rel @!p0 .LBB2_81-.Ltmp57, $4  }
0x418: {  	s17 =	simm.s32 $0x1  }
0x419: {  	s17 =	simm.s32 @!p1 $0x0  }
0x41a: {  	v6 =	vmov s17;
	s17 =	simm.s32 $0x8000  }
0x41b: {  	v3 =	vimm.s32 $0x0;
	s18 =	sadd.s32 $0xFFFFFFFF, s18;
	v5 =	vimm.s32 $0x0;
	v7 =	vimm.s32 $0x0;
	v4 =	vld [tilespmem:s17+$0x0]  }
.LBB2_80:
0x41c: {  	p0 =	sne.s32 s18, $0x1;
	_ =	sdelay $0x3  }
0x41d: {  	v8 =	vshrl.u32 v4, $0xC;
	v9 =	vshrl.u32 v4, $0xB  }
0x41e: {  	v8 =	vand.u32 $0x1, v8;
	v9 =	vand.u32 $0x1, v9  }
0x41f: {  	vm0 =	veq.s32 v8, v6  }
0x420: {  	v8 =	vsel vm0, $0x1, v0;
	v9 =	vnsel vm0, $0x0, v9;
	v10 =	vmpcnt.ones.xlane vm0  }
0x421: {  	v3 =	vadd.s32 v3, v9;
	(xrf0) =	vadd.scan.msk.s32 $0xffff, v8  }
0x422: {  	v5 =	vadd.s32 v5, v10;
	_ =	sdelay $0x4  }
0x423: {  	v8, _, _ =	vpop (xrf0)  }
0x424: {  	v8 =	vadd.s32 v8, v7;
	v7 =	vmov v5  }
0x425: {  	v8 =	vadd.s32 $0xFFFFFFFF, v8;
	_ =	sdelay $0x1  }
.Ltmp58:
0x426: {  	(pc) =	sbr.rel @p0 .LBB2_80-.Ltmp58, $3  }
0x427: {  	_ =	sdelay $0x1  }
0x428: {  	s17 =	sadd.s32 $0x10, s17;
	[tilespmem:v8+s11+$0x0] =	vst.idx.msk vm0, v4  }
0x429: {  	s18 =	sadd.s32 $0xFFFFFFFF, s18;
	v4 =	vld [tilespmem:s17+$0x0]  }
.LBB2_81:
0x42a: {  	_ =	sdelay $0x3  }
0x42b: {  	v8 =	vshrl.u32 v4, $0xC  }
0x42c: {  	v8 =	vand.u32 $0x1, v8  }
0x42d: {  	vm0 =	veq.s32 v8, v6  }
0x42e: {  	v6 =	vsel vm0, $0x1, v0  }
0x42f: {  	(xrf0) =	vadd.scan.msk.s32 $0xffff, v6;
	_ =	sdelay $0x5  }
0x430: {  	v6, _, _ =	vpop (xrf0)  }
0x431: {  	v6 =	vadd.s32 v6, v7  }
0x432: {  	v7 =	vadd.s32 $0xFFFFFFFF, v6;
	_ =	sdelay $0x1  }
0x433: {  	v6 =	vshrl.u32 v4, $0xB  }
0x434: {  	v8 =	vmpcnt.ones.xlane vm0;
	v6 =	vand.u32 $0x1, v6  }
0x435: {  	v6 =	vnsel vm0, $0x0, v6  }
0x436: {  	v6 =	vadd.s32 v3, v6;
	v3 =	vadd.s32 v5, v8;
	[tilespmem:v7+s11+$0x0] =	vst.idx.msk vm0, v4  }
.LBB2_82:
0x437: {  	v4 =	vxor.u32 $0x80000000, v3  }
0x438: {  	(xrf0) =	vmax.scan.msk.u32 $0xffff, v4;
	_ =	sdelay $0x5  }
0x439: {  	v4, _, _ =	vpop (xrf0)  }
0x43a: {  	(v2sf) =	vpush v4, $0xF;
	_ =	sdelay $0x4  }
0x43b: {  	(xrf0) =	vadd.scan.msk.s32 $0xffff, v6;
	_ =	sdelay $0x5  }
0x43c: {  	v4, _, _ =	vpop (xrf0)  }
0x43d: {  	(v2sf) =	vpush v4, $0xF;
	_ =	sdelay $0x2  }
0x43e: {  	s19 =	simm.s32 @!p1 $0x0;
	s17 =	spop (v2sf)  }
0x43f: {  	s19 =	simm.s32 @p1 $0x1;
	s17 =	sadd.s32 $0x8000000F, s17  }
0x440: {  	[smem:$0x7EE] =	sst s19;
	s18 =	sand.u32 $0xF, s17  }
0x441: {  	s31 =	sshra.s32 s17, $0x1F;
	p3 =	slt.s32 s17, $0x1;
	p0 =	sne.s32 s18, $0x0  }
0x442: {  	s19 =	sld [smem:$0x7EE];
	s18 =	sshrl.u32 s31, $0x1C;
	p0 =	por !p3, !p0  }
0x443: {  	s17 =	sadd.s32 s18, s17;
	s18 =	simm.s32 $0x1;
	p0 =	por !p0, !p0  }
0x444: {  	s17 =	sshra.s32 s17, $0x4;
	s18 =	simm.s32 @!p0 $0x0  }
0x445: {  	p0 =	seq.s32 s19, $0x1;
	s18 =	ssub.s32 s17, s18  }
0x446: {  	v3 =	vadd.s32 v1, v3;
	s16 =	simm.s32 @p0 $0x0;
	p0 =	slt.s32 s18, $0x1  }
.Ltmp59:
0x447: {  	_ = 	snop;
	(pc) =	sbr.rel @p0 .LBB2_86-.Ltmp59, $3  }
0x448: {  	_ =	sdelay $0x1  }
0x449: {  	s15 =	ssub.s32 s15, s16;
	s16 =	spop (v2sf)  }
0x44a: {  	v5 =	vimm.s32 $0x0;
	[tilespmem:v3+s11+$0x0] =	vst.idx.msk $0xffff, v2;
	p1 =	sge.s32 s16, s15  }
0x44b: {  	p0 =	sne.s32 s18, $0x1  }
.Ltmp60:
0x44c: {  	_ = 	snop;
	(pc) =	sbr.rel @!p0 .LBB2_85-.Ltmp60, $4  }
0x44d: {  	s17 =	simm.s32 $0x1  }
0x44e: {  	s17 =	simm.s32 @!p1 $0x0  }
0x44f: {  	v5 =	vmov s17;
	s17 =	simm.s32 $0x10280  }
0x450: {  	v2 =	vimm.s32 $0x0;
	s18 =	sadd.s32 $0xFFFFFFFF, s18;
	v4 =	vimm.s32 $0x0;
	v6 =	vimm.s32 $0x0;
	v3 =	vld [tilespmem:s17+$0x0]  }
.LBB2_84:
0x451: {  	p0 =	sne.s32 s18, $0x1;
	_ =	sdelay $0x3  }
0x452: {  	v7 =	vshrl.u32 v3, $0xB;
	v8 =	vshrl.u32 v3, $0xA  }
0x453: {  	v7 =	vand.u32 $0x1, v7;
	v8 =	vand.u32 $0x1, v8  }
0x454: {  	vm0 =	veq.s32 v7, v5  }
0x455: {  	v7 =	vsel vm0, $0x1, v0;
	v8 =	vnsel vm0, $0x0, v8;
	v9 =	vmpcnt.ones.xlane vm0  }
0x456: {  	v2 =	vadd.s32 v2, v8;
	(xrf0) =	vadd.scan.msk.s32 $0xffff, v7  }
0x457: {  	v4 =	vadd.s32 v4, v9;
	_ =	sdelay $0x4  }
0x458: {  	v7, _, _ =	vpop (xrf0)  }
0x459: {  	v7 =	vadd.s32 v7, v6;
	v6 =	vmov v4  }
0x45a: {  	v7 =	vadd.s32 $0xFFFFFFFF, v7;
	_ =	sdelay $0x1  }
.Ltmp61:
0x45b: {  	(pc) =	sbr.rel @p0 .LBB2_84-.Ltmp61, $3  }
0x45c: {  	_ =	sdelay $0x1  }
0x45d: {  	s17 =	sadd.s32 $0x10, s17;
	[tilespmem:v7+s10+$0x0] =	vst.idx.msk vm0, v3  }
0x45e: {  	s18 =	sadd.s32 $0xFFFFFFFF, s18;
	v3 =	vld [tilespmem:s17+$0x0]  }
.LBB2_85:
0x45f: {  	_ =	sdelay $0x3  }
0x460: {  	v7 =	vshrl.u32 v3, $0xB  }
0x461: {  	v7 =	vand.u32 $0x1, v7  }
0x462: {  	vm0 =	veq.s32 v7, v5  }
0x463: {  	v5 =	vsel vm0, $0x1, v0  }
0x464: {  	(xrf0) =	vadd.scan.msk.s32 $0xffff, v5;
	_ =	sdelay $0x5  }
0x465: {  	v5, _, _ =	vpop (xrf0)  }
0x466: {  	v5 =	vadd.s32 v5, v6  }
0x467: {  	v6 =	vadd.s32 $0xFFFFFFFF, v5;
	_ =	sdelay $0x1  }
0x468: {  	v5 =	vshrl.u32 v3, $0xA  }
0x469: {  	v7 =	vmpcnt.ones.xlane vm0;
	v5 =	vand.u32 $0x1, v5  }
0x46a: {  	v5 =	vnsel vm0, $0x0, v5  }
0x46b: {  	v5 =	vadd.s32 v2, v5;
	v2 =	vadd.s32 v4, v7;
	[tilespmem:v6+s10+$0x0] =	vst.idx.msk vm0, v3  }
.LBB2_86:
0x46c: {  	v3 =	vxor.u32 $0x80000000, v2  }
0x46d: {  	(xrf0) =	vmax.scan.msk.u32 $0xffff, v3;
	_ =	sdelay $0x5  }
0x46e: {  	v3, _, _ =	vpop (xrf0)  }
0x46f: {  	(v2sf) =	vpush v3, $0xF;
	_ =	sdelay $0x4  }
0x470: {  	(xrf0) =	vadd.scan.msk.s32 $0xffff, v5;
	_ =	sdelay $0x5  }
0x471: {  	v3, _, _ =	vpop (xrf0)  }
0x472: {  	(v2sf) =	vpush v3, $0xF;
	_ =	sdelay $0x2  }
0x473: {  	s19 =	simm.s32 @!p1 $0x0;
	s17 =	spop (v2sf)  }
0x474: {  	s19 =	simm.s32 @p1 $0x1;
	s17 =	sadd.s32 $0x8000000F, s17  }
0x475: {  	[smem:$0x7ED] =	sst s19;
	s18 =	sand.u32 $0xF, s17  }
0x476: {  	s31 =	sshra.s32 s17, $0x1F;
	p3 =	slt.s32 s17, $0x1;
	p0 =	sne.s32 s18, $0x0  }
0x477: {  	s19 =	sld [smem:$0x7ED];
	s18 =	sshrl.u32 s31, $0x1C;
	p0 =	por !p3, !p0  }
0x478: {  	s17 =	sadd.s32 s18, s17;
	s18 =	simm.s32 $0x1;
	p0 =	por !p0, !p0  }
0x479: {  	s17 =	sshra.s32 s17, $0x4;
	s18 =	simm.s32 @!p0 $0x0  }
0x47a: {  	p0 =	seq.s32 s19, $0x1;
	s18 =	ssub.s32 s17, s18  }
0x47b: {  	v3 =	vadd.s32 v1, v2;
	s16 =	simm.s32 @p0 $0x0;
	p0 =	slt.s32 s18, $0x1  }
.Ltmp62:
0x47c: {  	_ = 	snop;
	(pc) =	sbr.rel @p0 .LBB2_90-.Ltmp62, $3  }
0x47d: {  	_ =	sdelay $0x1  }
0x47e: {  	v2 =	vimm.s32 $0x0;
	s15 =	ssub.s32 s15, s16;
	s16 =	spop (v2sf)  }
0x47f: {  	v6 =	vimm.s32 $0x0;
	[tilespmem:v3+s10+$0x0] =	vst.idx.msk $0xffff, v2;
	v3 =	vimm.s32 $0x0;
	p1 =	sge.s32 s16, s15  }
0x480: {  	p0 =	sne.s32 s18, $0x1  }
.Ltmp63:
0x481: {  	_ = 	snop;
	(pc) =	sbr.rel @!p0 .LBB2_89-.Ltmp63, $4  }
0x482: {  	s17 =	simm.s32 $0x1  }
0x483: {  	s17 =	simm.s32 @!p1 $0x0  }
0x484: {  	v6 =	vmov s17;
	s17 =	simm.s32 $0x8000  }
0x485: {  	v3 =	vimm.s32 $0x0;
	s18 =	sadd.s32 $0xFFFFFFFF, s18;
	v5 =	vimm.s32 $0x0;
	v7 =	vimm.s32 $0x0;
	v4 =	vld [tilespmem:s17+$0x0]  }
.LBB2_88:
0x486: {  	p0 =	sne.s32 s18, $0x1;
	_ =	sdelay $0x3  }
0x487: {  	v8 =	vshrl.u32 v4, $0xA;
	v9 =	vshrl.u32 v4, $0x9  }
0x488: {  	v8 =	vand.u32 $0x1, v8;
	v9 =	vand.u32 $0x1, v9  }
0x489: {  	vm0 =	veq.s32 v8, v6  }
0x48a: {  	v8 =	vsel vm0, $0x1, v0;
	v9 =	vnsel vm0, $0x0, v9;
	v10 =	vmpcnt.ones.xlane vm0  }
0x48b: {  	v3 =	vadd.s32 v3, v9;
	(xrf0) =	vadd.scan.msk.s32 $0xffff, v8  }
0x48c: {  	v5 =	vadd.s32 v5, v10;
	_ =	sdelay $0x4  }
0x48d: {  	v8, _, _ =	vpop (xrf0)  }
0x48e: {  	v8 =	vadd.s32 v8, v7;
	v7 =	vmov v5  }
0x48f: {  	v8 =	vadd.s32 $0xFFFFFFFF, v8;
	_ =	sdelay $0x1  }
.Ltmp64:
0x490: {  	(pc) =	sbr.rel @p0 .LBB2_88-.Ltmp64, $3  }
0x491: {  	_ =	sdelay $0x1  }
0x492: {  	s17 =	sadd.s32 $0x10, s17;
	[tilespmem:v8+s11+$0x0] =	vst.idx.msk vm0, v4  }
0x493: {  	s18 =	sadd.s32 $0xFFFFFFFF, s18;
	v4 =	vld [tilespmem:s17+$0x0]  }
.LBB2_89:
0x494: {  	_ =	sdelay $0x3  }
0x495: {  	v8 =	vshrl.u32 v4, $0xA  }
0x496: {  	v8 =	vand.u32 $0x1, v8  }
0x497: {  	vm0 =	veq.s32 v8, v6  }
0x498: {  	v6 =	vsel vm0, $0x1, v0  }
0x499: {  	(xrf0) =	vadd.scan.msk.s32 $0xffff, v6;
	_ =	sdelay $0x5  }
0x49a: {  	v6, _, _ =	vpop (xrf0)  }
0x49b: {  	v6 =	vadd.s32 v6, v7  }
0x49c: {  	v7 =	vadd.s32 $0xFFFFFFFF, v6;
	_ =	sdelay $0x1  }
0x49d: {  	v6 =	vshrl.u32 v4, $0x9  }
0x49e: {  	v8 =	vmpcnt.ones.xlane vm0;
	v6 =	vand.u32 $0x1, v6  }
0x49f: {  	v6 =	vnsel vm0, $0x0, v6  }
0x4a0: {  	v6 =	vadd.s32 v3, v6;
	v3 =	vadd.s32 v5, v8;
	[tilespmem:v7+s11+$0x0] =	vst.idx.msk vm0, v4  }
.LBB2_90:
0x4a1: {  	v4 =	vxor.u32 $0x80000000, v3  }
0x4a2: {  	(xrf0) =	vmax.scan.msk.u32 $0xffff, v4;
	_ =	sdelay $0x5  }
0x4a3: {  	v4, _, _ =	vpop (xrf0)  }
0x4a4: {  	(v2sf) =	vpush v4, $0xF;
	_ =	sdelay $0x4  }
0x4a5: {  	(xrf0) =	vadd.scan.msk.s32 $0xffff, v6;
	_ =	sdelay $0x5  }
0x4a6: {  	v4, _, _ =	vpop (xrf0)  }
0x4a7: {  	(v2sf) =	vpush v4, $0xF;
	_ =	sdelay $0x2  }
0x4a8: {  	s19 =	simm.s32 @!p1 $0x0;
	s17 =	spop (v2sf)  }
0x4a9: {  	s19 =	simm.s32 @p1 $0x1;
	s17 =	sadd.s32 $0x8000000F, s17  }
0x4aa: {  	[smem:$0x7EC] =	sst s19;
	s18 =	sand.u32 $0xF, s17  }
0x4ab: {  	s31 =	sshra.s32 s17, $0x1F;
	p3 =	slt.s32 s17, $0x1;
	p0 =	sne.s32 s18, $0x0  }
0x4ac: {  	s19 =	sld [smem:$0x7EC];
	s18 =	sshrl.u32 s31, $0x1C;
	p0 =	por !p3, !p0  }
0x4ad: {  	s17 =	sadd.s32 s18, s17;
	s18 =	simm.s32 $0x1;
	p0 =	por !p0, !p0  }
0x4ae: {  	s17 =	sshra.s32 s17, $0x4;
	s18 =	simm.s32 @!p0 $0x0  }
0x4af: {  	p0 =	seq.s32 s19, $0x1;
	s18 =	ssub.s32 s17, s18  }
0x4b0: {  	v3 =	vadd.s32 v1, v3;
	s16 =	simm.s32 @p0 $0x0;
	p0 =	slt.s32 s18, $0x1  }
.Ltmp65:
0x4b1: {  	_ = 	snop;
	(pc) =	sbr.rel @p0 .LBB2_94-.Ltmp65, $3  }
0x4b2: {  	_ =	sdelay $0x1  }
0x4b3: {  	s15 =	ssub.s32 s15, s16;
	s16 =	spop (v2sf)  }
0x4b4: {  	v5 =	vimm.s32 $0x0;
	[tilespmem:v3+s11+$0x0] =	vst.idx.msk $0xffff, v2;
	p1 =	sge.s32 s16, s15  }
0x4b5: {  	p0 =	sne.s32 s18, $0x1  }
.Ltmp66:
0x4b6: {  	_ = 	snop;
	(pc) =	sbr.rel @!p0 .LBB2_93-.Ltmp66, $4  }
0x4b7: {  	s17 =	simm.s32 $0x1  }
0x4b8: {  	s17 =	simm.s32 @!p1 $0x0  }
0x4b9: {  	v5 =	vmov s17;
	s17 =	simm.s32 $0x10280  }
0x4ba: {  	v2 =	vimm.s32 $0x0;
	s18 =	sadd.s32 $0xFFFFFFFF, s18;
	v4 =	vimm.s32 $0x0;
	v6 =	vimm.s32 $0x0;
	v3 =	vld [tilespmem:s17+$0x0]  }
.LBB2_92:
0x4bb: {  	p0 =	sne.s32 s18, $0x1;
	_ =	sdelay $0x3  }
0x4bc: {  	v7 =	vshrl.u32 v3, $0x9;
	v8 =	vshrl.u32 v3, $0x8  }
0x4bd: {  	v7 =	vand.u32 $0x1, v7;
	v8 =	vand.u32 $0x1, v8  }
0x4be: {  	vm0 =	veq.s32 v7, v5  }
0x4bf: {  	v7 =	vsel vm0, $0x1, v0;
	v8 =	vnsel vm0, $0x0, v8;
	v9 =	vmpcnt.ones.xlane vm0  }
0x4c0: {  	v2 =	vadd.s32 v2, v8;
	(xrf0) =	vadd.scan.msk.s32 $0xffff, v7  }
0x4c1: {  	v4 =	vadd.s32 v4, v9;
	_ =	sdelay $0x4  }
0x4c2: {  	v7, _, _ =	vpop (xrf0)  }
0x4c3: {  	v7 =	vadd.s32 v7, v6;
	v6 =	vmov v4  }
0x4c4: {  	v7 =	vadd.s32 $0xFFFFFFFF, v7;
	_ =	sdelay $0x1  }
.Ltmp67:
0x4c5: {  	(pc) =	sbr.rel @p0 .LBB2_92-.Ltmp67, $3  }
0x4c6: {  	_ =	sdelay $0x1  }
0x4c7: {  	s17 =	sadd.s32 $0x10, s17;
	[tilespmem:v7+s10+$0x0] =	vst.idx.msk vm0, v3  }
0x4c8: {  	s18 =	sadd.s32 $0xFFFFFFFF, s18;
	v3 =	vld [tilespmem:s17+$0x0]  }
.LBB2_93:
0x4c9: {  	_ =	sdelay $0x3  }
0x4ca: {  	v7 =	vshrl.u32 v3, $0x9  }
0x4cb: {  	v7 =	vand.u32 $0x1, v7  }
0x4cc: {  	vm0 =	veq.s32 v7, v5  }
0x4cd: {  	v5 =	vsel vm0, $0x1, v0  }
0x4ce: {  	(xrf0) =	vadd.scan.msk.s32 $0xffff, v5;
	_ =	sdelay $0x5  }
0x4cf: {  	v5, _, _ =	vpop (xrf0)  }
0x4d0: {  	v5 =	vadd.s32 v5, v6  }
0x4d1: {  	v6 =	vadd.s32 $0xFFFFFFFF, v5;
	_ =	sdelay $0x1  }
0x4d2: {  	v5 =	vshrl.u32 v3, $0x8  }
0x4d3: {  	v7 =	vmpcnt.ones.xlane vm0;
	v5 =	vand.u32 $0x1, v5  }
0x4d4: {  	v5 =	vnsel vm0, $0x0, v5  }
0x4d5: {  	v5 =	vadd.s32 v2, v5;
	v2 =	vadd.s32 v4, v7;
	[tilespmem:v6+s10+$0x0] =	vst.idx.msk vm0, v3  }
.LBB2_94:
0x4d6: {  	v3 =	vxor.u32 $0x80000000, v2  }
0x4d7: {  	(xrf0) =	vmax.scan.msk.u32 $0xffff, v3;
	_ =	sdelay $0x5  }
0x4d8: {  	v3, _, _ =	vpop (xrf0)  }
0x4d9: {  	(v2sf) =	vpush v3, $0xF;
	_ =	sdelay $0x4  }
0x4da: {  	(xrf0) =	vadd.scan.msk.s32 $0xffff, v5;
	_ =	sdelay $0x5  }
0x4db: {  	v3, _, _ =	vpop (xrf0)  }
0x4dc: {  	(v2sf) =	vpush v3, $0xF;
	_ =	sdelay $0x2  }
0x4dd: {  	s19 =	simm.s32 @!p1 $0x0;
	s17 =	spop (v2sf)  }
0x4de: {  	s19 =	simm.s32 @p1 $0x1;
	s17 =	sadd.s32 $0x8000000F, s17  }
0x4df: {  	[smem:$0x7EB] =	sst s19;
	s18 =	sand.u32 $0xF, s17  }
0x4e0: {  	s31 =	sshra.s32 s17, $0x1F;
	p3 =	slt.s32 s17, $0x1;
	p0 =	sne.s32 s18, $0x0  }
0x4e1: {  	s19 =	sld [smem:$0x7EB];
	s18 =	sshrl.u32 s31, $0x1C;
	p0 =	por !p3, !p0  }
0x4e2: {  	s17 =	sadd.s32 s18, s17;
	s18 =	simm.s32 $0x1;
	p0 =	por !p0, !p0  }
0x4e3: {  	s17 =	sshra.s32 s17, $0x4;
	s18 =	simm.s32 @!p0 $0x0  }
0x4e4: {  	p0 =	seq.s32 s19, $0x1;
	s18 =	ssub.s32 s17, s18  }
0x4e5: {  	v3 =	vadd.s32 v1, v2;
	s16 =	simm.s32 @p0 $0x0;
	p0 =	slt.s32 s18, $0x1  }
.Ltmp68:
0x4e6: {  	_ = 	snop;
	(pc) =	sbr.rel @p0 .LBB2_98-.Ltmp68, $3  }
0x4e7: {  	_ =	sdelay $0x1  }
0x4e8: {  	v2 =	vimm.s32 $0x0;
	s15 =	ssub.s32 s15, s16;
	s16 =	spop (v2sf)  }
0x4e9: {  	v6 =	vimm.s32 $0x0;
	[tilespmem:v3+s10+$0x0] =	vst.idx.msk $0xffff, v2;
	v3 =	vimm.s32 $0x0;
	p1 =	sge.s32 s16, s15  }
0x4ea: {  	p0 =	sne.s32 s18, $0x1  }
.Ltmp69:
0x4eb: {  	_ = 	snop;
	(pc) =	sbr.rel @!p0 .LBB2_97-.Ltmp69, $4  }
0x4ec: {  	s17 =	simm.s32 $0x1  }
0x4ed: {  	s17 =	simm.s32 @!p1 $0x0  }
0x4ee: {  	v6 =	vmov s17;
	s17 =	simm.s32 $0x8000  }
0x4ef: {  	v3 =	vimm.s32 $0x0;
	s18 =	sadd.s32 $0xFFFFFFFF, s18;
	v5 =	vimm.s32 $0x0;
	v7 =	vimm.s32 $0x0;
	v4 =	vld [tilespmem:s17+$0x0]  }
.LBB2_96:
0x4f0: {  	p0 =	sne.s32 s18, $0x1;
	_ =	sdelay $0x3  }
0x4f1: {  	v8 =	vshrl.u32 v4, $0x8;
	v9 =	vshrl.u32 v4, $0x7  }
0x4f2: {  	v8 =	vand.u32 $0x1, v8;
	v9 =	vand.u32 $0x1, v9  }
0x4f3: {  	vm0 =	veq.s32 v8, v6  }
0x4f4: {  	v8 =	vsel vm0, $0x1, v0;
	v9 =	vnsel vm0, $0x0, v9;
	v10 =	vmpcnt.ones.xlane vm0  }
0x4f5: {  	v3 =	vadd.s32 v3, v9;
	(xrf0) =	vadd.scan.msk.s32 $0xffff, v8  }
0x4f6: {  	v5 =	vadd.s32 v5, v10;
	_ =	sdelay $0x4  }
0x4f7: {  	v8, _, _ =	vpop (xrf0)  }
0x4f8: {  	v8 =	vadd.s32 v8, v7;
	v7 =	vmov v5  }
0x4f9: {  	v8 =	vadd.s32 $0xFFFFFFFF, v8;
	_ =	sdelay $0x1  }
.Ltmp70:
0x4fa: {  	(pc) =	sbr.rel @p0 .LBB2_96-.Ltmp70, $3  }
0x4fb: {  	_ =	sdelay $0x1  }
0x4fc: {  	s17 =	sadd.s32 $0x10, s17;
	[tilespmem:v8+s11+$0x0] =	vst.idx.msk vm0, v4  }
0x4fd: {  	s18 =	sadd.s32 $0xFFFFFFFF, s18;
	v4 =	vld [tilespmem:s17+$0x0]  }
.LBB2_97:
0x4fe: {  	_ =	sdelay $0x3  }
0x4ff: {  	v8 =	vshrl.u32 v4, $0x8  }
0x500: {  	v8 =	vand.u32 $0x1, v8  }
0x501: {  	vm0 =	veq.s32 v8, v6  }
0x502: {  	v6 =	vsel vm0, $0x1, v0  }
0x503: {  	(xrf0) =	vadd.scan.msk.s32 $0xffff, v6;
	_ =	sdelay $0x5  }
0x504: {  	v6, _, _ =	vpop (xrf0)  }
0x505: {  	v6 =	vadd.s32 v6, v7  }
0x506: {  	v7 =	vadd.s32 $0xFFFFFFFF, v6;
	_ =	sdelay $0x1  }
0x507: {  	v6 =	vshrl.u32 v4, $0x7  }
0x508: {  	v8 =	vmpcnt.ones.xlane vm0;
	v6 =	vand.u32 $0x1, v6  }
0x509: {  	v6 =	vnsel vm0, $0x0, v6  }
0x50a: {  	v6 =	vadd.s32 v3, v6;
	v3 =	vadd.s32 v5, v8;
	[tilespmem:v7+s11+$0x0] =	vst.idx.msk vm0, v4  }
.LBB2_98:
0x50b: {  	v4 =	vxor.u32 $0x80000000, v3  }
0x50c: {  	(xrf0) =	vmax.scan.msk.u32 $0xffff, v4;
	_ =	sdelay $0x5  }
0x50d: {  	v4, _, _ =	vpop (xrf0)  }
0x50e: {  	(v2sf) =	vpush v4, $0xF;
	_ =	sdelay $0x4  }
0x50f: {  	(xrf0) =	vadd.scan.msk.s32 $0xffff, v6;
	_ =	sdelay $0x5  }
0x510: {  	v4, _, _ =	vpop (xrf0)  }
0x511: {  	(v2sf) =	vpush v4, $0xF;
	_ =	sdelay $0x2  }
0x512: {  	s19 =	simm.s32 @!p1 $0x0;
	s17 =	spop (v2sf)  }
0x513: {  	s19 =	simm.s32 @p1 $0x1;
	s17 =	sadd.s32 $0x8000000F, s17  }
0x514: {  	[smem:$0x7EA] =	sst s19;
	s18 =	sand.u32 $0xF, s17  }
0x515: {  	s31 =	sshra.s32 s17, $0x1F;
	p3 =	slt.s32 s17, $0x1;
	p0 =	sne.s32 s18, $0x0  }
0x516: {  	s19 =	sld [smem:$0x7EA];
	s18 =	sshrl.u32 s31, $0x1C;
	p0 =	por !p3, !p0  }
0x517: {  	s17 =	sadd.s32 s18, s17;
	s18 =	simm.s32 $0x1;
	p0 =	por !p0, !p0  }
0x518: {  	s17 =	sshra.s32 s17, $0x4;
	s18 =	simm.s32 @!p0 $0x0  }
0x519: {  	p0 =	seq.s32 s19, $0x1;
	s18 =	ssub.s32 s17, s18  }
0x51a: {  	v3 =	vadd.s32 v1, v3;
	s16 =	simm.s32 @p0 $0x0;
	p0 =	slt.s32 s18, $0x1  }
.Ltmp71:
0x51b: {  	_ = 	snop;
	(pc) =	sbr.rel @p0 .LBB2_102-.Ltmp71, $3  }
0x51c: {  	_ =	sdelay $0x1  }
0x51d: {  	s15 =	ssub.s32 s15, s16;
	s16 =	spop (v2sf)  }
0x51e: {  	v5 =	vimm.s32 $0x0;
	[tilespmem:v3+s11+$0x0] =	vst.idx.msk $0xffff, v2;
	p1 =	sge.s32 s16, s15  }
0x51f: {  	p0 =	sne.s32 s18, $0x1  }
.Ltmp72:
0x520: {  	_ = 	snop;
	(pc) =	sbr.rel @!p0 .LBB2_101-.Ltmp72, $4  }
0x521: {  	s17 =	simm.s32 $0x1  }
0x522: {  	s17 =	simm.s32 @!p1 $0x0  }
0x523: {  	v5 =	vmov s17;
	s17 =	simm.s32 $0x10280  }
0x524: {  	v2 =	vimm.s32 $0x0;
	s18 =	sadd.s32 $0xFFFFFFFF, s18;
	v4 =	vimm.s32 $0x0;
	v6 =	vimm.s32 $0x0;
	v3 =	vld [tilespmem:s17+$0x0]  }
.LBB2_100:
0x525: {  	p0 =	sne.s32 s18, $0x1;
	_ =	sdelay $0x3  }
0x526: {  	v7 =	vshrl.u32 v3, $0x7;
	v8 =	vshrl.u32 v3, $0x6  }
0x527: {  	v7 =	vand.u32 $0x1, v7;
	v8 =	vand.u32 $0x1, v8  }
0x528: {  	vm0 =	veq.s32 v7, v5  }
0x529: {  	v7 =	vsel vm0, $0x1, v0;
	v8 =	vnsel vm0, $0x0, v8;
	v9 =	vmpcnt.ones.xlane vm0  }
0x52a: {  	v2 =	vadd.s32 v2, v8;
	(xrf0) =	vadd.scan.msk.s32 $0xffff, v7  }
0x52b: {  	v4 =	vadd.s32 v4, v9;
	_ =	sdelay $0x4  }
0x52c: {  	v7, _, _ =	vpop (xrf0)  }
0x52d: {  	v7 =	vadd.s32 v7, v6;
	v6 =	vmov v4  }
0x52e: {  	v7 =	vadd.s32 $0xFFFFFFFF, v7;
	_ =	sdelay $0x1  }
.Ltmp73:
0x52f: {  	(pc) =	sbr.rel @p0 .LBB2_100-.Ltmp73, $3  }
0x530: {  	_ =	sdelay $0x1  }
0x531: {  	s17 =	sadd.s32 $0x10, s17;
	[tilespmem:v7+s10+$0x0] =	vst.idx.msk vm0, v3  }
0x532: {  	s18 =	sadd.s32 $0xFFFFFFFF, s18;
	v3 =	vld [tilespmem:s17+$0x0]  }
.LBB2_101:
0x533: {  	_ =	sdelay $0x3  }
0x534: {  	v7 =	vshrl.u32 v3, $0x7  }
0x535: {  	v7 =	vand.u32 $0x1, v7  }
0x536: {  	vm0 =	veq.s32 v7, v5  }
0x537: {  	v5 =	vsel vm0, $0x1, v0  }
0x538: {  	(xrf0) =	vadd.scan.msk.s32 $0xffff, v5;
	_ =	sdelay $0x5  }
0x539: {  	v5, _, _ =	vpop (xrf0)  }
0x53a: {  	v5 =	vadd.s32 v5, v6  }
0x53b: {  	v6 =	vadd.s32 $0xFFFFFFFF, v5;
	_ =	sdelay $0x1  }
0x53c: {  	v5 =	vshrl.u32 v3, $0x6  }
0x53d: {  	v7 =	vmpcnt.ones.xlane vm0;
	v5 =	vand.u32 $0x1, v5  }
0x53e: {  	v5 =	vnsel vm0, $0x0, v5  }
0x53f: {  	v5 =	vadd.s32 v2, v5;
	v2 =	vadd.s32 v4, v7;
	[tilespmem:v6+s10+$0x0] =	vst.idx.msk vm0, v3  }
.LBB2_102:
0x540: {  	v3 =	vxor.u32 $0x80000000, v2  }
0x541: {  	(xrf0) =	vmax.scan.msk.u32 $0xffff, v3;
	_ =	sdelay $0x5  }
0x542: {  	v3, _, _ =	vpop (xrf0)  }
0x543: {  	(v2sf) =	vpush v3, $0xF;
	_ =	sdelay $0x4  }
0x544: {  	(xrf0) =	vadd.scan.msk.s32 $0xffff, v5;
	_ =	sdelay $0x5  }
0x545: {  	v3, _, _ =	vpop (xrf0)  }
0x546: {  	(v2sf) =	vpush v3, $0xF;
	_ =	sdelay $0x2  }
0x547: {  	s19 =	simm.s32 @!p1 $0x0;
	s17 =	spop (v2sf)  }
0x548: {  	s19 =	simm.s32 @p1 $0x1;
	s17 =	sadd.s32 $0x8000000F, s17  }
0x549: {  	[smem:$0x7E9] =	sst s19;
	s18 =	sand.u32 $0xF, s17  }
0x54a: {  	s31 =	sshra.s32 s17, $0x1F;
	p3 =	slt.s32 s17, $0x1;
	p0 =	sne.s32 s18, $0x0  }
0x54b: {  	s19 =	sld [smem:$0x7E9];
	s18 =	sshrl.u32 s31, $0x1C;
	p0 =	por !p3, !p0  }
0x54c: {  	s17 =	sadd.s32 s18, s17;
	s18 =	simm.s32 $0x1;
	p0 =	por !p0, !p0  }
0x54d: {  	s17 =	sshra.s32 s17, $0x4;
	s18 =	simm.s32 @!p0 $0x0  }
0x54e: {  	p0 =	seq.s32 s19, $0x1;
	s18 =	ssub.s32 s17, s18  }
0x54f: {  	v3 =	vadd.s32 v1, v2;
	s16 =	simm.s32 @p0 $0x0;
	p0 =	slt.s32 s18, $0x1  }
.Ltmp74:
0x550: {  	_ = 	snop;
	(pc) =	sbr.rel @p0 .LBB2_106-.Ltmp74, $3  }
0x551: {  	_ =	sdelay $0x1  }
0x552: {  	v2 =	vimm.s32 $0x0;
	s15 =	ssub.s32 s15, s16;
	s16 =	spop (v2sf)  }
0x553: {  	v6 =	vimm.s32 $0x0;
	[tilespmem:v3+s10+$0x0] =	vst.idx.msk $0xffff, v2;
	v3 =	vimm.s32 $0x0;
	p1 =	sge.s32 s16, s15  }
0x554: {  	p0 =	sne.s32 s18, $0x1  }
.Ltmp75:
0x555: {  	_ = 	snop;
	(pc) =	sbr.rel @!p0 .LBB2_105-.Ltmp75, $4  }
0x556: {  	s17 =	simm.s32 $0x1  }
0x557: {  	s17 =	simm.s32 @!p1 $0x0  }
0x558: {  	v6 =	vmov s17;
	s17 =	simm.s32 $0x8000  }
0x559: {  	v3 =	vimm.s32 $0x0;
	s18 =	sadd.s32 $0xFFFFFFFF, s18;
	v5 =	vimm.s32 $0x0;
	v7 =	vimm.s32 $0x0;
	v4 =	vld [tilespmem:s17+$0x0]  }
.LBB2_104:
0x55a: {  	p0 =	sne.s32 s18, $0x1;
	_ =	sdelay $0x3  }
0x55b: {  	v8 =	vshrl.u32 v4, $0x6;
	v9 =	vshrl.u32 v4, $0x5  }
0x55c: {  	v8 =	vand.u32 $0x1, v8;
	v9 =	vand.u32 $0x1, v9  }
0x55d: {  	vm0 =	veq.s32 v8, v6  }
0x55e: {  	v8 =	vsel vm0, $0x1, v0;
	v9 =	vnsel vm0, $0x0, v9;
	v10 =	vmpcnt.ones.xlane vm0  }
0x55f: {  	v3 =	vadd.s32 v3, v9;
	(xrf0) =	vadd.scan.msk.s32 $0xffff, v8  }
0x560: {  	v5 =	vadd.s32 v5, v10;
	_ =	sdelay $0x4  }
0x561: {  	v8, _, _ =	vpop (xrf0)  }
0x562: {  	v8 =	vadd.s32 v8, v7;
	v7 =	vmov v5  }
0x563: {  	v8 =	vadd.s32 $0xFFFFFFFF, v8;
	_ =	sdelay $0x1  }
.Ltmp76:
0x564: {  	(pc) =	sbr.rel @p0 .LBB2_104-.Ltmp76, $3  }
0x565: {  	_ =	sdelay $0x1  }
0x566: {  	s17 =	sadd.s32 $0x10, s17;
	[tilespmem:v8+s11+$0x0] =	vst.idx.msk vm0, v4  }
0x567: {  	s18 =	sadd.s32 $0xFFFFFFFF, s18;
	v4 =	vld [tilespmem:s17+$0x0]  }
.LBB2_105:
0x568: {  	_ =	sdelay $0x3  }
0x569: {  	v8 =	vshrl.u32 v4, $0x6  }
0x56a: {  	v8 =	vand.u32 $0x1, v8  }
0x56b: {  	vm0 =	veq.s32 v8, v6  }
0x56c: {  	v6 =	vsel vm0, $0x1, v0  }
0x56d: {  	(xrf0) =	vadd.scan.msk.s32 $0xffff, v6;
	_ =	sdelay $0x5  }
0x56e: {  	v6, _, _ =	vpop (xrf0)  }
0x56f: {  	v6 =	vadd.s32 v6, v7  }
0x570: {  	v7 =	vadd.s32 $0xFFFFFFFF, v6;
	_ =	sdelay $0x1  }
0x571: {  	v6 =	vshrl.u32 v4, $0x5  }
0x572: {  	v8 =	vmpcnt.ones.xlane vm0;
	v6 =	vand.u32 $0x1, v6  }
0x573: {  	v6 =	vnsel vm0, $0x0, v6  }
0x574: {  	v6 =	vadd.s32 v3, v6;
	v3 =	vadd.s32 v5, v8;
	[tilespmem:v7+s11+$0x0] =	vst.idx.msk vm0, v4  }
.LBB2_106:
0x575: {  	v4 =	vxor.u32 $0x80000000, v3  }
0x576: {  	(xrf0) =	vmax.scan.msk.u32 $0xffff, v4;
	_ =	sdelay $0x5  }
0x577: {  	v4, _, _ =	vpop (xrf0)  }
0x578: {  	(v2sf) =	vpush v4, $0xF;
	_ =	sdelay $0x4  }
0x579: {  	(xrf0) =	vadd.scan.msk.s32 $0xffff, v6;
	_ =	sdelay $0x5  }
0x57a: {  	v4, _, _ =	vpop (xrf0)  }
0x57b: {  	(v2sf) =	vpush v4, $0xF;
	_ =	sdelay $0x2  }
0x57c: {  	s19 =	simm.s32 @!p1 $0x0;
	s17 =	spop (v2sf)  }
0x57d: {  	s19 =	simm.s32 @p1 $0x1;
	s17 =	sadd.s32 $0x8000000F, s17  }
0x57e: {  	[smem:$0x7E8] =	sst s19;
	s18 =	sand.u32 $0xF, s17  }
0x57f: {  	s31 =	sshra.s32 s17, $0x1F;
	p3 =	slt.s32 s17, $0x1;
	p0 =	sne.s32 s18, $0x0  }
0x580: {  	s19 =	sld [smem:$0x7E8];
	s18 =	sshrl.u32 s31, $0x1C;
	p0 =	por !p3, !p0  }
0x581: {  	s17 =	sadd.s32 s18, s17;
	s18 =	simm.s32 $0x1;
	p0 =	por !p0, !p0  }
0x582: {  	s17 =	sshra.s32 s17, $0x4;
	s18 =	simm.s32 @!p0 $0x0  }
0x583: {  	p0 =	seq.s32 s19, $0x1;
	s18 =	ssub.s32 s17, s18  }
0x584: {  	v3 =	vadd.s32 v1, v3;
	s16 =	simm.s32 @p0 $0x0;
	p0 =	slt.s32 s18, $0x1  }
.Ltmp77:
0x585: {  	_ = 	snop;
	(pc) =	sbr.rel @p0 .LBB2_110-.Ltmp77, $3  }
0x586: {  	_ =	sdelay $0x1  }
0x587: {  	s15 =	ssub.s32 s15, s16;
	s16 =	spop (v2sf)  }
0x588: {  	v5 =	vimm.s32 $0x0;
	[tilespmem:v3+s11+$0x0] =	vst.idx.msk $0xffff, v2;
	p1 =	sge.s32 s16, s15  }
0x589: {  	p0 =	sne.s32 s18, $0x1  }
.Ltmp78:
0x58a: {  	_ = 	snop;
	(pc) =	sbr.rel @!p0 .LBB2_109-.Ltmp78, $4  }
0x58b: {  	s17 =	simm.s32 $0x1  }
0x58c: {  	s17 =	simm.s32 @!p1 $0x0  }
0x58d: {  	v5 =	vmov s17;
	s17 =	simm.s32 $0x10280  }
0x58e: {  	v2 =	vimm.s32 $0x0;
	s18 =	sadd.s32 $0xFFFFFFFF, s18;
	v4 =	vimm.s32 $0x0;
	v6 =	vimm.s32 $0x0;
	v3 =	vld [tilespmem:s17+$0x0]  }
.LBB2_108:
0x58f: {  	p0 =	sne.s32 s18, $0x1;
	_ =	sdelay $0x3  }
0x590: {  	v7 =	vshrl.u32 v3, $0x5;
	v8 =	vshrl.u32 v3, $0x4  }
0x591: {  	v7 =	vand.u32 $0x1, v7;
	v8 =	vand.u32 $0x1, v8  }
0x592: {  	vm0 =	veq.s32 v7, v5  }
0x593: {  	v7 =	vsel vm0, $0x1, v0;
	v8 =	vnsel vm0, $0x0, v8;
	v9 =	vmpcnt.ones.xlane vm0  }
0x594: {  	v2 =	vadd.s32 v2, v8;
	(xrf0) =	vadd.scan.msk.s32 $0xffff, v7  }
0x595: {  	v4 =	vadd.s32 v4, v9;
	_ =	sdelay $0x4  }
0x596: {  	v7, _, _ =	vpop (xrf0)  }
0x597: {  	v7 =	vadd.s32 v7, v6;
	v6 =	vmov v4  }
0x598: {  	v7 =	vadd.s32 $0xFFFFFFFF, v7;
	_ =	sdelay $0x1  }
.Ltmp79:
0x599: {  	(pc) =	sbr.rel @p0 .LBB2_108-.Ltmp79, $3  }
0x59a: {  	_ =	sdelay $0x1  }
0x59b: {  	s17 =	sadd.s32 $0x10, s17;
	[tilespmem:v7+s10+$0x0] =	vst.idx.msk vm0, v3  }
0x59c: {  	s18 =	sadd.s32 $0xFFFFFFFF, s18;
	v3 =	vld [tilespmem:s17+$0x0]  }
.LBB2_109:
0x59d: {  	_ =	sdelay $0x3  }
0x59e: {  	v7 =	vshrl.u32 v3, $0x5  }
0x59f: {  	v7 =	vand.u32 $0x1, v7  }
0x5a0: {  	vm0 =	veq.s32 v7, v5  }
0x5a1: {  	v5 =	vsel vm0, $0x1, v0  }
0x5a2: {  	(xrf0) =	vadd.scan.msk.s32 $0xffff, v5;
	_ =	sdelay $0x5  }
0x5a3: {  	v5, _, _ =	vpop (xrf0)  }
0x5a4: {  	v5 =	vadd.s32 v5, v6  }
0x5a5: {  	v6 =	vadd.s32 $0xFFFFFFFF, v5;
	_ =	sdelay $0x1  }
0x5a6: {  	v5 =	vshrl.u32 v3, $0x4  }
0x5a7: {  	v7 =	vmpcnt.ones.xlane vm0;
	v5 =	vand.u32 $0x1, v5  }
0x5a8: {  	v5 =	vnsel vm0, $0x0, v5  }
0x5a9: {  	v5 =	vadd.s32 v2, v5;
	v2 =	vadd.s32 v4, v7;
	[tilespmem:v6+s10+$0x0] =	vst.idx.msk vm0, v3  }
.LBB2_110:
0x5aa: {  	v3 =	vxor.u32 $0x80000000, v2  }
0x5ab: {  	(xrf0) =	vmax.scan.msk.u32 $0xffff, v3;
	_ =	sdelay $0x5  }
0x5ac: {  	v3, _, _ =	vpop (xrf0)  }
0x5ad: {  	(v2sf) =	vpush v3, $0xF;
	_ =	sdelay $0x4  }
0x5ae: {  	(xrf0) =	vadd.scan.msk.s32 $0xffff, v5;
	_ =	sdelay $0x5  }
0x5af: {  	v3, _, _ =	vpop (xrf0)  }
0x5b0: {  	(v2sf) =	vpush v3, $0xF;
	_ =	sdelay $0x2  }
0x5b1: {  	s19 =	simm.s32 @!p1 $0x0;
	s17 =	spop (v2sf)  }
0x5b2: {  	s19 =	simm.s32 @p1 $0x1;
	s17 =	sadd.s32 $0x8000000F, s17  }
0x5b3: {  	[smem:$0x7E7] =	sst s19;
	s18 =	sand.u32 $0xF, s17  }
0x5b4: {  	s31 =	sshra.s32 s17, $0x1F;
	p3 =	slt.s32 s17, $0x1;
	p0 =	sne.s32 s18, $0x0  }
0x5b5: {  	s19 =	sld [smem:$0x7E7];
	s18 =	sshrl.u32 s31, $0x1C;
	p0 =	por !p3, !p0  }
0x5b6: {  	s17 =	sadd.s32 s18, s17;
	s18 =	simm.s32 $0x1;
	p0 =	por !p0, !p0  }
0x5b7: {  	s17 =	sshra.s32 s17, $0x4;
	s18 =	simm.s32 @!p0 $0x0  }
0x5b8: {  	p0 =	seq.s32 s19, $0x1;
	s18 =	ssub.s32 s17, s18  }
0x5b9: {  	v3 =	vadd.s32 v1, v2;
	s16 =	simm.s32 @p0 $0x0;
	p0 =	slt.s32 s18, $0x1  }
.Ltmp80:
0x5ba: {  	_ = 	snop;
	(pc) =	sbr.rel @p0 .LBB2_114-.Ltmp80, $3  }
0x5bb: {  	_ =	sdelay $0x1  }
0x5bc: {  	v2 =	vimm.s32 $0x0;
	s15 =	ssub.s32 s15, s16;
	s16 =	spop (v2sf)  }
0x5bd: {  	v6 =	vimm.s32 $0x0;
	[tilespmem:v3+s10+$0x0] =	vst.idx.msk $0xffff, v2;
	v3 =	vimm.s32 $0x0;
	p1 =	sge.s32 s16, s15  }
0x5be: {  	p0 =	sne.s32 s18, $0x1  }
.Ltmp81:
0x5bf: {  	_ = 	snop;
	(pc) =	sbr.rel @!p0 .LBB2_113-.Ltmp81, $4  }
0x5c0: {  	s17 =	simm.s32 $0x1  }
0x5c1: {  	s17 =	simm.s32 @!p1 $0x0  }
0x5c2: {  	v6 =	vmov s17;
	s17 =	simm.s32 $0x8000  }
0x5c3: {  	v3 =	vimm.s32 $0x0;
	s18 =	sadd.s32 $0xFFFFFFFF, s18;
	v5 =	vimm.s32 $0x0;
	v7 =	vimm.s32 $0x0;
	v4 =	vld [tilespmem:s17+$0x0]  }
.LBB2_112:
0x5c4: {  	p0 =	sne.s32 s18, $0x1;
	_ =	sdelay $0x3  }
0x5c5: {  	v8 =	vshrl.u32 v4, $0x4;
	v9 =	vshrl.u32 v4, $0x3  }
0x5c6: {  	v8 =	vand.u32 $0x1, v8;
	v9 =	vand.u32 $0x1, v9  }
0x5c7: {  	vm0 =	veq.s32 v8, v6  }
0x5c8: {  	v8 =	vsel vm0, $0x1, v0;
	v9 =	vnsel vm0, $0x0, v9;
	v10 =	vmpcnt.ones.xlane vm0  }
0x5c9: {  	v3 =	vadd.s32 v3, v9;
	(xrf0) =	vadd.scan.msk.s32 $0xffff, v8  }
0x5ca: {  	v5 =	vadd.s32 v5, v10;
	_ =	sdelay $0x4  }
0x5cb: {  	v8, _, _ =	vpop (xrf0)  }
0x5cc: {  	v8 =	vadd.s32 v8, v7;
	v7 =	vmov v5  }
0x5cd: {  	v8 =	vadd.s32 $0xFFFFFFFF, v8;
	_ =	sdelay $0x1  }
.Ltmp82:
0x5ce: {  	(pc) =	sbr.rel @p0 .LBB2_112-.Ltmp82, $3  }
0x5cf: {  	_ =	sdelay $0x1  }
0x5d0: {  	s17 =	sadd.s32 $0x10, s17;
	[tilespmem:v8+s11+$0x0] =	vst.idx.msk vm0, v4  }
0x5d1: {  	s18 =	sadd.s32 $0xFFFFFFFF, s18;
	v4 =	vld [tilespmem:s17+$0x0]  }
.LBB2_113:
0x5d2: {  	_ =	sdelay $0x3  }
0x5d3: {  	v8 =	vshrl.u32 v4, $0x4  }
0x5d4: {  	v8 =	vand.u32 $0x1, v8  }
0x5d5: {  	vm0 =	veq.s32 v8, v6  }
0x5d6: {  	v6 =	vsel vm0, $0x1, v0  }
0x5d7: {  	(xrf0) =	vadd.scan.msk.s32 $0xffff, v6;
	_ =	sdelay $0x5  }
0x5d8: {  	v6, _, _ =	vpop (xrf0)  }
0x5d9: {  	v6 =	vadd.s32 v6, v7  }
0x5da: {  	v7 =	vadd.s32 $0xFFFFFFFF, v6;
	_ =	sdelay $0x1  }
0x5db: {  	v6 =	vshrl.u32 v4, $0x3  }
0x5dc: {  	v8 =	vmpcnt.ones.xlane vm0;
	v6 =	vand.u32 $0x1, v6  }
0x5dd: {  	v6 =	vnsel vm0, $0x0, v6  }
0x5de: {  	v6 =	vadd.s32 v3, v6;
	v3 =	vadd.s32 v5, v8;
	[tilespmem:v7+s11+$0x0] =	vst.idx.msk vm0, v4  }
.LBB2_114:
0x5df: {  	v4 =	vxor.u32 $0x80000000, v3  }
0x5e0: {  	(xrf0) =	vmax.scan.msk.u32 $0xffff, v4;
	_ =	sdelay $0x5  }
0x5e1: {  	v4, _, _ =	vpop (xrf0)  }
0x5e2: {  	(v2sf) =	vpush v4, $0xF;
	_ =	sdelay $0x4  }
0x5e3: {  	(xrf0) =	vadd.scan.msk.s32 $0xffff, v6;
	_ =	sdelay $0x5  }
0x5e4: {  	v4, _, _ =	vpop (xrf0)  }
0x5e5: {  	(v2sf) =	vpush v4, $0xF;
	_ =	sdelay $0x2  }
0x5e6: {  	s17 =	spop (v2sf)  }
0x5e7: {  	s17 =	sadd.s32 $0x8000000F, s17  }
0x5e8: {  	s18 =	sand.u32 $0xF, s17  }
0x5e9: {  	s31 =	sshra.s32 s17, $0x1F;
	p3 =	slt.s32 s17, $0x1;
	p0 =	sne.s32 s18, $0x0  }
0x5ea: {  	s18 =	sshrl.u32 s31, $0x1C;
	p0 =	por !p3, !p0  }
0x5eb: {  	s17 =	sadd.s32 s18, s17;
	s18 =	simm.s32 $0x1;
	p0 =	por !p0, !p0  }
0x5ec: {  	s17 =	sshra.s32 s17, $0x4;
	s18 =	simm.s32 @!p0 $0x0  }
0x5ed: {  	s18 =	ssub.s32 s17, s18  }
0x5ee: {  	v3 =	vadd.s32 v1, v3;
	p0 =	slt.s32 s18, $0x1  }
.Ltmp83:
0x5ef: {  	_ = 	snop;
	(pc) =	sbr.rel @p0 .LBB2_118-.Ltmp83, $4  }
0x5f0: {  	_ = 	snop  }
0x5f1: {  	s19 =	simm.s32 @!p1 $0x0;
	s16 =	simm.s32 @p1 $0x0  }
0x5f2: {  	s19 =	simm.s32 @p1 $0x1;
	s15 =	ssub.s32 s15, s16;
	s16 =	spop (v2sf)  }
0x5f3: {  	v5 =	vimm.s32 $0x0;
	[smem:$0x7E6] =	sst s19;
	[tilespmem:v3+s11+$0x0] =	vst.idx.msk $0xffff, v2;
	p1 =	sge.s32 s16, s15  }
0x5f4: {  	p0 =	sne.s32 s18, $0x1  }
.Ltmp84:
0x5f5: {  	_ = 	snop;
	(pc) =	sbr.rel @!p0 .LBB2_117-.Ltmp84, $4  }
0x5f6: {  	s17 =	simm.s32 $0x1  }
0x5f7: {  	s17 =	simm.s32 @!p1 $0x0  }
0x5f8: {  	v5 =	vmov s17;
	s17 =	simm.s32 $0x10280  }
0x5f9: {  	v2 =	vimm.s32 $0x0;
	s18 =	sadd.s32 $0xFFFFFFFF, s18;
	v4 =	vimm.s32 $0x0;
	v6 =	vimm.s32 $0x0;
	v3 =	vld [tilespmem:s17+$0x0]  }
.LBB2_116:
0x5fa: {  	p0 =	sne.s32 s18, $0x1;
	_ =	sdelay $0x3  }
0x5fb: {  	v7 =	vshrl.u32 v3, $0x3;
	v8 =	vshrl.u32 v3, $0x2  }
0x5fc: {  	v7 =	vand.u32 $0x1, v7;
	v8 =	vand.u32 $0x1, v8  }
0x5fd: {  	vm0 =	veq.s32 v7, v5  }
0x5fe: {  	v7 =	vsel vm0, $0x1, v0;
	v8 =	vnsel vm0, $0x0, v8;
	v9 =	vmpcnt.ones.xlane vm0  }
0x5ff: {  	v2 =	vadd.s32 v2, v8;
	(xrf0) =	vadd.scan.msk.s32 $0xffff, v7  }
0x600: {  	v4 =	vadd.s32 v4, v9;
	_ =	sdelay $0x4  }
0x601: {  	v7, _, _ =	vpop (xrf0)  }
0x602: {  	v7 =	vadd.s32 v7, v6;
	v6 =	vmov v4  }
0x603: {  	v7 =	vadd.s32 $0xFFFFFFFF, v7;
	_ =	sdelay $0x1  }
.Ltmp85:
0x604: {  	(pc) =	sbr.rel @p0 .LBB2_116-.Ltmp85, $3  }
0x605: {  	_ =	sdelay $0x1  }
0x606: {  	s17 =	sadd.s32 $0x10, s17;
	[tilespmem:v7+s10+$0x0] =	vst.idx.msk vm0, v3  }
0x607: {  	s18 =	sadd.s32 $0xFFFFFFFF, s18;
	v3 =	vld [tilespmem:s17+$0x0]  }
.LBB2_117:
0x608: {  	_ =	sdelay $0x3  }
0x609: {  	v7 =	vshrl.u32 v3, $0x3  }
0x60a: {  	v7 =	vand.u32 $0x1, v7  }
0x60b: {  	vm0 =	veq.s32 v7, v5  }
0x60c: {  	v5 =	vsel vm0, $0x1, v0  }
0x60d: {  	(xrf0) =	vadd.scan.msk.s32 $0xffff, v5;
	_ =	sdelay $0x5  }
0x60e: {  	v5, _, _ =	vpop (xrf0)  }
0x60f: {  	v5 =	vadd.s32 v5, v6  }
0x610: {  	v6 =	vadd.s32 $0xFFFFFFFF, v5;
	_ =	sdelay $0x1  }
0x611: {  	v5 =	vshrl.u32 v3, $0x2  }
0x612: {  	v7 =	vmpcnt.ones.xlane vm0;
	v5 =	vand.u32 $0x1, v5  }
0x613: {  	v5 =	vnsel vm0, $0x0, v5  }
0x614: {  	v5 =	vadd.s32 v2, v5;
	v2 =	vadd.s32 v4, v7;
	[tilespmem:v6+s10+$0x0] =	vst.idx.msk vm0, v3  }
.LBB2_118:
0x615: {  	v3 =	vxor.u32 $0x80000000, v2  }
0x616: {  	(xrf0) =	vmax.scan.msk.u32 $0xffff, v3;
	_ =	sdelay $0x5  }
0x617: {  	v3, _, _ =	vpop (xrf0)  }
0x618: {  	(v2sf) =	vpush v3, $0xF;
	_ =	sdelay $0x4  }
0x619: {  	(xrf0) =	vadd.scan.msk.s32 $0xffff, v5;
	_ =	sdelay $0x5  }
0x61a: {  	v3, _, _ =	vpop (xrf0)  }
0x61b: {  	s17 =	simm.s32 @!p6 $0x0;
	(v2sf) =	vpush v3, $0xF  }
0x61c: {  	s17 =	simm.s32 @p6 $0x1  }
0x61d: {  	[smem:$0x7E4] =	sst s17;
	s17 =	simm.s32 @!p5 $0x0  }
0x61e: {  	s17 =	simm.s32 @p5 $0x1;
	s30 =	spop (v2sf)  }
0x61f: {  	[smem:$0x7E5] =	sst s17;
	s17 =	sadd.s32 $0x8000000F, s30  }
0x620: {  	s18 =	sand.u32 $0xF, s17  }
0x621: {  	s31 =	sshra.s32 s17, $0x1F;
	p3 =	slt.s32 s17, $0x1;
	p0 =	sne.s32 s18, $0x0  }
0x622: {  	s18 =	sshrl.u32 s31, $0x1C;
	p0 =	por !p3, !p0  }
0x623: {  	s17 =	sadd.s32 s18, s17;
	s18 =	simm.s32 $0x1;
	p0 =	por !p0, !p0  }
0x624: {  	s17 =	sshra.s32 s17, $0x4;
	s18 =	simm.s32 @!p0 $0x0  }
0x625: {  	s18 =	ssub.s32 s17, s18  }
0x626: {  	v3 =	vadd.s32 v1, v2;
	p0 =	slt.s32 s18, $0x1  }
.Ltmp86:
0x627: {  	_ = 	snop;
	(pc) =	sbr.rel @p0 .LBB2_122-.Ltmp86, $4  }
0x628: {  	s29 =	sld [smem:$0x7FD]  }
0x629: {  	s16 =	simm.s32 @p1 $0x0  }
0x62a: {  	p6 =	por p4, p4;
	s15 =	ssub.s32 s15, s16;
	v2 =	vimm.s32 $0x0;
	s16 =	spop (v2sf)  }
0x62b: {  	p4 =	por p2, p2;
	p5 =	seq.s32 s29, $0x1;
	v5 =	vimm.s32 $0x0;
	[tilespmem:v3+s10+$0x0] =	vst.idx.msk $0xffff, v2;
	v3 =	vimm.s32 $0x0;
	p2 =	sge.s32 s16, s15  }
0x62c: {  	p0 =	sne.s32 s18, $0x1  }
.Ltmp87:
0x62d: {  	_ = 	snop;
	(pc) =	sbr.rel @!p0 .LBB2_121-.Ltmp87, $4  }
0x62e: {  	s17 =	simm.s32 $0x1  }
0x62f: {  	s17 =	simm.s32 @!p2 $0x0  }
0x630: {  	v6 =	vmov s17;
	s17 =	simm.s32 $0x8000  }
0x631: {  	v3 =	vimm.s32 $0x0;
	s18 =	sadd.s32 $0xFFFFFFFF, s18;
	v5 =	vimm.s32 $0x0;
	v7 =	vimm.s32 $0x0;
	v4 =	vld [tilespmem:s17+$0x0]  }
.LBB2_120:
0x632: {  	p0 =	sne.s32 s18, $0x1;
	_ =	sdelay $0x3  }
0x633: {  	v8 =	vshrl.u32 v4, $0x2;
	v9 =	vshrl.u32 v4, $0x1  }
0x634: {  	v8 =	vand.u32 $0x1, v8;
	v9 =	vand.u32 $0x1, v9  }
0x635: {  	vm0 =	veq.s32 v8, v6  }
0x636: {  	v8 =	vsel vm0, $0x1, v0;
	v9 =	vnsel vm0, $0x0, v9;
	v10 =	vmpcnt.ones.xlane vm0  }
0x637: {  	v3 =	vadd.s32 v3, v9;
	(xrf0) =	vadd.scan.msk.s32 $0xffff, v8  }
0x638: {  	v5 =	vadd.s32 v5, v10;
	_ =	sdelay $0x4  }
0x639: {  	v8, _, _ =	vpop (xrf0)  }
0x63a: {  	v8 =	vadd.s32 v8, v7;
	v7 =	vmov v5  }
0x63b: {  	v8 =	vadd.s32 $0xFFFFFFFF, v8;
	_ =	sdelay $0x1  }
.Ltmp88:
0x63c: {  	(pc) =	sbr.rel @p0 .LBB2_120-.Ltmp88, $3  }
0x63d: {  	_ =	sdelay $0x1  }
0x63e: {  	s17 =	sadd.s32 $0x10, s17;
	[tilespmem:v8+s11+$0x0] =	vst.idx.msk vm0, v4  }
0x63f: {  	s18 =	sadd.s32 $0xFFFFFFFF, s18;
	v4 =	vld [tilespmem:s17+$0x0]  }
.LBB2_121:
0x640: {  	_ =	sdelay $0x3  }
0x641: {  	v8 =	vshrl.u32 v4, $0x2  }
0x642: {  	v8 =	vand.u32 $0x1, v8  }
0x643: {  	vm0 =	veq.s32 v8, v6  }
0x644: {  	v6 =	vsel vm0, $0x1, v0  }
0x645: {  	(xrf0) =	vadd.scan.msk.s32 $0xffff, v6;
	_ =	sdelay $0x5  }
0x646: {  	v6, _, _ =	vpop (xrf0)  }
0x647: {  	v6 =	vadd.s32 v6, v7  }
0x648: {  	v6 =	vadd.s32 $0xFFFFFFFF, v6;
	_ =	sdelay $0x1  }
0x649: {  	v7 =	vshrl.u32 v4, $0x1  }
0x64a: {  	v8 =	vmpcnt.ones.xlane vm0;
	v7 =	vand.u32 $0x1, v7  }
0x64b: {  	v7 =	vnsel vm0, $0x0, v7  }
0x64c: {  	v5 =	vadd.s32 v5, v8;
	v3 =	vadd.s32 v3, v7;
	[tilespmem:v6+s11+$0x0] =	vst.idx.msk vm0, v4  }
.LBB2_122:
0x64d: {  	v4 =	vxor.u32 $0x80000000, v5  }
0x64e: {  	(xrf0) =	vmax.scan.msk.u32 $0xffff, v4;
	_ =	sdelay $0x5  }
0x64f: {  	v4, _, _ =	vpop (xrf0)  }
0x650: {  	(v2sf) =	vpush v4, $0xF;
	_ =	sdelay $0x4  }
0x651: {  	(xrf0) =	vadd.scan.msk.s32 $0xffff, v3;
	_ =	sdelay $0x5  }
0x652: {  	v3, _, _ =	vpop (xrf0)  }
0x653: {  	(v2sf) =	vpush v3, $0xF;
	_ =	sdelay $0x2  }
0x654: {  	s17 =	spop (v2sf)  }
0x655: {  	s17 =	sadd.s32 $0x8000000F, s17  }
0x656: {  	s18 =	sand.u32 $0xF, s17  }
0x657: {  	s31 =	sshra.s32 s17, $0x1F;
	p3 =	slt.s32 s17, $0x1;
	p0 =	sne.s32 s18, $0x0  }
0x658: {  	s18 =	sshrl.u32 s31, $0x1C;
	p0 =	por !p3, !p0  }
0x659: {  	s17 =	sadd.s32 s18, s17;
	s18 =	simm.s32 $0x1;
	p0 =	por !p0, !p0  }
0x65a: {  	s17 =	sshra.s32 s17, $0x4;
	s18 =	simm.s32 @!p0 $0x0  }
0x65b: {  	v3 =	vlaneseq.u32;
	s18 =	ssub.s32 s17, s18  }
0x65c: {  	v4 =	vadd.s32 v3, v5;
	p3 =	slt.s32 s18, $0x1  }
.Ltmp89:
0x65d: {  	_ = 	snop;
	(pc) =	sbr.rel @p3 .LBB2_126-.Ltmp89, $4  }
0x65e: {  	_ = 	snop  }
0x65f: {  	s16 =	simm.s32 @p2 $0x0  }
0x660: {  	s15 =	ssub.s32 s15, s16;
	s16 =	spop (v2sf)  }
0x661: {  	[tilespmem:v4+s11+$0x0] =	vst.idx.msk $0xffff, v2;
	p0 =	sge.s32 s16, s15  }
0x662: {  	p3 =	sne.s32 s18, $0x1  }
.Ltmp90:
0x663: {  	_ = 	snop;
	(pc) =	sbr.rel @!p3 .LBB2_125-.Ltmp90, $4  }
0x664: {  	s17 =	simm.s32 $0x1  }
0x665: {  	s17 =	simm.s32 @!p0 $0x0  }
0x666: {  	v5 =	vmov s17;
	s17 =	simm.s32 $0x10280  }
0x667: {  	v2 =	vimm.s32 $0x0;
	s18 =	sadd.s32 $0xFFFFFFFF, s18;
	v4 =	vimm.s32 $0x0;
	v6 =	vimm.s32 $0x0;
	v3 =	vld [tilespmem:s17+$0x0]  }
.LBB2_124:
0x668: {  	p3 =	sne.s32 s18, $0x1;
	_ =	sdelay $0x3  }
0x669: {  	v7 =	vshrl.u32 v3, $0x1;
	v8 =	vand.u32 $0x1, v3  }
0x66a: {  	v7 =	vand.u32 $0x1, v7  }
0x66b: {  	vm0 =	veq.s32 v7, v5  }
0x66c: {  	v7 =	vsel vm0, $0x1, v0;
	v8 =	vnsel vm0, $0x0, v8;
	v9 =	vmpcnt.ones.xlane vm0  }
0x66d: {  	v2 =	vadd.s32 v2, v8;
	(xrf0) =	vadd.scan.msk.s32 $0xffff, v7  }
0x66e: {  	v4 =	vadd.s32 v4, v9;
	_ =	sdelay $0x4  }
0x66f: {  	v7, _, _ =	vpop (xrf0)  }
0x670: {  	v7 =	vadd.s32 v7, v6;
	v6 =	vmov v4  }
0x671: {  	v7 =	vadd.s32 $0xFFFFFFFF, v7;
	_ =	sdelay $0x1  }
.Ltmp91:
0x672: {  	(pc) =	sbr.rel @p3 .LBB2_124-.Ltmp91, $3  }
0x673: {  	_ =	sdelay $0x1  }
0x674: {  	s17 =	sadd.s32 $0x10, s17;
	[tilespmem:v7+s10+$0x0] =	vst.idx.msk vm0, v3  }
0x675: {  	s18 =	sadd.s32 $0xFFFFFFFF, s18;
	v3 =	vld [tilespmem:s17+$0x0]  }
.LBB2_125:
0x676: {  	_ =	sdelay $0x3  }
0x677: {  	v7 =	vshrl.u32 v3, $0x1  }
0x678: {  	v7 =	vand.u32 $0x1, v7  }
0x679: {  	vm0 =	veq.s32 v7, v5  }
0x67a: {  	v5 =	vsel vm0, $0x1, v0  }
0x67b: {  	(xrf0) =	vadd.scan.msk.s32 $0xffff, v5;
	_ =	sdelay $0x5  }
0x67c: {  	v5, _, _ =	vpop (xrf0)  }
0x67d: {  	v5 =	vadd.s32 v5, v6  }
0x67e: {  	v5 =	vadd.s32 $0xFFFFFFFF, v5;
	_ =	sdelay $0x1  }
0x67f: {  	v62 =	vmpcnt.ones.xlane vm0  }
0x680: {  	v63 =	vand.u32 $0x1, v3  }
0x681: {  	v7 =	vnsel vm0, $0x0, v63;
	v4 =	vadd.s32 v4, v62  }
0x682: {  	v2 =	vadd.s32 v2, v7;
	[tilespmem:v5+s10+$0x0] =	vst.idx.msk vm0, v3;
	v3 =	vadd.s32 v1, v4  }
.LBB2_126:
0x683: {  	s17 =	simm.s32 $0x80000000  }
0x684: {  	s18 =	simm.s32 $0x40000000;
	s19 =	simm.s32 $0x20000000;
	s20 =	sld [smem:$0x7E5]  }
0x685: {  	s25 =	sld [smem:$0x7E4];
	s17 =	simm.s32 @!p4 $0x0;
	s18 =	simm.s32 @!p5 $0x0  }
0x686: {  	s26 =	sld [smem:$0x7FC];
	s19 =	simm.s32 @!p6 $0x0;
	s17 =	sor.u32 s17, s18  }
0x687: {  	s18 =	simm.s32 $0x10000000;
	p3 =	seq.s32 s20, $0x1;
	s17 =	sor.u32 s19, s17  }
0x688: {  	s19 =	simm.s32 $0x8000000;
	s18 =	simm.s32 @!p3 $0x0;
	p3 =	seq.s32 s25, $0x1  }
0x689: {  	s28 =	sld [smem:$0x7FB];
	s19 =	simm.s32 @!p3 $0x0  }
0x68a: {  	s17 =	sor.u32 s18, s17;
	s18 =	simm.s32 $0x4000000;
	p3 =	seq.s32 s26, $0x1  }
0x68b: {  	s29 =	sld [smem:$0x7FA];
	s18 =	simm.s32 @!p3 $0x0  }
0x68c: {  	s17 =	sor.u32 s19, s17;
	s19 =	simm.s32 $0x2000000;
	p3 =	seq.s32 s28, $0x1  }
0x68d: {  	s30 =	sld [smem:$0x7F9];
	s19 =	simm.s32 @!p3 $0x0  }
0x68e: {  	s17 =	sor.u32 s18, s17;
	s18 =	simm.s32 $0x1000000;
	p3 =	seq.s32 s29, $0x1  }
0x68f: {  	s31 =	sld [smem:$0x7F8];
	s18 =	simm.s32 @!p3 $0x0  }
0x690: {  	s17 =	sor.u32 s19, s17;
	s19 =	simm.s32 $0x800000;
	p3 =	seq.s32 s30, $0x1  }
0x691: {  	s21 =	sld [smem:$0x7F7];
	s19 =	simm.s32 @!p3 $0x0  }
0x692: {  	s17 =	sor.u32 s18, s17;
	s18 =	simm.s32 $0x400000;
	p3 =	seq.s32 s31, $0x1  }
0x693: {  	s22 =	sld [smem:$0x7F6];
	s18 =	simm.s32 @!p3 $0x0  }
0x694: {  	s17 =	sor.u32 s19, s17;
	s19 =	simm.s32 $0x200000;
	p3 =	seq.s32 s21, $0x1  }
0x695: {  	s23 =	sld [smem:$0x7F5];
	s19 =	simm.s32 @!p3 $0x0  }
0x696: {  	s17 =	sor.u32 s18, s17;
	s18 =	simm.s32 $0x100000;
	p3 =	seq.s32 s22, $0x1  }
0x697: {  	s24 =	sld [smem:$0x7F4];
	s18 =	simm.s32 @!p3 $0x0  }
0x698: {  	s17 =	sor.u32 s19, s17;
	s19 =	simm.s32 $0x80000;
	p3 =	seq.s32 s23, $0x1  }
0x699: {  	s25 =	sld [smem:$0x7F3];
	s19 =	simm.s32 @!p3 $0x0  }
0x69a: {  	s17 =	sor.u32 s18, s17;
	s18 =	simm.s32 $0x40000;
	p3 =	seq.s32 s24, $0x1  }
0x69b: {  	s26 =	sld [smem:$0x7F2];
	s18 =	simm.s32 @!p3 $0x0  }
0x69c: {  	s17 =	sor.u32 s19, s17;
	s19 =	simm.s32 $0x20000;
	p3 =	seq.s32 s25, $0x1  }
0x69d: {  	s28 =	sld [smem:$0x7F1];
	s19 =	simm.s32 @!p3 $0x0  }
0x69e: {  	s17 =	sor.u32 s18, s17;
	s18 =	simm.s32 $0x10000;
	p3 =	seq.s32 s26, $0x1  }
0x69f: {  	s29 =	sld [smem:$0x7F0];
	s18 =	simm.s32 @!p3 $0x0  }
0x6a0: {  	s17 =	sor.u32 s19, s17;
	s19 =	simm.s32 $0x8000;
	p3 =	seq.s32 s28, $0x1  }
0x6a1: {  	s30 =	sld [smem:$0x7EF];
	s19 =	simm.s32 @!p3 $0x0  }
0x6a2: {  	s17 =	sor.u32 s18, s17;
	s18 =	simm.s32 $0x4000;
	p3 =	seq.s32 s29, $0x1  }
0x6a3: {  	s31 =	sld [smem:$0x7EE];
	s18 =	simm.s32 @!p3 $0x0  }
0x6a4: {  	(xrf0) =	vadd.scan.msk.s32 $0xffff, v2;
	s17 =	sor.u32 s19, s17;
	s19 =	simm.s32 $0x2000;
	p3 =	seq.s32 s30, $0x1  }
0x6a5: {  	s21 =	sld [smem:$0x7ED];
	s19 =	simm.s32 @!p3 $0x0  }
0x6a6: {  	s17 =	sor.u32 s18, s17;
	s18 =	simm.s32 $0x1000;
	p3 =	seq.s32 s31, $0x1  }
0x6a7: {  	s22 =	sld [smem:$0x7EC];
	s18 =	simm.s32 @!p3 $0x0  }
0x6a8: {  	s17 =	sor.u32 s19, s17;
	s19 =	simm.s32 $0x800;
	p3 =	seq.s32 s21, $0x1  }
0x6a9: {  	s23 =	sld [smem:$0x7EB];
	s19 =	simm.s32 @!p3 $0x0  }
0x6aa: {  	v2, _, _ =	vpop (xrf0);
	s17 =	sor.u32 s18, s17;
	s18 =	simm.s32 $0x400;
	p3 =	seq.s32 s22, $0x1  }
0x6ab: {  	(v2sf) =	vpush v2, $0xF;
	s24 =	sld [smem:$0x7EA];
	s18 =	simm.s32 @!p3 $0x0  }
0x6ac: {  	s17 =	sor.u32 s19, s17;
	s19 =	simm.s32 $0x200;
	p3 =	seq.s32 s23, $0x1  }
0x6ad: {  	s25 =	sld [smem:$0x7E9];
	s19 =	simm.s32 @!p3 $0x0  }
0x6ae: {  	s17 =	sor.u32 s18, s17;
	s18 =	simm.s32 $0x100;
	p3 =	seq.s32 s24, $0x1  }
0x6af: {  	s26 =	sld [smem:$0x7E8];
	s18 =	simm.s32 @!p3 $0x0  }
0x6b0: {  	s17 =	sor.u32 s19, s17;
	s19 =	simm.s32 $0x80;
	p3 =	seq.s32 s25, $0x1  }
0x6b1: {  	s28 =	sld [smem:$0x7E7];
	s19 =	simm.s32 @!p3 $0x0  }
0x6b2: {  	s17 =	sor.u32 s18, s17;
	s18 =	simm.s32 $0x40;
	p3 =	seq.s32 s26, $0x1  }
0x6b3: {  	s29 =	sld [smem:$0x7E6];
	s18 =	simm.s32 @!p3 $0x0  }
0x6b4: {  	s17 =	sor.u32 s19, s17;
	s19 =	simm.s32 $0x20;
	p3 =	seq.s32 s28, $0x1  }
0x6b5: {  	s16 =	simm.s32 @p0 $0x0;
	s19 =	simm.s32 @!p3 $0x0  }
0x6b6: {  	s17 =	sor.u32 s18, s17;
	s18 =	simm.s32 $0x10;
	p3 =	seq.s32 s29, $0x1  }
0x6b7: {  	s18 =	simm.s32 @!p3 $0x0;
	s17 =	sor.u32 s19, s17;
	s19 =	simm.s32 $0x8  }
0x6b8: {  	s19 =	simm.s32 @!p1 $0x0;
	s17 =	sor.u32 s18, s17;
	s18 =	simm.s32 $0x4  }
0x6b9: {  	s15 =	ssub.s32 s15, s16;
	s18 =	simm.s32 @!p2 $0x0;
	s17 =	sor.u32 s19, s17  }
0x6ba: {  	s30 =	spop (v2sf);
	s17 =	sor.u32 s18, s17;
	s18 =	simm.s32 $0x2  }
0x6bb: {  	s18 =	simm.s32 @!p0 $0x0;
	p0 =	sge.s32 s30, s15;
	s15 =	simm.s32 $0x1  }
0x6bc: {  	s15 =	simm.s32 @!p0 $0x0;
	s31 =	sor.u32 s18, s17  }
0x6bd: {  	s15 =	sor.u32 s15, s31  }
0x6be: {  	s15 =	sxor.u32 $0x80000000, s15  }
0x6bf: {  	[tilespmem:v3+s10+$0x0] =	vst.idx.msk $0xffff, v0;
	s16 =	simm.s32 $0x40;
	v2 =	vmov s15;
	s15 =	simm.s32 $0x0  }
.LBB2_127:
0x6c0: {  	p0 =	sne.s32 s16, $0x1FFC0;
	v3 =	vld [tilespmem:s15+$0x0];
	_ =	sdelay $0x4  }
0x6c1: {  	vm0 =	vlt.s32 v3, $0x0;
	v4 =	vxor.u32 $0xFFFFFFFF, v3;
	v5 =	vxor.u32 $0x80000000, v3  }
.Ltmp92:
0x6c2: {  	v4 =	vsel vm0, v4, v5;
	(pc) =	sbr.rel @p0 .LBB2_127-.Ltmp92, $4  }
0x6c3: {  	v4 =	vxor.u32 $0x80000000, v4  }
0x6c4: {  	vm0 =	vlt.s32 v4, v2  }
0x6c5: {  	v3 =	vsel vm0, $0x0, v3  }
0x6c6: {  	[tilespmem:s15+$0x0] =	vst v3;
	s15 =	sshra.s32 s16, $0x2;
	s16 =	sadd.s32 $0x40, s16  }
0x6c7: {  	v3 =	vld [tilespmem:s15+$0x0];
	_ =	sdelay $0x4  }
0x6c8: {  	vm0 =	vlt.s32 v3, $0x0;
	v4 =	vxor.u32 $0xFFFFFFFF, v3;
	v5 =	vxor.u32 $0x80000000, v3  }
0x6c9: {  	v4 =	vsel vm0, v4, v5  }
0x6ca: {  	v4 =	vxor.u32 $0x80000000, v4  }
0x6cb: {  	s13 =	sadd.s32 $0x1, s13;
	vm15 =	vlt.s32 v4, v2  }
0x6cc: {  	p0 =	sne.s32 s13, $0x4;
	v2 =	vsel vm15, $0x0, v3  }
.Ltmp93:
0x6cd: {  	s14 =	sadd.s32 s2, s14;
	[tilespmem:s15+$0x0] =	vst v2;
	(pc) =	sbr.rel @p0 .LBB2_2-.Ltmp93, $4  }
0x6ce: {  	[hbm4b:s14+s7] =	stream.strided.scatter [tilespmem:s4], [sflag:$0x1], $0x8000, s8, s7, $0x38;
	[tilespmem:$0x18500] =	vst v63  }
0x6cf: {  	_ =	swait.ge [sflag:s9], $0x8000  }
0x6d0: {  	[sflag:s9] =	ssyncset.done $0x0  }
0x6d1: {  	[sflag:s9] =	ssyncadd.s32 $0xFFFF8000  }
0x6d2: {  	s12 =	sadd.s32 $0x1, s12  }
0x6d3: {  	p0 =	sne.s32 s12, s6  }
.Ltmp94:
0x6d4: {  	_ = 	snop;
	(pc) =	sbr.rel @p0 .LBB2_1-.Ltmp94, $1  }
0x6d5: {  	_ =	sdelay $0x3  }
0x6d6: {  	_ =	sfence.sel $0x180000  }
0x6d7: {  	[bflag:$0x0] =	sbarrier.arrive $0xFFFF  }
0x6d8: {  	p0 =	sne.s32 s3, $0x0;
	_ =	strace $0x90000047  }
0x6d9: {  	s0 =	sadd.s32 @!p0 $0x100000, s0;
	[bflag:$0x2] =	sbarrier.arrive $0xFFFF  }
0x6da: {  	[sflag:s0] =	ssyncadd.tile.s32 @!p0 $0x1;
	_ =	shalt  }
.Lfunc_end2:
_tile_overlayer_lowered:
.L_overlay_start_2:
0x6db: {  	(tag) =	ssettag $0x2  }
0x6dc: {  	s0 =	rddreg [dreg:$0x0];
	s2 =	stileid.u32  }
0x6dd: {  	s1 =	rddreg [dreg:$0x1];
	p0 =	sne.s32 s2, $0x0  }
0x6de: {  	s3 =	rddreg [dreg:$0x2];
	[bflag:$0x3] =	sbarrier.arrive $0xFFFF;
	s2 =	simm.s32 @!p0 $0x1C01  }
0x6df: {  	[timem:s3], [sflag:s2] =	dma.local @!p0 [hbm:s0], s1  }
0x6e0: {  	s0 =	simm.s32 @!p0 $0x1  }
0x6e1: {  	_ =	swait.ge @!p0 [sflag:s0], s1  }
0x6e2: {  	s1 =	ssub.s32 @!p0 $0x0, s1;
	[sflag:s0] =	ssyncset.done @!p0 $0x0  }
0x6e3: {  	[sflag:s0] =	ssyncadd.s32 @!p0 s1  }
0x6e4: {  	[bflag:$0x3] =	sbarrier.arrive $0xFFFF  }
0x6e5: {  	_ =	shalt  }

</sc_bundles>
